<compile_context>
chip_gen: v7x
topology: tpu7x:2x2x1
jax: 0.10.2.dev20260603
libtpu: 0.0.44.dev20260713+nightly
codegen_flags: <defaults>
</compile_context>

<pallas_src>
import functools

import jax
import jax.numpy as jnp
from jax import lax
from jax.experimental import pallas as pl
from jax.experimental.pallas import tpu as pltpu
from jax.experimental.pallas import tpu_sc as plsc

HP = 128
CP = 64



def _gw_body(vblk, flag_lane, tt_ref, w_ref, b_ref, o_ref):
    g = (
        lax.dot_general(
            tt_ref[...], w_ref[...],
            dimension_numbers=(((0,), (0,)), ((), ())),
            preferred_element_type=jnp.float32,
        )
        + b_ref[...]
    )
    rids = pl.program_id(0) * vblk + lax.broadcasted_iota(
        jnp.int32, g.shape, 0
    )
    lids = lax.broadcasted_iota(jnp.int32, g.shape, 1)
    flag = (rids != 0).astype(jnp.float32)
    o_ref[...] = jnp.where(lids == flag_lane, flag, g)


def _table_times_w(tableT, Wp, bp, flag_lane, vblk=2048):
    E, V = tableT.shape
    return pl.pallas_call(
        functools.partial(_gw_body, vblk, flag_lane),
        grid=(pl.cdiv(V, vblk),),
        in_specs=[
            pl.BlockSpec((E, vblk), lambda i: (0, i)),
            pl.BlockSpec((E, HP), lambda i: (0, 0)),
            pl.BlockSpec((1, HP), lambda i: (0, 0)),
        ],
        out_specs=pl.BlockSpec((vblk, HP), lambda i: (i, 0)),
        out_shape=jax.ShapeDtypeStruct((V, HP), jnp.float32),
    )(tableT, Wp, bp)



def _make_gather(LB, nc, ns, k_grp=5):
    nw = nc * ns
    per_w = LB // nw
    grp = k_grp * 128
    n_groups = per_w // grp
    assert per_w % grp == 0

    mesh = plsc.VectorSubcoreMesh(core_axis_name="c", subcore_axis_name="s")

    @functools.partial(
        pl.kernel,
        mesh=mesh,
        out_type=jax.ShapeDtypeStruct((LB, HP), jnp.float32),
        scratch_types=[
            pltpu.VMEM((per_w // 128, 128), jnp.int32),
            pltpu.VMEM((grp, HP), jnp.float32),
            pltpu.SemaphoreType.DMA,
        ],
    )
    def gather_k(g_hbm, idx_hbm, out_hbm, idx_v, rows_v, sem):
        wid = lax.axis_index("s") * nc + lax.axis_index("c")
        base = wid * per_w
        pltpu.sync_copy(idx_hbm.at[wid], idx_v)
        for g in range(n_groups):
            off = base + g * grp
            descs = [
                pltpu.async_copy(
                    g_hbm.at[idx_v.at[g * k_grp + j]],
                    rows_v.at[pl.ds(j * 128, 128)],
                    sem,
                )
                for j in range(k_grp)
            ]
            for d in descs:
                d.wait()
            pltpu.sync_copy(rows_v, out_hbm.at[pl.ds(off, grp)])

    return gather_k



def _scan_body(n_steps, t_blk, emit_probs, flag_lane, xb_ref, u_ref, wfc_ref,
               bfc_ref, hin_ref, o_ref, h_ref):
    step = pl.program_id(0)

    @pl.when(step == 0)
    def _init():
        h_ref[...] = hin_ref[...]

    HB = xb_ref.shape[1] // 2
    ha = h_ref[: HB, :]
    hb = h_ref[HB:, :]
    u = u_ref[...]
    for t in range(t_blk):
        xa = xb_ref[t, :HB, :]
        xb = xb_ref[t, HB:, :]
        ma = xa[:, flag_lane:flag_lane + 1] != 0.0
        mb = xb[:, flag_lane:flag_lane + 1] != 0.0
        hna = jnp.tanh(xa + jnp.dot(ha, u, preferred_element_type=jnp.float32))
        hnb = jnp.tanh(xb + jnp.dot(hb, u, preferred_element_type=jnp.float32))
        ha = jnp.where(ma, hna, ha)
        hb = jnp.where(mb, hnb, hb)
    h_ref[: HB, :] = ha
    h_ref[HB:, :] = hb

    if emit_probs:
        @pl.when(step == n_steps - 1)
        def _tail():
            h = jnp.concatenate([ha, hb], axis=0)
            logits = (
                jnp.dot(h, wfc_ref[...], preferred_element_type=jnp.float32)
                + bfc_ref[...]
            )
            mx = jnp.max(logits, axis=-1, keepdims=True)
            e = jnp.exp(logits - mx)
            o_ref[...] = e / jnp.sum(e, axis=-1, keepdims=True)
    else:
        o_ref[: HB, :] = ha
        o_ref[HB:, :] = hb


def _rnn_scan(xb3, Up, Wfcp, bfcp, h0, emit_probs, flag_lane, t_blk=10):
    Lc, B, _ = xb3.shape
    assert Lc % t_blk == 0
    n_steps = Lc // t_blk
    oc = CP if emit_probs else HP
    return pl.pallas_call(
        functools.partial(_scan_body, n_steps, t_blk, emit_probs, flag_lane),
        grid=(n_steps,),
        in_specs=[
            pl.BlockSpec((t_blk, B, HP), lambda i: (i, 0, 0)),
            pl.BlockSpec((HP, HP), lambda i: (0, 0)),
            pl.BlockSpec((HP, CP), lambda i: (0, 0)),
            pl.BlockSpec((1, CP), lambda i: (0, 0)),
            pl.BlockSpec((B, HP), lambda i: (0, 0)),
        ],
        out_specs=pl.BlockSpec((B, oc), lambda i: (0, 0)),
        out_shape=jax.ShapeDtypeStruct((B, oc), jnp.float32),
        scratch_shapes=[pltpu.VMEM((B, HP), jnp.float32)],
    )(xb3, Up, Wfcp, bfcp, h0)



def kernel(indices, table, W, U, b, Wfc, bfc):
    B, L = indices.shape
    V, E = table.shape
    H = W.shape[1]
    C = Wfc.shape[1]

    Wp = jnp.pad(W, ((0, 0), (0, HP - H)))
    bp = jnp.pad(b, (0, HP - H)).reshape(1, HP)
    Up = jnp.pad(U, ((0, HP - H), (0, HP - H)))
    Wfcp = jnp.pad(Wfc, ((0, HP - H), (0, CP - C)))
    bfcp = jnp.pad(bfc, (0, CP - C), constant_values=-1e30).reshape(1, CP)

    G = _table_times_w(jnp.swapaxes(table, 0, 1), Wp, bp, H)

    info = plsc.get_sparse_core_info()
    nw = info.num_cores * info.num_subcores
    idxT = jnp.swapaxes(indices, 0, 1)

    Lh = L // 2
    LBh = Lh * B
    gather_k = _make_gather(LBh, info.num_cores, info.num_subcores)
    idx2a = idxT[:Lh].reshape(nw, LBh // nw // 128, 128).astype(jnp.int32)
    idx2b = idxT[Lh:].reshape(nw, LBh // nw // 128, 128).astype(jnp.int32)
    xb_a = gather_k(G, idx2a).reshape(Lh, B, HP)
    xb_b = gather_k(G, idx2b).reshape(Lh, B, HP)

    h0 = jnp.zeros((B, HP), jnp.float32)
    hmid = _rnn_scan(xb_a, Up, Wfcp, bfcp, h0, False, H)
    probs = _rnn_scan(xb_b, Up, Wfcp, bfcp, hmid, True, H)
    return probs[:, :C]

# --- scband reference (transcript-rebuilt; emitter-appended) ---
"""Pipeline reference for scband-rnn2-29283087024577 (READ-ONLY COPY).

The authoritative reference and input builder live on the scoring server;
editing this copy changes nothing except your own understanding.
"""

import jax, jax.numpy as jnp
import numpy as np

B, L, V, E, H, C = 1024, 200, 100000, 300, 100, 50

def setup_inputs(seed: int = 0) -> dict:
    key = jax.random.key(seed)
    ks = jax.random.split(key, 7)
    indices = jax.random.randint(ks[0], (B, L), 0, V)
    table = jax.random.normal(ks[1], (V, E), dtype=jnp.float32) * 0.05
    W = jax.random.normal(ks[2], (E, H), dtype=jnp.float32) * (1.0 / np.sqrt(E))
    U = jax.random.normal(ks[3], (H, H), dtype=jnp.float32) * (1.0 / np.sqrt(H))
    b = jnp.zeros((H,), dtype=jnp.float32)
    Wfc = jax.random.normal(ks[4], (H, C), dtype=jnp.float32) * (1.0 / np.sqrt(H))
    bfc = jnp.zeros((C,), dtype=jnp.float32)
    return {"indices": indices, "table": table, "W": W, "U": U, "b": b, "Wfc": Wfc, "bfc": bfc}

def reference(indices, table, W, U, b, Wfc, bfc):
    # Embedding lookup with mask_zero=True semantics
    emb = jnp.take(table, indices, axis=0)            # [B, L, E]
    mask = (indices != 0)                              # [B, L]
    xs = (jnp.swapaxes(emb, 0, 1), jnp.swapaxes(mask, 0, 1))  # time-major
    h0 = jnp.zeros((indices.shape[0], H), dtype=table.dtype)

    def step(h, xm):
        x_t, m_t = xm
        h_new = jnp.tanh(x_t @ W + h @ U + b)
        # masked timesteps pass previous state through (Keras mask_zero behavior)
        h = jnp.where(m_t[:, None], h_new, h).astype(h.dtype)
        return h, None

    hT, _ = jax.lax.scan(step, h0, xs)                 # [B, H]
    logits = hT @ Wfc + bfc                            # [B, C]
    return jax.nn.softmax(logits, axis=-1)

if __name__ == "__main__":
    import jax
    _d = setup_inputs()
    print(jax.jit(kernel)(*tuple(_d.values())))

</pallas_src>

<mosaic_0001>
#map = affine_map<(d0, d1) -> (0, 0)>
#map1 = affine_map<(d0, d1) -> (0, 0, 0)>
module attributes {stable_mosaic.version = 14 : i64} {
  func.func @gather_k(%arg0: i32, %arg1: i32, %arg2: memref<100000x128xf32, #tpu.memory_space<hbm>>, %arg3: memref<32x25x128xi32, #tpu.memory_space<hbm>>, %arg4: memref<102400x128xf32, #tpu.memory_space<hbm>>, %arg5: memref<25x128xi32, #tpu.memory_space<vmem>>, %arg6: memref<640x128xf32, #tpu.memory_space<vmem>>, %arg7: memref<!tpu.dma_semaphore, #tpu.memory_space<semaphore_mem>>) attributes {dimension_semantics = [#tpu.dimension_semantics<core_parallel>, #tpu.dimension_semantics<subcore_parallel>], iteration_bounds = array<i64: 2, 16>, scalar_prefetch = 0 : i64, scratch_operands = 3 : i64, tpu.core_type = #tpu.core_type<sc_vector_subcore>, window_params = [{transform_indices = #map}, {transform_indices = #map1}, {transform_indices = #map}]} {
    %mul3A = arith.constant 2 : i32
    %mul3A_0 = arith.muli %arg1, %mul3A : i32
    %add3A = arith.addi %mul3A_0, %arg0 : i32
    %mul3A_1 = arith.constant 3200 : i32
    %mul3A_2 = arith.muli %add3A, %mul3A_1 : i32
    "tpu.region"() ({
      %run_scoped3A = tpu.sem_alloc : memref<!tpu.dma_semaphore, #tpu.memory_space<semaphore_mem>>
      %dma_start3A_511 = arith.constant 0 : i32
      %dma_start3A_512 = arith.constant 0 : i32
      %dma_start3A_513 = tpu.memref_slice %arg3[%add3A, %dma_start3A_511, %dma_start3A_512] : memref<32x25x128xi32, #tpu.memory_space<hbm>> -> memref<1x25x128xi32, #tpu.memory_space<hbm>>
      %dma_start3A_514 = tpu.memref_squeeze %dma_start3A_513 : memref<1x25x128xi32, #tpu.memory_space<hbm>> -> memref<25x128xi32, #tpu.memory_space<hbm>>
      %dma_start3A_515 = arith.constant 0 : i32
      %dma_start3A_516 = arith.constant 0 : i32
      %dma_start3A_517 = tpu.memref_slice %arg3[%add3A, %dma_start3A_515, %dma_start3A_516] : memref<32x25x128xi32, #tpu.memory_space<hbm>> -> memref<1x25x128xi32, #tpu.memory_space<hbm>>
      %dma_start3A_518 = tpu.memref_squeeze %dma_start3A_517 : memref<1x25x128xi32, #tpu.memory_space<hbm>> -> memref<25x128xi32, #tpu.memory_space<hbm>>
      tpu.enqueue_dma source(%dma_start3A_518 : memref<25x128xi32, #tpu.memory_space<hbm>>) target(%arg5 : memref<25x128xi32, #tpu.memory_space<vmem>>) target_semaphore(%run_scoped3A : memref<!tpu.dma_semaphore, #tpu.memory_space<semaphore_mem>>)
      %dma_wait3A_519 = arith.constant 0 : i32
      %dma_wait3A_520 = arith.constant 0 : i32
      %dma_wait3A_521 = tpu.memref_slice %arg3[%add3A, %dma_wait3A_519, %dma_wait3A_520] : memref<32x25x128xi32, #tpu.memory_space<hbm>> -> memref<1x25x128xi32, #tpu.memory_space<hbm>>
      %dma_wait3A_522 = tpu.memref_squeeze %dma_wait3A_521 : memref<1x25x128xi32, #tpu.memory_space<hbm>> -> memref<25x128xi32, #tpu.memory_space<hbm>>
      %dma_wait3A_523 = arith.constant 0 : i32
      %dma_wait3A_524 = arith.constant 0 : i32
      %dma_wait3A_525 = tpu.memref_slice %arg3[%add3A, %dma_wait3A_523, %dma_wait3A_524] : memref<32x25x128xi32, #tpu.memory_space<hbm>> -> memref<1x25x128xi32, #tpu.memory_space<hbm>>
      %dma_wait3A_526 = tpu.memref_squeeze %dma_wait3A_525 : memref<1x25x128xi32, #tpu.memory_space<hbm>> -> memref<25x128xi32, #tpu.memory_space<hbm>>
      tpu.wait_dma2 semaphore(%run_scoped3A : memref<!tpu.dma_semaphore, #tpu.memory_space<semaphore_mem>>) src(%dma_wait3A_526 : memref<25x128xi32, #tpu.memory_space<hbm>>) dst(%arg5 : memref<25x128xi32, #tpu.memory_space<vmem>>)
      tpu.yield
    }) : () -> ()
    %add3A_3 = arith.constant 0 : i32
    %add3A_4 = arith.addi %mul3A_2, %add3A_3 : i32
    %dma_start3A = arith.constant 0 : i32
    %dma_start3A_5 = arith.constant 0 : i32
    %dma_start3A_6 = arith.constant 0 : i32
    %dma_start3A_7 = tpu.memref_slice %arg6[%dma_start3A_5, %dma_start3A_6] : memref<640x128xf32, #tpu.memory_space<vmem>> -> memref<128x128xf32, #tpu.memory_space<vmem>>
    %dma_start3A_8 = arith.constant 0 : i32
    %dma_start3A_9 = tpu.memref_slice %arg5[%dma_start3A, %dma_start3A_8] : memref<25x128xi32, #tpu.memory_space<vmem>> -> memref<1x128xi32, #tpu.memory_space<vmem>>
    %dma_start3A_10 = tpu.memref_squeeze %dma_start3A_9 : memref<1x128xi32, #tpu.memory_space<vmem>> -> memref<128xi32, #tpu.memory_space<vmem>>
    %dma_start3A_11 = arith.constant 0 : i32
    %dma_start3A_12 = arith.constant 0 : i32
    %dma_start3A_13 = tpu.memref_slice %arg2[%dma_start3A_11, %dma_start3A_12] : memref<100000x128xf32, #tpu.memory_space<hbm>> -> memref<100000x128xf32, #tpu.memory_space<hbm>>
    tpu.enqueue_indirect_dma source(%dma_start3A_13 : memref<100000x128xf32, #tpu.memory_space<hbm>>) target(%dma_start3A_7 : memref<128x128xf32, #tpu.memory_space<vmem>>) offsets(%dma_start3A_10 : memref<128xi32, #tpu.memory_space<vmem>>) semaphore(%arg7 : memref<!tpu.dma_semaphore, #tpu.memory_space<semaphore_mem>>)
    %dma_start3A_14 = arith.constant 1 : i32
    %dma_start3A_15 = arith.constant 128 : i32
    %dma_start3A_16 = arith.constant 0 : i32
    %dma_start3A_17 = tpu.memref_slice %arg6[%dma_start3A_15, %dma_start3A_16] : memref<640x128xf32, #tpu.memory_space<vmem>> -> memref<128x128xf32, #tpu.memory_space<vmem>>
    %dma_start3A_18 = arith.constant 0 : i32
    %dma_start3A_19 = tpu.memref_slice %arg5[%dma_start3A_14, %dma_start3A_18] : memref<25x128xi32, #tpu.memory_space<vmem>> -> memref<1x128xi32, #tpu.memory_space<vmem>>
    %dma_start3A_20 = tpu.memref_squeeze %dma_start3A_19 : memref<1x128xi32, #tpu.memory_space<vmem>> -> memref<128xi32, #tpu.memory_space<vmem>>
    %dma_start3A_21 = arith.constant 0 : i32
    %dma_start3A_22 = arith.constant 0 : i32
    %dma_start3A_23 = tpu.memref_slice %arg2[%dma_start3A_21, %dma_start3A_22] : memref<100000x128xf32, #tpu.memory_space<hbm>> -> memref<100000x128xf32, #tpu.memory_space<hbm>>
    tpu.enqueue_indirect_dma source(%dma_start3A_23 : memref<100000x128xf32, #tpu.memory_space<hbm>>) target(%dma_start3A_17 : memref<128x128xf32, #tpu.memory_space<vmem>>) offsets(%dma_start3A_20 : memref<128xi32, #tpu.memory_space<vmem>>) semaphore(%arg7 : memref<!tpu.dma_semaphore, #tpu.memory_space<semaphore_mem>>)
    %dma_start3A_24 = arith.constant 2 : i32
    %dma_start3A_25 = arith.constant 256 : i32
    %dma_start3A_26 = arith.constant 0 : i32
    %dma_start3A_27 = tpu.memref_slice %arg6[%dma_start3A_25, %dma_start3A_26] : memref<640x128xf32, #tpu.memory_space<vmem>> -> memref<128x128xf32, #tpu.memory_space<vmem>>
    %dma_start3A_28 = arith.constant 0 : i32
    %dma_start3A_29 = tpu.memref_slice %arg5[%dma_start3A_24, %dma_start3A_28] : memref<25x128xi32, #tpu.memory_space<vmem>> -> memref<1x128xi32, #tpu.memory_space<vmem>>
    %dma_start3A_30 = tpu.memref_squeeze %dma_start3A_29 : memref<1x128xi32, #tpu.memory_space<vmem>> -> memref<128xi32, #tpu.memory_space<vmem>>
    %dma_start3A_31 = arith.constant 0 : i32
    %dma_start3A_32 = arith.constant 0 : i32
    %dma_start3A_33 = tpu.memref_slice %arg2[%dma_start3A_31, %dma_start3A_32] : memref<100000x128xf32, #tpu.memory_space<hbm>> -> memref<100000x128xf32, #tpu.memory_space<hbm>>
    tpu.enqueue_indirect_dma source(%dma_start3A_33 : memref<100000x128xf32, #tpu.memory_space<hbm>>) target(%dma_start3A_27 : memref<128x128xf32, #tpu.memory_space<vmem>>) offsets(%dma_start3A_30 : memref<128xi32, #tpu.memory_space<vmem>>) semaphore(%arg7 : memref<!tpu.dma_semaphore, #tpu.memory_space<semaphore_mem>>)
    %dma_start3A_34 = arith.constant 3 : i32
    %dma_start3A_35 = arith.constant 384 : i32
    %dma_start3A_36 = arith.constant 0 : i32
    %dma_start3A_37 = tpu.memref_slice %arg6[%dma_start3A_35, %dma_start3A_36] : memref<640x128xf32, #tpu.memory_space<vmem>> -> memref<128x128xf32, #tpu.memory_space<vmem>>
    %dma_start3A_38 = arith.constant 0 : i32
    %dma_start3A_39 = tpu.memref_slice %arg5[%dma_start3A_34, %dma_start3A_38] : memref<25x128xi32, #tpu.memory_space<vmem>> -> memref<1x128xi32, #tpu.memory_space<vmem>>
    %dma_start3A_40 = tpu.memref_squeeze %dma_start3A_39 : memref<1x128xi32, #tpu.memory_space<vmem>> -> memref<128xi32, #tpu.memory_space<vmem>>
    %dma_start3A_41 = arith.constant 0 : i32
    %dma_start3A_42 = arith.constant 0 : i32
    %dma_start3A_43 = tpu.memref_slice %arg2[%dma_start3A_41, %dma_start3A_42] : memref<100000x128xf32, #tpu.memory_space<hbm>> -> memref<100000x128xf32, #tpu.memory_space<hbm>>
    tpu.enqueue_indirect_dma source(%dma_start3A_43 : memref<100000x128xf32, #tpu.memory_space<hbm>>) target(%dma_start3A_37 : memref<128x128xf32, #tpu.memory_space<vmem>>) offsets(%dma_start3A_40 : memref<128xi32, #tpu.memory_space<vmem>>) semaphore(%arg7 : memref<!tpu.dma_semaphore, #tpu.memory_space<semaphore_mem>>)
    %dma_start3A_44 = arith.constant 4 : i32
    %dma_start3A_45 = arith.constant 512 : i32
    %dma_start3A_46 = arith.constant 0 : i32
    %dma_start3A_47 = tpu.memref_slice %arg6[%dma_start3A_45, %dma_start3A_46] : memref<640x128xf32, #tpu.memory_space<vmem>> -> memref<128x128xf32, #tpu.memory_space<vmem>>
    %dma_start3A_48 = arith.constant 0 : i32
    %dma_start3A_49 = tpu.memref_slice %arg5[%dma_start3A_44, %dma_start3A_48] : memref<25x128xi32, #tpu.memory_space<vmem>> -> memref<1x128xi32, #tpu.memory_space<vmem>>
    %dma_start3A_50 = tpu.memref_squeeze %dma_start3A_49 : memref<1x128xi32, #tpu.memory_space<vmem>> -> memref<128xi32, #tpu.memory_space<vmem>>
    %dma_start3A_51 = arith.constant 0 : i32
    %dma_start3A_52 = arith.constant 0 : i32
    %dma_start3A_53 = tpu.memref_slice %arg2[%dma_start3A_51, %dma_start3A_52] : memref<100000x128xf32, #tpu.memory_space<hbm>> -> memref<100000x128xf32, #tpu.memory_space<hbm>>
    tpu.enqueue_indirect_dma source(%dma_start3A_53 : memref<100000x128xf32, #tpu.memory_space<hbm>>) target(%dma_start3A_47 : memref<128x128xf32, #tpu.memory_space<vmem>>) offsets(%dma_start3A_50 : memref<128xi32, #tpu.memory_space<vmem>>) semaphore(%arg7 : memref<!tpu.dma_semaphore, #tpu.memory_space<semaphore_mem>>)
    %dma_wait3A = arith.constant 0 : i32
    %dma_wait3A_54 = arith.constant 0 : i32
    %dma_wait3A_55 = arith.constant 0 : i32
    %dma_wait3A_56 = tpu.memref_slice %arg6[%dma_wait3A_54, %dma_wait3A_55] : memref<640x128xf32, #tpu.memory_space<vmem>> -> memref<128x128xf32, #tpu.memory_space<vmem>>
    %dma_wait3A_57 = arith.constant 0 : i32
    %dma_wait3A_58 = tpu.memref_slice %arg5[%dma_wait3A, %dma_wait3A_57] : memref<25x128xi32, #tpu.memory_space<vmem>> -> memref<1x128xi32, #tpu.memory_space<vmem>>
    %dma_wait3A_59 = tpu.memref_squeeze %dma_wait3A_58 : memref<1x128xi32, #tpu.memory_space<vmem>> -> memref<128xi32, #tpu.memory_space<vmem>>
    %dma_wait3A_60 = arith.constant 0 : i32
    %dma_wait3A_61 = arith.constant 0 : i32
    %dma_wait3A_62 = tpu.memref_slice %arg2[%dma_wait3A_60, %dma_wait3A_61] : memref<100000x128xf32, #tpu.memory_space<hbm>> -> memref<100000x128xf32, #tpu.memory_space<hbm>>
    tpu.wait_indirect_dma semaphore(%arg7 : memref<!tpu.dma_semaphore, #tpu.memory_space<semaphore_mem>>) src(%dma_wait3A_62 : memref<100000x128xf32, #tpu.memory_space<hbm>>) dst(%dma_wait3A_56 : memref<128x128xf32, #tpu.memory_space<vmem>>)
    %dma_wait3A_63 = arith.constant 1 : i32
    %dma_wait3A_64 = arith.constant 128 : i32
    %dma_wait3A_65 = arith.constant 0 : i32
    %dma_wait3A_66 = tpu.memref_slice %arg6[%dma_wait3A_64, %dma_wait3A_65] : memref<640x128xf32, #tpu.memory_space<vmem>> -> memref<128x128xf32, #tpu.memory_space<vmem>>
    %dma_wait3A_67 = arith.constant 0 : i32
    %dma_wait3A_68 = tpu.memref_slice %arg5[%dma_wait3A_63, %dma_wait3A_67] : memref<25x128xi32, #tpu.memory_space<vmem>> -> memref<1x128xi32, #tpu.memory_space<vmem>>
    %dma_wait3A_69 = tpu.memref_squeeze %dma_wait3A_68 : memref<1x128xi32, #tpu.memory_space<vmem>> -> memref<128xi32, #tpu.memory_space<vmem>>
    %dma_wait3A_70 = arith.constant 0 : i32
    %dma_wait3A_71 = arith.constant 0 : i32
    %dma_wait3A_72 = tpu.memref_slice %arg2[%dma_wait3A_70, %dma_wait3A_71] : memref<100000x128xf32, #tpu.memory_space<hbm>> -> memref<100000x128xf32, #tpu.memory_space<hbm>>
    tpu.wait_indirect_dma semaphore(%arg7 : memref<!tpu.dma_semaphore, #tpu.memory_space<semaphore_mem>>) src(%dma_wait3A_72 : memref<100000x128xf32, #tpu.memory_space<hbm>>) dst(%dma_wait3A_66 : memref<128x128xf32, #tpu.memory_space<vmem>>)
    %dma_wait3A_73 = arith.constant 2 : i32
    %dma_wait3A_74 = arith.constant 256 : i32
    %dma_wait3A_75 = arith.constant 0 : i32
    %dma_wait3A_76 = tpu.memref_slice %arg6[%dma_wait3A_74, %dma_wait3A_75] : memref<640x128xf32, #tpu.memory_space<vmem>> -> memref<128x128xf32, #tpu.memory_space<vmem>>
    %dma_wait3A_77 = arith.constant 0 : i32
    %dma_wait3A_78 = tpu.memref_slice %arg5[%dma_wait3A_73, %dma_wait3A_77] : memref<25x128xi32, #tpu.memory_space<vmem>> -> memref<1x128xi32, #tpu.memory_space<vmem>>
    %dma_wait3A_79 = tpu.memref_squeeze %dma_wait3A_78 : memref<1x128xi32, #tpu.memory_space<vmem>> -> memref<128xi32, #tpu.memory_space<vmem>>
    %dma_wait3A_80 = arith.constant 0 : i32
    %dma_wait3A_81 = arith.constant 0 : i32
    %dma_wait3A_82 = tpu.memref_slice %arg2[%dma_wait3A_80, %dma_wait3A_81] : memref<100000x128xf32, #tpu.memory_space<hbm>> -> memref<100000x128xf32, #tpu.memory_space<hbm>>
    tpu.wait_indirect_dma semaphore(%arg7 : memref<!tpu.dma_semaphore, #tpu.memory_space<semaphore_mem>>) src(%dma_wait3A_82 : memref<100000x128xf32, #tpu.memory_space<hbm>>) dst(%dma_wait3A_76 : memref<128x128xf32, #tpu.memory_space<vmem>>)
    %dma_wait3A_83 = arith.constant 3 : i32
    %dma_wait3A_84 = arith.constant 384 : i32
    %dma_wait3A_85 = arith.constant 0 : i32
    %dma_wait3A_86 = tpu.memref_slice %arg6[%dma_wait3A_84, %dma_wait3A_85] : memref<640x128xf32, #tpu.memory_space<vmem>> -> memref<128x128xf32, #tpu.memory_space<vmem>>
    %dma_wait3A_87 = arith.constant 0 : i32
    %dma_wait3A_88 = tpu.memref_slice %arg5[%dma_wait3A_83, %dma_wait3A_87] : memref<25x128xi32, #tpu.memory_space<vmem>> -> memref<1x128xi32, #tpu.memory_space<vmem>>
    %dma_wait3A_89 = tpu.memref_squeeze %dma_wait3A_88 : memref<1x128xi32, #tpu.memory_space<vmem>> -> memref<128xi32, #tpu.memory_space<vmem>>
    %dma_wait3A_90 = arith.constant 0 : i32
    %dma_wait3A_91 = arith.constant 0 : i32
    %dma_wait3A_92 = tpu.memref_slice %arg2[%dma_wait3A_90, %dma_wait3A_91] : memref<100000x128xf32, #tpu.memory_space<hbm>> -> memref<100000x128xf32, #tpu.memory_space<hbm>>
    tpu.wait_indirect_dma semaphore(%arg7 : memref<!tpu.dma_semaphore, #tpu.memory_space<semaphore_mem>>) src(%dma_wait3A_92 : memref<100000x128xf32, #tpu.memory_space<hbm>>) dst(%dma_wait3A_86 : memref<128x128xf32, #tpu.memory_space<vmem>>)
    %dma_wait3A_93 = arith.constant 4 : i32
    %dma_wait3A_94 = arith.constant 512 : i32
    %dma_wait3A_95 = arith.constant 0 : i32
    %dma_wait3A_96 = tpu.memref_slice %arg6[%dma_wait3A_94, %dma_wait3A_95] : memref<640x128xf32, #tpu.memory_space<vmem>> -> memref<128x128xf32, #tpu.memory_space<vmem>>
    %dma_wait3A_97 = arith.constant 0 : i32
    %dma_wait3A_98 = tpu.memref_slice %arg5[%dma_wait3A_93, %dma_wait3A_97] : memref<25x128xi32, #tpu.memory_space<vmem>> -> memref<1x128xi32, #tpu.memory_space<vmem>>
    %dma_wait3A_99 = tpu.memref_squeeze %dma_wait3A_98 : memref<1x128xi32, #tpu.memory_space<vmem>> -> memref<128xi32, #tpu.memory_space<vmem>>
    %dma_wait3A_100 = arith.constant 0 : i32
    %dma_wait3A_101 = arith.constant 0 : i32
    %dma_wait3A_102 = tpu.memref_slice %arg2[%dma_wait3A_100, %dma_wait3A_101] : memref<100000x128xf32, #tpu.memory_space<hbm>> -> memref<100000x128xf32, #tpu.memory_space<hbm>>
    tpu.wait_indirect_dma semaphore(%arg7 : memref<!tpu.dma_semaphore, #tpu.memory_space<semaphore_mem>>) src(%dma_wait3A_102 : memref<100000x128xf32, #tpu.memory_space<hbm>>) dst(%dma_wait3A_96 : memref<128x128xf32, #tpu.memory_space<vmem>>)
    "tpu.region"() ({
      %run_scoped3A = tpu.sem_alloc : memref<!tpu.dma_semaphore, #tpu.memory_space<semaphore_mem>>
      %dma_start3A_511 = arith.constant 0 : i32
      %dma_start3A_512 = tpu.memref_slice %arg4[%add3A_4, %dma_start3A_511] : memref<102400x128xf32, #tpu.memory_space<hbm>> -> memref<640x128xf32, #tpu.memory_space<hbm>>
      %dma_start3A_513 = arith.constant 0 : i32
      %dma_start3A_514 = tpu.memref_slice %arg4[%add3A_4, %dma_start3A_513] : memref<102400x128xf32, #tpu.memory_space<hbm>> -> memref<640x128xf32, #tpu.memory_space<hbm>>
      tpu.enqueue_dma source(%arg6 : memref<640x128xf32, #tpu.memory_space<vmem>>) target(%dma_start3A_514 : memref<640x128xf32, #tpu.memory_space<hbm>>) target_semaphore(%run_scoped3A : memref<!tpu.dma_semaphore, #tpu.memory_space<semaphore_mem>>)
      %dma_wait3A_515 = arith.constant 0 : i32
      %dma_wait3A_516 = tpu.memref_slice %arg4[%add3A_4, %dma_wait3A_515] : memref<102400x128xf32, #tpu.memory_space<hbm>> -> memref<640x128xf32, #tpu.memory_space<hbm>>
      %dma_wait3A_517 = arith.constant 0 : i32
      %dma_wait3A_518 = tpu.memref_slice %arg4[%add3A_4, %dma_wait3A_517] : memref<102400x128xf32, #tpu.memory_space<hbm>> -> memref<640x128xf32, #tpu.memory_space<hbm>>
      tpu.wait_dma2 semaphore(%run_scoped3A : memref<!tpu.dma_semaphore, #tpu.memory_space<semaphore_mem>>) src(%arg6 : memref<640x128xf32, #tpu.memory_space<vmem>>) dst(%dma_wait3A_518 : memref<640x128xf32, #tpu.memory_space<hbm>>)
      tpu.yield
    }) : () -> ()
    %add3A_103 = arith.constant 640 : i32
    %add3A_104 = arith.addi %mul3A_2, %add3A_103 : i32
    %dma_start3A_105 = arith.constant 5 : i32
    %dma_start3A_106 = arith.constant 0 : i32
    %dma_start3A_107 = arith.constant 0 : i32
    %dma_start3A_108 = tpu.memref_slice %arg6[%dma_start3A_106, %dma_start3A_107] : memref<640x128xf32, #tpu.memory_space<vmem>> -> memref<128x128xf32, #tpu.memory_space<vmem>>
    %dma_start3A_109 = arith.constant 0 : i32
    %dma_start3A_110 = tpu.memref_slice %arg5[%dma_start3A_105, %dma_start3A_109] : memref<25x128xi32, #tpu.memory_space<vmem>> -> memref<1x128xi32, #tpu.memory_space<vmem>>
    %dma_start3A_111 = tpu.memref_squeeze %dma_start3A_110 : memref<1x128xi32, #tpu.memory_space<vmem>> -> memref<128xi32, #tpu.memory_space<vmem>>
    %dma_start3A_112 = arith.constant 0 : i32
    %dma_start3A_113 = arith.constant 0 : i32
    %dma_start3A_114 = tpu.memref_slice %arg2[%dma_start3A_112, %dma_start3A_113] : memref<100000x128xf32, #tpu.memory_space<hbm>> -> memref<100000x128xf32, #tpu.memory_space<hbm>>
    tpu.enqueue_indirect_dma source(%dma_start3A_114 : memref<100000x128xf32, #tpu.memory_space<hbm>>) target(%dma_start3A_108 : memref<128x128xf32, #tpu.memory_space<vmem>>) offsets(%dma_start3A_111 : memref<128xi32, #tpu.memory_space<vmem>>) semaphore(%arg7 : memref<!tpu.dma_semaphore, #tpu.memory_space<semaphore_mem>>)
    %dma_start3A_115 = arith.constant 6 : i32
    %dma_start3A_116 = arith.constant 128 : i32
    %dma_start3A_117 = arith.constant 0 : i32
    %dma_start3A_118 = tpu.memref_slice %arg6[%dma_start3A_116, %dma_start3A_117] : memref<640x128xf32, #tpu.memory_space<vmem>> -> memref<128x128xf32, #tpu.memory_space<vmem>>
    %dma_start3A_119 = arith.constant 0 : i32
    %dma_start3A_120 = tpu.memref_slice %arg5[%dma_start3A_115, %dma_start3A_119] : memref<25x128xi32, #tpu.memory_space<vmem>> -> memref<1x128xi32, #tpu.memory_space<vmem>>
    %dma_start3A_121 = tpu.memref_squeeze %dma_start3A_120 : memref<1x128xi32, #tpu.memory_space<vmem>> -> memref<128xi32, #tpu.memory_space<vmem>>
    %dma_start3A_122 = arith.constant 0 : i32
    %dma_start3A_123 = arith.constant 0 : i32
    %dma_start3A_124 = tpu.memref_slice %arg2[%dma_start3A_122, %dma_start3A_123] : memref<100000x128xf32, #tpu.memory_space<hbm>> -> memref<100000x128xf32, #tpu.memory_space<hbm>>
    tpu.enqueue_indirect_dma source(%dma_start3A_124 : memref<100000x128xf32, #tpu.memory_space<hbm>>) target(%dma_start3A_118 : memref<128x128xf32, #tpu.memory_space<vmem>>) offsets(%dma_start3A_121 : memref<128xi32, #tpu.memory_space<vmem>>) semaphore(%arg7 : memref<!tpu.dma_semaphore, #tpu.memory_space<semaphore_mem>>)
    %dma_start3A_125 = arith.constant 7 : i32
    %dma_start3A_126 = arith.constant 256 : i32
    %dma_start3A_127 = arith.constant 0 : i32
    %dma_start3A_128 = tpu.memref_slice %arg6[%dma_start3A_126, %dma_start3A_127] : memref<640x128xf32, #tpu.memory_space<vmem>> -> memref<128x128xf32, #tpu.memory_space<vmem>>
    %dma_start3A_129 = arith.constant 0 : i32
    %dma_start3A_130 = tpu.memref_slice %arg5[%dma_start3A_125, %dma_start3A_129] : memref<25x128xi32, #tpu.memory_space<vmem>> -> memref<1x128xi32, #tpu.memory_space<vmem>>
    %dma_start3A_131 = tpu.memref_squeeze %dma_start3A_130 : memref<1x128xi32, #tpu.memory_space<vmem>> -> memref<128xi32, #tpu.memory_space<vmem>>
    %dma_start3A_132 = arith.constant 0 : i32
    %dma_start3A_133 = arith.constant 0 : i32
    %dma_start3A_134 = tpu.memref_slice %arg2[%dma_start3A_132, %dma_start3A_133] : memref<100000x128xf32, #tpu.memory_space<hbm>> -> memref<100000x128xf32, #tpu.memory_space<hbm>>
    tpu.enqueue_indirect_dma source(%dma_start3A_134 : memref<100000x128xf32, #tpu.memory_space<hbm>>) target(%dma_start3A_128 : memref<128x128xf32, #tpu.memory_space<vmem>>) offsets(%dma_start3A_131 : memref<128xi32, #tpu.memory_space<vmem>>) semaphore(%arg7 : memref<!tpu.dma_semaphore, #tpu.memory_space<semaphore_mem>>)
    %dma_start3A_135 = arith.constant 8 : i32
    %dma_start3A_136 = arith.constant 384 : i32
    %dma_start3A_137 = arith.constant 0 : i32
    %dma_start3A_138 = tpu.memref_slice %arg6[%dma_start3A_136, %dma_start3A_137] : memref<640x128xf32, #tpu.memory_space<vmem>> -> memref<128x128xf32, #tpu.memory_space<vmem>>
    %dma_start3A_139 = arith.constant 0 : i32
    %dma_start3A_140 = tpu.memref_slice %arg5[%dma_start3A_135, %dma_start3A_139] : memref<25x128xi32, #tpu.memory_space<vmem>> -> memref<1x128xi32, #tpu.memory_space<vmem>>
    %dma_start3A_141 = tpu.memref_squeeze %dma_start3A_140 : memref<1x128xi32, #tpu.memory_space<vmem>> -> memref<128xi32, #tpu.memory_space<vmem>>
    %dma_start3A_142 = arith.constant 0 : i32
    %dma_start3A_143 = arith.constant 0 : i32
    %dma_start3A_144 = tpu.memref_slice %arg2[%dma_start3A_142, %dma_start3A_143] : memref<100000x128xf32, #tpu.memory_space<hbm>> -> memref<100000x128xf32, #tpu.memory_space<hbm>>
    tpu.enqueue_indirect_dma source(%dma_start3A_144 : memref<100000x128xf32, #tpu.memory_space<hbm>>) target(%dma_start3A_138 : memref<128x128xf32, #tpu.memory_space<vmem>>) offsets(%dma_start3A_141 : memref<128xi32, #tpu.memory_space<vmem>>) semaphore(%arg7 : memref<!tpu.dma_semaphore, #tpu.memory_space<semaphore_mem>>)
    %dma_start3A_145 = arith.constant 9 : i32
    %dma_start3A_146 = arith.constant 512 : i32
    %dma_start3A_147 = arith.constant 0 : i32
    %dma_start3A_148 = tpu.memref_slice %arg6[%dma_start3A_146, %dma_start3A_147] : memref<640x128xf32, #tpu.memory_space<vmem>> -> memref<128x128xf32, #tpu.memory_space<vmem>>
    %dma_start3A_149 = arith.constant 0 : i32
    %dma_start3A_150 = tpu.memref_slice %arg5[%dma_start3A_145, %dma_start3A_149] : memref<25x128xi32, #tpu.memory_space<vmem>> -> memref<1x128xi32, #tpu.memory_space<vmem>>
    %dma_start3A_151 = tpu.memref_squeeze %dma_start3A_150 : memref<1x128xi32, #tpu.memory_space<vmem>> -> memref<128xi32, #tpu.memory_space<vmem>>
    %dma_start3A_152 = arith.constant 0 : i32
    %dma_start3A_153 = arith.constant 0 : i32
    %dma_start3A_154 = tpu.memref_slice %arg2[%dma_start3A_152, %dma_start3A_153] : memref<100000x128xf32, #tpu.memory_space<hbm>> -> memref<100000x128xf32, #tpu.memory_space<hbm>>
    tpu.enqueue_indirect_dma source(%dma_start3A_154 : memref<100000x128xf32, #tpu.memory_space<hbm>>) target(%dma_start3A_148 : memref<128x128xf32, #tpu.memory_space<vmem>>) offsets(%dma_start3A_151 : memref<128xi32, #tpu.memory_space<vmem>>) semaphore(%arg7 : memref<!tpu.dma_semaphore, #tpu.memory_space<semaphore_mem>>)
    %dma_wait3A_155 = arith.constant 5 : i32
    %dma_wait3A_156 = arith.constant 0 : i32
    %dma_wait3A_157 = arith.constant 0 : i32
    %dma_wait3A_158 = tpu.memref_slice %arg6[%dma_wait3A_156, %dma_wait3A_157] : memref<640x128xf32, #tpu.memory_space<vmem>> -> memref<128x128xf32, #tpu.memory_space<vmem>>
    %dma_wait3A_159 = arith.constant 0 : i32
    %dma_wait3A_160 = tpu.memref_slice %arg5[%dma_wait3A_155, %dma_wait3A_159] : memref<25x128xi32, #tpu.memory_space<vmem>> -> memref<1x128xi32, #tpu.memory_space<vmem>>
    %dma_wait3A_161 = tpu.memref_squeeze %dma_wait3A_160 : memref<1x128xi32, #tpu.memory_space<vmem>> -> memref<128xi32, #tpu.memory_space<vmem>>
    %dma_wait3A_162 = arith.constant 0 : i32
    %dma_wait3A_163 = arith.constant 0 : i32
    %dma_wait3A_164 = tpu.memref_slice %arg2[%dma_wait3A_162, %dma_wait3A_163] : memref<100000x128xf32, #tpu.memory_space<hbm>> -> memref<100000x128xf32, #tpu.memory_space<hbm>>
    tpu.wait_indirect_dma semaphore(%arg7 : memref<!tpu.dma_semaphore, #tpu.memory_space<semaphore_mem>>) src(%dma_wait3A_164 : memref<100000x128xf32, #tpu.memory_space<hbm>>) dst(%dma_wait3A_158 : memref<128x128xf32, #tpu.memory_space<vmem>>)
    %dma_wait3A_165 = arith.constant 6 : i32
    %dma_wait3A_166 = arith.constant 128 : i32
    %dma_wait3A_167 = arith.constant 0 : i32
    %dma_wait3A_168 = tpu.memref_slice %arg6[%dma_wait3A_166, %dma_wait3A_167] : memref<640x128xf32, #tpu.memory_space<vmem>> -> memref<128x128xf32, #tpu.memory_space<vmem>>
    %dma_wait3A_169 = arith.constant 0 : i32
    %dma_wait3A_170 = tpu.memref_slice %arg5[%dma_wait3A_165, %dma_wait3A_169] : memref<25x128xi32, #tpu.memory_space<vmem>> -> memref<1x128xi32, #tpu.memory_space<vmem>>
    %dma_wait3A_171 = tpu.memref_squeeze %dma_wait3A_170 : memref<1x128xi32, #tpu.memory_space<vmem>> -> memref<128xi32, #tpu.memory_space<vmem>>
    %dma_wait3A_172 = arith.constant 0 : i32
    %dma_wait3A_173 = arith.constant 0 : i32
    %dma_wait3A_174 = tpu.memref_slice %arg2[%dma_wait3A_172, %dma_wait3A_173] : memref<100000x128xf32, #tpu.memory_space<hbm>> -> memref<100000x128xf32, #tpu.memory_space<hbm>>
    tpu.wait_indirect_dma semaphore(%arg7 : memref<!tpu.dma_semaphore, #tpu.memory_space<semaphore_mem>>) src(%dma_wait3A_174 : memref<100000x128xf32, #tpu.memory_space<hbm>>) dst(%dma_wait3A_168 : memref<128x128xf32, #tpu.memory_space<vmem>>)
    %dma_wait3A_175 = arith.constant 7 : i32
    %dma_wait3A_176 = arith.constant 256 : i32
    %dma_wait3A_177 = arith.constant 0 : i32
    %dma_wait3A_178 = tpu.memref_slice %arg6[%dma_wait3A_176, %dma_wait3A_177] : memref<640x128xf32, #tpu.memory_space<vmem>> -> memref<128x128xf32, #tpu.memory_space<vmem>>
    %dma_wait3A_179 = arith.constant 0 : i32
    %dma_wait3A_180 = tpu.memref_slice %arg5[%dma_wait3A_175, %dma_wait3A_179] : memref<25x128xi32, #tpu.memory_space<vmem>> -> memref<1x128xi32, #tpu.memory_space<vmem>>
    %dma_wait3A_181 = tpu.memref_squeeze %dma_wait3A_180 : memref<1x128xi32, #tpu.memory_space<vmem>> -> memref<128xi32, #tpu.memory_space<vmem>>
    %dma_wait3A_182 = arith.constant 0 : i32
    %dma_wait3A_183 = arith.constant 0 : i32
    %dma_wait3A_184 = tpu.memref_slice %arg2[%dma_wait3A_182, %dma_wait3A_183] : memref<100000x128xf32, #tpu.memory_space<hbm>> -> memref<100000x128xf32, #tpu.memory_space<hbm>>
    tpu.wait_indirect_dma semaphore(%arg7 : memref<!tpu.dma_semaphore, #tpu.memory_space<semaphore_mem>>) src(%dma_wait3A_184 : memref<100000x128xf32, #tpu.memory_space<hbm>>) dst(%dma_wait3A_178 : memref<128x128xf32, #tpu.memory_space<vmem>>)
    %dma_wait3A_185 = arith.constant 8 : i32
    %dma_wait3A_186 = arith.constant 384 : i32
    %dma_wait3A_187 = arith.constant 0 : i32
    %dma_wait3A_188 = tpu.memref_slice %arg6[%dma_wait3A_186, %dma_wait3A_187] : memref<640x128xf32, #tpu.memory_space<vmem>> -> memref<128x128xf32, #tpu.memory_space<vmem>>
    %dma_wait3A_189 = arith.constant 0 : i32
    %dma_wait3A_190 = tpu.memref_slice %arg5[%dma_wait3A_185, %dma_wait3A_189] : memref<25x128xi32, #tpu.memory_space<vmem>> -> memref<1x128xi32, #tpu.memory_space<vmem>>
    %dma_wait3A_191 = tpu.memref_squeeze %dma_wait3A_190 : memref<1x128xi32, #tpu.memory_space<vmem>> -> memref<128xi32, #tpu.memory_space<vmem>>
    %dma_wait3A_192 = arith.constant 0 : i32
    %dma_wait3A_193 = arith.constant 0 : i32
    %dma_wait3A_194 = tpu.memref_slice %arg2[%dma_wait3A_192, %dma_wait3A_193] : memref<100000x128xf32, #tpu.memory_space<hbm>> -> memref<100000x128xf32, #tpu.memory_space<hbm>>
    tpu.wait_indirect_dma semaphore(%arg7 : memref<!tpu.dma_semaphore, #tpu.memory_space<semaphore_mem>>) src(%dma_wait3A_194 : memref<100000x128xf32, #tpu.memory_space<hbm>>) dst(%dma_wait3A_188 : memref<128x128xf32, #tpu.memory_space<vmem>>)
    %dma_wait3A_195 = arith.constant 9 : i32
    %dma_wait3A_196 = arith.constant 512 : i32
    %dma_wait3A_197 = arith.constant 0 : i32
    %dma_wait3A_198 = tpu.memref_slice %arg6[%dma_wait3A_196, %dma_wait3A_197] : memref<640x128xf32, #tpu.memory_space<vmem>> -> memref<128x128xf32, #tpu.memory_space<vmem>>
    %dma_wait3A_199 = arith.constant 0 : i32
    %dma_wait3A_200 = tpu.memref_slice %arg5[%dma_wait3A_195, %dma_wait3A_199] : memref<25x128xi32, #tpu.memory_space<vmem>> -> memref<1x128xi32, #tpu.memory_space<vmem>>
    %dma_wait3A_201 = tpu.memref_squeeze %dma_wait3A_200 : memref<1x128xi32, #tpu.memory_space<vmem>> -> memref<128xi32, #tpu.memory_space<vmem>>
    %dma_wait3A_202 = arith.constant 0 : i32
    %dma_wait3A_203 = arith.constant 0 : i32
    %dma_wait3A_204 = tpu.memref_slice %arg2[%dma_wait3A_202, %dma_wait3A_203] : memref<100000x128xf32, #tpu.memory_space<hbm>> -> memref<100000x128xf32, #tpu.memory_space<hbm>>
    tpu.wait_indirect_dma semaphore(%arg7 : memref<!tpu.dma_semaphore, #tpu.memory_space<semaphore_mem>>) src(%dma_wait3A_204 : memref<100000x128xf32, #tpu.memory_space<hbm>>) dst(%dma_wait3A_198 : memref<128x128xf32, #tpu.memory_space<vmem>>)
    "tpu.region"() ({
      %run_scoped3A = tpu.sem_alloc : memref<!tpu.dma_semaphore, #tpu.memory_space<semaphore_mem>>
      %dma_start3A_511 = arith.constant 0 : i32
      %dma_start3A_512 = tpu.memref_slice %arg4[%add3A_104, %dma_start3A_511] : memref<102400x128xf32, #tpu.memory_space<hbm>> -> memref<640x128xf32, #tpu.memory_space<hbm>>
      %dma_start3A_513 = arith.constant 0 : i32
      %dma_start3A_514 = tpu.memref_slice %arg4[%add3A_104, %dma_start3A_513] : memref<102400x128xf32, #tpu.memory_space<hbm>> -> memref<640x128xf32, #tpu.memory_space<hbm>>
      tpu.enqueue_dma source(%arg6 : memref<640x128xf32, #tpu.memory_space<vmem>>) target(%dma_start3A_514 : memref<640x128xf32, #tpu.memory_space<hbm>>) target_semaphore(%run_scoped3A : memref<!tpu.dma_semaphore, #tpu.memory_space<semaphore_mem>>)
      %dma_wait3A_515 = arith.constant 0 : i32
      %dma_wait3A_516 = tpu.memref_slice %arg4[%add3A_104, %dma_wait3A_515] : memref<102400x128xf32, #tpu.memory_space<hbm>> -> memref<640x128xf32, #tpu.memory_space<hbm>>
      %dma_wait3A_517 = arith.constant 0 : i32
      %dma_wait3A_518 = tpu.memref_slice %arg4[%add3A_104, %dma_wait3A_517] : memref<102400x128xf32, #tpu.memory_space<hbm>> -> memref<640x128xf32, #tpu.memory_space<hbm>>
      tpu.wait_dma2 semaphore(%run_scoped3A : memref<!tpu.dma_semaphore, #tpu.memory_space<semaphore_mem>>) src(%arg6 : memref<640x128xf32, #tpu.memory_space<vmem>>) dst(%dma_wait3A_518 : memref<640x128xf32, #tpu.memory_space<hbm>>)
      tpu.yield
    }) : () -> ()
    %add3A_205 = arith.constant 1280 : i32
    %add3A_206 = arith.addi %mul3A_2, %add3A_205 : i32
    %dma_start3A_207 = arith.constant 10 : i32
    %dma_start3A_208 = arith.constant 0 : i32
    %dma_start3A_209 = arith.constant 0 : i32
    %dma_start3A_210 = tpu.memref_slice %arg6[%dma_start3A_208, %dma_start3A_209] : memref<640x128xf32, #tpu.memory_space<vmem>> -> memref<128x128xf32, #tpu.memory_space<vmem>>
    %dma_start3A_211 = arith.constant 0 : i32
    %dma_start3A_212 = tpu.memref_slice %arg5[%dma_start3A_207, %dma_start3A_211] : memref<25x128xi32, #tpu.memory_space<vmem>> -> memref<1x128xi32, #tpu.memory_space<vmem>>
    %dma_start3A_213 = tpu.memref_squeeze %dma_start3A_212 : memref<1x128xi32, #tpu.memory_space<vmem>> -> memref<128xi32, #tpu.memory_space<vmem>>
    %dma_start3A_214 = arith.constant 0 : i32
    %dma_start3A_215 = arith.constant 0 : i32
    %dma_start3A_216 = tpu.memref_slice %arg2[%dma_start3A_214, %dma_start3A_215] : memref<100000x128xf32, #tpu.memory_space<hbm>> -> memref<100000x128xf32, #tpu.memory_space<hbm>>
    tpu.enqueue_indirect_dma source(%dma_start3A_216 : memref<100000x128xf32, #tpu.memory_space<hbm>>) target(%dma_start3A_210 : memref<128x128xf32, #tpu.memory_space<vmem>>) offsets(%dma_start3A_213 : memref<128xi32, #tpu.memory_space<vmem>>) semaphore(%arg7 : memref<!tpu.dma_semaphore, #tpu.memory_space<semaphore_mem>>)
    %dma_start3A_217 = arith.constant 11 : i32
    %dma_start3A_218 = arith.constant 128 : i32
    %dma_start3A_219 = arith.constant 0 : i32
    %dma_start3A_220 = tpu.memref_slice %arg6[%dma_start3A_218, %dma_start3A_219] : memref<640x128xf32, #tpu.memory_space<vmem>> -> memref<128x128xf32, #tpu.memory_space<vmem>>
    %dma_start3A_221 = arith.constant 0 : i32
    %dma_start3A_222 = tpu.memref_slice %arg5[%dma_start3A_217, %dma_start3A_221] : memref<25x128xi32, #tpu.memory_space<vmem>> -> memref<1x128xi32, #tpu.memory_space<vmem>>
    %dma_start3A_223 = tpu.memref_squeeze %dma_start3A_222 : memref<1x128xi32, #tpu.memory_space<vmem>> -> memref<128xi32, #tpu.memory_space<vmem>>
    %dma_start3A_224 = arith.constant 0 : i32
    %dma_start3A_225 = arith.constant 0 : i32
    %dma_start3A_226 = tpu.memref_slice %arg2[%dma_start3A_224, %dma_start3A_225] : memref<100000x128xf32, #tpu.memory_space<hbm>> -> memref<100000x128xf32, #tpu.memory_space<hbm>>
    tpu.enqueue_indirect_dma source(%dma_start3A_226 : memref<100000x128xf32, #tpu.memory_space<hbm>>) target(%dma_start3A_220 : memref<128x128xf32, #tpu.memory_space<vmem>>) offsets(%dma_start3A_223 : memref<128xi32, #tpu.memory_space<vmem>>) semaphore(%arg7 : memref<!tpu.dma_semaphore, #tpu.memory_space<semaphore_mem>>)
    %dma_start3A_227 = arith.constant 12 : i32
    %dma_start3A_228 = arith.constant 256 : i32
    %dma_start3A_229 = arith.constant 0 : i32
    %dma_start3A_230 = tpu.memref_slice %arg6[%dma_start3A_228, %dma_start3A_229] : memref<640x128xf32, #tpu.memory_space<vmem>> -> memref<128x128xf32, #tpu.memory_space<vmem>>
    %dma_start3A_231 = arith.constant 0 : i32
    %dma_start3A_232 = tpu.memref_slice %arg5[%dma_start3A_227, %dma_start3A_231] : memref<25x128xi32, #tpu.memory_space<vmem>> -> memref<1x128xi32, #tpu.memory_space<vmem>>
    %dma_start3A_233 = tpu.memref_squeeze %dma_start3A_232 : memref<1x128xi32, #tpu.memory_space<vmem>> -> memref<128xi32, #tpu.memory_space<vmem>>
    %dma_start3A_234 = arith.constant 0 : i32
    %dma_start3A_235 = arith.constant 0 : i32
    %dma_start3A_236 = tpu.memref_slice %arg2[%dma_start3A_234, %dma_start3A_235] : memref<100000x128xf32, #tpu.memory_space<hbm>> -> memref<100000x128xf32, #tpu.memory_space<hbm>>
    tpu.enqueue_indirect_dma source(%dma_start3A_236 : memref<100000x128xf32, #tpu.memory_space<hbm>>) target(%dma_start3A_230 : memref<128x128xf32, #tpu.memory_space<vmem>>) offsets(%dma_start3A_233 : memref<128xi32, #tpu.memory_space<vmem>>) semaphore(%arg7 : memref<!tpu.dma_semaphore, #tpu.memory_space<semaphore_mem>>)
    %dma_start3A_237 = arith.constant 13 : i32
    %dma_start3A_238 = arith.constant 384 : i32
    %dma_start3A_239 = arith.constant 0 : i32
    %dma_start3A_240 = tpu.memref_slice %arg6[%dma_start3A_238, %dma_start3A_239] : memref<640x128xf32, #tpu.memory_space<vmem>> -> memref<128x128xf32, #tpu.memory_space<vmem>>
    %dma_start3A_241 = arith.constant 0 : i32
    %dma_start3A_242 = tpu.memref_slice %arg5[%dma_start3A_237, %dma_start3A_241] : memref<25x128xi32, #tpu.memory_space<vmem>> -> memref<1x128xi32, #tpu.memory_space<vmem>>
    %dma_start3A_243 = tpu.memref_squeeze %dma_start3A_242 : memref<1x128xi32, #tpu.memory_space<vmem>> -> memref<128xi32, #tpu.memory_space<vmem>>
    %dma_start3A_244 = arith.constant 0 : i32
    %dma_start3A_245 = arith.constant 0 : i32
    %dma_start3A_246 = tpu.memref_slice %arg2[%dma_start3A_244, %dma_start3A_245] : memref<100000x128xf32, #tpu.memory_space<hbm>> -> memref<100000x128xf32, #tpu.memory_space<hbm>>
    tpu.enqueue_indirect_dma source(%dma_start3A_246 : memref<100000x128xf32, #tpu.memory_space<hbm>>) target(%dma_start3A_240 : memref<128x128xf32, #tpu.memory_space<vmem>>) offsets(%dma_start3A_243 : memref<128xi32, #tpu.memory_space<vmem>>) semaphore(%arg7 : memref<!tpu.dma_semaphore, #tpu.memory_space<semaphore_mem>>)
    %dma_start3A_247 = arith.constant 14 : i32
    %dma_start3A_248 = arith.constant 512 : i32
    %dma_start3A_249 = arith.constant 0 : i32
    %dma_start3A_250 = tpu.memref_slice %arg6[%dma_start3A_248, %dma_start3A_249] : memref<640x128xf32, #tpu.memory_space<vmem>> -> memref<128x128xf32, #tpu.memory_space<vmem>>
    %dma_start3A_251 = arith.constant 0 : i32
    %dma_start3A_252 = tpu.memref_slice %arg5[%dma_start3A_247, %dma_start3A_251] : memref<25x128xi32, #tpu.memory_space<vmem>> -> memref<1x128xi32, #tpu.memory_space<vmem>>
    %dma_start3A_253 = tpu.memref_squeeze %dma_start3A_252 : memref<1x128xi32, #tpu.memory_space<vmem>> -> memref<128xi32, #tpu.memory_space<vmem>>
    %dma_start3A_254 = arith.constant 0 : i32
    %dma_start3A_255 = arith.constant 0 : i32
    %dma_start3A_256 = tpu.memref_slice %arg2[%dma_start3A_254, %dma_start3A_255] : memref<100000x128xf32, #tpu.memory_space<hbm>> -> memref<100000x128xf32, #tpu.memory_space<hbm>>
    tpu.enqueue_indirect_dma source(%dma_start3A_256 : memref<100000x128xf32, #tpu.memory_space<hbm>>) target(%dma_start3A_250 : memref<128x128xf32, #tpu.memory_space<vmem>>) offsets(%dma_start3A_253 : memref<128xi32, #tpu.memory_space<vmem>>) semaphore(%arg7 : memref<!tpu.dma_semaphore, #tpu.memory_space<semaphore_mem>>)
    %dma_wait3A_257 = arith.constant 10 : i32
    %dma_wait3A_258 = arith.constant 0 : i32
    %dma_wait3A_259 = arith.constant 0 : i32
    %dma_wait3A_260 = tpu.memref_slice %arg6[%dma_wait3A_258, %dma_wait3A_259] : memref<640x128xf32, #tpu.memory_space<vmem>> -> memref<128x128xf32, #tpu.memory_space<vmem>>
    %dma_wait3A_261 = arith.constant 0 : i32
    %dma_wait3A_262 = tpu.memref_slice %arg5[%dma_wait3A_257, %dma_wait3A_261] : memref<25x128xi32, #tpu.memory_space<vmem>> -> memref<1x128xi32, #tpu.memory_space<vmem>>
    %dma_wait3A_263 = tpu.memref_squeeze %dma_wait3A_262 : memref<1x128xi32, #tpu.memory_space<vmem>> -> memref<128xi32, #tpu.memory_space<vmem>>
    %dma_wait3A_264 = arith.constant 0 : i32
    %dma_wait3A_265 = arith.constant 0 : i32
    %dma_wait3A_266 = tpu.memref_slice %arg2[%dma_wait3A_264, %dma_wait3A_265] : memref<100000x128xf32, #tpu.memory_space<hbm>> -> memref<100000x128xf32, #tpu.memory_space<hbm>>
    tpu.wait_indirect_dma semaphore(%arg7 : memref<!tpu.dma_semaphore, #tpu.memory_space<semaphore_mem>>) src(%dma_wait3A_266 : memref<100000x128xf32, #tpu.memory_space<hbm>>) dst(%dma_wait3A_260 : memref<128x128xf32, #tpu.memory_space<vmem>>)
    %dma_wait3A_267 = arith.constant 11 : i32
    %dma_wait3A_268 = arith.constant 128 : i32
    %dma_wait3A_269 = arith.constant 0 : i32
    %dma_wait3A_270 = tpu.memref_slice %arg6[%dma_wait3A_268, %dma_wait3A_269] : memref<640x128xf32, #tpu.memory_space<vmem>> -> memref<128x128xf32, #tpu.memory_space<vmem>>
    %dma_wait3A_271 = arith.constant 0 : i32
    %dma_wait3A_272 = tpu.memref_slice %arg5[%dma_wait3A_267, %dma_wait3A_271] : memref<25x128xi32, #tpu.memory_space<vmem>> -> memref<1x128xi32, #tpu.memory_space<vmem>>
    %dma_wait3A_273 = tpu.memref_squeeze %dma_wait3A_272 : memref<1x128xi32, #tpu.memory_space<vmem>> -> memref<128xi32, #tpu.memory_space<vmem>>
    %dma_wait3A_274 = arith.constant 0 : i32
    %dma_wait3A_275 = arith.constant 0 : i32
    %dma_wait3A_276 = tpu.memref_slice %arg2[%dma_wait3A_274, %dma_wait3A_275] : memref<100000x128xf32, #tpu.memory_space<hbm>> -> memref<100000x128xf32, #tpu.memory_space<hbm>>
    tpu.wait_indirect_dma semaphore(%arg7 : memref<!tpu.dma_semaphore, #tpu.memory_space<semaphore_mem>>) src(%dma_wait3A_276 : memref<100000x128xf32, #tpu.memory_space<hbm>>) dst(%dma_wait3A_270 : memref<128x128xf32, #tpu.memory_space<vmem>>)
    %dma_wait3A_277 = arith.constant 12 : i32
    %dma_wait3A_278 = arith.constant 256 : i32
    %dma_wait3A_279 = arith.constant 0 : i32
    %dma_wait3A_280 = tpu.memref_slice %arg6[%dma_wait3A_278, %dma_wait3A_279] : memref<640x128xf32, #tpu.memory_space<vmem>> -> memref<128x128xf32, #tpu.memory_space<vmem>>
    %dma_wait3A_281 = arith.constant 0 : i32
    %dma_wait3A_282 = tpu.memref_slice %arg5[%dma_wait3A_277, %dma_wait3A_281] : memref<25x128xi32, #tpu.memory_space<vmem>> -> memref<1x128xi32, #tpu.memory_space<vmem>>
    %dma_wait3A_283 = tpu.memref_squeeze %dma_wait3A_282 : memref<1x128xi32, #tpu.memory_space<vmem>> -> memref<128xi32, #tpu.memory_space<vmem>>
    %dma_wait3A_284 = arith.constant 0 : i32
    %dma_wait3A_285 = arith.constant 0 : i32
    %dma_wait3A_286 = tpu.memref_slice %arg2[%dma_wait3A_284, %dma_wait3A_285] : memref<100000x128xf32, #tpu.memory_space<hbm>> -> memref<100000x128xf32, #tpu.memory_space<hbm>>
    tpu.wait_indirect_dma semaphore(%arg7 : memref<!tpu.dma_semaphore, #tpu.memory_space<semaphore_mem>>) src(%dma_wait3A_286 : memref<100000x128xf32, #tpu.memory_space<hbm>>) dst(%dma_wait3A_280 : memref<128x128xf32, #tpu.memory_space<vmem>>)
    %dma_wait3A_287 = arith.constant 13 : i32
    %dma_wait3A_288 = arith.constant 384 : i32
    %dma_wait3A_289 = arith.constant 0 : i32
    %dma_wait3A_290 = tpu.memref_slice %arg6[%dma_wait3A_288, %dma_wait3A_289] : memref<640x128xf32, #tpu.memory_space<vmem>> -> memref<128x128xf32, #tpu.memory_space<vmem>>
    %dma_wait3A_291 = arith.constant 0 : i32
    %dma_wait3A_292 = tpu.memref_slice %arg5[%dma_wait3A_287, %dma_wait3A_291] : memref<25x128xi32, #tpu.memory_space<vmem>> -> memref<1x128xi32, #tpu.memory_space<vmem>>
    %dma_wait3A_293 = tpu.memref_squeeze %dma_wait3A_292 : memref<1x128xi32, #tpu.memory_space<vmem>> -> memref<128xi32, #tpu.memory_space<vmem>>
    %dma_wait3A_294 = arith.constant 0 : i32
    %dma_wait3A_295 = arith.constant 0 : i32
    %dma_wait3A_296 = tpu.memref_slice %arg2[%dma_wait3A_294, %dma_wait3A_295] : memref<100000x128xf32, #tpu.memory_space<hbm>> -> memref<100000x128xf32, #tpu.memory_space<hbm>>
    tpu.wait_indirect_dma semaphore(%arg7 : memref<!tpu.dma_semaphore, #tpu.memory_space<semaphore_mem>>) src(%dma_wait3A_296 : memref<100000x128xf32, #tpu.memory_space<hbm>>) dst(%dma_wait3A_290 : memref<128x128xf32, #tpu.memory_space<vmem>>)
    %dma_wait3A_297 = arith.constant 14 : i32
    %dma_wait3A_298 = arith.constant 512 : i32
    %dma_wait3A_299 = arith.constant 0 : i32
    %dma_wait3A_300 = tpu.memref_slice %arg6[%dma_wait3A_298, %dma_wait3A_299] : memref<640x128xf32, #tpu.memory_space<vmem>> -> memref<128x128xf32, #tpu.memory_space<vmem>>
    %dma_wait3A_301 = arith.constant 0 : i32
    %dma_wait3A_302 = tpu.memref_slice %arg5[%dma_wait3A_297, %dma_wait3A_301] : memref<25x128xi32, #tpu.memory_space<vmem>> -> memref<1x128xi32, #tpu.memory_space<vmem>>
    %dma_wait3A_303 = tpu.memref_squeeze %dma_wait3A_302 : memref<1x128xi32, #tpu.memory_space<vmem>> -> memref<128xi32, #tpu.memory_space<vmem>>
    %dma_wait3A_304 = arith.constant 0 : i32
    %dma_wait3A_305 = arith.constant 0 : i32
    %dma_wait3A_306 = tpu.memref_slice %arg2[%dma_wait3A_304, %dma_wait3A_305] : memref<100000x128xf32, #tpu.memory_space<hbm>> -> memref<100000x128xf32, #tpu.memory_space<hbm>>
    tpu.wait_indirect_dma semaphore(%arg7 : memref<!tpu.dma_semaphore, #tpu.memory_space<semaphore_mem>>) src(%dma_wait3A_306 : memref<100000x128xf32, #tpu.memory_space<hbm>>) dst(%dma_wait3A_300 : memref<128x128xf32, #tpu.memory_space<vmem>>)
    "tpu.region"() ({
      %run_scoped3A = tpu.sem_alloc : memref<!tpu.dma_semaphore, #tpu.memory_space<semaphore_mem>>
      %dma_start3A_511 = arith.constant 0 : i32
      %dma_start3A_512 = tpu.memref_slice %arg4[%add3A_206, %dma_start3A_511] : memref<102400x128xf32, #tpu.memory_space<hbm>> -> memref<640x128xf32, #tpu.memory_space<hbm>>
      %dma_start3A_513 = arith.constant 0 : i32
      %dma_start3A_514 = tpu.memref_slice %arg4[%add3A_206, %dma_start3A_513] : memref<102400x128xf32, #tpu.memory_space<hbm>> -> memref<640x128xf32, #tpu.memory_space<hbm>>
      tpu.enqueue_dma source(%arg6 : memref<640x128xf32, #tpu.memory_space<vmem>>) target(%dma_start3A_514 : memref<640x128xf32, #tpu.memory_space<hbm>>) target_semaphore(%run_scoped3A : memref<!tpu.dma_semaphore, #tpu.memory_space<semaphore_mem>>)
      %dma_wait3A_515 = arith.constant 0 : i32
      %dma_wait3A_516 = tpu.memref_slice %arg4[%add3A_206, %dma_wait3A_515] : memref<102400x128xf32, #tpu.memory_space<hbm>> -> memref<640x128xf32, #tpu.memory_space<hbm>>
      %dma_wait3A_517 = arith.constant 0 : i32
      %dma_wait3A_518 = tpu.memref_slice %arg4[%add3A_206, %dma_wait3A_517] : memref<102400x128xf32, #tpu.memory_space<hbm>> -> memref<640x128xf32, #tpu.memory_space<hbm>>
      tpu.wait_dma2 semaphore(%run_scoped3A : memref<!tpu.dma_semaphore, #tpu.memory_space<semaphore_mem>>) src(%arg6 : memref<640x128xf32, #tpu.memory_space<vmem>>) dst(%dma_wait3A_518 : memref<640x128xf32, #tpu.memory_space<hbm>>)
      tpu.yield
    }) : () -> ()
    %add3A_307 = arith.constant 1920 : i32
    %add3A_308 = arith.addi %mul3A_2, %add3A_307 : i32
    %dma_start3A_309 = arith.constant 15 : i32
    %dma_start3A_310 = arith.constant 0 : i32
    %dma_start3A_311 = arith.constant 0 : i32
    %dma_start3A_312 = tpu.memref_slice %arg6[%dma_start3A_310, %dma_start3A_311] : memref<640x128xf32, #tpu.memory_space<vmem>> -> memref<128x128xf32, #tpu.memory_space<vmem>>
    %dma_start3A_313 = arith.constant 0 : i32
    %dma_start3A_314 = tpu.memref_slice %arg5[%dma_start3A_309, %dma_start3A_313] : memref<25x128xi32, #tpu.memory_space<vmem>> -> memref<1x128xi32, #tpu.memory_space<vmem>>
    %dma_start3A_315 = tpu.memref_squeeze %dma_start3A_314 : memref<1x128xi32, #tpu.memory_space<vmem>> -> memref<128xi32, #tpu.memory_space<vmem>>
    %dma_start3A_316 = arith.constant 0 : i32
    %dma_start3A_317 = arith.constant 0 : i32
    %dma_start3A_318 = tpu.memref_slice %arg2[%dma_start3A_316, %dma_start3A_317] : memref<100000x128xf32, #tpu.memory_space<hbm>> -> memref<100000x128xf32, #tpu.memory_space<hbm>>
    tpu.enqueue_indirect_dma source(%dma_start3A_318 : memref<100000x128xf32, #tpu.memory_space<hbm>>) target(%dma_start3A_312 : memref<128x128xf32, #tpu.memory_space<vmem>>) offsets(%dma_start3A_315 : memref<128xi32, #tpu.memory_space<vmem>>) semaphore(%arg7 : memref<!tpu.dma_semaphore, #tpu.memory_space<semaphore_mem>>)
    %dma_start3A_319 = arith.constant 16 : i32
    %dma_start3A_320 = arith.constant 128 : i32
    %dma_start3A_321 = arith.constant 0 : i32
    %dma_start3A_322 = tpu.memref_slice %arg6[%dma_start3A_320, %dma_start3A_321] : memref<640x128xf32, #tpu.memory_space<vmem>> -> memref<128x128xf32, #tpu.memory_space<vmem>>
    %dma_start3A_323 = arith.constant 0 : i32
    %dma_start3A_324 = tpu.memref_slice %arg5[%dma_start3A_319, %dma_start3A_323] : memref<25x128xi32, #tpu.memory_space<vmem>> -> memref<1x128xi32, #tpu.memory_space<vmem>>
    %dma_start3A_325 = tpu.memref_squeeze %dma_start3A_324 : memref<1x128xi32, #tpu.memory_space<vmem>> -> memref<128xi32, #tpu.memory_space<vmem>>
    %dma_start3A_326 = arith.constant 0 : i32
    %dma_start3A_327 = arith.constant 0 : i32
    %dma_start3A_328 = tpu.memref_slice %arg2[%dma_start3A_326, %dma_start3A_327] : memref<100000x128xf32, #tpu.memory_space<hbm>> -> memref<100000x128xf32, #tpu.memory_space<hbm>>
    tpu.enqueue_indirect_dma source(%dma_start3A_328 : memref<100000x128xf32, #tpu.memory_space<hbm>>) target(%dma_start3A_322 : memref<128x128xf32, #tpu.memory_space<vmem>>) offsets(%dma_start3A_325 : memref<128xi32, #tpu.memory_space<vmem>>) semaphore(%arg7 : memref<!tpu.dma_semaphore, #tpu.memory_space<semaphore_mem>>)
    %dma_start3A_329 = arith.constant 17 : i32
    %dma_start3A_330 = arith.constant 256 : i32
    %dma_start3A_331 = arith.constant 0 : i32
    %dma_start3A_332 = tpu.memref_slice %arg6[%dma_start3A_330, %dma_start3A_331] : memref<640x128xf32, #tpu.memory_space<vmem>> -> memref<128x128xf32, #tpu.memory_space<vmem>>
    %dma_start3A_333 = arith.constant 0 : i32
    %dma_start3A_334 = tpu.memref_slice %arg5[%dma_start3A_329, %dma_start3A_333] : memref<25x128xi32, #tpu.memory_space<vmem>> -> memref<1x128xi32, #tpu.memory_space<vmem>>
    %dma_start3A_335 = tpu.memref_squeeze %dma_start3A_334 : memref<1x128xi32, #tpu.memory_space<vmem>> -> memref<128xi32, #tpu.memory_space<vmem>>
    %dma_start3A_336 = arith.constant 0 : i32
    %dma_start3A_337 = arith.constant 0 : i32
    %dma_start3A_338 = tpu.memref_slice %arg2[%dma_start3A_336, %dma_start3A_337] : memref<100000x128xf32, #tpu.memory_space<hbm>> -> memref<100000x128xf32, #tpu.memory_space<hbm>>
    tpu.enqueue_indirect_dma source(%dma_start3A_338 : memref<100000x128xf32, #tpu.memory_space<hbm>>) target(%dma_start3A_332 : memref<128x128xf32, #tpu.memory_space<vmem>>) offsets(%dma_start3A_335 : memref<128xi32, #tpu.memory_space<vmem>>) semaphore(%arg7 : memref<!tpu.dma_semaphore, #tpu.memory_space<semaphore_mem>>)
    %dma_start3A_339 = arith.constant 18 : i32
    %dma_start3A_340 = arith.constant 384 : i32
    %dma_start3A_341 = arith.constant 0 : i32
    %dma_start3A_342 = tpu.memref_slice %arg6[%dma_start3A_340, %dma_start3A_341] : memref<640x128xf32, #tpu.memory_space<vmem>> -> memref<128x128xf32, #tpu.memory_space<vmem>>
    %dma_start3A_343 = arith.constant 0 : i32
    %dma_start3A_344 = tpu.memref_slice %arg5[%dma_start3A_339, %dma_start3A_343] : memref<25x128xi32, #tpu.memory_space<vmem>> -> memref<1x128xi32, #tpu.memory_space<vmem>>
    %dma_start3A_345 = tpu.memref_squeeze %dma_start3A_344 : memref<1x128xi32, #tpu.memory_space<vmem>> -> memref<128xi32, #tpu.memory_space<vmem>>
    %dma_start3A_346 = arith.constant 0 : i32
    %dma_start3A_347 = arith.constant 0 : i32
    %dma_start3A_348 = tpu.memref_slice %arg2[%dma_start3A_346, %dma_start3A_347] : memref<100000x128xf32, #tpu.memory_space<hbm>> -> memref<100000x128xf32, #tpu.memory_space<hbm>>
    tpu.enqueue_indirect_dma source(%dma_start3A_348 : memref<100000x128xf32, #tpu.memory_space<hbm>>) target(%dma_start3A_342 : memref<128x128xf32, #tpu.memory_space<vmem>>) offsets(%dma_start3A_345 : memref<128xi32, #tpu.memory_space<vmem>>) semaphore(%arg7 : memref<!tpu.dma_semaphore, #tpu.memory_space<semaphore_mem>>)
    %dma_start3A_349 = arith.constant 19 : i32
    %dma_start3A_350 = arith.constant 512 : i32
    %dma_start3A_351 = arith.constant 0 : i32
    %dma_start3A_352 = tpu.memref_slice %arg6[%dma_start3A_350, %dma_start3A_351] : memref<640x128xf32, #tpu.memory_space<vmem>> -> memref<128x128xf32, #tpu.memory_space<vmem>>
    %dma_start3A_353 = arith.constant 0 : i32
    %dma_start3A_354 = tpu.memref_slice %arg5[%dma_start3A_349, %dma_start3A_353] : memref<25x128xi32, #tpu.memory_space<vmem>> -> memref<1x128xi32, #tpu.memory_space<vmem>>
    %dma_start3A_355 = tpu.memref_squeeze %dma_start3A_354 : memref<1x128xi32, #tpu.memory_space<vmem>> -> memref<128xi32, #tpu.memory_space<vmem>>
    %dma_start3A_356 = arith.constant 0 : i32
    %dma_start3A_357 = arith.constant 0 : i32
    %dma_start3A_358 = tpu.memref_slice %arg2[%dma_start3A_356, %dma_start3A_357] : memref<100000x128xf32, #tpu.memory_space<hbm>> -> memref<100000x128xf32, #tpu.memory_space<hbm>>
    tpu.enqueue_indirect_dma source(%dma_start3A_358 : memref<100000x128xf32, #tpu.memory_space<hbm>>) target(%dma_start3A_352 : memref<128x128xf32, #tpu.memory_space<vmem>>) offsets(%dma_start3A_355 : memref<128xi32, #tpu.memory_space<vmem>>) semaphore(%arg7 : memref<!tpu.dma_semaphore, #tpu.memory_space<semaphore_mem>>)
    %dma_wait3A_359 = arith.constant 15 : i32
    %dma_wait3A_360 = arith.constant 0 : i32
    %dma_wait3A_361 = arith.constant 0 : i32
    %dma_wait3A_362 = tpu.memref_slice %arg6[%dma_wait3A_360, %dma_wait3A_361] : memref<640x128xf32, #tpu.memory_space<vmem>> -> memref<128x128xf32, #tpu.memory_space<vmem>>
    %dma_wait3A_363 = arith.constant 0 : i32
    %dma_wait3A_364 = tpu.memref_slice %arg5[%dma_wait3A_359, %dma_wait3A_363] : memref<25x128xi32, #tpu.memory_space<vmem>> -> memref<1x128xi32, #tpu.memory_space<vmem>>
    %dma_wait3A_365 = tpu.memref_squeeze %dma_wait3A_364 : memref<1x128xi32, #tpu.memory_space<vmem>> -> memref<128xi32, #tpu.memory_space<vmem>>
    %dma_wait3A_366 = arith.constant 0 : i32
    %dma_wait3A_367 = arith.constant 0 : i32
    %dma_wait3A_368 = tpu.memref_slice %arg2[%dma_wait3A_366, %dma_wait3A_367] : memref<100000x128xf32, #tpu.memory_space<hbm>> -> memref<100000x128xf32, #tpu.memory_space<hbm>>
    tpu.wait_indirect_dma semaphore(%arg7 : memref<!tpu.dma_semaphore, #tpu.memory_space<semaphore_mem>>) src(%dma_wait3A_368 : memref<100000x128xf32, #tpu.memory_space<hbm>>) dst(%dma_wait3A_362 : memref<128x128xf32, #tpu.memory_space<vmem>>)
    %dma_wait3A_369 = arith.constant 16 : i32
    %dma_wait3A_370 = arith.constant 128 : i32
    %dma_wait3A_371 = arith.constant 0 : i32
    %dma_wait3A_372 = tpu.memref_slice %arg6[%dma_wait3A_370, %dma_wait3A_371] : memref<640x128xf32, #tpu.memory_space<vmem>> -> memref<128x128xf32, #tpu.memory_space<vmem>>
    %dma_wait3A_373 = arith.constant 0 : i32
    %dma_wait3A_374 = tpu.memref_slice %arg5[%dma_wait3A_369, %dma_wait3A_373] : memref<25x128xi32, #tpu.memory_space<vmem>> -> memref<1x128xi32, #tpu.memory_space<vmem>>
    %dma_wait3A_375 = tpu.memref_squeeze %dma_wait3A_374 : memref<1x128xi32, #tpu.memory_space<vmem>> -> memref<128xi32, #tpu.memory_space<vmem>>
    %dma_wait3A_376 = arith.constant 0 : i32
    %dma_wait3A_377 = arith.constant 0 : i32
    %dma_wait3A_378 = tpu.memref_slice %arg2[%dma_wait3A_376, %dma_wait3A_377] : memref<100000x128xf32, #tpu.memory_space<hbm>> -> memref<100000x128xf32, #tpu.memory_space<hbm>>
    tpu.wait_indirect_dma semaphore(%arg7 : memref<!tpu.dma_semaphore, #tpu.memory_space<semaphore_mem>>) src(%dma_wait3A_378 : memref<100000x128xf32, #tpu.memory_space<hbm>>) dst(%dma_wait3A_372 : memref<128x128xf32, #tpu.memory_space<vmem>>)
    %dma_wait3A_379 = arith.constant 17 : i32
    %dma_wait3A_380 = arith.constant 256 : i32
    %dma_wait3A_381 = arith.constant 0 : i32
    %dma_wait3A_382 = tpu.memref_slice %arg6[%dma_wait3A_380, %dma_wait3A_381] : memref<640x128xf32, #tpu.memory_space<vmem>> -> memref<128x128xf32, #tpu.memory_space<vmem>>
    %dma_wait3A_383 = arith.constant 0 : i32
    %dma_wait3A_384 = tpu.memref_slice %arg5[%dma_wait3A_379, %dma_wait3A_383] : memref<25x128xi32, #tpu.memory_space<vmem>> -> memref<1x128xi32, #tpu.memory_space<vmem>>
    %dma_wait3A_385 = tpu.memref_squeeze %dma_wait3A_384 : memref<1x128xi32, #tpu.memory_space<vmem>> -> memref<128xi32, #tpu.memory_space<vmem>>
    %dma_wait3A_386 = arith.constant 0 : i32
    %dma_wait3A_387 = arith.constant 0 : i32
    %dma_wait3A_388 = tpu.memref_slice %arg2[%dma_wait3A_386, %dma_wait3A_387] : memref<100000x128xf32, #tpu.memory_space<hbm>> -> memref<100000x128xf32, #tpu.memory_space<hbm>>
    tpu.wait_indirect_dma semaphore(%arg7 : memref<!tpu.dma_semaphore, #tpu.memory_space<semaphore_mem>>) src(%dma_wait3A_388 : memref<100000x128xf32, #tpu.memory_space<hbm>>) dst(%dma_wait3A_382 : memref<128x128xf32, #tpu.memory_space<vmem>>)
    %dma_wait3A_389 = arith.constant 18 : i32
    %dma_wait3A_390 = arith.constant 384 : i32
    %dma_wait3A_391 = arith.constant 0 : i32
    %dma_wait3A_392 = tpu.memref_slice %arg6[%dma_wait3A_390, %dma_wait3A_391] : memref<640x128xf32, #tpu.memory_space<vmem>> -> memref<128x128xf32, #tpu.memory_space<vmem>>
    %dma_wait3A_393 = arith.constant 0 : i32
    %dma_wait3A_394 = tpu.memref_slice %arg5[%dma_wait3A_389, %dma_wait3A_393] : memref<25x128xi32, #tpu.memory_space<vmem>> -> memref<1x128xi32, #tpu.memory_space<vmem>>
    %dma_wait3A_395 = tpu.memref_squeeze %dma_wait3A_394 : memref<1x128xi32, #tpu.memory_space<vmem>> -> memref<128xi32, #tpu.memory_space<vmem>>
    %dma_wait3A_396 = arith.constant 0 : i32
    %dma_wait3A_397 = arith.constant 0 : i32
    %dma_wait3A_398 = tpu.memref_slice %arg2[%dma_wait3A_396, %dma_wait3A_397] : memref<100000x128xf32, #tpu.memory_space<hbm>> -> memref<100000x128xf32, #tpu.memory_space<hbm>>
    tpu.wait_indirect_dma semaphore(%arg7 : memref<!tpu.dma_semaphore, #tpu.memory_space<semaphore_mem>>) src(%dma_wait3A_398 : memref<100000x128xf32, #tpu.memory_space<hbm>>) dst(%dma_wait3A_392 : memref<128x128xf32, #tpu.memory_space<vmem>>)
    %dma_wait3A_399 = arith.constant 19 : i32
    %dma_wait3A_400 = arith.constant 512 : i32
    %dma_wait3A_401 = arith.constant 0 : i32
    %dma_wait3A_402 = tpu.memref_slice %arg6[%dma_wait3A_400, %dma_wait3A_401] : memref<640x128xf32, #tpu.memory_space<vmem>> -> memref<128x128xf32, #tpu.memory_space<vmem>>
    %dma_wait3A_403 = arith.constant 0 : i32
    %dma_wait3A_404 = tpu.memref_slice %arg5[%dma_wait3A_399, %dma_wait3A_403] : memref<25x128xi32, #tpu.memory_space<vmem>> -> memref<1x128xi32, #tpu.memory_space<vmem>>
    %dma_wait3A_405 = tpu.memref_squeeze %dma_wait3A_404 : memref<1x128xi32, #tpu.memory_space<vmem>> -> memref<128xi32, #tpu.memory_space<vmem>>
    %dma_wait3A_406 = arith.constant 0 : i32
    %dma_wait3A_407 = arith.constant 0 : i32
    %dma_wait3A_408 = tpu.memref_slice %arg2[%dma_wait3A_406, %dma_wait3A_407] : memref<100000x128xf32, #tpu.memory_space<hbm>> -> memref<100000x128xf32, #tpu.memory_space<hbm>>
    tpu.wait_indirect_dma semaphore(%arg7 : memref<!tpu.dma_semaphore, #tpu.memory_space<semaphore_mem>>) src(%dma_wait3A_408 : memref<100000x128xf32, #tpu.memory_space<hbm>>) dst(%dma_wait3A_402 : memref<128x128xf32, #tpu.memory_space<vmem>>)
    "tpu.region"() ({
      %run_scoped3A = tpu.sem_alloc : memref<!tpu.dma_semaphore, #tpu.memory_space<semaphore_mem>>
      %dma_start3A_511 = arith.constant 0 : i32
      %dma_start3A_512 = tpu.memref_slice %arg4[%add3A_308, %dma_start3A_511] : memref<102400x128xf32, #tpu.memory_space<hbm>> -> memref<640x128xf32, #tpu.memory_space<hbm>>
      %dma_start3A_513 = arith.constant 0 : i32
      %dma_start3A_514 = tpu.memref_slice %arg4[%add3A_308, %dma_start3A_513] : memref<102400x128xf32, #tpu.memory_space<hbm>> -> memref<640x128xf32, #tpu.memory_space<hbm>>
      tpu.enqueue_dma source(%arg6 : memref<640x128xf32, #tpu.memory_space<vmem>>) target(%dma_start3A_514 : memref<640x128xf32, #tpu.memory_space<hbm>>) target_semaphore(%run_scoped3A : memref<!tpu.dma_semaphore, #tpu.memory_space<semaphore_mem>>)
      %dma_wait3A_515 = arith.constant 0 : i32
      %dma_wait3A_516 = tpu.memref_slice %arg4[%add3A_308, %dma_wait3A_515] : memref<102400x128xf32, #tpu.memory_space<hbm>> -> memref<640x128xf32, #tpu.memory_space<hbm>>
      %dma_wait3A_517 = arith.constant 0 : i32
      %dma_wait3A_518 = tpu.memref_slice %arg4[%add3A_308, %dma_wait3A_517] : memref<102400x128xf32, #tpu.memory_space<hbm>> -> memref<640x128xf32, #tpu.memory_space<hbm>>
      tpu.wait_dma2 semaphore(%run_scoped3A : memref<!tpu.dma_semaphore, #tpu.memory_space<semaphore_mem>>) src(%arg6 : memref<640x128xf32, #tpu.memory_space<vmem>>) dst(%dma_wait3A_518 : memref<640x128xf32, #tpu.memory_space<hbm>>)
      tpu.yield
    }) : () -> ()
    %add3A_409 = arith.constant 2560 : i32
    %add3A_410 = arith.addi %mul3A_2, %add3A_409 : i32
    %dma_start3A_411 = arith.constant 20 : i32
    %dma_start3A_412 = arith.constant 0 : i32
    %dma_start3A_413 = arith.constant 0 : i32
    %dma_start3A_414 = tpu.memref_slice %arg6[%dma_start3A_412, %dma_start3A_413] : memref<640x128xf32, #tpu.memory_space<vmem>> -> memref<128x128xf32, #tpu.memory_space<vmem>>
    %dma_start3A_415 = arith.constant 0 : i32
    %dma_start3A_416 = tpu.memref_slice %arg5[%dma_start3A_411, %dma_start3A_415] : memref<25x128xi32, #tpu.memory_space<vmem>> -> memref<1x128xi32, #tpu.memory_space<vmem>>
    %dma_start3A_417 = tpu.memref_squeeze %dma_start3A_416 : memref<1x128xi32, #tpu.memory_space<vmem>> -> memref<128xi32, #tpu.memory_space<vmem>>
    %dma_start3A_418 = arith.constant 0 : i32
    %dma_start3A_419 = arith.constant 0 : i32
    %dma_start3A_420 = tpu.memref_slice %arg2[%dma_start3A_418, %dma_start3A_419] : memref<100000x128xf32, #tpu.memory_space<hbm>> -> memref<100000x128xf32, #tpu.memory_space<hbm>>
    tpu.enqueue_indirect_dma source(%dma_start3A_420 : memref<100000x128xf32, #tpu.memory_space<hbm>>) target(%dma_start3A_414 : memref<128x128xf32, #tpu.memory_space<vmem>>) offsets(%dma_start3A_417 : memref<128xi32, #tpu.memory_space<vmem>>) semaphore(%arg7 : memref<!tpu.dma_semaphore, #tpu.memory_space<semaphore_mem>>)
    %dma_start3A_421 = arith.constant 21 : i32
    %dma_start3A_422 = arith.constant 128 : i32
    %dma_start3A_423 = arith.constant 0 : i32
    %dma_start3A_424 = tpu.memref_slice %arg6[%dma_start3A_422, %dma_start3A_423] : memref<640x128xf32, #tpu.memory_space<vmem>> -> memref<128x128xf32, #tpu.memory_space<vmem>>
    %dma_start3A_425 = arith.constant 0 : i32
    %dma_start3A_426 = tpu.memref_slice %arg5[%dma_start3A_421, %dma_start3A_425] : memref<25x128xi32, #tpu.memory_space<vmem>> -> memref<1x128xi32, #tpu.memory_space<vmem>>
    %dma_start3A_427 = tpu.memref_squeeze %dma_start3A_426 : memref<1x128xi32, #tpu.memory_space<vmem>> -> memref<128xi32, #tpu.memory_space<vmem>>
    %dma_start3A_428 = arith.constant 0 : i32
    %dma_start3A_429 = arith.constant 0 : i32
    %dma_start3A_430 = tpu.memref_slice %arg2[%dma_start3A_428, %dma_start3A_429] : memref<100000x128xf32, #tpu.memory_space<hbm>> -> memref<100000x128xf32, #tpu.memory_space<hbm>>
    tpu.enqueue_indirect_dma source(%dma_start3A_430 : memref<100000x128xf32, #tpu.memory_space<hbm>>) target(%dma_start3A_424 : memref<128x128xf32, #tpu.memory_space<vmem>>) offsets(%dma_start3A_427 : memref<128xi32, #tpu.memory_space<vmem>>) semaphore(%arg7 : memref<!tpu.dma_semaphore, #tpu.memory_space<semaphore_mem>>)
    %dma_start3A_431 = arith.constant 22 : i32
    %dma_start3A_432 = arith.constant 256 : i32
    %dma_start3A_433 = arith.constant 0 : i32
    %dma_start3A_434 = tpu.memref_slice %arg6[%dma_start3A_432, %dma_start3A_433] : memref<640x128xf32, #tpu.memory_space<vmem>> -> memref<128x128xf32, #tpu.memory_space<vmem>>
    %dma_start3A_435 = arith.constant 0 : i32
    %dma_start3A_436 = tpu.memref_slice %arg5[%dma_start3A_431, %dma_start3A_435] : memref<25x128xi32, #tpu.memory_space<vmem>> -> memref<1x128xi32, #tpu.memory_space<vmem>>
    %dma_start3A_437 = tpu.memref_squeeze %dma_start3A_436 : memref<1x128xi32, #tpu.memory_space<vmem>> -> memref<128xi32, #tpu.memory_space<vmem>>
    %dma_start3A_438 = arith.constant 0 : i32
    %dma_start3A_439 = arith.constant 0 : i32
    %dma_start3A_440 = tpu.memref_slice %arg2[%dma_start3A_438, %dma_start3A_439] : memref<100000x128xf32, #tpu.memory_space<hbm>> -> memref<100000x128xf32, #tpu.memory_space<hbm>>
    tpu.enqueue_indirect_dma source(%dma_start3A_440 : memref<100000x128xf32, #tpu.memory_space<hbm>>) target(%dma_start3A_434 : memref<128x128xf32, #tpu.memory_space<vmem>>) offsets(%dma_start3A_437 : memref<128xi32, #tpu.memory_space<vmem>>) semaphore(%arg7 : memref<!tpu.dma_semaphore, #tpu.memory_space<semaphore_mem>>)
    %dma_start3A_441 = arith.constant 23 : i32
    %dma_start3A_442 = arith.constant 384 : i32
    %dma_start3A_443 = arith.constant 0 : i32
    %dma_start3A_444 = tpu.memref_slice %arg6[%dma_start3A_442, %dma_start3A_443] : memref<640x128xf32, #tpu.memory_space<vmem>> -> memref<128x128xf32, #tpu.memory_space<vmem>>
    %dma_start3A_445 = arith.constant 0 : i32
    %dma_start3A_446 = tpu.memref_slice %arg5[%dma_start3A_441, %dma_start3A_445] : memref<25x128xi32, #tpu.memory_space<vmem>> -> memref<1x128xi32, #tpu.memory_space<vmem>>
    %dma_start3A_447 = tpu.memref_squeeze %dma_start3A_446 : memref<1x128xi32, #tpu.memory_space<vmem>> -> memref<128xi32, #tpu.memory_space<vmem>>
    %dma_start3A_448 = arith.constant 0 : i32
    %dma_start3A_449 = arith.constant 0 : i32
    %dma_start3A_450 = tpu.memref_slice %arg2[%dma_start3A_448, %dma_start3A_449] : memref<100000x128xf32, #tpu.memory_space<hbm>> -> memref<100000x128xf32, #tpu.memory_space<hbm>>
    tpu.enqueue_indirect_dma source(%dma_start3A_450 : memref<100000x128xf32, #tpu.memory_space<hbm>>) target(%dma_start3A_444 : memref<128x128xf32, #tpu.memory_space<vmem>>) offsets(%dma_start3A_447 : memref<128xi32, #tpu.memory_space<vmem>>) semaphore(%arg7 : memref<!tpu.dma_semaphore, #tpu.memory_space<semaphore_mem>>)
    %dma_start3A_451 = arith.constant 24 : i32
    %dma_start3A_452 = arith.constant 512 : i32
    %dma_start3A_453 = arith.constant 0 : i32
    %dma_start3A_454 = tpu.memref_slice %arg6[%dma_start3A_452, %dma_start3A_453] : memref<640x128xf32, #tpu.memory_space<vmem>> -> memref<128x128xf32, #tpu.memory_space<vmem>>
    %dma_start3A_455 = arith.constant 0 : i32
    %dma_start3A_456 = tpu.memref_slice %arg5[%dma_start3A_451, %dma_start3A_455] : memref<25x128xi32, #tpu.memory_space<vmem>> -> memref<1x128xi32, #tpu.memory_space<vmem>>
    %dma_start3A_457 = tpu.memref_squeeze %dma_start3A_456 : memref<1x128xi32, #tpu.memory_space<vmem>> -> memref<128xi32, #tpu.memory_space<vmem>>
    %dma_start3A_458 = arith.constant 0 : i32
    %dma_start3A_459 = arith.constant 0 : i32
    %dma_start3A_460 = tpu.memref_slice %arg2[%dma_start3A_458, %dma_start3A_459] : memref<100000x128xf32, #tpu.memory_space<hbm>> -> memref<100000x128xf32, #tpu.memory_space<hbm>>
    tpu.enqueue_indirect_dma source(%dma_start3A_460 : memref<100000x128xf32, #tpu.memory_space<hbm>>) target(%dma_start3A_454 : memref<128x128xf32, #tpu.memory_space<vmem>>) offsets(%dma_start3A_457 : memref<128xi32, #tpu.memory_space<vmem>>) semaphore(%arg7 : memref<!tpu.dma_semaphore, #tpu.memory_space<semaphore_mem>>)
    %dma_wait3A_461 = arith.constant 20 : i32
    %dma_wait3A_462 = arith.constant 0 : i32
    %dma_wait3A_463 = arith.constant 0 : i32
    %dma_wait3A_464 = tpu.memref_slice %arg6[%dma_wait3A_462, %dma_wait3A_463] : memref<640x128xf32, #tpu.memory_space<vmem>> -> memref<128x128xf32, #tpu.memory_space<vmem>>
    %dma_wait3A_465 = arith.constant 0 : i32
    %dma_wait3A_466 = tpu.memref_slice %arg5[%dma_wait3A_461, %dma_wait3A_465] : memref<25x128xi32, #tpu.memory_space<vmem>> -> memref<1x128xi32, #tpu.memory_space<vmem>>
    %dma_wait3A_467 = tpu.memref_squeeze %dma_wait3A_466 : memref<1x128xi32, #tpu.memory_space<vmem>> -> memref<128xi32, #tpu.memory_space<vmem>>
    %dma_wait3A_468 = arith.constant 0 : i32
    %dma_wait3A_469 = arith.constant 0 : i32
    %dma_wait3A_470 = tpu.memref_slice %arg2[%dma_wait3A_468, %dma_wait3A_469] : memref<100000x128xf32, #tpu.memory_space<hbm>> -> memref<100000x128xf32, #tpu.memory_space<hbm>>
    tpu.wait_indirect_dma semaphore(%arg7 : memref<!tpu.dma_semaphore, #tpu.memory_space<semaphore_mem>>) src(%dma_wait3A_470 : memref<100000x128xf32, #tpu.memory_space<hbm>>) dst(%dma_wait3A_464 : memref<128x128xf32, #tpu.memory_space<vmem>>)
    %dma_wait3A_471 = arith.constant 21 : i32
    %dma_wait3A_472 = arith.constant 128 : i32
    %dma_wait3A_473 = arith.constant 0 : i32
    %dma_wait3A_474 = tpu.memref_slice %arg6[%dma_wait3A_472, %dma_wait3A_473] : memref<640x128xf32, #tpu.memory_space<vmem>> -> memref<128x128xf32, #tpu.memory_space<vmem>>
    %dma_wait3A_475 = arith.constant 0 : i32
    %dma_wait3A_476 = tpu.memref_slice %arg5[%dma_wait3A_471, %dma_wait3A_475] : memref<25x128xi32, #tpu.memory_space<vmem>> -> memref<1x128xi32, #tpu.memory_space<vmem>>
    %dma_wait3A_477 = tpu.memref_squeeze %dma_wait3A_476 : memref<1x128xi32, #tpu.memory_space<vmem>> -> memref<128xi32, #tpu.memory_space<vmem>>
    %dma_wait3A_478 = arith.constant 0 : i32
    %dma_wait3A_479 = arith.constant 0 : i32
    %dma_wait3A_480 = tpu.memref_slice %arg2[%dma_wait3A_478, %dma_wait3A_479] : memref<100000x128xf32, #tpu.memory_space<hbm>> -> memref<100000x128xf32, #tpu.memory_space<hbm>>
    tpu.wait_indirect_dma semaphore(%arg7 : memref<!tpu.dma_semaphore, #tpu.memory_space<semaphore_mem>>) src(%dma_wait3A_480 : memref<100000x128xf32, #tpu.memory_space<hbm>>) dst(%dma_wait3A_474 : memref<128x128xf32, #tpu.memory_space<vmem>>)
    %dma_wait3A_481 = arith.constant 22 : i32
    %dma_wait3A_482 = arith.constant 256 : i32
    %dma_wait3A_483 = arith.constant 0 : i32
    %dma_wait3A_484 = tpu.memref_slice %arg6[%dma_wait3A_482, %dma_wait3A_483] : memref<640x128xf32, #tpu.memory_space<vmem>> -> memref<128x128xf32, #tpu.memory_space<vmem>>
    %dma_wait3A_485 = arith.constant 0 : i32
    %dma_wait3A_486 = tpu.memref_slice %arg5[%dma_wait3A_481, %dma_wait3A_485] : memref<25x128xi32, #tpu.memory_space<vmem>> -> memref<1x128xi32, #tpu.memory_space<vmem>>
    %dma_wait3A_487 = tpu.memref_squeeze %dma_wait3A_486 : memref<1x128xi32, #tpu.memory_space<vmem>> -> memref<128xi32, #tpu.memory_space<vmem>>
    %dma_wait3A_488 = arith.constant 0 : i32
    %dma_wait3A_489 = arith.constant 0 : i32
    %dma_wait3A_490 = tpu.memref_slice %arg2[%dma_wait3A_488, %dma_wait3A_489] : memref<100000x128xf32, #tpu.memory_space<hbm>> -> memref<100000x128xf32, #tpu.memory_space<hbm>>
    tpu.wait_indirect_dma semaphore(%arg7 : memref<!tpu.dma_semaphore, #tpu.memory_space<semaphore_mem>>) src(%dma_wait3A_490 : memref<100000x128xf32, #tpu.memory_space<hbm>>) dst(%dma_wait3A_484 : memref<128x128xf32, #tpu.memory_space<vmem>>)
    %dma_wait3A_491 = arith.constant 23 : i32
    %dma_wait3A_492 = arith.constant 384 : i32
    %dma_wait3A_493 = arith.constant 0 : i32
    %dma_wait3A_494 = tpu.memref_slice %arg6[%dma_wait3A_492, %dma_wait3A_493] : memref<640x128xf32, #tpu.memory_space<vmem>> -> memref<128x128xf32, #tpu.memory_space<vmem>>
    %dma_wait3A_495 = arith.constant 0 : i32
    %dma_wait3A_496 = tpu.memref_slice %arg5[%dma_wait3A_491, %dma_wait3A_495] : memref<25x128xi32, #tpu.memory_space<vmem>> -> memref<1x128xi32, #tpu.memory_space<vmem>>
    %dma_wait3A_497 = tpu.memref_squeeze %dma_wait3A_496 : memref<1x128xi32, #tpu.memory_space<vmem>> -> memref<128xi32, #tpu.memory_space<vmem>>
    %dma_wait3A_498 = arith.constant 0 : i32
    %dma_wait3A_499 = arith.constant 0 : i32
    %dma_wait3A_500 = tpu.memref_slice %arg2[%dma_wait3A_498, %dma_wait3A_499] : memref<100000x128xf32, #tpu.memory_space<hbm>> -> memref<100000x128xf32, #tpu.memory_space<hbm>>
    tpu.wait_indirect_dma semaphore(%arg7 : memref<!tpu.dma_semaphore, #tpu.memory_space<semaphore_mem>>) src(%dma_wait3A_500 : memref<100000x128xf32, #tpu.memory_space<hbm>>) dst(%dma_wait3A_494 : memref<128x128xf32, #tpu.memory_space<vmem>>)
    %dma_wait3A_501 = arith.constant 24 : i32
    %dma_wait3A_502 = arith.constant 512 : i32
    %dma_wait3A_503 = arith.constant 0 : i32
    %dma_wait3A_504 = tpu.memref_slice %arg6[%dma_wait3A_502, %dma_wait3A_503] : memref<640x128xf32, #tpu.memory_space<vmem>> -> memref<128x128xf32, #tpu.memory_space<vmem>>
    %dma_wait3A_505 = arith.constant 0 : i32
    %dma_wait3A_506 = tpu.memref_slice %arg5[%dma_wait3A_501, %dma_wait3A_505] : memref<25x128xi32, #tpu.memory_space<vmem>> -> memref<1x128xi32, #tpu.memory_space<vmem>>
    %dma_wait3A_507 = tpu.memref_squeeze %dma_wait3A_506 : memref<1x128xi32, #tpu.memory_space<vmem>> -> memref<128xi32, #tpu.memory_space<vmem>>
    %dma_wait3A_508 = arith.constant 0 : i32
    %dma_wait3A_509 = arith.constant 0 : i32
    %dma_wait3A_510 = tpu.memref_slice %arg2[%dma_wait3A_508, %dma_wait3A_509] : memref<100000x128xf32, #tpu.memory_space<hbm>> -> memref<100000x128xf32, #tpu.memory_space<hbm>>
    tpu.wait_indirect_dma semaphore(%arg7 : memref<!tpu.dma_semaphore, #tpu.memory_space<semaphore_mem>>) src(%dma_wait3A_510 : memref<100000x128xf32, #tpu.memory_space<hbm>>) dst(%dma_wait3A_504 : memref<128x128xf32, #tpu.memory_space<vmem>>)
    "tpu.region"() ({
      %run_scoped3A = tpu.sem_alloc : memref<!tpu.dma_semaphore, #tpu.memory_space<semaphore_mem>>
      %dma_start3A_511 = arith.constant 0 : i32
      %dma_start3A_512 = tpu.memref_slice %arg4[%add3A_410, %dma_start3A_511] : memref<102400x128xf32, #tpu.memory_space<hbm>> -> memref<640x128xf32, #tpu.memory_space<hbm>>
      %dma_start3A_513 = arith.constant 0 : i32
      %dma_start3A_514 = tpu.memref_slice %arg4[%add3A_410, %dma_start3A_513] : memref<102400x128xf32, #tpu.memory_space<hbm>> -> memref<640x128xf32, #tpu.memory_space<hbm>>
      tpu.enqueue_dma source(%arg6 : memref<640x128xf32, #tpu.memory_space<vmem>>) target(%dma_start3A_514 : memref<640x128xf32, #tpu.memory_space<hbm>>) target_semaphore(%run_scoped3A : memref<!tpu.dma_semaphore, #tpu.memory_space<semaphore_mem>>)
      %dma_wait3A_515 = arith.constant 0 : i32
      %dma_wait3A_516 = tpu.memref_slice %arg4[%add3A_410, %dma_wait3A_515] : memref<102400x128xf32, #tpu.memory_space<hbm>> -> memref<640x128xf32, #tpu.memory_space<hbm>>
      %dma_wait3A_517 = arith.constant 0 : i32
      %dma_wait3A_518 = tpu.memref_slice %arg4[%add3A_410, %dma_wait3A_517] : memref<102400x128xf32, #tpu.memory_space<hbm>> -> memref<640x128xf32, #tpu.memory_space<hbm>>
      tpu.wait_dma2 semaphore(%run_scoped3A : memref<!tpu.dma_semaphore, #tpu.memory_space<semaphore_mem>>) src(%arg6 : memref<640x128xf32, #tpu.memory_space<vmem>>) dst(%dma_wait3A_518 : memref<640x128xf32, #tpu.memory_space<hbm>>)
      tpu.yield
    }) : () -> ()
    return
  }
}

#map = affine_map<(d0, d1) -> (0, 0)>
#map1 = affine_map<(d0, d1) -> (0, 0, 0)>
module attributes {stable_mosaic.version = 14 : i64} {
  func.func @gather_k(%arg0: i32, %arg1: i32, %arg2: memref<100000x128xf32, #tpu.memory_space<hbm>>, %arg3: memref<32x25x128xi32, #tpu.memory_space<hbm>>, %arg4: memref<102400x128xf32, #tpu.memory_space<hbm>>, %arg5: memref<25x128xi32, #tpu.memory_space<vmem>>, %arg6: memref<640x128xf32, #tpu.memory_space<vmem>>, %arg7: memref<!tpu.dma_semaphore, #tpu.memory_space<semaphore_mem>>) attributes {dimension_semantics = [#tpu.dimension_semantics<core_parallel>, #tpu.dimension_semantics<subcore_parallel>], iteration_bounds = array<i64: 2, 16>, scalar_prefetch = 0 : i64, scratch_operands = 3 : i64, tpu.core_type = #tpu.core_type<sc_vector_subcore>, window_params = [{transform_indices = #map}, {transform_indices = #map1}, {transform_indices = #map}]} {
    %mul3A = arith.constant 2 : i32
    %mul3A_0 = arith.muli %arg1, %mul3A : i32
    %add3A = arith.addi %mul3A_0, %arg0 : i32
    %mul3A_1 = arith.constant 3200 : i32
    %mul3A_2 = arith.muli %add3A, %mul3A_1 : i32
    "tpu.region"() ({
      %run_scoped3A = tpu.sem_alloc : memref<!tpu.dma_semaphore, #tpu.memory_space<semaphore_mem>>
      %dma_start3A_511 = arith.constant 0 : i32
      %dma_start3A_512 = arith.constant 0 : i32
      %dma_start3A_513 = tpu.memref_slice %arg3[%add3A, %dma_start3A_511, %dma_start3A_512] : memref<32x25x128xi32, #tpu.memory_space<hbm>> -> memref<1x25x128xi32, #tpu.memory_space<hbm>>
      %dma_start3A_514 = tpu.memref_squeeze %dma_start3A_513 : memref<1x25x128xi32, #tpu.memory_space<hbm>> -> memref<25x128xi32, #tpu.memory_space<hbm>>
      %dma_start3A_515 = arith.constant 0 : i32
      %dma_start3A_516 = arith.constant 0 : i32
      %dma_start3A_517 = tpu.memref_slice %arg3[%add3A, %dma_start3A_515, %dma_start3A_516] : memref<32x25x128xi32, #tpu.memory_space<hbm>> -> memref<1x25x128xi32, #tpu.memory_space<hbm>>
      %dma_start3A_518 = tpu.memref_squeeze %dma_start3A_517 : memref<1x25x128xi32, #tpu.memory_space<hbm>> -> memref<25x128xi32, #tpu.memory_space<hbm>>
      tpu.enqueue_dma source(%dma_start3A_518 : memref<25x128xi32, #tpu.memory_space<hbm>>) target(%arg5 : memref<25x128xi32, #tpu.memory_space<vmem>>) target_semaphore(%run_scoped3A : memref<!tpu.dma_semaphore, #tpu.memory_space<semaphore_mem>>)
      %dma_wait3A_519 = arith.constant 0 : i32
      %dma_wait3A_520 = arith.constant 0 : i32
      %dma_wait3A_521 = tpu.memref_slice %arg3[%add3A, %dma_wait3A_519, %dma_wait3A_520] : memref<32x25x128xi32, #tpu.memory_space<hbm>> -> memref<1x25x128xi32, #tpu.memory_space<hbm>>
      %dma_wait3A_522 = tpu.memref_squeeze %dma_wait3A_521 : memref<1x25x128xi32, #tpu.memory_space<hbm>> -> memref<25x128xi32, #tpu.memory_space<hbm>>
      %dma_wait3A_523 = arith.constant 0 : i32
      %dma_wait3A_524 = arith.constant 0 : i32
      %dma_wait3A_525 = tpu.memref_slice %arg3[%add3A, %dma_wait3A_523, %dma_wait3A_524] : memref<32x25x128xi32, #tpu.memory_space<hbm>> -> memref<1x25x128xi32, #tpu.memory_space<hbm>>
      %dma_wait3A_526 = tpu.memref_squeeze %dma_wait3A_525 : memref<1x25x128xi32, #tpu.memory_space<hbm>> -> memref<25x128xi32, #tpu.memory_space<hbm>>
      tpu.wait_dma2 semaphore(%run_scoped3A : memref<!tpu.dma_semaphore, #tpu.memory_space<semaphore_mem>>) src(%dma_wait3A_526 : memref<25x128xi32, #tpu.memory_space<hbm>>) dst(%arg5 : memref<25x128xi32, #tpu.memory_space<vmem>>)
      tpu.yield
    }) : () -> ()
    %add3A_3 = arith.constant 0 : i32
    %add3A_4 = arith.addi %mul3A_2, %add3A_3 : i32
    %dma_start3A = arith.constant 0 : i32
    %dma_start3A_5 = arith.constant 0 : i32
    %dma_start3A_6 = arith.constant 0 : i32
    %dma_start3A_7 = tpu.memref_slice %arg6[%dma_start3A_5, %dma_start3A_6] : memref<640x128xf32, #tpu.memory_space<vmem>> -> memref<128x128xf32, #tpu.memory_space<vmem>>
    %dma_start3A_8 = arith.constant 0 : i32
    %dma_start3A_9 = tpu.memref_slice %arg5[%dma_start3A, %dma_start3A_8] : memref<25x128xi32, #tpu.memory_space<vmem>> -> memref<1x128xi32, #tpu.memory_space<vmem>>
    %dma_start3A_10 = tpu.memref_squeeze %dma_start3A_9 : memref<1x128xi32, #tpu.memory_space<vmem>> -> memref<128xi32, #tpu.memory_space<vmem>>
    %dma_start3A_11 = arith.constant 0 : i32
    %dma_start3A_12 = arith.constant 0 : i32
    %dma_start3A_13 = tpu.memref_slice %arg2[%dma_start3A_11, %dma_start3A_12] : memref<100000x128xf32, #tpu.memory_space<hbm>> -> memref<100000x128xf32, #tpu.memory_space<hbm>>
    tpu.enqueue_indirect_dma source(%dma_start3A_13 : memref<100000x128xf32, #tpu.memory_space<hbm>>) target(%dma_start3A_7 : memref<128x128xf32, #tpu.memory_space<vmem>>) offsets(%dma_start3A_10 : memref<128xi32, #tpu.memory_space<vmem>>) semaphore(%arg7 : memref<!tpu.dma_semaphore, #tpu.memory_space<semaphore_mem>>)
    %dma_start3A_14 = arith.constant 1 : i32
    %dma_start3A_15 = arith.constant 128 : i32
    %dma_start3A_16 = arith.constant 0 : i32
    %dma_start3A_17 = tpu.memref_slice %arg6[%dma_start3A_15, %dma_start3A_16] : memref<640x128xf32, #tpu.memory_space<vmem>> -> memref<128x128xf32, #tpu.memory_space<vmem>>
    %dma_start3A_18 = arith.constant 0 : i32
    %dma_start3A_19 = tpu.memref_slice %arg5[%dma_start3A_14, %dma_start3A_18] : memref<25x128xi32, #tpu.memory_space<vmem>> -> memref<1x128xi32, #tpu.memory_space<vmem>>
    %dma_start3A_20 = tpu.memref_squeeze %dma_start3A_19 : memref<1x128xi32, #tpu.memory_space<vmem>> -> memref<128xi32, #tpu.memory_space<vmem>>
    %dma_start3A_21 = arith.constant 0 : i32
    %dma_start3A_22 = arith.constant 0 : i32
    %dma_start3A_23 = tpu.memref_slice %arg2[%dma_start3A_21, %dma_start3A_22] : memref<100000x128xf32, #tpu.memory_space<hbm>> -> memref<100000x128xf32, #tpu.memory_space<hbm>>
    tpu.enqueue_indirect_dma source(%dma_start3A_23 : memref<100000x128xf32, #tpu.memory_space<hbm>>) target(%dma_start3A_17 : memref<128x128xf32, #tpu.memory_space<vmem>>) offsets(%dma_start3A_20 : memref<128xi32, #tpu.memory_space<vmem>>) semaphore(%arg7 : memref<!tpu.dma_semaphore, #tpu.memory_space<semaphore_mem>>)
    %dma_start3A_24 = arith.constant 2 : i32
    %dma_start3A_25 = arith.constant 256 : i32
    %dma_start3A_26 = arith.constant 0 : i32
    %dma_start3A_27 = tpu.memref_slice %arg6[%dma_start3A_25, %dma_start3A_26] : memref<640x128xf32, #tpu.memory_space<vmem>> -> memref<128x128xf32, #tpu.memory_space<vmem>>
    %dma_start3A_28 = arith.constant 0 : i32
    %dma_start3A_29 = tpu.memref_slice %arg5[%dma_start3A_24, %dma_start3A_28] : memref<25x128xi32, #tpu.memory_space<vmem>> -> memref<1x128xi32, #tpu.memory_space<vmem>>
    %dma_start3A_30 = tpu.memref_squeeze %dma_start3A_29 : memref<1x128xi32, #tpu.memory_space<vmem>> -> memref<128xi32, #tpu.memory_space<vmem>>
    %dma_start3A_31 = arith.constant 0 : i32
    %dma_start3A_32 = arith.constant 0 : i32
    %dma_start3A_33 = tpu.memref_slice %arg2[%dma_start3A_31, %dma_start3A_32] : memref<100000x128xf32, #tpu.memory_space<hbm>> -> memref<100000x128xf32, #tpu.memory_space<hbm>>
    tpu.enqueue_indirect_dma source(%dma_start3A_33 : memref<100000x128xf32, #tpu.memory_space<hbm>>) target(%dma_start3A_27 : memref<128x128xf32, #tpu.memory_space<vmem>>) offsets(%dma_start3A_30 : memref<128xi32, #tpu.memory_space<vmem>>) semaphore(%arg7 : memref<!tpu.dma_semaphore, #tpu.memory_space<semaphore_mem>>)
    %dma_start3A_34 = arith.constant 3 : i32
    %dma_start3A_35 = arith.constant 384 : i32
    %dma_start3A_36 = arith.constant 0 : i32
    %dma_start3A_37 = tpu.memref_slice %arg6[%dma_start3A_35, %dma_start3A_36] : memref<640x128xf32, #tpu.memory_space<vmem>> -> memref<128x128xf32, #tpu.memory_space<vmem>>
    %dma_start3A_38 = arith.constant 0 : i32
    %dma_start3A_39 = tpu.memref_slice %arg5[%dma_start3A_34, %dma_start3A_38] : memref<25x128xi32, #tpu.memory_space<vmem>> -> memref<1x128xi32, #tpu.memory_space<vmem>>
    %dma_start3A_40 = tpu.memref_squeeze %dma_start3A_39 : memref<1x128xi32, #tpu.memory_space<vmem>> -> memref<128xi32, #tpu.memory_space<vmem>>
    %dma_start3A_41 = arith.constant 0 : i32
    %dma_start3A_42 = arith.constant 0 : i32
    %dma_start3A_43 = tpu.memref_slice %arg2[%dma_start3A_41, %dma_start3A_42] : memref<100000x128xf32, #tpu.memory_space<hbm>> -> memref<100000x128xf32, #tpu.memory_space<hbm>>
    tpu.enqueue_indirect_dma source(%dma_start3A_43 : memref<100000x128xf32, #tpu.memory_space<hbm>>) target(%dma_start3A_37 : memref<128x128xf32, #tpu.memory_space<vmem>>) offsets(%dma_start3A_40 : memref<128xi32, #tpu.memory_space<vmem>>) semaphore(%arg7 : memref<!tpu.dma_semaphore, #tpu.memory_space<semaphore_mem>>)
    %dma_start3A_44 = arith.constant 4 : i32
    %dma_start3A_45 = arith.constant 512 : i32
    %dma_start3A_46 = arith.constant 0 : i32
    %dma_start3A_47 = tpu.memref_slice %arg6[%dma_start3A_45, %dma_start3A_46] : memref<640x128xf32, #tpu.memory_space<vmem>> -> memref<128x128xf32, #tpu.memory_space<vmem>>
    %dma_start3A_48 = arith.constant 0 : i32
    %dma_start3A_49 = tpu.memref_slice %arg5[%dma_start3A_44, %dma_start3A_48] : memref<25x128xi32, #tpu.memory_space<vmem>> -> memref<1x128xi32, #tpu.memory_space<vmem>>
    %dma_start3A_50 = tpu.memref_squeeze %dma_start3A_49 : memref<1x128xi32, #tpu.memory_space<vmem>> -> memref<128xi32, #tpu.memory_space<vmem>>
    %dma_start3A_51 = arith.constant 0 : i32
    %dma_start3A_52 = arith.constant 0 : i32
    %dma_start3A_53 = tpu.memref_slice %arg2[%dma_start3A_51, %dma_start3A_52] : memref<100000x128xf32, #tpu.memory_space<hbm>> -> memref<100000x128xf32, #tpu.memory_space<hbm>>
    tpu.enqueue_indirect_dma source(%dma_start3A_53 : memref<100000x128xf32, #tpu.memory_space<hbm>>) target(%dma_start3A_47 : memref<128x128xf32, #tpu.memory_space<vmem>>) offsets(%dma_start3A_50 : memref<128xi32, #tpu.memory_space<vmem>>) semaphore(%arg7 : memref<!tpu.dma_semaphore, #tpu.memory_space<semaphore_mem>>)
    %dma_wait3A = arith.constant 0 : i32
    %dma_wait3A_54 = arith.constant 0 : i32
    %dma_wait3A_55 = arith.constant 0 : i32
    %dma_wait3A_56 = tpu.memref_slice %arg6[%dma_wait3A_54, %dma_wait3A_55] : memref<640x128xf32, #tpu.memory_space<vmem>> -> memref<128x128xf32, #tpu.memory_space<vmem>>
    %dma_wait3A_57 = arith.constant 0 : i32
    %dma_wait3A_58 = tpu.memref_slice %arg5[%dma_wait3A, %dma_wait3A_57] : memref<25x128xi32, #tpu.memory_space<vmem>> -> memref<1x128xi32, #tpu.memory_space<vmem>>
    %dma_wait3A_59 = tpu.memref_squeeze %dma_wait3A_58 : memref<1x128xi32, #tpu.memory_space<vmem>> -> memref<128xi32, #tpu.memory_space<vmem>>
    %dma_wait3A_60 = arith.constant 0 : i32
    %dma_wait3A_61 = arith.constant 0 : i32
    %dma_wait3A_62 = tpu.memref_slice %arg2[%dma_wait3A_60, %dma_wait3A_61] : memref<100000x128xf32, #tpu.memory_space<hbm>> -> memref<100000x128xf32, #tpu.memory_space<hbm>>
    tpu.wait_indirect_dma semaphore(%arg7 : memref<!tpu.dma_semaphore, #tpu.memory_space<semaphore_mem>>) src(%dma_wait3A_62 : memref<100000x128xf32, #tpu.memory_space<hbm>>) dst(%dma_wait3A_56 : memref<128x128xf32, #tpu.memory_space<vmem>>)
    %dma_wait3A_63 = arith.constant 1 : i32
    %dma_wait3A_64 = arith.constant 128 : i32
    %dma_wait3A_65 = arith.constant 0 : i32
    %dma_wait3A_66 = tpu.memref_slice %arg6[%dma_wait3A_64, %dma_wait3A_65] : memref<640x128xf32, #tpu.memory_space<vmem>> -> memref<128x128xf32, #tpu.memory_space<vmem>>
    %dma_wait3A_67 = arith.constant 0 : i32
    %dma_wait3A_68 = tpu.memref_slice %arg5[%dma_wait3A_63, %dma_wait3A_67] : memref<25x128xi32, #tpu.memory_space<vmem>> -> memref<1x128xi32, #tpu.memory_space<vmem>>
    %dma_wait3A_69 = tpu.memref_squeeze %dma_wait3A_68 : memref<1x128xi32, #tpu.memory_space<vmem>> -> memref<128xi32, #tpu.memory_space<vmem>>
    %dma_wait3A_70 = arith.constant 0 : i32
    %dma_wait3A_71 = arith.constant 0 : i32
    %dma_wait3A_72 = tpu.memref_slice %arg2[%dma_wait3A_70, %dma_wait3A_71] : memref<100000x128xf32, #tpu.memory_space<hbm>> -> memref<100000x128xf32, #tpu.memory_space<hbm>>
    tpu.wait_indirect_dma semaphore(%arg7 : memref<!tpu.dma_semaphore, #tpu.memory_space<semaphore_mem>>) src(%dma_wait3A_72 : memref<100000x128xf32, #tpu.memory_space<hbm>>) dst(%dma_wait3A_66 : memref<128x128xf32, #tpu.memory_space<vmem>>)
    %dma_wait3A_73 = arith.constant 2 : i32
    %dma_wait3A_74 = arith.constant 256 : i32
    %dma_wait3A_75 = arith.constant 0 : i32
    %dma_wait3A_76 = tpu.memref_slice %arg6[%dma_wait3A_74, %dma_wait3A_75] : memref<640x128xf32, #tpu.memory_space<vmem>> -> memref<128x128xf32, #tpu.memory_space<vmem>>
    %dma_wait3A_77 = arith.constant 0 : i32
    %dma_wait3A_78 = tpu.memref_slice %arg5[%dma_wait3A_73, %dma_wait3A_77] : memref<25x128xi32, #tpu.memory_space<vmem>> -> memref<1x128xi32, #tpu.memory_space<vmem>>
    %dma_wait3A_79 = tpu.memref_squeeze %dma_wait3A_78 : memref<1x128xi32, #tpu.memory_space<vmem>> -> memref<128xi32, #tpu.memory_space<vmem>>
    %dma_wait3A_80 = arith.constant 0 : i32
    %dma_wait3A_81 = arith.constant 0 : i32
    %dma_wait3A_82 = tpu.memref_slice %arg2[%dma_wait3A_80, %dma_wait3A_81] : memref<100000x128xf32, #tpu.memory_space<hbm>> -> memref<100000x128xf32, #tpu.memory_space<hbm>>
    tpu.wait_indirect_dma semaphore(%arg7 : memref<!tpu.dma_semaphore, #tpu.memory_space<semaphore_mem>>) src(%dma_wait3A_82 : memref<100000x128xf32, #tpu.memory_space<hbm>>) dst(%dma_wait3A_76 : memref<128x128xf32, #tpu.memory_space<vmem>>)
    %dma_wait3A_83 = arith.constant 3 : i32
    %dma_wait3A_84 = arith.constant 384 : i32
    %dma_wait3A_85 = arith.constant 0 : i32
    %dma_wait3A_86 = tpu.memref_slice %arg6[%dma_wait3A_84, %dma_wait3A_85] : memref<640x128xf32, #tpu.memory_space<vmem>> -> memref<128x128xf32, #tpu.memory_space<vmem>>
    %dma_wait3A_87 = arith.constant 0 : i32
    %dma_wait3A_88 = tpu.memref_slice %arg5[%dma_wait3A_83, %dma_wait3A_87] : memref<25x128xi32, #tpu.memory_space<vmem>> -> memref<1x128xi32, #tpu.memory_space<vmem>>
    %dma_wait3A_89 = tpu.memref_squeeze %dma_wait3A_88 : memref<1x128xi32, #tpu.memory_space<vmem>> -> memref<128xi32, #tpu.memory_space<vmem>>
    %dma_wait3A_90 = arith.constant 0 : i32
    %dma_wait3A_91 = arith.constant 0 : i32
    %dma_wait3A_92 = tpu.memref_slice %arg2[%dma_wait3A_90, %dma_wait3A_91] : memref<100000x128xf32, #tpu.memory_space<hbm>> -> memref<100000x128xf32, #tpu.memory_space<hbm>>
    tpu.wait_indirect_dma semaphore(%arg7 : memref<!tpu.dma_semaphore, #tpu.memory_space<semaphore_mem>>) src(%dma_wait3A_92 : memref<100000x128xf32, #tpu.memory_space<hbm>>) dst(%dma_wait3A_86 : memref<128x128xf32, #tpu.memory_space<vmem>>)
    %dma_wait3A_93 = arith.constant 4 : i32
    %dma_wait3A_94 = arith.constant 512 : i32
    %dma_wait3A_95 = arith.constant 0 : i32
    %dma_wait3A_96 = tpu.memref_slice %arg6[%dma_wait3A_94, %dma_wait3A_95] : memref<640x128xf32, #tpu.memory_space<vmem>> -> memref<128x128xf32, #tpu.memory_space<vmem>>
    %dma_wait3A_97 = arith.constant 0 : i32
    %dma_wait3A_98 = tpu.memref_slice %arg5[%dma_wait3A_93, %dma_wait3A_97] : memref<25x128xi32, #tpu.memory_space<vmem>> -> memref<1x128xi32, #tpu.memory_space<vmem>>
    %dma_wait3A_99 = tpu.memref_squeeze %dma_wait3A_98 : memref<1x128xi32, #tpu.memory_space<vmem>> -> memref<128xi32, #tpu.memory_space<vmem>>
    %dma_wait3A_100 = arith.constant 0 : i32
    %dma_wait3A_101 = arith.constant 0 : i32
    %dma_wait3A_102 = tpu.memref_slice %arg2[%dma_wait3A_100, %dma_wait3A_101] : memref<100000x128xf32, #tpu.memory_space<hbm>> -> memref<100000x128xf32, #tpu.memory_space<hbm>>
    tpu.wait_indirect_dma semaphore(%arg7 : memref<!tpu.dma_semaphore, #tpu.memory_space<semaphore_mem>>) src(%dma_wait3A_102 : memref<100000x128xf32, #tpu.memory_space<hbm>>) dst(%dma_wait3A_96 : memref<128x128xf32, #tpu.memory_space<vmem>>)
    "tpu.region"() ({
      %run_scoped3A = tpu.sem_alloc : memref<!tpu.dma_semaphore, #tpu.memory_space<semaphore_mem>>
      %dma_start3A_511 = arith.constant 0 : i32
      %dma_start3A_512 = tpu.memref_slice %arg4[%add3A_4, %dma_start3A_511] : memref<102400x128xf32, #tpu.memory_space<hbm>> -> memref<640x128xf32, #tpu.memory_space<hbm>>
      %dma_start3A_513 = arith.constant 0 : i32
      %dma_start3A_514 = tpu.memref_slice %arg4[%add3A_4, %dma_start3A_513] : memref<102400x128xf32, #tpu.memory_space<hbm>> -> memref<640x128xf32, #tpu.memory_space<hbm>>
      tpu.enqueue_dma source(%arg6 : memref<640x128xf32, #tpu.memory_space<vmem>>) target(%dma_start3A_514 : memref<640x128xf32, #tpu.memory_space<hbm>>) target_semaphore(%run_scoped3A : memref<!tpu.dma_semaphore, #tpu.memory_space<semaphore_mem>>)
      %dma_wait3A_515 = arith.constant 0 : i32
      %dma_wait3A_516 = tpu.memref_slice %arg4[%add3A_4, %dma_wait3A_515] : memref<102400x128xf32, #tpu.memory_space<hbm>> -> memref<640x128xf32, #tpu.memory_space<hbm>>
      %dma_wait3A_517 = arith.constant 0 : i32
      %dma_wait3A_518 = tpu.memref_slice %arg4[%add3A_4, %dma_wait3A_517] : memref<102400x128xf32, #tpu.memory_space<hbm>> -> memref<640x128xf32, #tpu.memory_space<hbm>>
      tpu.wait_dma2 semaphore(%run_scoped3A : memref<!tpu.dma_semaphore, #tpu.memory_space<semaphore_mem>>) src(%arg6 : memref<640x128xf32, #tpu.memory_space<vmem>>) dst(%dma_wait3A_518 : memref<640x128xf32, #tpu.memory_space<hbm>>)
      tpu.yield
    }) : () -> ()
    %add3A_103 = arith.constant 640 : i32
    %add3A_104 = arith.addi %mul3A_2, %add3A_103 : i32
    %dma_start3A_105 = arith.constant 5 : i32
    %dma_start3A_106 = arith.constant 0 : i32
    %dma_start3A_107 = arith.constant 0 : i32
    %dma_start3A_108 = tpu.memref_slice %arg6[%dma_start3A_106, %dma_start3A_107] : memref<640x128xf32, #tpu.memory_space<vmem>> -> memref<128x128xf32, #tpu.memory_space<vmem>>
    %dma_start3A_109 = arith.constant 0 : i32
    %dma_start3A_110 = tpu.memref_slice %arg5[%dma_start3A_105, %dma_start3A_109] : memref<25x128xi32, #tpu.memory_space<vmem>> -> memref<1x128xi32, #tpu.memory_space<vmem>>
    %dma_start3A_111 = tpu.memref_squeeze %dma_start3A_110 : memref<1x128xi32, #tpu.memory_space<vmem>> -> memref<128xi32, #tpu.memory_space<vmem>>
    %dma_start3A_112 = arith.constant 0 : i32
    %dma_start3A_113 = arith.constant 0 : i32
    %dma_start3A_114 = tpu.memref_slice %arg2[%dma_start3A_112, %dma_start3A_113] : memref<100000x128xf32, #tpu.memory_space<hbm>> -> memref<100000x128xf32, #tpu.memory_space<hbm>>
    tpu.enqueue_indirect_dma source(%dma_start3A_114 : memref<100000x128xf32, #tpu.memory_space<hbm>>) target(%dma_start3A_108 : memref<128x128xf32, #tpu.memory_space<vmem>>) offsets(%dma_start3A_111 : memref<128xi32, #tpu.memory_space<vmem>>) semaphore(%arg7 : memref<!tpu.dma_semaphore, #tpu.memory_space<semaphore_mem>>)
    %dma_start3A_115 = arith.constant 6 : i32
    %dma_start3A_116 = arith.constant 128 : i32
    %dma_start3A_117 = arith.constant 0 : i32
    %dma_start3A_118 = tpu.memref_slice %arg6[%dma_start3A_116, %dma_start3A_117] : memref<640x128xf32, #tpu.memory_space<vmem>> -> memref<128x128xf32, #tpu.memory_space<vmem>>
    %dma_start3A_119 = arith.constant 0 : i32
    %dma_start3A_120 = tpu.memref_slice %arg5[%dma_start3A_115, %dma_start3A_119] : memref<25x128xi32, #tpu.memory_space<vmem>> -> memref<1x128xi32, #tpu.memory_space<vmem>>
    %dma_start3A_121 = tpu.memref_squeeze %dma_start3A_120 : memref<1x128xi32, #tpu.memory_space<vmem>> -> memref<128xi32, #tpu.memory_space<vmem>>
    %dma_start3A_122 = arith.constant 0 : i32
    %dma_start3A_123 = arith.constant 0 : i32
    %dma_start3A_124 = tpu.memref_slice %arg2[%dma_start3A_122, %dma_start3A_123] : memref<100000x128xf32, #tpu.memory_space<hbm>> -> memref<100000x128xf32, #tpu.memory_space<hbm>>
    tpu.enqueue_indirect_dma source(%dma_start3A_124 : memref<100000x128xf32, #tpu.memory_space<hbm>>) target(%dma_start3A_118 : memref<128x128xf32, #tpu.memory_space<vmem>>) offsets(%dma_start3A_121 : memref<128xi32, #tpu.memory_space<vmem>>) semaphore(%arg7 : memref<!tpu.dma_semaphore, #tpu.memory_space<semaphore_mem>>)
    %dma_start3A_125 = arith.constant 7 : i32
    %dma_start3A_126 = arith.constant 256 : i32
    %dma_start3A_127 = arith.constant 0 : i32
    %dma_start3A_128 = tpu.memref_slice %arg6[%dma_start3A_126, %dma_start3A_127] : memref<640x128xf32, #tpu.memory_space<vmem>> -> memref<128x128xf32, #tpu.memory_space<vmem>>
    %dma_start3A_129 = arith.constant 0 : i32
    %dma_start3A_130 = tpu.memref_slice %arg5[%dma_start3A_125, %dma_start3A_129] : memref<25x128xi32, #tpu.memory_space<vmem>> -> memref<1x128xi32, #tpu.memory_space<vmem>>
    %dma_start3A_131 = tpu.memref_squeeze %dma_start3A_130 : memref<1x128xi32, #tpu.memory_space<vmem>> -> memref<128xi32, #tpu.memory_space<vmem>>
    %dma_start3A_132 = arith.constant 0 : i32
    %dma_start3A_133 = arith.constant 0 : i32
    %dma_start3A_134 = tpu.memref_slice %arg2[%dma_start3A_132, %dma_start3A_133] : memref<100000x128xf32, #tpu.memory_space<hbm>> -> memref<100000x128xf32, #tpu.memory_space<hbm>>
    tpu.enqueue_indirect_dma source(%dma_start3A_134 : memref<100000x128xf32, #tpu.memory_space<hbm>>) target(%dma_start3A_128 : memref<128x128xf32, #tpu.memory_space<vmem>>) offsets(%dma_start3A_131 : memref<128xi32, #tpu.memory_space<vmem>>) semaphore(%arg7 : memref<!tpu.dma_semaphore, #tpu.memory_space<semaphore_mem>>)
    %dma_start3A_135 = arith.constant 8 : i32
    %dma_start3A_136 = arith.constant 384 : i32
    %dma_start3A_137 = arith.constant 0 : i32
    %dma_start3A_138 = tpu.memref_slice %arg6[%dma_start3A_136, %dma_start3A_137] : memref<640x128xf32, #tpu.memory_space<vmem>> -> memref<128x128xf32, #tpu.memory_space<vmem>>
    %dma_start3A_139 = arith.constant 0 : i32
    %dma_start3A_140 = tpu.memref_slice %arg5[%dma_start3A_135, %dma_start3A_139] : memref<25x128xi32, #tpu.memory_space<vmem>> -> memref<1x128xi32, #tpu.memory_space<vmem>>
    %dma_start3A_141 = tpu.memref_squeeze %dma_start3A_140 : memref<1x128xi32, #tpu.memory_space<vmem>> -> memref<128xi32, #tpu.memory_space<vmem>>
    %dma_start3A_142 = arith.constant 0 : i32
    %dma_start3A_143 = arith.constant 0 : i32
    %dma_start3A_144 = tpu.memref_slice %arg2[%dma_start3A_142, %dma_start3A_143] : memref<100000x128xf32, #tpu.memory_space<hbm>> -> memref<100000x128xf32, #tpu.memory_space<hbm>>
    tpu.enqueue_indirect_dma source(%dma_start3A_144 : memref<100000x128xf32, #tpu.memory_space<hbm>>) target(%dma_start3A_138 : memref<128x128xf32, #tpu.memory_space<vmem>>) offsets(%dma_start3A_141 : memref<128xi32, #tpu.memory_space<vmem>>) semaphore(%arg7 : memref<!tpu.dma_semaphore, #tpu.memory_space<semaphore_mem>>)
    %dma_start3A_145 = arith.constant 9 : i32
    %dma_start3A_146 = arith.constant 512 : i32
    %dma_start3A_147 = arith.constant 0 : i32
    %dma_start3A_148 = tpu.memref_slice %arg6[%dma_start3A_146, %dma_start3A_147] : memref<640x128xf32, #tpu.memory_space<vmem>> -> memref<128x128xf32, #tpu.memory_space<vmem>>
    %dma_start3A_149 = arith.constant 0 : i32
    %dma_start3A_150 = tpu.memref_slice %arg5[%dma_start3A_145, %dma_start3A_149] : memref<25x128xi32, #tpu.memory_space<vmem>> -> memref<1x128xi32, #tpu.memory_space<vmem>>
    %dma_start3A_151 = tpu.memref_squeeze %dma_start3A_150 : memref<1x128xi32, #tpu.memory_space<vmem>> -> memref<128xi32, #tpu.memory_space<vmem>>
    %dma_start3A_152 = arith.constant 0 : i32
    %dma_start3A_153 = arith.constant 0 : i32
    %dma_start3A_154 = tpu.memref_slice %arg2[%dma_start3A_152, %dma_start3A_153] : memref<100000x128xf32, #tpu.memory_space<hbm>> -> memref<100000x128xf32, #tpu.memory_space<hbm>>
    tpu.enqueue_indirect_dma source(%dma_start3A_154 : memref<100000x128xf32, #tpu.memory_space<hbm>>) target(%dma_start3A_148 : memref<128x128xf32, #tpu.memory_space<vmem>>) offsets(%dma_start3A_151 : memref<128xi32, #tpu.memory_space<vmem>>) semaphore(%arg7 : memref<!tpu.dma_semaphore, #tpu.memory_space<semaphore_mem>>)
    %dma_wait3A_155 = arith.constant 5 : i32
    %dma_wait3A_156 = arith.constant 0 : i32
    %dma_wait3A_157 = arith.constant 0 : i32
    %dma_wait3A_158 = tpu.memref_slice %arg6[%dma_wait3A_156, %dma_wait3A_157] : memref<640x128xf32, #tpu.memory_space<vmem>> -> memref<128x128xf32, #tpu.memory_space<vmem>>
    %dma_wait3A_159 = arith.constant 0 : i32
    %dma_wait3A_160 = tpu.memref_slice %arg5[%dma_wait3A_155, %dma_wait3A_159] : memref<25x128xi32, #tpu.memory_space<vmem>> -> memref<1x128xi32, #tpu.memory_space<vmem>>
    %dma_wait3A_161 = tpu.memref_squeeze %dma_wait3A_160 : memref<1x128xi32, #tpu.memory_space<vmem>> -> memref<128xi32, #tpu.memory_space<vmem>>
    %dma_wait3A_162 = arith.constant 0 : i32
    %dma_wait3A_163 = arith.constant 0 : i32
    %dma_wait3A_164 = tpu.memref_slice %arg2[%dma_wait3A_162, %dma_wait3A_163] : memref<100000x128xf32, #tpu.memory_space<hbm>> -> memref<100000x128xf32, #tpu.memory_space<hbm>>
    tpu.wait_indirect_dma semaphore(%arg7 : memref<!tpu.dma_semaphore, #tpu.memory_space<semaphore_mem>>) src(%dma_wait3A_164 : memref<100000x128xf32, #tpu.memory_space<hbm>>) dst(%dma_wait3A_158 : memref<128x128xf32, #tpu.memory_space<vmem>>)
    %dma_wait3A_165 = arith.constant 6 : i32
    %dma_wait3A_166 = arith.constant 128 : i32
    %dma_wait3A_167 = arith.constant 0 : i32
    %dma_wait3A_168 = tpu.memref_slice %arg6[%dma_wait3A_166, %dma_wait3A_167] : memref<640x128xf32, #tpu.memory_space<vmem>> -> memref<128x128xf32, #tpu.memory_space<vmem>>
    %dma_wait3A_169 = arith.constant 0 : i32
    %dma_wait3A_170 = tpu.memref_slice %arg5[%dma_wait3A_165, %dma_wait3A_169] : memref<25x128xi32, #tpu.memory_space<vmem>> -> memref<1x128xi32, #tpu.memory_space<vmem>>
    %dma_wait3A_171 = tpu.memref_squeeze %dma_wait3A_170 : memref<1x128xi32, #tpu.memory_space<vmem>> -> memref<128xi32, #tpu.memory_space<vmem>>
    %dma_wait3A_172 = arith.constant 0 : i32
    %dma_wait3A_173 = arith.constant 0 : i32
    %dma_wait3A_174 = tpu.memref_slice %arg2[%dma_wait3A_172, %dma_wait3A_173] : memref<100000x128xf32, #tpu.memory_space<hbm>> -> memref<100000x128xf32, #tpu.memory_space<hbm>>
    tpu.wait_indirect_dma semaphore(%arg7 : memref<!tpu.dma_semaphore, #tpu.memory_space<semaphore_mem>>) src(%dma_wait3A_174 : memref<100000x128xf32, #tpu.memory_space<hbm>>) dst(%dma_wait3A_168 : memref<128x128xf32, #tpu.memory_space<vmem>>)
    %dma_wait3A_175 = arith.constant 7 : i32
    %dma_wait3A_176 = arith.constant 256 : i32
    %dma_wait3A_177 = arith.constant 0 : i32
    %dma_wait3A_178 = tpu.memref_slice %arg6[%dma_wait3A_176, %dma_wait3A_177] : memref<640x128xf32, #tpu.memory_space<vmem>> -> memref<128x128xf32, #tpu.memory_space<vmem>>
    %dma_wait3A_179 = arith.constant 0 : i32
    %dma_wait3A_180 = tpu.memref_slice %arg5[%dma_wait3A_175, %dma_wait3A_179] : memref<25x128xi32, #tpu.memory_space<vmem>> -> memref<1x128xi32, #tpu.memory_space<vmem>>
    %dma_wait3A_181 = tpu.memref_squeeze %dma_wait3A_180 : memref<1x128xi32, #tpu.memory_space<vmem>> -> memref<128xi32, #tpu.memory_space<vmem>>
    %dma_wait3A_182 = arith.constant 0 : i32
    %dma_wait3A_183 = arith.constant 0 : i32
    %dma_wait3A_184 = tpu.memref_slice %arg2[%dma_wait3A_182, %dma_wait3A_183] : memref<100000x128xf32, #tpu.memory_space<hbm>> -> memref<100000x128xf32, #tpu.memory_space<hbm>>
    tpu.wait_indirect_dma semaphore(%arg7 : memref<!tpu.dma_semaphore, #tpu.memory_space<semaphore_mem>>) src(%dma_wait3A_184 : memref<100000x128xf32, #tpu.memory_space<hbm>>) dst(%dma_wait3A_178 : memref<128x128xf32, #tpu.memory_space<vmem>>)
    %dma_wait3A_185 = arith.constant 8 : i32
    %dma_wait3A_186 = arith.constant 384 : i32
    %dma_wait3A_187 = arith.constant 0 : i32
    %dma_wait3A_188 = tpu.memref_slice %arg6[%dma_wait3A_186, %dma_wait3A_187] : memref<640x128xf32, #tpu.memory_space<vmem>> -> memref<128x128xf32, #tpu.memory_space<vmem>>
    %dma_wait3A_189 = arith.constant 0 : i32
    %dma_wait3A_190 = tpu.memref_slice %arg5[%dma_wait3A_185, %dma_wait3A_189] : memref<25x128xi32, #tpu.memory_space<vmem>> -> memref<1x128xi32, #tpu.memory_space<vmem>>
    %dma_wait3A_191 = tpu.memref_squeeze %dma_wait3A_190 : memref<1x128xi32, #tpu.memory_space<vmem>> -> memref<128xi32, #tpu.memory_space<vmem>>
    %dma_wait3A_192 = arith.constant 0 : i32
    %dma_wait3A_193 = arith.constant 0 : i32
    %dma_wait3A_194 = tpu.memref_slice %arg2[%dma_wait3A_192, %dma_wait3A_193] : memref<100000x128xf32, #tpu.memory_space<hbm>> -> memref<100000x128xf32, #tpu.memory_space<hbm>>
    tpu.wait_indirect_dma semaphore(%arg7 : memref<!tpu.dma_semaphore, #tpu.memory_space<semaphore_mem>>) src(%dma_wait3A_194 : memref<100000x128xf32, #tpu.memory_space<hbm>>) dst(%dma_wait3A_188 : memref<128x128xf32, #tpu.memory_space<vmem>>)
    %dma_wait3A_195 = arith.constant 9 : i32
    %dma_wait3A_196 = arith.constant 512 : i32
    %dma_wait3A_197 = arith.constant 0 : i32
    %dma_wait3A_198 = tpu.memref_slice %arg6[%dma_wait3A_196, %dma_wait3A_197] : memref<640x128xf32, #tpu.memory_space<vmem>> -> memref<128x128xf32, #tpu.memory_space<vmem>>
    %dma_wait3A_199 = arith.constant 0 : i32
    %dma_wait3A_200 = tpu.memref_slice %arg5[%dma_wait3A_195, %dma_wait3A_199] : memref<25x128xi32, #tpu.memory_space<vmem>> -> memref<1x128xi32, #tpu.memory_space<vmem>>
    %dma_wait3A_201 = tpu.memref_squeeze %dma_wait3A_200 : memref<1x128xi32, #tpu.memory_space<vmem>> -> memref<128xi32, #tpu.memory_space<vmem>>
    %dma_wait3A_202 = arith.constant 0 : i32
    %dma_wait3A_203 = arith.constant 0 : i32
    %dma_wait3A_204 = tpu.memref_slice %arg2[%dma_wait3A_202, %dma_wait3A_203] : memref<100000x128xf32, #tpu.memory_space<hbm>> -> memref<100000x128xf32, #tpu.memory_space<hbm>>
    tpu.wait_indirect_dma semaphore(%arg7 : memref<!tpu.dma_semaphore, #tpu.memory_space<semaphore_mem>>) src(%dma_wait3A_204 : memref<100000x128xf32, #tpu.memory_space<hbm>>) dst(%dma_wait3A_198 : memref<128x128xf32, #tpu.memory_space<vmem>>)
    "tpu.region"() ({
      %run_scoped3A = tpu.sem_alloc : memref<!tpu.dma_semaphore, #tpu.memory_space<semaphore_mem>>
      %dma_start3A_511 = arith.constant 0 : i32
      %dma_start3A_512 = tpu.memref_slice %arg4[%add3A_104, %dma_start3A_511] : memref<102400x128xf32, #tpu.memory_space<hbm>> -> memref<640x128xf32, #tpu.memory_space<hbm>>
      %dma_start3A_513 = arith.constant 0 : i32
      %dma_start3A_514 = tpu.memref_slice %arg4[%add3A_104, %dma_start3A_513] : memref<102400x128xf32, #tpu.memory_space<hbm>> -> memref<640x128xf32, #tpu.memory_space<hbm>>
      tpu.enqueue_dma source(%arg6 : memref<640x128xf32, #tpu.memory_space<vmem>>) target(%dma_start3A_514 : memref<640x128xf32, #tpu.memory_space<hbm>>) target_semaphore(%run_scoped3A : memref<!tpu.dma_semaphore, #tpu.memory_space<semaphore_mem>>)
      %dma_wait3A_515 = arith.constant 0 : i32
      %dma_wait3A_516 = tpu.memref_slice %arg4[%add3A_104, %dma_wait3A_515] : memref<102400x128xf32, #tpu.memory_space<hbm>> -> memref<640x128xf32, #tpu.memory_space<hbm>>
      %dma_wait3A_517 = arith.constant 0 : i32
      %dma_wait3A_518 = tpu.memref_slice %arg4[%add3A_104, %dma_wait3A_517] : memref<102400x128xf32, #tpu.memory_space<hbm>> -> memref<640x128xf32, #tpu.memory_space<hbm>>
      tpu.wait_dma2 semaphore(%run_scoped3A : memref<!tpu.dma_semaphore, #tpu.memory_space<semaphore_mem>>) src(%arg6 : memref<640x128xf32, #tpu.memory_space<vmem>>) dst(%dma_wait3A_518 : memref<640x128xf32, #tpu.memory_space<hbm>>)
      tpu.yield
    }) : () -> ()
    %add3A_205 = arith.constant 1280 : i32
    %add3A_206 = arith.addi %mul3A_2, %add3A_205 : i32
    %dma_start3A_207 = arith.constant 10 : i32
    %dma_start3A_208 = arith.constant 0 : i32
    %dma_start3A_209 = arith.constant 0 : i32
    %dma_start3A_210 = tpu.memref_slice %arg6[%dma_start3A_208, %dma_start3A_209] : memref<640x128xf32, #tpu.memory_space<vmem>> -> memref<128x128xf32, #tpu.memory_space<vmem>>
    %dma_start3A_211 = arith.constant 0 : i32
    %dma_start3A_212 = tpu.memref_slice %arg5[%dma_start3A_207, %dma_start3A_211] : memref<25x128xi32, #tpu.memory_space<vmem>> -> memref<1x128xi32, #tpu.memory_space<vmem>>
    %dma_start3A_213 = tpu.memref_squeeze %dma_start3A_212 : memref<1x128xi32, #tpu.memory_space<vmem>> -> memref<128xi32, #tpu.memory_space<vmem>>
    %dma_start3A_214 = arith.constant 0 : i32
    %dma_start3A_215 = arith.constant 0 : i32
    %dma_start3A_216 = tpu.memref_slice %arg2[%dma_start3A_214, %dma_start3A_215] : memref<100000x128xf32, #tpu.memory_space<hbm>> -> memref<100000x128xf32, #tpu.memory_space<hbm>>
    tpu.enqueue_indirect_dma source(%dma_start3A_216 : memref<100000x128xf32, #tpu.memory_space<hbm>>) target(%dma_start3A_210 : memref<128x128xf32, #tpu.memory_space<vmem>>) offsets(%dma_start3A_213 : memref<128xi32, #tpu.memory_space<vmem>>) semaphore(%arg7 : memref<!tpu.dma_semaphore, #tpu.memory_space<semaphore_mem>>)
    %dma_start3A_217 = arith.constant 11 : i32
    %dma_start3A_218 = arith.constant 128 : i32
    %dma_start3A_219 = arith.constant 0 : i32
    %dma_start3A_220 = tpu.memref_slice %arg6[%dma_start3A_218, %dma_start3A_219] : memref<640x128xf32, #tpu.memory_space<vmem>> -> memref<128x128xf32, #tpu.memory_space<vmem>>
    %dma_start3A_221 = arith.constant 0 : i32
    %dma_start3A_222 = tpu.memref_slice %arg5[%dma_start3A_217, %dma_start3A_221] : memref<25x128xi32, #tpu.memory_space<vmem>> -> memref<1x128xi32, #tpu.memory_space<vmem>>
    %dma_start3A_223 = tpu.memref_squeeze %dma_start3A_222 : memref<1x128xi32, #tpu.memory_space<vmem>> -> memref<128xi32, #tpu.memory_space<vmem>>
    %dma_start3A_224 = arith.constant 0 : i32
    %dma_start3A_225 = arith.constant 0 : i32
    %dma_start3A_226 = tpu.memref_slice %arg2[%dma_start3A_224, %dma_start3A_225] : memref<100000x128xf32, #tpu.memory_space<hbm>> -> memref<100000x128xf32, #tpu.memory_space<hbm>>
    tpu.enqueue_indirect_dma source(%dma_start3A_226 : memref<100000x128xf32, #tpu.memory_space<hbm>>) target(%dma_start3A_220 : memref<128x128xf32, #tpu.memory_space<vmem>>) offsets(%dma_start3A_223 : memref<128xi32, #tpu.memory_space<vmem>>) semaphore(%arg7 : memref<!tpu.dma_semaphore, #tpu.memory_space<semaphore_mem>>)
    %dma_start3A_227 = arith.constant 12 : i32
    %dma_start3A_228 = arith.constant 256 : i32
    %dma_start3A_229 = arith.constant 0 : i32
    %dma_start3A_230 = tpu.memref_slice %arg6[%dma_start3A_228, %dma_start3A_229] : memref<640x128xf32, #tpu.memory_space<vmem>> -> memref<128x128xf32, #tpu.memory_space<vmem>>
    %dma_start3A_231 = arith.constant 0 : i32
    %dma_start3A_232 = tpu.memref_slice %arg5[%dma_start3A_227, %dma_start3A_231] : memref<25x128xi32, #tpu.memory_space<vmem>> -> memref<1x128xi32, #tpu.memory_space<vmem>>
    %dma_start3A_233 = tpu.memref_squeeze %dma_start3A_232 : memref<1x128xi32, #tpu.memory_space<vmem>> -> memref<128xi32, #tpu.memory_space<vmem>>
    %dma_start3A_234 = arith.constant 0 : i32
    %dma_start3A_235 = arith.constant 0 : i32
    %dma_start3A_236 = tpu.memref_slice %arg2[%dma_start3A_234, %dma_start3A_235] : memref<100000x128xf32, #tpu.memory_space<hbm>> -> memref<100000x128xf32, #tpu.memory_space<hbm>>
    tpu.enqueue_indirect_dma source(%dma_start3A_236 : memref<100000x128xf32, #tpu.memory_space<hbm>>) target(%dma_start3A_230 : memref<128x128xf32, #tpu.memory_space<vmem>>) offsets(%dma_start3A_233 : memref<128xi32, #tpu.memory_space<vmem>>) semaphore(%arg7 : memref<!tpu.dma_semaphore, #tpu.memory_space<semaphore_mem>>)
    %dma_start3A_237 = arith.constant 13 : i32
    %dma_start3A_238 = arith.constant 384 : i32
    %dma_start3A_239 = arith.constant 0 : i32
    %dma_start3A_240 = tpu.memref_slice %arg6[%dma_start3A_238, %dma_start3A_239] : memref<640x128xf32, #tpu.memory_space<vmem>> -> memref<128x128xf32, #tpu.memory_space<vmem>>
    %dma_start3A_241 = arith.constant 0 : i32
    %dma_start3A_242 = tpu.memref_slice %arg5[%dma_start3A_237, %dma_start3A_241] : memref<25x128xi32, #tpu.memory_space<vmem>> -> memref<1x128xi32, #tpu.memory_space<vmem>>
    %dma_start3A_243 = tpu.memref_squeeze %dma_start3A_242 : memref<1x128xi32, #tpu.memory_space<vmem>> -> memref<128xi32, #tpu.memory_space<vmem>>
    %dma_start3A_244 = arith.constant 0 : i32
    %dma_start3A_245 = arith.constant 0 : i32
    %dma_start3A_246 = tpu.memref_slice %arg2[%dma_start3A_244, %dma_start3A_245] : memref<100000x128xf32, #tpu.memory_space<hbm>> -> memref<100000x128xf32, #tpu.memory_space<hbm>>
    tpu.enqueue_indirect_dma source(%dma_start3A_246 : memref<100000x128xf32, #tpu.memory_space<hbm>>) target(%dma_start3A_240 : memref<128x128xf32, #tpu.memory_space<vmem>>) offsets(%dma_start3A_243 : memref<128xi32, #tpu.memory_space<vmem>>) semaphore(%arg7 : memref<!tpu.dma_semaphore, #tpu.memory_space<semaphore_mem>>)
    %dma_start3A_247 = arith.constant 14 : i32
    %dma_start3A_248 = arith.constant 512 : i32
    %dma_start3A_249 = arith.constant 0 : i32
    %dma_start3A_250 = tpu.memref_slice %arg6[%dma_start3A_248, %dma_start3A_249] : memref<640x128xf32, #tpu.memory_space<vmem>> -> memref<128x128xf32, #tpu.memory_space<vmem>>
    %dma_start3A_251 = arith.constant 0 : i32
    %dma_start3A_252 = tpu.memref_slice %arg5[%dma_start3A_247, %dma_start3A_251] : memref<25x128xi32, #tpu.memory_space<vmem>> -> memref<1x128xi32, #tpu.memory_space<vmem>>
    %dma_start3A_253 = tpu.memref_squeeze %dma_start3A_252 : memref<1x128xi32, #tpu.memory_space<vmem>> -> memref<128xi32, #tpu.memory_space<vmem>>
    %dma_start3A_254 = arith.constant 0 : i32
    %dma_start3A_255 = arith.constant 0 : i32
    %dma_start3A_256 = tpu.memref_slice %arg2[%dma_start3A_254, %dma_start3A_255] : memref<100000x128xf32, #tpu.memory_space<hbm>> -> memref<100000x128xf32, #tpu.memory_space<hbm>>
    tpu.enqueue_indirect_dma source(%dma_start3A_256 : memref<100000x128xf32, #tpu.memory_space<hbm>>) target(%dma_start3A_250 : memref<128x128xf32, #tpu.memory_space<vmem>>) offsets(%dma_start3A_253 : memref<128xi32, #tpu.memory_space<vmem>>) semaphore(%arg7 : memref<!tpu.dma_semaphore, #tpu.memory_space<semaphore_mem>>)
    %dma_wait3A_257 = arith.constant 10 : i32
    %dma_wait3A_258 = arith.constant 0 : i32
    %dma_wait3A_259 = arith.constant 0 : i32
    %dma_wait3A_260 = tpu.memref_slice %arg6[%dma_wait3A_258, %dma_wait3A_259] : memref<640x128xf32, #tpu.memory_space<vmem>> -> memref<128x128xf32, #tpu.memory_space<vmem>>
    %dma_wait3A_261 = arith.constant 0 : i32
    %dma_wait3A_262 = tpu.memref_slice %arg5[%dma_wait3A_257, %dma_wait3A_261] : memref<25x128xi32, #tpu.memory_space<vmem>> -> memref<1x128xi32, #tpu.memory_space<vmem>>
    %dma_wait3A_263 = tpu.memref_squeeze %dma_wait3A_262 : memref<1x128xi32, #tpu.memory_space<vmem>> -> memref<128xi32, #tpu.memory_space<vmem>>
    %dma_wait3A_264 = arith.constant 0 : i32
    %dma_wait3A_265 = arith.constant 0 : i32
    %dma_wait3A_266 = tpu.memref_slice %arg2[%dma_wait3A_264, %dma_wait3A_265] : memref<100000x128xf32, #tpu.memory_space<hbm>> -> memref<100000x128xf32, #tpu.memory_space<hbm>>
    tpu.wait_indirect_dma semaphore(%arg7 : memref<!tpu.dma_semaphore, #tpu.memory_space<semaphore_mem>>) src(%dma_wait3A_266 : memref<100000x128xf32, #tpu.memory_space<hbm>>) dst(%dma_wait3A_260 : memref<128x128xf32, #tpu.memory_space<vmem>>)
    %dma_wait3A_267 = arith.constant 11 : i32
    %dma_wait3A_268 = arith.constant 128 : i32
    %dma_wait3A_269 = arith.constant 0 : i32
    %dma_wait3A_270 = tpu.memref_slice %arg6[%dma_wait3A_268, %dma_wait3A_269] : memref<640x128xf32, #tpu.memory_space<vmem>> -> memref<128x128xf32, #tpu.memory_space<vmem>>
    %dma_wait3A_271 = arith.constant 0 : i32
    %dma_wait3A_272 = tpu.memref_slice %arg5[%dma_wait3A_267, %dma_wait3A_271] : memref<25x128xi32, #tpu.memory_space<vmem>> -> memref<1x128xi32, #tpu.memory_space<vmem>>
    %dma_wait3A_273 = tpu.memref_squeeze %dma_wait3A_272 : memref<1x128xi32, #tpu.memory_space<vmem>> -> memref<128xi32, #tpu.memory_space<vmem>>
    %dma_wait3A_274 = arith.constant 0 : i32
    %dma_wait3A_275 = arith.constant 0 : i32
    %dma_wait3A_276 = tpu.memref_slice %arg2[%dma_wait3A_274, %dma_wait3A_275] : memref<100000x128xf32, #tpu.memory_space<hbm>> -> memref<100000x128xf32, #tpu.memory_space<hbm>>
    tpu.wait_indirect_dma semaphore(%arg7 : memref<!tpu.dma_semaphore, #tpu.memory_space<semaphore_mem>>) src(%dma_wait3A_276 : memref<100000x128xf32, #tpu.memory_space<hbm>>) dst(%dma_wait3A_270 : memref<128x128xf32, #tpu.memory_space<vmem>>)
    %dma_wait3A_277 = arith.constant 12 : i32
    %dma_wait3A_278 = arith.constant 256 : i32
    %dma_wait3A_279 = arith.constant 0 : i32
    %dma_wait3A_280 = tpu.memref_slice %arg6[%dma_wait3A_278, %dma_wait3A_279] : memref<640x128xf32, #tpu.memory_space<vmem>> -> memref<128x128xf32, #tpu.memory_space<vmem>>
    %dma_wait3A_281 = arith.constant 0 : i32
    %dma_wait3A_282 = tpu.memref_slice %arg5[%dma_wait3A_277, %dma_wait3A_281] : memref<25x128xi32, #tpu.memory_space<vmem>> -> memref<1x128xi32, #tpu.memory_space<vmem>>
    %dma_wait3A_283 = tpu.memref_squeeze %dma_wait3A_282 : memref<1x128xi32, #tpu.memory_space<vmem>> -> memref<128xi32, #tpu.memory_space<vmem>>
    %dma_wait3A_284 = arith.constant 0 : i32
    %dma_wait3A_285 = arith.constant 0 : i32
    %dma_wait3A_286 = tpu.memref_slice %arg2[%dma_wait3A_284, %dma_wait3A_285] : memref<100000x128xf32, #tpu.memory_space<hbm>> -> memref<100000x128xf32, #tpu.memory_space<hbm>>
    tpu.wait_indirect_dma semaphore(%arg7 : memref<!tpu.dma_semaphore, #tpu.memory_space<semaphore_mem>>) src(%dma_wait3A_286 : memref<100000x128xf32, #tpu.memory_space<hbm>>) dst(%dma_wait3A_280 : memref<128x128xf32, #tpu.memory_space<vmem>>)
    %dma_wait3A_287 = arith.constant 13 : i32
    %dma_wait3A_288 = arith.constant 384 : i32
    %dma_wait3A_289 = arith.constant 0 : i32
    %dma_wait3A_290 = tpu.memref_slice %arg6[%dma_wait3A_288, %dma_wait3A_289] : memref<640x128xf32, #tpu.memory_space<vmem>> -> memref<128x128xf32, #tpu.memory_space<vmem>>
    %dma_wait3A_291 = arith.constant 0 : i32
    %dma_wait3A_292 = tpu.memref_slice %arg5[%dma_wait3A_287, %dma_wait3A_291] : memref<25x128xi32, #tpu.memory_space<vmem>> -> memref<1x128xi32, #tpu.memory_space<vmem>>
    %dma_wait3A_293 = tpu.memref_squeeze %dma_wait3A_292 : memref<1x128xi32, #tpu.memory_space<vmem>> -> memref<128xi32, #tpu.memory_space<vmem>>
    %dma_wait3A_294 = arith.constant 0 : i32
    %dma_wait3A_295 = arith.constant 0 : i32
    %dma_wait3A_296 = tpu.memref_slice %arg2[%dma_wait3A_294, %dma_wait3A_295] : memref<100000x128xf32, #tpu.memory_space<hbm>> -> memref<100000x128xf32, #tpu.memory_space<hbm>>
    tpu.wait_indirect_dma semaphore(%arg7 : memref<!tpu.dma_semaphore, #tpu.memory_space<semaphore_mem>>) src(%dma_wait3A_296 : memref<100000x128xf32, #tpu.memory_space<hbm>>) dst(%dma_wait3A_290 : memref<128x128xf32, #tpu.memory_space<vmem>>)
    %dma_wait3A_297 = arith.constant 14 : i32
    %dma_wait3A_298 = arith.constant 512 : i32
    %dma_wait3A_299 = arith.constant 0 : i32
    %dma_wait3A_300 = tpu.memref_slice %arg6[%dma_wait3A_298, %dma_wait3A_299] : memref<640x128xf32, #tpu.memory_space<vmem>> -> memref<128x128xf32, #tpu.memory_space<vmem>>
    %dma_wait3A_301 = arith.constant 0 : i32
    %dma_wait3A_302 = tpu.memref_slice %arg5[%dma_wait3A_297, %dma_wait3A_301] : memref<25x128xi32, #tpu.memory_space<vmem>> -> memref<1x128xi32, #tpu.memory_space<vmem>>
    %dma_wait3A_303 = tpu.memref_squeeze %dma_wait3A_302 : memref<1x128xi32, #tpu.memory_space<vmem>> -> memref<128xi32, #tpu.memory_space<vmem>>
    %dma_wait3A_304 = arith.constant 0 : i32
    %dma_wait3A_305 = arith.constant 0 : i32
    %dma_wait3A_306 = tpu.memref_slice %arg2[%dma_wait3A_304, %dma_wait3A_305] : memref<100000x128xf32, #tpu.memory_space<hbm>> -> memref<100000x128xf32, #tpu.memory_space<hbm>>
    tpu.wait_indirect_dma semaphore(%arg7 : memref<!tpu.dma_semaphore, #tpu.memory_space<semaphore_mem>>) src(%dma_wait3A_306 : memref<100000x128xf32, #tpu.memory_space<hbm>>) dst(%dma_wait3A_300 : memref<128x128xf32, #tpu.memory_space<vmem>>)
    "tpu.region"() ({
      %run_scoped3A = tpu.sem_alloc : memref<!tpu.dma_semaphore, #tpu.memory_space<semaphore_mem>>
      %dma_start3A_511 = arith.constant 0 : i32
      %dma_start3A_512 = tpu.memref_slice %arg4[%add3A_206, %dma_start3A_511] : memref<102400x128xf32, #tpu.memory_space<hbm>> -> memref<640x128xf32, #tpu.memory_space<hbm>>
      %dma_start3A_513 = arith.constant 0 : i32
      %dma_start3A_514 = tpu.memref_slice %arg4[%add3A_206, %dma_start3A_513] : memref<102400x128xf32, #tpu.memory_space<hbm>> -> memref<640x128xf32, #tpu.memory_space<hbm>>
      tpu.enqueue_dma source(%arg6 : memref<640x128xf32, #tpu.memory_space<vmem>>) target(%dma_start3A_514 : memref<640x128xf32, #tpu.memory_space<hbm>>) target_semaphore(%run_scoped3A : memref<!tpu.dma_semaphore, #tpu.memory_space<semaphore_mem>>)
      %dma_wait3A_515 = arith.constant 0 : i32
      %dma_wait3A_516 = tpu.memref_slice %arg4[%add3A_206, %dma_wait3A_515] : memref<102400x128xf32, #tpu.memory_space<hbm>> -> memref<640x128xf32, #tpu.memory_space<hbm>>
      %dma_wait3A_517 = arith.constant 0 : i32
      %dma_wait3A_518 = tpu.memref_slice %arg4[%add3A_206, %dma_wait3A_517] : memref<102400x128xf32, #tpu.memory_space<hbm>> -> memref<640x128xf32, #tpu.memory_space<hbm>>
      tpu.wait_dma2 semaphore(%run_scoped3A : memref<!tpu.dma_semaphore, #tpu.memory_space<semaphore_mem>>) src(%arg6 : memref<640x128xf32, #tpu.memory_space<vmem>>) dst(%dma_wait3A_518 : memref<640x128xf32, #tpu.memory_space<hbm>>)
      tpu.yield
    }) : () -> ()
    %add3A_307 = arith.constant 1920 : i32
    %add3A_308 = arith.addi %mul3A_2, %add3A_307 : i32
    %dma_start3A_309 = arith.constant 15 : i32
    %dma_start3A_310 = arith.constant 0 : i32
    %dma_start3A_311 = arith.constant 0 : i32
    %dma_start3A_312 = tpu.memref_slice %arg6[%dma_start3A_310, %dma_start3A_311] : memref<640x128xf32, #tpu.memory_space<vmem>> -> memref<128x128xf32, #tpu.memory_space<vmem>>
    %dma_start3A_313 = arith.constant 0 : i32
    %dma_start3A_314 = tpu.memref_slice %arg5[%dma_start3A_309, %dma_start3A_313] : memref<25x128xi32, #tpu.memory_space<vmem>> -> memref<1x128xi32, #tpu.memory_space<vmem>>
    %dma_start3A_315 = tpu.memref_squeeze %dma_start3A_314 : memref<1x128xi32, #tpu.memory_space<vmem>> -> memref<128xi32, #tpu.memory_space<vmem>>
    %dma_start3A_316 = arith.constant 0 : i32
    %dma_start3A_317 = arith.constant 0 : i32
    %dma_start3A_318 = tpu.memref_slice %arg2[%dma_start3A_316, %dma_start3A_317] : memref<100000x128xf32, #tpu.memory_space<hbm>> -> memref<100000x128xf32, #tpu.memory_space<hbm>>
    tpu.enqueue_indirect_dma source(%dma_start3A_318 : memref<100000x128xf32, #tpu.memory_space<hbm>>) target(%dma_start3A_312 : memref<128x128xf32, #tpu.memory_space<vmem>>) offsets(%dma_start3A_315 : memref<128xi32, #tpu.memory_space<vmem>>) semaphore(%arg7 : memref<!tpu.dma_semaphore, #tpu.memory_space<semaphore_mem>>)
    %dma_start3A_319 = arith.constant 16 : i32
    %dma_start3A_320 = arith.constant 128 : i32
    %dma_start3A_321 = arith.constant 0 : i32
    %dma_start3A_322 = tpu.memref_slice %arg6[%dma_start3A_320, %dma_start3A_321] : memref<640x128xf32, #tpu.memory_space<vmem>> -> memref<128x128xf32, #tpu.memory_space<vmem>>
    %dma_start3A_323 = arith.constant 0 : i32
    %dma_start3A_324 = tpu.memref_slice %arg5[%dma_start3A_319, %dma_start3A_323] : memref<25x128xi32, #tpu.memory_space<vmem>> -> memref<1x128xi32, #tpu.memory_space<vmem>>
    %dma_start3A_325 = tpu.memref_squeeze %dma_start3A_324 : memref<1x128xi32, #tpu.memory_space<vmem>> -> memref<128xi32, #tpu.memory_space<vmem>>
    %dma_start3A_326 = arith.constant 0 : i32
    %dma_start3A_327 = arith.constant 0 : i32
    %dma_start3A_328 = tpu.memref_slice %arg2[%dma_start3A_326, %dma_start3A_327] : memref<100000x128xf32, #tpu.memory_space<hbm>> -> memref<100000x128xf32, #tpu.memory_space<hbm>>
    tpu.enqueue_indirect_dma source(%dma_start3A_328 : memref<100000x128xf32, #tpu.memory_space<hbm>>) target(%dma_start3A_322 : memref<128x128xf32, #tpu.memory_space<vmem>>) offsets(%dma_start3A_325 : memref<128xi32, #tpu.memory_space<vmem>>) semaphore(%arg7 : memref<!tpu.dma_semaphore, #tpu.memory_space<semaphore_mem>>)
    %dma_start3A_329 = arith.constant 17 : i32
    %dma_start3A_330 = arith.constant 256 : i32
    %dma_start3A_331 = arith.constant 0 : i32
    %dma_start3A_332 = tpu.memref_slice %arg6[%dma_start3A_330, %dma_start3A_331] : memref<640x128xf32, #tpu.memory_space<vmem>> -> memref<128x128xf32, #tpu.memory_space<vmem>>
    %dma_start3A_333 = arith.constant 0 : i32
    %dma_start3A_334 = tpu.memref_slice %arg5[%dma_start3A_329, %dma_start3A_333] : memref<25x128xi32, #tpu.memory_space<vmem>> -> memref<1x128xi32, #tpu.memory_space<vmem>>
    %dma_start3A_335 = tpu.memref_squeeze %dma_start3A_334 : memref<1x128xi32, #tpu.memory_space<vmem>> -> memref<128xi32, #tpu.memory_space<vmem>>
    %dma_start3A_336 = arith.constant 0 : i32
    %dma_start3A_337 = arith.constant 0 : i32
    %dma_start3A_338 = tpu.memref_slice %arg2[%dma_start3A_336, %dma_start3A_337] : memref<100000x128xf32, #tpu.memory_space<hbm>> -> memref<100000x128xf32, #tpu.memory_space<hbm>>
    tpu.enqueue_indirect_dma source(%dma_start3A_338 : memref<100000x128xf32, #tpu.memory_space<hbm>>) target(%dma_start3A_332 : memref<128x128xf32, #tpu.memory_space<vmem>>) offsets(%dma_start3A_335 : memref<128xi32, #tpu.memory_space<vmem>>) semaphore(%arg7 : memref<!tpu.dma_semaphore, #tpu.memory_space<semaphore_mem>>)
    %dma_start3A_339 = arith.constant 18 : i32
    %dma_start3A_340 = arith.constant 384 : i32
    %dma_start3A_341 = arith.constant 0 : i32
    %dma_start3A_342 = tpu.memref_slice %arg6[%dma_start3A_340, %dma_start3A_341] : memref<640x128xf32, #tpu.memory_space<vmem>> -> memref<128x128xf32, #tpu.memory_space<vmem>>
    %dma_start3A_343 = arith.constant 0 : i32
    %dma_start3A_344 = tpu.memref_slice %arg5[%dma_start3A_339, %dma_start3A_343] : memref<25x128xi32, #tpu.memory_space<vmem>> -> memref<1x128xi32, #tpu.memory_space<vmem>>
    %dma_start3A_345 = tpu.memref_squeeze %dma_start3A_344 : memref<1x128xi32, #tpu.memory_space<vmem>> -> memref<128xi32, #tpu.memory_space<vmem>>
    %dma_start3A_346 = arith.constant 0 : i32
    %dma_start3A_347 = arith.constant 0 : i32
    %dma_start3A_348 = tpu.memref_slice %arg2[%dma_start3A_346, %dma_start3A_347] : memref<100000x128xf32, #tpu.memory_space<hbm>> -> memref<100000x128xf32, #tpu.memory_space<hbm>>
    tpu.enqueue_indirect_dma source(%dma_start3A_348 : memref<100000x128xf32, #tpu.memory_space<hbm>>) target(%dma_start3A_342 : memref<128x128xf32, #tpu.memory_space<vmem>>) offsets(%dma_start3A_345 : memref<128xi32, #tpu.memory_space<vmem>>) semaphore(%arg7 : memref<!tpu.dma_semaphore, #tpu.memory_space<semaphore_mem>>)
    %dma_start3A_349 = arith.constant 19 : i32
    %dma_start3A_350 = arith.constant 512 : i32
    %dma_start3A_351 = arith.constant 0 : i32
    %dma_start3A_352 = tpu.memref_slice %arg6[%dma_start3A_350, %dma_start3A_351] : memref<640x128xf32, #tpu.memory_space<vmem>> -> memref<128x128xf32, #tpu.memory_space<vmem>>
    %dma_start3A_353 = arith.constant 0 : i32
    %dma_start3A_354 = tpu.memref_slice %arg5[%dma_start3A_349, %dma_start3A_353] : memref<25x128xi32, #tpu.memory_space<vmem>> -> memref<1x128xi32, #tpu.memory_space<vmem>>
    %dma_start3A_355 = tpu.memref_squeeze %dma_start3A_354 : memref<1x128xi32, #tpu.memory_space<vmem>> -> memref<128xi32, #tpu.memory_space<vmem>>
    %dma_start3A_356 = arith.constant 0 : i32
    %dma_start3A_357 = arith.constant 0 : i32
    %dma_start3A_358 = tpu.memref_slice %arg2[%dma_start3A_356, %dma_start3A_357] : memref<100000x128xf32, #tpu.memory_space<hbm>> -> memref<100000x128xf32, #tpu.memory_space<hbm>>
    tpu.enqueue_indirect_dma source(%dma_start3A_358 : memref<100000x128xf32, #tpu.memory_space<hbm>>) target(%dma_start3A_352 : memref<128x128xf32, #tpu.memory_space<vmem>>) offsets(%dma_start3A_355 : memref<128xi32, #tpu.memory_space<vmem>>) semaphore(%arg7 : memref<!tpu.dma_semaphore, #tpu.memory_space<semaphore_mem>>)
    %dma_wait3A_359 = arith.constant 15 : i32
    %dma_wait3A_360 = arith.constant 0 : i32
    %dma_wait3A_361 = arith.constant 0 : i32
    %dma_wait3A_362 = tpu.memref_slice %arg6[%dma_wait3A_360, %dma_wait3A_361] : memref<640x128xf32, #tpu.memory_space<vmem>> -> memref<128x128xf32, #tpu.memory_space<vmem>>
    %dma_wait3A_363 = arith.constant 0 : i32
    %dma_wait3A_364 = tpu.memref_slice %arg5[%dma_wait3A_359, %dma_wait3A_363] : memref<25x128xi32, #tpu.memory_space<vmem>> -> memref<1x128xi32, #tpu.memory_space<vmem>>
    %dma_wait3A_365 = tpu.memref_squeeze %dma_wait3A_364 : memref<1x128xi32, #tpu.memory_space<vmem>> -> memref<128xi32, #tpu.memory_space<vmem>>
    %dma_wait3A_366 = arith.constant 0 : i32
    %dma_wait3A_367 = arith.constant 0 : i32
    %dma_wait3A_368 = tpu.memref_slice %arg2[%dma_wait3A_366, %dma_wait3A_367] : memref<100000x128xf32, #tpu.memory_space<hbm>> -> memref<100000x128xf32, #tpu.memory_space<hbm>>
    tpu.wait_indirect_dma semaphore(%arg7 : memref<!tpu.dma_semaphore, #tpu.memory_space<semaphore_mem>>) src(%dma_wait3A_368 : memref<100000x128xf32, #tpu.memory_space<hbm>>) dst(%dma_wait3A_362 : memref<128x128xf32, #tpu.memory_space<vmem>>)
    %dma_wait3A_369 = arith.constant 16 : i32
    %dma_wait3A_370 = arith.constant 128 : i32
    %dma_wait3A_371 = arith.constant 0 : i32
    %dma_wait3A_372 = tpu.memref_slice %arg6[%dma_wait3A_370, %dma_wait3A_371] : memref<640x128xf32, #tpu.memory_space<vmem>> -> memref<128x128xf32, #tpu.memory_space<vmem>>
    %dma_wait3A_373 = arith.constant 0 : i32
    %dma_wait3A_374 = tpu.memref_slice %arg5[%dma_wait3A_369, %dma_wait3A_373] : memref<25x128xi32, #tpu.memory_space<vmem>> -> memref<1x128xi32, #tpu.memory_space<vmem>>
    %dma_wait3A_375 = tpu.memref_squeeze %dma_wait3A_374 : memref<1x128xi32, #tpu.memory_space<vmem>> -> memref<128xi32, #tpu.memory_space<vmem>>
    %dma_wait3A_376 = arith.constant 0 : i32
    %dma_wait3A_377 = arith.constant 0 : i32
    %dma_wait3A_378 = tpu.memref_slice %arg2[%dma_wait3A_376, %dma_wait3A_377] : memref<100000x128xf32, #tpu.memory_space<hbm>> -> memref<100000x128xf32, #tpu.memory_space<hbm>>
    tpu.wait_indirect_dma semaphore(%arg7 : memref<!tpu.dma_semaphore, #tpu.memory_space<semaphore_mem>>) src(%dma_wait3A_378 : memref<100000x128xf32, #tpu.memory_space<hbm>>) dst(%dma_wait3A_372 : memref<128x128xf32, #tpu.memory_space<vmem>>)
    %dma_wait3A_379 = arith.constant 17 : i32
    %dma_wait3A_380 = arith.constant 256 : i32
    %dma_wait3A_381 = arith.constant 0 : i32
    %dma_wait3A_382 = tpu.memref_slice %arg6[%dma_wait3A_380, %dma_wait3A_381] : memref<640x128xf32, #tpu.memory_space<vmem>> -> memref<128x128xf32, #tpu.memory_space<vmem>>
    %dma_wait3A_383 = arith.constant 0 : i32
    %dma_wait3A_384 = tpu.memref_slice %arg5[%dma_wait3A_379, %dma_wait3A_383] : memref<25x128xi32, #tpu.memory_space<vmem>> -> memref<1x128xi32, #tpu.memory_space<vmem>>
    %dma_wait3A_385 = tpu.memref_squeeze %dma_wait3A_384 : memref<1x128xi32, #tpu.memory_space<vmem>> -> memref<128xi32, #tpu.memory_space<vmem>>
    %dma_wait3A_386 = arith.constant 0 : i32
    %dma_wait3A_387 = arith.constant 0 : i32
    %dma_wait3A_388 = tpu.memref_slice %arg2[%dma_wait3A_386, %dma_wait3A_387] : memref<100000x128xf32, #tpu.memory_space<hbm>> -> memref<100000x128xf32, #tpu.memory_space<hbm>>
    tpu.wait_indirect_dma semaphore(%arg7 : memref<!tpu.dma_semaphore, #tpu.memory_space<semaphore_mem>>) src(%dma_wait3A_388 : memref<100000x128xf32, #tpu.memory_space<hbm>>) dst(%dma_wait3A_382 : memref<128x128xf32, #tpu.memory_space<vmem>>)
    %dma_wait3A_389 = arith.constant 18 : i32
    %dma_wait3A_390 = arith.constant 384 : i32
    %dma_wait3A_391 = arith.constant 0 : i32
    %dma_wait3A_392 = tpu.memref_slice %arg6[%dma_wait3A_390, %dma_wait3A_391] : memref<640x128xf32, #tpu.memory_space<vmem>> -> memref<128x128xf32, #tpu.memory_space<vmem>>
    %dma_wait3A_393 = arith.constant 0 : i32
    %dma_wait3A_394 = tpu.memref_slice %arg5[%dma_wait3A_389, %dma_wait3A_393] : memref<25x128xi32, #tpu.memory_space<vmem>> -> memref<1x128xi32, #tpu.memory_space<vmem>>
    %dma_wait3A_395 = tpu.memref_squeeze %dma_wait3A_394 : memref<1x128xi32, #tpu.memory_space<vmem>> -> memref<128xi32, #tpu.memory_space<vmem>>
    %dma_wait3A_396 = arith.constant 0 : i32
    %dma_wait3A_397 = arith.constant 0 : i32
    %dma_wait3A_398 = tpu.memref_slice %arg2[%dma_wait3A_396, %dma_wait3A_397] : memref<100000x128xf32, #tpu.memory_space<hbm>> -> memref<100000x128xf32, #tpu.memory_space<hbm>>
    tpu.wait_indirect_dma semaphore(%arg7 : memref<!tpu.dma_semaphore, #tpu.memory_space<semaphore_mem>>) src(%dma_wait3A_398 : memref<100000x128xf32, #tpu.memory_space<hbm>>) dst(%dma_wait3A_392 : memref<128x128xf32, #tpu.memory_space<vmem>>)
    %dma_wait3A_399 = arith.constant 19 : i32
    %dma_wait3A_400 = arith.constant 512 : i32
    %dma_wait3A_401 = arith.constant 0 : i32
    %dma_wait3A_402 = tpu.memref_slice %arg6[%dma_wait3A_400, %dma_wait3A_401] : memref<640x128xf32, #tpu.memory_space<vmem>> -> memref<128x128xf32, #tpu.memory_space<vmem>>
    %dma_wait3A_403 = arith.constant 0 : i32
    %dma_wait3A_404 = tpu.memref_slice %arg5[%dma_wait3A_399, %dma_wait3A_403] : memref<25x128xi32, #tpu.memory_space<vmem>> -> memref<1x128xi32, #tpu.memory_space<vmem>>
    %dma_wait3A_405 = tpu.memref_squeeze %dma_wait3A_404 : memref<1x128xi32, #tpu.memory_space<vmem>> -> memref<128xi32, #tpu.memory_space<vmem>>
    %dma_wait3A_406 = arith.constant 0 : i32
    %dma_wait3A_407 = arith.constant 0 : i32
    %dma_wait3A_408 = tpu.memref_slice %arg2[%dma_wait3A_406, %dma_wait3A_407] : memref<100000x128xf32, #tpu.memory_space<hbm>> -> memref<100000x128xf32, #tpu.memory_space<hbm>>
    tpu.wait_indirect_dma semaphore(%arg7 : memref<!tpu.dma_semaphore, #tpu.memory_space<semaphore_mem>>) src(%dma_wait3A_408 : memref<100000x128xf32, #tpu.memory_space<hbm>>) dst(%dma_wait3A_402 : memref<128x128xf32, #tpu.memory_space<vmem>>)
    "tpu.region"() ({
      %run_scoped3A = tpu.sem_alloc : memref<!tpu.dma_semaphore, #tpu.memory_space<semaphore_mem>>
      %dma_start3A_511 = arith.constant 0 : i32
      %dma_start3A_512 = tpu.memref_slice %arg4[%add3A_308, %dma_start3A_511] : memref<102400x128xf32, #tpu.memory_space<hbm>> -> memref<640x128xf32, #tpu.memory_space<hbm>>
      %dma_start3A_513 = arith.constant 0 : i32
      %dma_start3A_514 = tpu.memref_slice %arg4[%add3A_308, %dma_start3A_513] : memref<102400x128xf32, #tpu.memory_space<hbm>> -> memref<640x128xf32, #tpu.memory_space<hbm>>
      tpu.enqueue_dma source(%arg6 : memref<640x128xf32, #tpu.memory_space<vmem>>) target(%dma_start3A_514 : memref<640x128xf32, #tpu.memory_space<hbm>>) target_semaphore(%run_scoped3A : memref<!tpu.dma_semaphore, #tpu.memory_space<semaphore_mem>>)
      %dma_wait3A_515 = arith.constant 0 : i32
      %dma_wait3A_516 = tpu.memref_slice %arg4[%add3A_308, %dma_wait3A_515] : memref<102400x128xf32, #tpu.memory_space<hbm>> -> memref<640x128xf32, #tpu.memory_space<hbm>>
      %dma_wait3A_517 = arith.constant 0 : i32
      %dma_wait3A_518 = tpu.memref_slice %arg4[%add3A_308, %dma_wait3A_517] : memref<102400x128xf32, #tpu.memory_space<hbm>> -> memref<640x128xf32, #tpu.memory_space<hbm>>
      tpu.wait_dma2 semaphore(%run_scoped3A : memref<!tpu.dma_semaphore, #tpu.memory_space<semaphore_mem>>) src(%arg6 : memref<640x128xf32, #tpu.memory_space<vmem>>) dst(%dma_wait3A_518 : memref<640x128xf32, #tpu.memory_space<hbm>>)
      tpu.yield
    }) : () -> ()
    %add3A_409 = arith.constant 2560 : i32
    %add3A_410 = arith.addi %mul3A_2, %add3A_409 : i32
    %dma_start3A_411 = arith.constant 20 : i32
    %dma_start3A_412 = arith.constant 0 : i32
    %dma_start3A_413 = arith.constant 0 : i32
    %dma_start3A_414 = tpu.memref_slice %arg6[%dma_start3A_412, %dma_start3A_413] : memref<640x128xf32, #tpu.memory_space<vmem>> -> memref<128x128xf32, #tpu.memory_space<vmem>>
    %dma_start3A_415 = arith.constant 0 : i32
    %dma_start3A_416 = tpu.memref_slice %arg5[%dma_start3A_411, %dma_start3A_415] : memref<25x128xi32, #tpu.memory_space<vmem>> -> memref<1x128xi32, #tpu.memory_space<vmem>>
    %dma_start3A_417 = tpu.memref_squeeze %dma_start3A_416 : memref<1x128xi32, #tpu.memory_space<vmem>> -> memref<128xi32, #tpu.memory_space<vmem>>
    %dma_start3A_418 = arith.constant 0 : i32
    %dma_start3A_419 = arith.constant 0 : i32
    %dma_start3A_420 = tpu.memref_slice %arg2[%dma_start3A_418, %dma_start3A_419] : memref<100000x128xf32, #tpu.memory_space<hbm>> -> memref<100000x128xf32, #tpu.memory_space<hbm>>
    tpu.enqueue_indirect_dma source(%dma_start3A_420 : memref<100000x128xf32, #tpu.memory_space<hbm>>) target(%dma_start3A_414 : memref<128x128xf32, #tpu.memory_space<vmem>>) offsets(%dma_start3A_417 : memref<128xi32, #tpu.memory_space<vmem>>) semaphore(%arg7 : memref<!tpu.dma_semaphore, #tpu.memory_space<semaphore_mem>>)
    %dma_start3A_421 = arith.constant 21 : i32
    %dma_start3A_422 = arith.constant 128 : i32
    %dma_start3A_423 = arith.constant 0 : i32
    %dma_start3A_424 = tpu.memref_slice %arg6[%dma_start3A_422, %dma_start3A_423] : memref<640x128xf32, #tpu.memory_space<vmem>> -> memref<128x128xf32, #tpu.memory_space<vmem>>
    %dma_start3A_425 = arith.constant 0 : i32
    %dma_start3A_426 = tpu.memref_slice %arg5[%dma_start3A_421, %dma_start3A_425] : memref<25x128xi32, #tpu.memory_space<vmem>> -> memref<1x128xi32, #tpu.memory_space<vmem>>
    %dma_start3A_427 = tpu.memref_squeeze %dma_start3A_426 : memref<1x128xi32, #tpu.memory_space<vmem>> -> memref<128xi32, #tpu.memory_space<vmem>>
    %dma_start3A_428 = arith.constant 0 : i32
    %dma_start3A_429 = arith.constant 0 : i32
    %dma_start3A_430 = tpu.memref_slice %arg2[%dma_start3A_428, %dma_start3A_429] : memref<100000x128xf32, #tpu.memory_space<hbm>> -> memref<100000x128xf32, #tpu.memory_space<hbm>>
    tpu.enqueue_indirect_dma source(%dma_start3A_430 : memref<100000x128xf32, #tpu.memory_space<hbm>>) target(%dma_start3A_424 : memref<128x128xf32, #tpu.memory_space<vmem>>) offsets(%dma_start3A_427 : memref<128xi32, #tpu.memory_space<vmem>>) semaphore(%arg7 : memref<!tpu.dma_semaphore, #tpu.memory_space<semaphore_mem>>)
    %dma_start3A_431 = arith.constant 22 : i32
    %dma_start3A_432 = arith.constant 256 : i32
    %dma_start3A_433 = arith.constant 0 : i32
    %dma_start3A_434 = tpu.memref_slice %arg6[%dma_start3A_432, %dma_start3A_433] : memref<640x128xf32, #tpu.memory_space<vmem>> -> memref<128x128xf32, #tpu.memory_space<vmem>>
    %dma_start3A_435 = arith.constant 0 : i32
    %dma_start3A_436 = tpu.memref_slice %arg5[%dma_start3A_431, %dma_start3A_435] : memref<25x128xi32, #tpu.memory_space<vmem>> -> memref<1x128xi32, #tpu.memory_space<vmem>>
    %dma_start3A_437 = tpu.memref_squeeze %dma_start3A_436 : memref<1x128xi32, #tpu.memory_space<vmem>> -> memref<128xi32, #tpu.memory_space<vmem>>
    %dma_start3A_438 = arith.constant 0 : i32
    %dma_start3A_439 = arith.constant 0 : i32
    %dma_start3A_440 = tpu.memref_slice %arg2[%dma_start3A_438, %dma_start3A_439] : memref<100000x128xf32, #tpu.memory_space<hbm>> -> memref<100000x128xf32, #tpu.memory_space<hbm>>
    tpu.enqueue_indirect_dma source(%dma_start3A_440 : memref<100000x128xf32, #tpu.memory_space<hbm>>) target(%dma_start3A_434 : memref<128x128xf32, #tpu.memory_space<vmem>>) offsets(%dma_start3A_437 : memref<128xi32, #tpu.memory_space<vmem>>) semaphore(%arg7 : memref<!tpu.dma_semaphore, #tpu.memory_space<semaphore_mem>>)
    %dma_start3A_441 = arith.constant 23 : i32
    %dma_start3A_442 = arith.constant 384 : i32
    %dma_start3A_443 = arith.constant 0 : i32
    %dma_start3A_444 = tpu.memref_slice %arg6[%dma_start3A_442, %dma_start3A_443] : memref<640x128xf32, #tpu.memory_space<vmem>> -> memref<128x128xf32, #tpu.memory_space<vmem>>
    %dma_start3A_445 = arith.constant 0 : i32
    %dma_start3A_446 = tpu.memref_slice %arg5[%dma_start3A_441, %dma_start3A_445] : memref<25x128xi32, #tpu.memory_space<vmem>> -> memref<1x128xi32, #tpu.memory_space<vmem>>
    %dma_start3A_447 = tpu.memref_squeeze %dma_start3A_446 : memref<1x128xi32, #tpu.memory_space<vmem>> -> memref<128xi32, #tpu.memory_space<vmem>>
    %dma_start3A_448 = arith.constant 0 : i32
    %dma_start3A_449 = arith.constant 0 : i32
    %dma_start3A_450 = tpu.memref_slice %arg2[%dma_start3A_448, %dma_start3A_449] : memref<100000x128xf32, #tpu.memory_space<hbm>> -> memref<100000x128xf32, #tpu.memory_space<hbm>>
    tpu.enqueue_indirect_dma source(%dma_start3A_450 : memref<100000x128xf32, #tpu.memory_space<hbm>>) target(%dma_start3A_444 : memref<128x128xf32, #tpu.memory_space<vmem>>) offsets(%dma_start3A_447 : memref<128xi32, #tpu.memory_space<vmem>>) semaphore(%arg7 : memref<!tpu.dma_semaphore, #tpu.memory_space<semaphore_mem>>)
    %dma_start3A_451 = arith.constant 24 : i32
    %dma_start3A_452 = arith.constant 512 : i32
    %dma_start3A_453 = arith.constant 0 : i32
    %dma_start3A_454 = tpu.memref_slice %arg6[%dma_start3A_452, %dma_start3A_453] : memref<640x128xf32, #tpu.memory_space<vmem>> -> memref<128x128xf32, #tpu.memory_space<vmem>>
    %dma_start3A_455 = arith.constant 0 : i32
    %dma_start3A_456 = tpu.memref_slice %arg5[%dma_start3A_451, %dma_start3A_455] : memref<25x128xi32, #tpu.memory_space<vmem>> -> memref<1x128xi32, #tpu.memory_space<vmem>>
    %dma_start3A_457 = tpu.memref_squeeze %dma_start3A_456 : memref<1x128xi32, #tpu.memory_space<vmem>> -> memref<128xi32, #tpu.memory_space<vmem>>
    %dma_start3A_458 = arith.constant 0 : i32
    %dma_start3A_459 = arith.constant 0 : i32
    %dma_start3A_460 = tpu.memref_slice %arg2[%dma_start3A_458, %dma_start3A_459] : memref<100000x128xf32, #tpu.memory_space<hbm>> -> memref<100000x128xf32, #tpu.memory_space<hbm>>
    tpu.enqueue_indirect_dma source(%dma_start3A_460 : memref<100000x128xf32, #tpu.memory_space<hbm>>) target(%dma_start3A_454 : memref<128x128xf32, #tpu.memory_space<vmem>>) offsets(%dma_start3A_457 : memref<128xi32, #tpu.memory_space<vmem>>) semaphore(%arg7 : memref<!tpu.dma_semaphore, #tpu.memory_space<semaphore_mem>>)
    %dma_wait3A_461 = arith.constant 20 : i32
    %dma_wait3A_462 = arith.constant 0 : i32
    %dma_wait3A_463 = arith.constant 0 : i32
    %dma_wait3A_464 = tpu.memref_slice %arg6[%dma_wait3A_462, %dma_wait3A_463] : memref<640x128xf32, #tpu.memory_space<vmem>> -> memref<128x128xf32, #tpu.memory_space<vmem>>
    %dma_wait3A_465 = arith.constant 0 : i32
    %dma_wait3A_466 = tpu.memref_slice %arg5[%dma_wait3A_461, %dma_wait3A_465] : memref<25x128xi32, #tpu.memory_space<vmem>> -> memref<1x128xi32, #tpu.memory_space<vmem>>
    %dma_wait3A_467 = tpu.memref_squeeze %dma_wait3A_466 : memref<1x128xi32, #tpu.memory_space<vmem>> -> memref<128xi32, #tpu.memory_space<vmem>>
    %dma_wait3A_468 = arith.constant 0 : i32
    %dma_wait3A_469 = arith.constant 0 : i32
    %dma_wait3A_470 = tpu.memref_slice %arg2[%dma_wait3A_468, %dma_wait3A_469] : memref<100000x128xf32, #tpu.memory_space<hbm>> -> memref<100000x128xf32, #tpu.memory_space<hbm>>
    tpu.wait_indirect_dma semaphore(%arg7 : memref<!tpu.dma_semaphore, #tpu.memory_space<semaphore_mem>>) src(%dma_wait3A_470 : memref<100000x128xf32, #tpu.memory_space<hbm>>) dst(%dma_wait3A_464 : memref<128x128xf32, #tpu.memory_space<vmem>>)
    %dma_wait3A_471 = arith.constant 21 : i32
    %dma_wait3A_472 = arith.constant 128 : i32
    %dma_wait3A_473 = arith.constant 0 : i32
    %dma_wait3A_474 = tpu.memref_slice %arg6[%dma_wait3A_472, %dma_wait3A_473] : memref<640x128xf32, #tpu.memory_space<vmem>> -> memref<128x128xf32, #tpu.memory_space<vmem>>
    %dma_wait3A_475 = arith.constant 0 : i32
    %dma_wait3A_476 = tpu.memref_slice %arg5[%dma_wait3A_471, %dma_wait3A_475] : memref<25x128xi32, #tpu.memory_space<vmem>> -> memref<1x128xi32, #tpu.memory_space<vmem>>
    %dma_wait3A_477 = tpu.memref_squeeze %dma_wait3A_476 : memref<1x128xi32, #tpu.memory_space<vmem>> -> memref<128xi32, #tpu.memory_space<vmem>>
    %dma_wait3A_478 = arith.constant 0 : i32
    %dma_wait3A_479 = arith.constant 0 : i32
    %dma_wait3A_480 = tpu.memref_slice %arg2[%dma_wait3A_478, %dma_wait3A_479] : memref<100000x128xf32, #tpu.memory_space<hbm>> -> memref<100000x128xf32, #tpu.memory_space<hbm>>
    tpu.wait_indirect_dma semaphore(%arg7 : memref<!tpu.dma_semaphore, #tpu.memory_space<semaphore_mem>>) src(%dma_wait3A_480 : memref<100000x128xf32, #tpu.memory_space<hbm>>) dst(%dma_wait3A_474 : memref<128x128xf32, #tpu.memory_space<vmem>>)
    %dma_wait3A_481 = arith.constant 22 : i32
    %dma_wait3A_482 = arith.constant 256 : i32
    %dma_wait3A_483 = arith.constant 0 : i32
    %dma_wait3A_484 = tpu.memref_slice %arg6[%dma_wait3A_482, %dma_wait3A_483] : memref<640x128xf32, #tpu.memory_space<vmem>> -> memref<128x128xf32, #tpu.memory_space<vmem>>
    %dma_wait3A_485 = arith.constant 0 : i32
    %dma_wait3A_486 = tpu.memref_slice %arg5[%dma_wait3A_481, %dma_wait3A_485] : memref<25x128xi32, #tpu.memory_space<vmem>> -> memref<1x128xi32, #tpu.memory_space<vmem>>
    %dma_wait3A_487 = tpu.memref_squeeze %dma_wait3A_486 : memref<1x128xi32, #tpu.memory_space<vmem>> -> memref<128xi32, #tpu.memory_space<vmem>>
    %dma_wait3A_488 = arith.constant 0 : i32
    %dma_wait3A_489 = arith.constant 0 : i32
    %dma_wait3A_490 = tpu.memref_slice %arg2[%dma_wait3A_488, %dma_wait3A_489] : memref<100000x128xf32, #tpu.memory_space<hbm>> -> memref<100000x128xf32, #tpu.memory_space<hbm>>
    tpu.wait_indirect_dma semaphore(%arg7 : memref<!tpu.dma_semaphore, #tpu.memory_space<semaphore_mem>>) src(%dma_wait3A_490 : memref<100000x128xf32, #tpu.memory_space<hbm>>) dst(%dma_wait3A_484 : memref<128x128xf32, #tpu.memory_space<vmem>>)
    %dma_wait3A_491 = arith.constant 23 : i32
    %dma_wait3A_492 = arith.constant 384 : i32
    %dma_wait3A_493 = arith.constant 0 : i32
    %dma_wait3A_494 = tpu.memref_slice %arg6[%dma_wait3A_492, %dma_wait3A_493] : memref<640x128xf32, #tpu.memory_space<vmem>> -> memref<128x128xf32, #tpu.memory_space<vmem>>
    %dma_wait3A_495 = arith.constant 0 : i32
    %dma_wait3A_496 = tpu.memref_slice %arg5[%dma_wait3A_491, %dma_wait3A_495] : memref<25x128xi32, #tpu.memory_space<vmem>> -> memref<1x128xi32, #tpu.memory_space<vmem>>
    %dma_wait3A_497 = tpu.memref_squeeze %dma_wait3A_496 : memref<1x128xi32, #tpu.memory_space<vmem>> -> memref<128xi32, #tpu.memory_space<vmem>>
    %dma_wait3A_498 = arith.constant 0 : i32
    %dma_wait3A_499 = arith.constant 0 : i32
    %dma_wait3A_500 = tpu.memref_slice %arg2[%dma_wait3A_498, %dma_wait3A_499] : memref<100000x128xf32, #tpu.memory_space<hbm>> -> memref<100000x128xf32, #tpu.memory_space<hbm>>
    tpu.wait_indirect_dma semaphore(%arg7 : memref<!tpu.dma_semaphore, #tpu.memory_space<semaphore_mem>>) src(%dma_wait3A_500 : memref<100000x128xf32, #tpu.memory_space<hbm>>) dst(%dma_wait3A_494 : memref<128x128xf32, #tpu.memory_space<vmem>>)
    %dma_wait3A_501 = arith.constant 24 : i32
    %dma_wait3A_502 = arith.constant 512 : i32
    %dma_wait3A_503 = arith.constant 0 : i32
    %dma_wait3A_504 = tpu.memref_slice %arg6[%dma_wait3A_502, %dma_wait3A_503] : memref<640x128xf32, #tpu.memory_space<vmem>> -> memref<128x128xf32, #tpu.memory_space<vmem>>
    %dma_wait3A_505 = arith.constant 0 : i32
    %dma_wait3A_506 = tpu.memref_slice %arg5[%dma_wait3A_501, %dma_wait3A_505] : memref<25x128xi32, #tpu.memory_space<vmem>> -> memref<1x128xi32, #tpu.memory_space<vmem>>
    %dma_wait3A_507 = tpu.memref_squeeze %dma_wait3A_506 : memref<1x128xi32, #tpu.memory_space<vmem>> -> memref<128xi32, #tpu.memory_space<vmem>>
    %dma_wait3A_508 = arith.constant 0 : i32
    %dma_wait3A_509 = arith.constant 0 : i32
    %dma_wait3A_510 = tpu.memref_slice %arg2[%dma_wait3A_508, %dma_wait3A_509] : memref<100000x128xf32, #tpu.memory_space<hbm>> -> memref<100000x128xf32, #tpu.memory_space<hbm>>
    tpu.wait_indirect_dma semaphore(%arg7 : memref<!tpu.dma_semaphore, #tpu.memory_space<semaphore_mem>>) src(%dma_wait3A_510 : memref<100000x128xf32, #tpu.memory_space<hbm>>) dst(%dma_wait3A_504 : memref<128x128xf32, #tpu.memory_space<vmem>>)
    "tpu.region"() ({
      %run_scoped3A = tpu.sem_alloc : memref<!tpu.dma_semaphore, #tpu.memory_space<semaphore_mem>>
      %dma_start3A_511 = arith.constant 0 : i32
      %dma_start3A_512 = tpu.memref_slice %arg4[%add3A_410, %dma_start3A_511] : memref<102400x128xf32, #tpu.memory_space<hbm>> -> memref<640x128xf32, #tpu.memory_space<hbm>>
      %dma_start3A_513 = arith.constant 0 : i32
      %dma_start3A_514 = tpu.memref_slice %arg4[%add3A_410, %dma_start3A_513] : memref<102400x128xf32, #tpu.memory_space<hbm>> -> memref<640x128xf32, #tpu.memory_space<hbm>>
      tpu.enqueue_dma source(%arg6 : memref<640x128xf32, #tpu.memory_space<vmem>>) target(%dma_start3A_514 : memref<640x128xf32, #tpu.memory_space<hbm>>) target_semaphore(%run_scoped3A : memref<!tpu.dma_semaphore, #tpu.memory_space<semaphore_mem>>)
      %dma_wait3A_515 = arith.constant 0 : i32
      %dma_wait3A_516 = tpu.memref_slice %arg4[%add3A_410, %dma_wait3A_515] : memref<102400x128xf32, #tpu.memory_space<hbm>> -> memref<640x128xf32, #tpu.memory_space<hbm>>
      %dma_wait3A_517 = arith.constant 0 : i32
      %dma_wait3A_518 = tpu.memref_slice %arg4[%add3A_410, %dma_wait3A_517] : memref<102400x128xf32, #tpu.memory_space<hbm>> -> memref<640x128xf32, #tpu.memory_space<hbm>>
      tpu.wait_dma2 semaphore(%run_scoped3A : memref<!tpu.dma_semaphore, #tpu.memory_space<semaphore_mem>>) src(%arg6 : memref<640x128xf32, #tpu.memory_space<vmem>>) dst(%dma_wait3A_518 : memref<640x128xf32, #tpu.memory_space<hbm>>)
      tpu.yield
    }) : () -> ()
    return
  }
}

module attributes {stable_mosaic.version = 14 : i64} {
  func.func @_gw_body(%arg0: i32, %arg1: memref<300x2048xf32, #tpu.memory_space<vmem>>, %arg2: memref<300x128xf32, #tpu.memory_space<vmem>>, %arg3: memref<1x128xf32, #tpu.memory_space<vmem>>, %arg4: memref<2048x128xf32, #tpu.memory_space<vmem>>) attributes {dimension_semantics = [#tpu.dimension_semantics<arbitrary>], iteration_bounds = array<i64: 49>, scalar_prefetch = 0 : i64, scratch_operands = 0 : i64, tpu.core_type = #tpu.core_type<tc>, window_params = [{transform_indices = @transform_0, window_bounds = array<i64: 300, 2048>}, {pipeline_mode = #tpu.pipeline_mode<synchronous>, transform_indices = @transform_1, window_bounds = array<i64: 300, 128>}, {pipeline_mode = #tpu.pipeline_mode<synchronous>, transform_indices = @transform_2, window_bounds = array<i64: 1, 128>}, {transform_indices = @transform_3, window_bounds = array<i64: 2048, 128>}]} {
    %get3A = arith.constant 0 : index
    %get3A_0 = arith.constant 0 : index
    %get3A_1 = vector.load %arg1[%get3A, %get3A_0] : memref<300x2048xf32, #tpu.memory_space<vmem>>, vector<300x2048xf32>
    %get3A_2 = arith.constant 0 : index
    %get3A_3 = arith.constant 0 : index
    %get3A_4 = vector.load %arg2[%get3A_2, %get3A_3] : memref<300x128xf32, #tpu.memory_space<vmem>>, vector<300x128xf32>
    %dot_general3A = arith.constant dense<0.000000e+00> : vector<2048x128xf32>
    %dot_general3A_5 = tpu.matmul %get3A_1, %get3A_4, %dot_general3A {dimension_numbers = #tpu.dot_dimension_numbers<[0], [0], [1], [1], [0, 1, 1, 1], [], []>, transpose_lhs_hint = false} : vector<300x2048xf32>, vector<300x128xf32>, vector<2048x128xf32> -> vector<2048x128xf32>
    %get3A_6 = arith.constant 0 : index
    %get3A_7 = arith.constant 0 : index
    %get3A_8 = vector.load %arg3[%get3A_6, %get3A_7] : memref<1x128xf32, #tpu.memory_space<vmem>>, vector<1x128xf32>
    %add3A = vector.broadcast %get3A_8 : vector<1x128xf32> to vector<2048x128xf32>
    %add3A_9 = arith.addf %dot_general3A_5, %add3A : vector<2048x128xf32>
    %mul3A = arith.constant 2048 : i32
    %mul3A_10 = arith.muli %arg0, %mul3A : i32
    %iota3A = tpu.iota {dimensions = array<i32: 0>} : vector<2048x128xi32>
    %add3A_11 = vector.broadcast %mul3A_10 : i32 to vector<2048x128xi32>
    %add3A_12 = arith.addi %add3A_11, %iota3A : vector<2048x128xi32>
    %iota3A_13 = tpu.iota {dimensions = array<i32: 1>} : vector<2048x128xi32>
    %ne3A = arith.constant 0 : i32
    %ne3A_14 = vector.broadcast %ne3A : i32 to vector<2048x128xi32>
    %ne3A_15 = arith.cmpi ne, %add3A_12, %ne3A_14 : vector<2048x128xi32>
    %convert_element_type3A = arith.extui %ne3A_15 : vector<2048x128xi1> to vector<2048x128xi32>
    %convert_element_type3A_16 = arith.sitofp %convert_element_type3A : vector<2048x128xi32> to vector<2048x128xf32>
    %eq3A = arith.constant 100 : i32
    %eq3A_17 = vector.broadcast %eq3A : i32 to vector<2048x128xi32>
    %eq3A_18 = arith.cmpi eq, %iota3A_13, %eq3A_17 : vector<2048x128xi32>
    %select_n3A = arith.select %eq3A_18, %convert_element_type3A_16, %add3A_9 : vector<2048x128xi1>, vector<2048x128xf32>
    %swap3A = arith.constant 0 : index
    %swap3A_19 = arith.constant 0 : index
    %swap3A_20 = vector.load %arg4[%swap3A, %swap3A_19] : memref<2048x128xf32, #tpu.memory_space<vmem>>, vector<2048x128xf32>
    tpu.vector_store %arg4[%swap3A, %swap3A_19], %select_n3A {strides = array<i32>} : memref<2048x128xf32, #tpu.memory_space<vmem>>, vector<2048x128xf32>,
    return
  }
  func.func @transform_0(%arg0: i32) -> (i32, i32) {
    %c0_i32 = arith.constant 0 : i32
    %c0_i32_0 = arith.constant 0 : i32
    return %c0_i32, %arg0 : i32, i32
  }
  func.func @transform_1(%arg0: i32) -> (i32, i32) {
    %c0_i32 = arith.constant 0 : i32
    %c0_i32_0 = arith.constant 0 : i32
    %c0_i32_1 = arith.constant 0 : i32
    return %c0_i32, %c0_i32_0 : i32, i32
  }
  func.func @transform_2(%arg0: i32) -> (i32, i32) {
    %c0_i32 = arith.constant 0 : i32
    %c0_i32_0 = arith.constant 0 : i32
    %c0_i32_1 = arith.constant 0 : i32
    return %c0_i32, %c0_i32_0 : i32, i32
  }
  func.func @transform_3(%arg0: i32) -> (i32, i32) {
    %c0_i32 = arith.constant 0 : i32
    %c0_i32_0 = arith.constant 0 : i32
    return %arg0, %c0_i32 : i32, i32
  }
}

module attributes {stable_mosaic.version = 14 : i64} {
  func.func @_scan_body(%arg0: i32, %arg1: memref<10x1024x128xf32, #tpu.memory_space<vmem>>, %arg2: memref<128x128xf32, #tpu.memory_space<vmem>>, %arg3: memref<128x64xf32, #tpu.memory_space<vmem>>, %arg4: memref<1x64xf32, #tpu.memory_space<vmem>>, %arg5: memref<1024x128xf32, #tpu.memory_space<vmem>>, %arg6: memref<1024x128xf32, #tpu.memory_space<vmem>>, %arg7: memref<1024x128xf32, #tpu.memory_space<vmem>>) attributes {dimension_semantics = [#tpu.dimension_semantics<arbitrary>], iteration_bounds = array<i64: 10>, scalar_prefetch = 0 : i64, scratch_operands = 1 : i64, tpu.core_type = #tpu.core_type<tc>, window_params = [{transform_indices = @transform_0, window_bounds = array<i64: 10, 1024, 128>}, {pipeline_mode = #tpu.pipeline_mode<synchronous>, transform_indices = @transform_1, window_bounds = array<i64: 128, 128>}, {pipeline_mode = #tpu.pipeline_mode<synchronous>, transform_indices = @transform_2, window_bounds = array<i64: 128, 64>}, {pipeline_mode = #tpu.pipeline_mode<synchronous>, transform_indices = @transform_3, window_bounds = array<i64: 1, 64>}, {pipeline_mode = #tpu.pipeline_mode<synchronous>, transform_indices = @transform_4, window_bounds = array<i64: 1024, 128>}, {pipeline_mode = #tpu.pipeline_mode<synchronous>, transform_indices = @transform_5, window_bounds = array<i64: 1024, 128>}]} {
    %eq3A = arith.constant 0 : i32
    %eq3A_0 = arith.cmpi eq, %arg0, %eq3A : i32
    %convert_element_type3A = arith.extui %eq3A_0 : i1 to i32
    %cond3A = arith.constant 0 : i32
    %cond3A_1 = arith.cmpi ne, %convert_element_type3A, %cond3A : i32
    scf.if %cond3A_1 {
      %get3A_334 = arith.constant 0 : index
      %get3A_335 = arith.constant 0 : index
      %get3A_336 = vector.load %arg5[%get3A_334, %get3A_335] : memref<1024x128xf32, #tpu.memory_space<vmem>>, vector<1024x128xf32>
      %swap3A_337 = arith.constant 0 : index
      %swap3A_338 = arith.constant 0 : index
      %swap3A_339 = vector.load %arg7[%swap3A_337, %swap3A_338] : memref<1024x128xf32, #tpu.memory_space<vmem>>, vector<1024x128xf32>
      tpu.vector_store %arg7[%swap3A_337, %swap3A_338], %get3A_336 {strides = array<i32>} : memref<1024x128xf32, #tpu.memory_space<vmem>>, vector<1024x128xf32>,
    } else {
    }
    %get3A = arith.constant 0 : index
    %get3A_2 = arith.constant 0 : index
    %get3A_3 = vector.load %arg7[%get3A, %get3A_2] : memref<1024x128xf32, #tpu.memory_space<vmem>>, vector<512x128xf32>
    %get3A_4 = arith.constant 512 : index
    %get3A_5 = arith.constant 0 : index
    %get3A_6 = vector.load %arg7[%get3A_4, %get3A_5] : memref<1024x128xf32, #tpu.memory_space<vmem>>, vector<512x128xf32>
    %get3A_7 = arith.constant 0 : index
    %get3A_8 = arith.constant 0 : index
    %get3A_9 = vector.load %arg2[%get3A_7, %get3A_8] : memref<128x128xf32, #tpu.memory_space<vmem>>, vector<128x128xf32>
    %get3A_10 = arith.constant 0 : index
    %get3A_11 = arith.constant 0 : index
    %get3A_12 = arith.constant 0 : index
    %get3A_13 = vector.load %arg1[%get3A_10, %get3A_11, %get3A_12] : memref<10x1024x128xf32, #tpu.memory_space<vmem>>, vector<1x512x128xf32>
    %get3A_14 = vector.shape_cast %get3A_13 : vector<1x512x128xf32> to vector<512x128xf32>
    %get3A_15 = arith.constant 0 : index
    %get3A_16 = arith.constant 512 : index
    %get3A_17 = arith.constant 0 : index
    %get3A_18 = vector.load %arg1[%get3A_15, %get3A_16, %get3A_17] : memref<10x1024x128xf32, #tpu.memory_space<vmem>>, vector<1x512x128xf32>
    %get3A_19 = vector.shape_cast %get3A_18 : vector<1x512x128xf32> to vector<512x128xf32>
    %slice3A = vector.extract_strided_slice %get3A_14 {offsets = [0, 100], sizes = [512, 1], strides = [1, 1]} : vector<512x128xf32> to vector<512x1xf32>
    %ne3A = arith.constant 0.000000e+00 : f32
    %ne3A_20 = vector.broadcast %ne3A : f32 to vector<512x1xf32>
    %ne3A_21 = arith.cmpf one, %slice3A, %ne3A_20 : vector<512x1xf32>
    %slice3A_22 = vector.extract_strided_slice %get3A_19 {offsets = [0, 100], sizes = [512, 1], strides = [1, 1]} : vector<512x128xf32> to vector<512x1xf32>
    %ne3A_23 = arith.constant 0.000000e+00 : f32
    %ne3A_24 = vector.broadcast %ne3A_23 : f32 to vector<512x1xf32>
    %ne3A_25 = arith.cmpf one, %slice3A_22, %ne3A_24 : vector<512x1xf32>
    %dot_general3A = arith.constant dense<0.000000e+00> : vector<512x128xf32>
    %dot_general3A_26 = tpu.matmul %get3A_3, %get3A_9, %dot_general3A {dimension_numbers = #tpu.dot_dimension_numbers<[1], [0], [0], [1], [0, 0, 1, 1], [], []>, transpose_lhs_hint = false} : vector<512x128xf32>, vector<128x128xf32>, vector<512x128xf32> -> vector<512x128xf32>
    %add3A = arith.addf %get3A_14, %dot_general3A_26 : vector<512x128xf32>
    %tanh3A = math.tanh %add3A : vector<512x128xf32>
    %dot_general3A_27 = arith.constant dense<0.000000e+00> : vector<512x128xf32>
    %dot_general3A_28 = tpu.matmul %get3A_6, %get3A_9, %dot_general3A_27 {dimension_numbers = #tpu.dot_dimension_numbers<[1], [0], [0], [1], [0, 0, 1, 1], [], []>, transpose_lhs_hint = false} : vector<512x128xf32>, vector<128x128xf32>, vector<512x128xf32> -> vector<512x128xf32>
    %add3A_29 = arith.addf %get3A_19, %dot_general3A_28 : vector<512x128xf32>
    %tanh3A_30 = math.tanh %add3A_29 : vector<512x128xf32>
    %broadcast_in_dim3A = vector.shape_cast %ne3A_21 : vector<512x1xi1> to vector<512x1xi1>
    %broadcast_in_dim3A_31 = vector.broadcast %broadcast_in_dim3A : vector<512x1xi1> to vector<512x128xi1>
    %select_n3A = arith.select %broadcast_in_dim3A_31, %tanh3A, %get3A_3 : vector<512x128xi1>, vector<512x128xf32>
    %broadcast_in_dim3A_32 = vector.shape_cast %ne3A_25 : vector<512x1xi1> to vector<512x1xi1>
    %broadcast_in_dim3A_33 = vector.broadcast %broadcast_in_dim3A_32 : vector<512x1xi1> to vector<512x128xi1>
    %select_n3A_34 = arith.select %broadcast_in_dim3A_33, %tanh3A_30, %get3A_6 : vector<512x128xi1>, vector<512x128xf32>
    %get3A_35 = arith.constant 1 : index
    %get3A_36 = arith.constant 0 : index
    %get3A_37 = arith.constant 0 : index
    %get3A_38 = vector.load %arg1[%get3A_35, %get3A_36, %get3A_37] : memref<10x1024x128xf32, #tpu.memory_space<vmem>>, vector<1x512x128xf32>
    %get3A_39 = vector.shape_cast %get3A_38 : vector<1x512x128xf32> to vector<512x128xf32>
    %get3A_40 = arith.constant 1 : index
    %get3A_41 = arith.constant 512 : index
    %get3A_42 = arith.constant 0 : index
    %get3A_43 = vector.load %arg1[%get3A_40, %get3A_41, %get3A_42] : memref<10x1024x128xf32, #tpu.memory_space<vmem>>, vector<1x512x128xf32>
    %get3A_44 = vector.shape_cast %get3A_43 : vector<1x512x128xf32> to vector<512x128xf32>
    %slice3A_45 = vector.extract_strided_slice %get3A_39 {offsets = [0, 100], sizes = [512, 1], strides = [1, 1]} : vector<512x128xf32> to vector<512x1xf32>
    %ne3A_46 = arith.constant 0.000000e+00 : f32
    %ne3A_47 = vector.broadcast %ne3A_46 : f32 to vector<512x1xf32>
    %ne3A_48 = arith.cmpf one, %slice3A_45, %ne3A_47 : vector<512x1xf32>
    %slice3A_49 = vector.extract_strided_slice %get3A_44 {offsets = [0, 100], sizes = [512, 1], strides = [1, 1]} : vector<512x128xf32> to vector<512x1xf32>
    %ne3A_50 = arith.constant 0.000000e+00 : f32
    %ne3A_51 = vector.broadcast %ne3A_50 : f32 to vector<512x1xf32>
    %ne3A_52 = arith.cmpf one, %slice3A_49, %ne3A_51 : vector<512x1xf32>
    %dot_general3A_53 = arith.constant dense<0.000000e+00> : vector<512x128xf32>
    %dot_general3A_54 = tpu.matmul %select_n3A, %get3A_9, %dot_general3A_53 {dimension_numbers = #tpu.dot_dimension_numbers<[1], [0], [0], [1], [0, 0, 1, 1], [], []>, transpose_lhs_hint = false} : vector<512x128xf32>, vector<128x128xf32>, vector<512x128xf32> -> vector<512x128xf32>
    %add3A_55 = arith.addf %get3A_39, %dot_general3A_54 : vector<512x128xf32>
    %tanh3A_56 = math.tanh %add3A_55 : vector<512x128xf32>
    %dot_general3A_57 = arith.constant dense<0.000000e+00> : vector<512x128xf32>
    %dot_general3A_58 = tpu.matmul %select_n3A_34, %get3A_9, %dot_general3A_57 {dimension_numbers = #tpu.dot_dimension_numbers<[1], [0], [0], [1], [0, 0, 1, 1], [], []>, transpose_lhs_hint = false} : vector<512x128xf32>, vector<128x128xf32>, vector<512x128xf32> -> vector<512x128xf32>
    %add3A_59 = arith.addf %get3A_44, %dot_general3A_58 : vector<512x128xf32>
    %tanh3A_60 = math.tanh %add3A_59 : vector<512x128xf32>
    %broadcast_in_dim3A_61 = vector.shape_cast %ne3A_48 : vector<512x1xi1> to vector<512x1xi1>
    %broadcast_in_dim3A_62 = vector.broadcast %broadcast_in_dim3A_61 : vector<512x1xi1> to vector<512x128xi1>
    %select_n3A_63 = arith.select %broadcast_in_dim3A_62, %tanh3A_56, %select_n3A : vector<512x128xi1>, vector<512x128xf32>
    %broadcast_in_dim3A_64 = vector.shape_cast %ne3A_52 : vector<512x1xi1> to vector<512x1xi1>
    %broadcast_in_dim3A_65 = vector.broadcast %broadcast_in_dim3A_64 : vector<512x1xi1> to vector<512x128xi1>
    %select_n3A_66 = arith.select %broadcast_in_dim3A_65, %tanh3A_60, %select_n3A_34 : vector<512x128xi1>, vector<512x128xf32>
    %get3A_67 = arith.constant 2 : index
    %get3A_68 = arith.constant 0 : index
    %get3A_69 = arith.constant 0 : index
    %get3A_70 = vector.load %arg1[%get3A_67, %get3A_68, %get3A_69] : memref<10x1024x128xf32, #tpu.memory_space<vmem>>, vector<1x512x128xf32>
    %get3A_71 = vector.shape_cast %get3A_70 : vector<1x512x128xf32> to vector<512x128xf32>
    %get3A_72 = arith.constant 2 : index
    %get3A_73 = arith.constant 512 : index
    %get3A_74 = arith.constant 0 : index
    %get3A_75 = vector.load %arg1[%get3A_72, %get3A_73, %get3A_74] : memref<10x1024x128xf32, #tpu.memory_space<vmem>>, vector<1x512x128xf32>
    %get3A_76 = vector.shape_cast %get3A_75 : vector<1x512x128xf32> to vector<512x128xf32>
    %slice3A_77 = vector.extract_strided_slice %get3A_71 {offsets = [0, 100], sizes = [512, 1], strides = [1, 1]} : vector<512x128xf32> to vector<512x1xf32>
    %ne3A_78 = arith.constant 0.000000e+00 : f32
    %ne3A_79 = vector.broadcast %ne3A_78 : f32 to vector<512x1xf32>
    %ne3A_80 = arith.cmpf one, %slice3A_77, %ne3A_79 : vector<512x1xf32>
    %slice3A_81 = vector.extract_strided_slice %get3A_76 {offsets = [0, 100], sizes = [512, 1], strides = [1, 1]} : vector<512x128xf32> to vector<512x1xf32>
    %ne3A_82 = arith.constant 0.000000e+00 : f32
    %ne3A_83 = vector.broadcast %ne3A_82 : f32 to vector<512x1xf32>
    %ne3A_84 = arith.cmpf one, %slice3A_81, %ne3A_83 : vector<512x1xf32>
    %dot_general3A_85 = arith.constant dense<0.000000e+00> : vector<512x128xf32>
    %dot_general3A_86 = tpu.matmul %select_n3A_63, %get3A_9, %dot_general3A_85 {dimension_numbers = #tpu.dot_dimension_numbers<[1], [0], [0], [1], [0, 0, 1, 1], [], []>, transpose_lhs_hint = false} : vector<512x128xf32>, vector<128x128xf32>, vector<512x128xf32> -> vector<512x128xf32>
    %add3A_87 = arith.addf %get3A_71, %dot_general3A_86 : vector<512x128xf32>
    %tanh3A_88 = math.tanh %add3A_87 : vector<512x128xf32>
    %dot_general3A_89 = arith.constant dense<0.000000e+00> : vector<512x128xf32>
    %dot_general3A_90 = tpu.matmul %select_n3A_66, %get3A_9, %dot_general3A_89 {dimension_numbers = #tpu.dot_dimension_numbers<[1], [0], [0], [1], [0, 0, 1, 1], [], []>, transpose_lhs_hint = false} : vector<512x128xf32>, vector<128x128xf32>, vector<512x128xf32> -> vector<512x128xf32>
    %add3A_91 = arith.addf %get3A_76, %dot_general3A_90 : vector<512x128xf32>
    %tanh3A_92 = math.tanh %add3A_91 : vector<512x128xf32>
    %broadcast_in_dim3A_93 = vector.shape_cast %ne3A_80 : vector<512x1xi1> to vector<512x1xi1>
    %broadcast_in_dim3A_94 = vector.broadcast %broadcast_in_dim3A_93 : vector<512x1xi1> to vector<512x128xi1>
    %select_n3A_95 = arith.select %broadcast_in_dim3A_94, %tanh3A_88, %select_n3A_63 : vector<512x128xi1>, vector<512x128xf32>
    %broadcast_in_dim3A_96 = vector.shape_cast %ne3A_84 : vector<512x1xi1> to vector<512x1xi1>
    %broadcast_in_dim3A_97 = vector.broadcast %broadcast_in_dim3A_96 : vector<512x1xi1> to vector<512x128xi1>
    %select_n3A_98 = arith.select %broadcast_in_dim3A_97, %tanh3A_92, %select_n3A_66 : vector<512x128xi1>, vector<512x128xf32>
    %get3A_99 = arith.constant 3 : index
    %get3A_100 = arith.constant 0 : index
    %get3A_101 = arith.constant 0 : index
    %get3A_102 = vector.load %arg1[%get3A_99, %get3A_100, %get3A_101] : memref<10x1024x128xf32, #tpu.memory_space<vmem>>, vector<1x512x128xf32>
    %get3A_103 = vector.shape_cast %get3A_102 : vector<1x512x128xf32> to vector<512x128xf32>
    %get3A_104 = arith.constant 3 : index
    %get3A_105 = arith.constant 512 : index
    %get3A_106 = arith.constant 0 : index
    %get3A_107 = vector.load %arg1[%get3A_104, %get3A_105, %get3A_106] : memref<10x1024x128xf32, #tpu.memory_space<vmem>>, vector<1x512x128xf32>
    %get3A_108 = vector.shape_cast %get3A_107 : vector<1x512x128xf32> to vector<512x128xf32>
    %slice3A_109 = vector.extract_strided_slice %get3A_103 {offsets = [0, 100], sizes = [512, 1], strides = [1, 1]} : vector<512x128xf32> to vector<512x1xf32>
    %ne3A_110 = arith.constant 0.000000e+00 : f32
    %ne3A_111 = vector.broadcast %ne3A_110 : f32 to vector<512x1xf32>
    %ne3A_112 = arith.cmpf one, %slice3A_109, %ne3A_111 : vector<512x1xf32>
    %slice3A_113 = vector.extract_strided_slice %get3A_108 {offsets = [0, 100], sizes = [512, 1], strides = [1, 1]} : vector<512x128xf32> to vector<512x1xf32>
    %ne3A_114 = arith.constant 0.000000e+00 : f32
    %ne3A_115 = vector.broadcast %ne3A_114 : f32 to vector<512x1xf32>
    %ne3A_116 = arith.cmpf one, %slice3A_113, %ne3A_115 : vector<512x1xf32>
    %dot_general3A_117 = arith.constant dense<0.000000e+00> : vector<512x128xf32>
    %dot_general3A_118 = tpu.matmul %select_n3A_95, %get3A_9, %dot_general3A_117 {dimension_numbers = #tpu.dot_dimension_numbers<[1], [0], [0], [1], [0, 0, 1, 1], [], []>, transpose_lhs_hint = false} : vector<512x128xf32>, vector<128x128xf32>, vector<512x128xf32> -> vector<512x128xf32>
    %add3A_119 = arith.addf %get3A_103, %dot_general3A_118 : vector<512x128xf32>
    %tanh3A_120 = math.tanh %add3A_119 : vector<512x128xf32>
    %dot_general3A_121 = arith.constant dense<0.000000e+00> : vector<512x128xf32>
    %dot_general3A_122 = tpu.matmul %select_n3A_98, %get3A_9, %dot_general3A_121 {dimension_numbers = #tpu.dot_dimension_numbers<[1], [0], [0], [1], [0, 0, 1, 1], [], []>, transpose_lhs_hint = false} : vector<512x128xf32>, vector<128x128xf32>, vector<512x128xf32> -> vector<512x128xf32>
    %add3A_123 = arith.addf %get3A_108, %dot_general3A_122 : vector<512x128xf32>
    %tanh3A_124 = math.tanh %add3A_123 : vector<512x128xf32>
    %broadcast_in_dim3A_125 = vector.shape_cast %ne3A_112 : vector<512x1xi1> to vector<512x1xi1>
    %broadcast_in_dim3A_126 = vector.broadcast %broadcast_in_dim3A_125 : vector<512x1xi1> to vector<512x128xi1>
    %select_n3A_127 = arith.select %broadcast_in_dim3A_126, %tanh3A_120, %select_n3A_95 : vector<512x128xi1>, vector<512x128xf32>
    %broadcast_in_dim3A_128 = vector.shape_cast %ne3A_116 : vector<512x1xi1> to vector<512x1xi1>
    %broadcast_in_dim3A_129 = vector.broadcast %broadcast_in_dim3A_128 : vector<512x1xi1> to vector<512x128xi1>
    %select_n3A_130 = arith.select %broadcast_in_dim3A_129, %tanh3A_124, %select_n3A_98 : vector<512x128xi1>, vector<512x128xf32>
    %get3A_131 = arith.constant 4 : index
    %get3A_132 = arith.constant 0 : index
    %get3A_133 = arith.constant 0 : index
    %get3A_134 = vector.load %arg1[%get3A_131, %get3A_132, %get3A_133] : memref<10x1024x128xf32, #tpu.memory_space<vmem>>, vector<1x512x128xf32>
    %get3A_135 = vector.shape_cast %get3A_134 : vector<1x512x128xf32> to vector<512x128xf32>
    %get3A_136 = arith.constant 4 : index
    %get3A_137 = arith.constant 512 : index
    %get3A_138 = arith.constant 0 : index
    %get3A_139 = vector.load %arg1[%get3A_136, %get3A_137, %get3A_138] : memref<10x1024x128xf32, #tpu.memory_space<vmem>>, vector<1x512x128xf32>
    %get3A_140 = vector.shape_cast %get3A_139 : vector<1x512x128xf32> to vector<512x128xf32>
    %slice3A_141 = vector.extract_strided_slice %get3A_135 {offsets = [0, 100], sizes = [512, 1], strides = [1, 1]} : vector<512x128xf32> to vector<512x1xf32>
    %ne3A_142 = arith.constant 0.000000e+00 : f32
    %ne3A_143 = vector.broadcast %ne3A_142 : f32 to vector<512x1xf32>
    %ne3A_144 = arith.cmpf one, %slice3A_141, %ne3A_143 : vector<512x1xf32>
    %slice3A_145 = vector.extract_strided_slice %get3A_140 {offsets = [0, 100], sizes = [512, 1], strides = [1, 1]} : vector<512x128xf32> to vector<512x1xf32>
    %ne3A_146 = arith.constant 0.000000e+00 : f32
    %ne3A_147 = vector.broadcast %ne3A_146 : f32 to vector<512x1xf32>
    %ne3A_148 = arith.cmpf one, %slice3A_145, %ne3A_147 : vector<512x1xf32>
    %dot_general3A_149 = arith.constant dense<0.000000e+00> : vector<512x128xf32>
    %dot_general3A_150 = tpu.matmul %select_n3A_127, %get3A_9, %dot_general3A_149 {dimension_numbers = #tpu.dot_dimension_numbers<[1], [0], [0], [1], [0, 0, 1, 1], [], []>, transpose_lhs_hint = false} : vector<512x128xf32>, vector<128x128xf32>, vector<512x128xf32> -> vector<512x128xf32>
    %add3A_151 = arith.addf %get3A_135, %dot_general3A_150 : vector<512x128xf32>
    %tanh3A_152 = math.tanh %add3A_151 : vector<512x128xf32>
    %dot_general3A_153 = arith.constant dense<0.000000e+00> : vector<512x128xf32>
    %dot_general3A_154 = tpu.matmul %select_n3A_130, %get3A_9, %dot_general3A_153 {dimension_numbers = #tpu.dot_dimension_numbers<[1], [0], [0], [1], [0, 0, 1, 1], [], []>, transpose_lhs_hint = false} : vector<512x128xf32>, vector<128x128xf32>, vector<512x128xf32> -> vector<512x128xf32>
    %add3A_155 = arith.addf %get3A_140, %dot_general3A_154 : vector<512x128xf32>
    %tanh3A_156 = math.tanh %add3A_155 : vector<512x128xf32>
    %broadcast_in_dim3A_157 = vector.shape_cast %ne3A_144 : vector<512x1xi1> to vector<512x1xi1>
    %broadcast_in_dim3A_158 = vector.broadcast %broadcast_in_dim3A_157 : vector<512x1xi1> to vector<512x128xi1>
    %select_n3A_159 = arith.select %broadcast_in_dim3A_158, %tanh3A_152, %select_n3A_127 : vector<512x128xi1>, vector<512x128xf32>
    %broadcast_in_dim3A_160 = vector.shape_cast %ne3A_148 : vector<512x1xi1> to vector<512x1xi1>
    %broadcast_in_dim3A_161 = vector.broadcast %broadcast_in_dim3A_160 : vector<512x1xi1> to vector<512x128xi1>
    %select_n3A_162 = arith.select %broadcast_in_dim3A_161, %tanh3A_156, %select_n3A_130 : vector<512x128xi1>, vector<512x128xf32>
    %get3A_163 = arith.constant 5 : index
    %get3A_164 = arith.constant 0 : index
    %get3A_165 = arith.constant 0 : index
    %get3A_166 = vector.load %arg1[%get3A_163, %get3A_164, %get3A_165] : memref<10x1024x128xf32, #tpu.memory_space<vmem>>, vector<1x512x128xf32>
    %get3A_167 = vector.shape_cast %get3A_166 : vector<1x512x128xf32> to vector<512x128xf32>
    %get3A_168 = arith.constant 5 : index
    %get3A_169 = arith.constant 512 : index
    %get3A_170 = arith.constant 0 : index
    %get3A_171 = vector.load %arg1[%get3A_168, %get3A_169, %get3A_170] : memref<10x1024x128xf32, #tpu.memory_space<vmem>>, vector<1x512x128xf32>
    %get3A_172 = vector.shape_cast %get3A_171 : vector<1x512x128xf32> to vector<512x128xf32>
    %slice3A_173 = vector.extract_strided_slice %get3A_167 {offsets = [0, 100], sizes = [512, 1], strides = [1, 1]} : vector<512x128xf32> to vector<512x1xf32>
    %ne3A_174 = arith.constant 0.000000e+00 : f32
    %ne3A_175 = vector.broadcast %ne3A_174 : f32 to vector<512x1xf32>
    %ne3A_176 = arith.cmpf one, %slice3A_173, %ne3A_175 : vector<512x1xf32>
    %slice3A_177 = vector.extract_strided_slice %get3A_172 {offsets = [0, 100], sizes = [512, 1], strides = [1, 1]} : vector<512x128xf32> to vector<512x1xf32>
    %ne3A_178 = arith.constant 0.000000e+00 : f32
    %ne3A_179 = vector.broadcast %ne3A_178 : f32 to vector<512x1xf32>
    %ne3A_180 = arith.cmpf one, %slice3A_177, %ne3A_179 : vector<512x1xf32>
    %dot_general3A_181 = arith.constant dense<0.000000e+00> : vector<512x128xf32>
    %dot_general3A_182 = tpu.matmul %select_n3A_159, %get3A_9, %dot_general3A_181 {dimension_numbers = #tpu.dot_dimension_numbers<[1], [0], [0], [1], [0, 0, 1, 1], [], []>, transpose_lhs_hint = false} : vector<512x128xf32>, vector<128x128xf32>, vector<512x128xf32> -> vector<512x128xf32>
    %add3A_183 = arith.addf %get3A_167, %dot_general3A_182 : vector<512x128xf32>
    %tanh3A_184 = math.tanh %add3A_183 : vector<512x128xf32>
    %dot_general3A_185 = arith.constant dense<0.000000e+00> : vector<512x128xf32>
    %dot_general3A_186 = tpu.matmul %select_n3A_162, %get3A_9, %dot_general3A_185 {dimension_numbers = #tpu.dot_dimension_numbers<[1], [0], [0], [1], [0, 0, 1, 1], [], []>, transpose_lhs_hint = false} : vector<512x128xf32>, vector<128x128xf32>, vector<512x128xf32> -> vector<512x128xf32>
    %add3A_187 = arith.addf %get3A_172, %dot_general3A_186 : vector<512x128xf32>
    %tanh3A_188 = math.tanh %add3A_187 : vector<512x128xf32>
    %broadcast_in_dim3A_189 = vector.shape_cast %ne3A_176 : vector<512x1xi1> to vector<512x1xi1>
    %broadcast_in_dim3A_190 = vector.broadcast %broadcast_in_dim3A_189 : vector<512x1xi1> to vector<512x128xi1>
    %select_n3A_191 = arith.select %broadcast_in_dim3A_190, %tanh3A_184, %select_n3A_159 : vector<512x128xi1>, vector<512x128xf32>
    %broadcast_in_dim3A_192 = vector.shape_cast %ne3A_180 : vector<512x1xi1> to vector<512x1xi1>
    %broadcast_in_dim3A_193 = vector.broadcast %broadcast_in_dim3A_192 : vector<512x1xi1> to vector<512x128xi1>
    %select_n3A_194 = arith.select %broadcast_in_dim3A_193, %tanh3A_188, %select_n3A_162 : vector<512x128xi1>, vector<512x128xf32>
    %get3A_195 = arith.constant 6 : index
    %get3A_196 = arith.constant 0 : index
    %get3A_197 = arith.constant 0 : index
    %get3A_198 = vector.load %arg1[%get3A_195, %get3A_196, %get3A_197] : memref<10x1024x128xf32, #tpu.memory_space<vmem>>, vector<1x512x128xf32>
    %get3A_199 = vector.shape_cast %get3A_198 : vector<1x512x128xf32> to vector<512x128xf32>
    %get3A_200 = arith.constant 6 : index
    %get3A_201 = arith.constant 512 : index
    %get3A_202 = arith.constant 0 : index
    %get3A_203 = vector.load %arg1[%get3A_200, %get3A_201, %get3A_202] : memref<10x1024x128xf32, #tpu.memory_space<vmem>>, vector<1x512x128xf32>
    %get3A_204 = vector.shape_cast %get3A_203 : vector<1x512x128xf32> to vector<512x128xf32>
    %slice3A_205 = vector.extract_strided_slice %get3A_199 {offsets = [0, 100], sizes = [512, 1], strides = [1, 1]} : vector<512x128xf32> to vector<512x1xf32>
    %ne3A_206 = arith.constant 0.000000e+00 : f32
    %ne3A_207 = vector.broadcast %ne3A_206 : f32 to vector<512x1xf32>
    %ne3A_208 = arith.cmpf one, %slice3A_205, %ne3A_207 : vector<512x1xf32>
    %slice3A_209 = vector.extract_strided_slice %get3A_204 {offsets = [0, 100], sizes = [512, 1], strides = [1, 1]} : vector<512x128xf32> to vector<512x1xf32>
    %ne3A_210 = arith.constant 0.000000e+00 : f32
    %ne3A_211 = vector.broadcast %ne3A_210 : f32 to vector<512x1xf32>
    %ne3A_212 = arith.cmpf one, %slice3A_209, %ne3A_211 : vector<512x1xf32>
    %dot_general3A_213 = arith.constant dense<0.000000e+00> : vector<512x128xf32>
    %dot_general3A_214 = tpu.matmul %select_n3A_191, %get3A_9, %dot_general3A_213 {dimension_numbers = #tpu.dot_dimension_numbers<[1], [0], [0], [1], [0, 0, 1, 1], [], []>, transpose_lhs_hint = false} : vector<512x128xf32>, vector<128x128xf32>, vector<512x128xf32> -> vector<512x128xf32>
    %add3A_215 = arith.addf %get3A_199, %dot_general3A_214 : vector<512x128xf32>
    %tanh3A_216 = math.tanh %add3A_215 : vector<512x128xf32>
    %dot_general3A_217 = arith.constant dense<0.000000e+00> : vector<512x128xf32>
    %dot_general3A_218 = tpu.matmul %select_n3A_194, %get3A_9, %dot_general3A_217 {dimension_numbers = #tpu.dot_dimension_numbers<[1], [0], [0], [1], [0, 0, 1, 1], [], []>, transpose_lhs_hint = false} : vector<512x128xf32>, vector<128x128xf32>, vector<512x128xf32> -> vector<512x128xf32>
    %add3A_219 = arith.addf %get3A_204, %dot_general3A_218 : vector<512x128xf32>
    %tanh3A_220 = math.tanh %add3A_219 : vector<512x128xf32>
    %broadcast_in_dim3A_221 = vector.shape_cast %ne3A_208 : vector<512x1xi1> to vector<512x1xi1>
    %broadcast_in_dim3A_222 = vector.broadcast %broadcast_in_dim3A_221 : vector<512x1xi1> to vector<512x128xi1>
    %select_n3A_223 = arith.select %broadcast_in_dim3A_222, %tanh3A_216, %select_n3A_191 : vector<512x128xi1>, vector<512x128xf32>
    %broadcast_in_dim3A_224 = vector.shape_cast %ne3A_212 : vector<512x1xi1> to vector<512x1xi1>
    %broadcast_in_dim3A_225 = vector.broadcast %broadcast_in_dim3A_224 : vector<512x1xi1> to vector<512x128xi1>
    %select_n3A_226 = arith.select %broadcast_in_dim3A_225, %tanh3A_220, %select_n3A_194 : vector<512x128xi1>, vector<512x128xf32>
    %get3A_227 = arith.constant 7 : index
    %get3A_228 = arith.constant 0 : index
    %get3A_229 = arith.constant 0 : index
    %get3A_230 = vector.load %arg1[%get3A_227, %get3A_228, %get3A_229] : memref<10x1024x128xf32, #tpu.memory_space<vmem>>, vector<1x512x128xf32>
    %get3A_231 = vector.shape_cast %get3A_230 : vector<1x512x128xf32> to vector<512x128xf32>
    %get3A_232 = arith.constant 7 : index
    %get3A_233 = arith.constant 512 : index
    %get3A_234 = arith.constant 0 : index
    %get3A_235 = vector.load %arg1[%get3A_232, %get3A_233, %get3A_234] : memref<10x1024x128xf32, #tpu.memory_space<vmem>>, vector<1x512x128xf32>
    %get3A_236 = vector.shape_cast %get3A_235 : vector<1x512x128xf32> to vector<512x128xf32>
    %slice3A_237 = vector.extract_strided_slice %get3A_231 {offsets = [0, 100], sizes = [512, 1], strides = [1, 1]} : vector<512x128xf32> to vector<512x1xf32>
    %ne3A_238 = arith.constant 0.000000e+00 : f32
    %ne3A_239 = vector.broadcast %ne3A_238 : f32 to vector<512x1xf32>
    %ne3A_240 = arith.cmpf one, %slice3A_237, %ne3A_239 : vector<512x1xf32>
    %slice3A_241 = vector.extract_strided_slice %get3A_236 {offsets = [0, 100], sizes = [512, 1], strides = [1, 1]} : vector<512x128xf32> to vector<512x1xf32>
    %ne3A_242 = arith.constant 0.000000e+00 : f32
    %ne3A_243 = vector.broadcast %ne3A_242 : f32 to vector<512x1xf32>
    %ne3A_244 = arith.cmpf one, %slice3A_241, %ne3A_243 : vector<512x1xf32>
    %dot_general3A_245 = arith.constant dense<0.000000e+00> : vector<512x128xf32>
    %dot_general3A_246 = tpu.matmul %select_n3A_223, %get3A_9, %dot_general3A_245 {dimension_numbers = #tpu.dot_dimension_numbers<[1], [0], [0], [1], [0, 0, 1, 1], [], []>, transpose_lhs_hint = false} : vector<512x128xf32>, vector<128x128xf32>, vector<512x128xf32> -> vector<512x128xf32>
    %add3A_247 = arith.addf %get3A_231, %dot_general3A_246 : vector<512x128xf32>
    %tanh3A_248 = math.tanh %add3A_247 : vector<512x128xf32>
    %dot_general3A_249 = arith.constant dense<0.000000e+00> : vector<512x128xf32>
    %dot_general3A_250 = tpu.matmul %select_n3A_226, %get3A_9, %dot_general3A_249 {dimension_numbers = #tpu.dot_dimension_numbers<[1], [0], [0], [1], [0, 0, 1, 1], [], []>, transpose_lhs_hint = false} : vector<512x128xf32>, vector<128x128xf32>, vector<512x128xf32> -> vector<512x128xf32>
    %add3A_251 = arith.addf %get3A_236, %dot_general3A_250 : vector<512x128xf32>
    %tanh3A_252 = math.tanh %add3A_251 : vector<512x128xf32>
    %broadcast_in_dim3A_253 = vector.shape_cast %ne3A_240 : vector<512x1xi1> to vector<512x1xi1>
    %broadcast_in_dim3A_254 = vector.broadcast %broadcast_in_dim3A_253 : vector<512x1xi1> to vector<512x128xi1>
    %select_n3A_255 = arith.select %broadcast_in_dim3A_254, %tanh3A_248, %select_n3A_223 : vector<512x128xi1>, vector<512x128xf32>
    %broadcast_in_dim3A_256 = vector.shape_cast %ne3A_244 : vector<512x1xi1> to vector<512x1xi1>
    %broadcast_in_dim3A_257 = vector.broadcast %broadcast_in_dim3A_256 : vector<512x1xi1> to vector<512x128xi1>
    %select_n3A_258 = arith.select %broadcast_in_dim3A_257, %tanh3A_252, %select_n3A_226 : vector<512x128xi1>, vector<512x128xf32>
    %get3A_259 = arith.constant 8 : index
    %get3A_260 = arith.constant 0 : index
    %get3A_261 = arith.constant 0 : index
    %get3A_262 = vector.load %arg1[%get3A_259, %get3A_260, %get3A_261] : memref<10x1024x128xf32, #tpu.memory_space<vmem>>, vector<1x512x128xf32>
    %get3A_263 = vector.shape_cast %get3A_262 : vector<1x512x128xf32> to vector<512x128xf32>
    %get3A_264 = arith.constant 8 : index
    %get3A_265 = arith.constant 512 : index
    %get3A_266 = arith.constant 0 : index
    %get3A_267 = vector.load %arg1[%get3A_264, %get3A_265, %get3A_266] : memref<10x1024x128xf32, #tpu.memory_space<vmem>>, vector<1x512x128xf32>
    %get3A_268 = vector.shape_cast %get3A_267 : vector<1x512x128xf32> to vector<512x128xf32>
    %slice3A_269 = vector.extract_strided_slice %get3A_263 {offsets = [0, 100], sizes = [512, 1], strides = [1, 1]} : vector<512x128xf32> to vector<512x1xf32>
    %ne3A_270 = arith.constant 0.000000e+00 : f32
    %ne3A_271 = vector.broadcast %ne3A_270 : f32 to vector<512x1xf32>
    %ne3A_272 = arith.cmpf one, %slice3A_269, %ne3A_271 : vector<512x1xf32>
    %slice3A_273 = vector.extract_strided_slice %get3A_268 {offsets = [0, 100], sizes = [512, 1], strides = [1, 1]} : vector<512x128xf32> to vector<512x1xf32>
    %ne3A_274 = arith.constant 0.000000e+00 : f32
    %ne3A_275 = vector.broadcast %ne3A_274 : f32 to vector<512x1xf32>
    %ne3A_276 = arith.cmpf one, %slice3A_273, %ne3A_275 : vector<512x1xf32>
    %dot_general3A_277 = arith.constant dense<0.000000e+00> : vector<512x128xf32>
    %dot_general3A_278 = tpu.matmul %select_n3A_255, %get3A_9, %dot_general3A_277 {dimension_numbers = #tpu.dot_dimension_numbers<[1], [0], [0], [1], [0, 0, 1, 1], [], []>, transpose_lhs_hint = false} : vector<512x128xf32>, vector<128x128xf32>, vector<512x128xf32> -> vector<512x128xf32>
    %add3A_279 = arith.addf %get3A_263, %dot_general3A_278 : vector<512x128xf32>
    %tanh3A_280 = math.tanh %add3A_279 : vector<512x128xf32>
    %dot_general3A_281 = arith.constant dense<0.000000e+00> : vector<512x128xf32>
    %dot_general3A_282 = tpu.matmul %select_n3A_258, %get3A_9, %dot_general3A_281 {dimension_numbers = #tpu.dot_dimension_numbers<[1], [0], [0], [1], [0, 0, 1, 1], [], []>, transpose_lhs_hint = false} : vector<512x128xf32>, vector<128x128xf32>, vector<512x128xf32> -> vector<512x128xf32>
    %add3A_283 = arith.addf %get3A_268, %dot_general3A_282 : vector<512x128xf32>
    %tanh3A_284 = math.tanh %add3A_283 : vector<512x128xf32>
    %broadcast_in_dim3A_285 = vector.shape_cast %ne3A_272 : vector<512x1xi1> to vector<512x1xi1>
    %broadcast_in_dim3A_286 = vector.broadcast %broadcast_in_dim3A_285 : vector<512x1xi1> to vector<512x128xi1>
    %select_n3A_287 = arith.select %broadcast_in_dim3A_286, %tanh3A_280, %select_n3A_255 : vector<512x128xi1>, vector<512x128xf32>
    %broadcast_in_dim3A_288 = vector.shape_cast %ne3A_276 : vector<512x1xi1> to vector<512x1xi1>
    %broadcast_in_dim3A_289 = vector.broadcast %broadcast_in_dim3A_288 : vector<512x1xi1> to vector<512x128xi1>
    %select_n3A_290 = arith.select %broadcast_in_dim3A_289, %tanh3A_284, %select_n3A_258 : vector<512x128xi1>, vector<512x128xf32>
    %get3A_291 = arith.constant 9 : index
    %get3A_292 = arith.constant 0 : index
    %get3A_293 = arith.constant 0 : index
    %get3A_294 = vector.load %arg1[%get3A_291, %get3A_292, %get3A_293] : memref<10x1024x128xf32, #tpu.memory_space<vmem>>, vector<1x512x128xf32>
    %get3A_295 = vector.shape_cast %get3A_294 : vector<1x512x128xf32> to vector<512x128xf32>
    %get3A_296 = arith.constant 9 : index
    %get3A_297 = arith.constant 512 : index
    %get3A_298 = arith.constant 0 : index
    %get3A_299 = vector.load %arg1[%get3A_296, %get3A_297, %get3A_298] : memref<10x1024x128xf32, #tpu.memory_space<vmem>>, vector<1x512x128xf32>
    %get3A_300 = vector.shape_cast %get3A_299 : vector<1x512x128xf32> to vector<512x128xf32>
    %slice3A_301 = vector.extract_strided_slice %get3A_295 {offsets = [0, 100], sizes = [512, 1], strides = [1, 1]} : vector<512x128xf32> to vector<512x1xf32>
    %ne3A_302 = arith.constant 0.000000e+00 : f32
    %ne3A_303 = vector.broadcast %ne3A_302 : f32 to vector<512x1xf32>
    %ne3A_304 = arith.cmpf one, %slice3A_301, %ne3A_303 : vector<512x1xf32>
    %slice3A_305 = vector.extract_strided_slice %get3A_300 {offsets = [0, 100], sizes = [512, 1], strides = [1, 1]} : vector<512x128xf32> to vector<512x1xf32>
    %ne3A_306 = arith.constant 0.000000e+00 : f32
    %ne3A_307 = vector.broadcast %ne3A_306 : f32 to vector<512x1xf32>
    %ne3A_308 = arith.cmpf one, %slice3A_305, %ne3A_307 : vector<512x1xf32>
    %dot_general3A_309 = arith.constant dense<0.000000e+00> : vector<512x128xf32>
    %dot_general3A_310 = tpu.matmul %select_n3A_287, %get3A_9, %dot_general3A_309 {dimension_numbers = #tpu.dot_dimension_numbers<[1], [0], [0], [1], [0, 0, 1, 1], [], []>, transpose_lhs_hint = false} : vector<512x128xf32>, vector<128x128xf32>, vector<512x128xf32> -> vector<512x128xf32>
    %add3A_311 = arith.addf %get3A_295, %dot_general3A_310 : vector<512x128xf32>
    %tanh3A_312 = math.tanh %add3A_311 : vector<512x128xf32>
    %dot_general3A_313 = arith.constant dense<0.000000e+00> : vector<512x128xf32>
    %dot_general3A_314 = tpu.matmul %select_n3A_290, %get3A_9, %dot_general3A_313 {dimension_numbers = #tpu.dot_dimension_numbers<[1], [0], [0], [1], [0, 0, 1, 1], [], []>, transpose_lhs_hint = false} : vector<512x128xf32>, vector<128x128xf32>, vector<512x128xf32> -> vector<512x128xf32>
    %add3A_315 = arith.addf %get3A_300, %dot_general3A_314 : vector<512x128xf32>
    %tanh3A_316 = math.tanh %add3A_315 : vector<512x128xf32>
    %broadcast_in_dim3A_317 = vector.shape_cast %ne3A_304 : vector<512x1xi1> to vector<512x1xi1>
    %broadcast_in_dim3A_318 = vector.broadcast %broadcast_in_dim3A_317 : vector<512x1xi1> to vector<512x128xi1>
    %select_n3A_319 = arith.select %broadcast_in_dim3A_318, %tanh3A_312, %select_n3A_287 : vector<512x128xi1>, vector<512x128xf32>
    %broadcast_in_dim3A_320 = vector.shape_cast %ne3A_308 : vector<512x1xi1> to vector<512x1xi1>
    %broadcast_in_dim3A_321 = vector.broadcast %broadcast_in_dim3A_320 : vector<512x1xi1> to vector<512x128xi1>
    %select_n3A_322 = arith.select %broadcast_in_dim3A_321, %tanh3A_316, %select_n3A_290 : vector<512x128xi1>, vector<512x128xf32>
    %swap3A = arith.constant 0 : index
    %swap3A_323 = arith.constant 0 : index
    %swap3A_324 = vector.load %arg7[%swap3A, %swap3A_323] : memref<1024x128xf32, #tpu.memory_space<vmem>>, vector<512x128xf32>
    tpu.vector_store %arg7[%swap3A, %swap3A_323], %select_n3A_319 {strides = array<i32>} : memref<1024x128xf32, #tpu.memory_space<vmem>>, vector<512x128xf32>,
    %swap3A_325 = arith.constant 512 : index
    %swap3A_326 = arith.constant 0 : index
    %swap3A_327 = vector.load %arg7[%swap3A_325, %swap3A_326] : memref<1024x128xf32, #tpu.memory_space<vmem>>, vector<512x128xf32>
    tpu.vector_store %arg7[%swap3A_325, %swap3A_326], %select_n3A_322 {strides = array<i32>} : memref<1024x128xf32, #tpu.memory_space<vmem>>, vector<512x128xf32>,
    %swap3A_328 = arith.constant 0 : index
    %swap3A_329 = arith.constant 0 : index
    %swap3A_330 = vector.load %arg6[%swap3A_328, %swap3A_329] : memref<1024x128xf32, #tpu.memory_space<vmem>>, vector<512x128xf32>
    tpu.vector_store %arg6[%swap3A_328, %swap3A_329], %select_n3A_319 {strides = array<i32>} : memref<1024x128xf32, #tpu.memory_space<vmem>>, vector<512x128xf32>,
    %swap3A_331 = arith.constant 512 : index
    %swap3A_332 = arith.constant 0 : index
    %swap3A_333 = vector.load %arg6[%swap3A_331, %swap3A_332] : memref<1024x128xf32, #tpu.memory_space<vmem>>, vector<512x128xf32>
    tpu.vector_store %arg6[%swap3A_331, %swap3A_332], %select_n3A_322 {strides = array<i32>} : memref<1024x128xf32, #tpu.memory_space<vmem>>, vector<512x128xf32>,
    return
  }
  func.func @transform_0(%arg0: i32) -> (i32, i32, i32) {
    %c0_i32 = arith.constant 0 : i32
    %c0_i32_0 = arith.constant 0 : i32
    %c0_i32_1 = arith.constant 0 : i32
    return %arg0, %c0_i32, %c0_i32_0 : i32, i32, i32
  }
  func.func @transform_1(%arg0: i32) -> (i32, i32) {
    %c0_i32 = arith.constant 0 : i32
    %c0_i32_0 = arith.constant 0 : i32
    %c0_i32_1 = arith.constant 0 : i32
    return %c0_i32, %c0_i32_0 : i32, i32
  }
  func.func @transform_2(%arg0: i32) -> (i32, i32) {
    %c0_i32 = arith.constant 0 : i32
    %c0_i32_0 = arith.constant 0 : i32
    %c0_i32_1 = arith.constant 0 : i32
    return %c0_i32, %c0_i32_0 : i32, i32
  }
  func.func @transform_3(%arg0: i32) -> (i32, i32) {
    %c0_i32 = arith.constant 0 : i32
    %c0_i32_0 = arith.constant 0 : i32
    %c0_i32_1 = arith.constant 0 : i32
    return %c0_i32, %c0_i32_0 : i32, i32
  }
  func.func @transform_4(%arg0: i32) -> (i32, i32) {
    %c0_i32 = arith.constant 0 : i32
    %c0_i32_0 = arith.constant 0 : i32
    %c0_i32_1 = arith.constant 0 : i32
    return %c0_i32, %c0_i32_0 : i32, i32
  }
  func.func @transform_5(%arg0: i32) -> (i32, i32) {
    %c0_i32 = arith.constant 0 : i32
    %c0_i32_0 = arith.constant 0 : i32
    %c0_i32_1 = arith.constant 0 : i32
    return %c0_i32, %c0_i32_0 : i32, i32
  }
}

module attributes {stable_mosaic.version = 14 : i64} {
  func.func @_scan_body(%arg0: i32, %arg1: memref<10x1024x128xf32, #tpu.memory_space<vmem>>, %arg2: memref<128x128xf32, #tpu.memory_space<vmem>>, %arg3: memref<128x64xf32, #tpu.memory_space<vmem>>, %arg4: memref<1x64xf32, #tpu.memory_space<vmem>>, %arg5: memref<1024x128xf32, #tpu.memory_space<vmem>>, %arg6: memref<1024x64xf32, #tpu.memory_space<vmem>>, %arg7: memref<1024x128xf32, #tpu.memory_space<vmem>>) attributes {dimension_semantics = [#tpu.dimension_semantics<arbitrary>], iteration_bounds = array<i64: 10>, scalar_prefetch = 0 : i64, scratch_operands = 1 : i64, tpu.core_type = #tpu.core_type<tc>, window_params = [{transform_indices = @transform_0, window_bounds = array<i64: 10, 1024, 128>}, {pipeline_mode = #tpu.pipeline_mode<synchronous>, transform_indices = @transform_1, window_bounds = array<i64: 128, 128>}, {pipeline_mode = #tpu.pipeline_mode<synchronous>, transform_indices = @transform_2, window_bounds = array<i64: 128, 64>}, {pipeline_mode = #tpu.pipeline_mode<synchronous>, transform_indices = @transform_3, window_bounds = array<i64: 1, 64>}, {pipeline_mode = #tpu.pipeline_mode<synchronous>, transform_indices = @transform_4, window_bounds = array<i64: 1024, 128>}, {pipeline_mode = #tpu.pipeline_mode<synchronous>, transform_indices = @transform_5, window_bounds = array<i64: 1024, 64>}]} {
    %eq3A = arith.constant 0 : i32
    %eq3A_0 = arith.cmpi eq, %arg0, %eq3A : i32
    %convert_element_type3A = arith.extui %eq3A_0 : i1 to i32
    %cond3A = arith.constant 0 : i32
    %cond3A_1 = arith.cmpi ne, %convert_element_type3A, %cond3A : i32
    scf.if %cond3A_1 {
      %get3A_333 = arith.constant 0 : index
      %get3A_334 = arith.constant 0 : index
      %get3A_335 = vector.load %arg5[%get3A_333, %get3A_334] : memref<1024x128xf32, #tpu.memory_space<vmem>>, vector<1024x128xf32>
      %swap3A_336 = arith.constant 0 : index
      %swap3A_337 = arith.constant 0 : index
      %swap3A_338 = vector.load %arg7[%swap3A_336, %swap3A_337] : memref<1024x128xf32, #tpu.memory_space<vmem>>, vector<1024x128xf32>
      tpu.vector_store %arg7[%swap3A_336, %swap3A_337], %get3A_335 {strides = array<i32>} : memref<1024x128xf32, #tpu.memory_space<vmem>>, vector<1024x128xf32>,
    } else {
    }
    %get3A = arith.constant 0 : index
    %get3A_2 = arith.constant 0 : index
    %get3A_3 = vector.load %arg7[%get3A, %get3A_2] : memref<1024x128xf32, #tpu.memory_space<vmem>>, vector<512x128xf32>
    %get3A_4 = arith.constant 512 : index
    %get3A_5 = arith.constant 0 : index
    %get3A_6 = vector.load %arg7[%get3A_4, %get3A_5] : memref<1024x128xf32, #tpu.memory_space<vmem>>, vector<512x128xf32>
    %get3A_7 = arith.constant 0 : index
    %get3A_8 = arith.constant 0 : index
    %get3A_9 = vector.load %arg2[%get3A_7, %get3A_8] : memref<128x128xf32, #tpu.memory_space<vmem>>, vector<128x128xf32>
    %get3A_10 = arith.constant 0 : index
    %get3A_11 = arith.constant 0 : index
    %get3A_12 = arith.constant 0 : index
    %get3A_13 = vector.load %arg1[%get3A_10, %get3A_11, %get3A_12] : memref<10x1024x128xf32, #tpu.memory_space<vmem>>, vector<1x512x128xf32>
    %get3A_14 = vector.shape_cast %get3A_13 : vector<1x512x128xf32> to vector<512x128xf32>
    %get3A_15 = arith.constant 0 : index
    %get3A_16 = arith.constant 512 : index
    %get3A_17 = arith.constant 0 : index
    %get3A_18 = vector.load %arg1[%get3A_15, %get3A_16, %get3A_17] : memref<10x1024x128xf32, #tpu.memory_space<vmem>>, vector<1x512x128xf32>
    %get3A_19 = vector.shape_cast %get3A_18 : vector<1x512x128xf32> to vector<512x128xf32>
    %slice3A = vector.extract_strided_slice %get3A_14 {offsets = [0, 100], sizes = [512, 1], strides = [1, 1]} : vector<512x128xf32> to vector<512x1xf32>
    %ne3A = arith.constant 0.000000e+00 : f32
    %ne3A_20 = vector.broadcast %ne3A : f32 to vector<512x1xf32>
    %ne3A_21 = arith.cmpf one, %slice3A, %ne3A_20 : vector<512x1xf32>
    %slice3A_22 = vector.extract_strided_slice %get3A_19 {offsets = [0, 100], sizes = [512, 1], strides = [1, 1]} : vector<512x128xf32> to vector<512x1xf32>
    %ne3A_23 = arith.constant 0.000000e+00 : f32
    %ne3A_24 = vector.broadcast %ne3A_23 : f32 to vector<512x1xf32>
    %ne3A_25 = arith.cmpf one, %slice3A_22, %ne3A_24 : vector<512x1xf32>
    %dot_general3A = arith.constant dense<0.000000e+00> : vector<512x128xf32>
    %dot_general3A_26 = tpu.matmul %get3A_3, %get3A_9, %dot_general3A {dimension_numbers = #tpu.dot_dimension_numbers<[1], [0], [0], [1], [0, 0, 1, 1], [], []>, transpose_lhs_hint = false} : vector<512x128xf32>, vector<128x128xf32>, vector<512x128xf32> -> vector<512x128xf32>
    %add3A = arith.addf %get3A_14, %dot_general3A_26 : vector<512x128xf32>
    %tanh3A = math.tanh %add3A : vector<512x128xf32>
    %dot_general3A_27 = arith.constant dense<0.000000e+00> : vector<512x128xf32>
    %dot_general3A_28 = tpu.matmul %get3A_6, %get3A_9, %dot_general3A_27 {dimension_numbers = #tpu.dot_dimension_numbers<[1], [0], [0], [1], [0, 0, 1, 1], [], []>, transpose_lhs_hint = false} : vector<512x128xf32>, vector<128x128xf32>, vector<512x128xf32> -> vector<512x128xf32>
    %add3A_29 = arith.addf %get3A_19, %dot_general3A_28 : vector<512x128xf32>
    %tanh3A_30 = math.tanh %add3A_29 : vector<512x128xf32>
    %broadcast_in_dim3A = vector.shape_cast %ne3A_21 : vector<512x1xi1> to vector<512x1xi1>
    %broadcast_in_dim3A_31 = vector.broadcast %broadcast_in_dim3A : vector<512x1xi1> to vector<512x128xi1>
    %select_n3A = arith.select %broadcast_in_dim3A_31, %tanh3A, %get3A_3 : vector<512x128xi1>, vector<512x128xf32>
    %broadcast_in_dim3A_32 = vector.shape_cast %ne3A_25 : vector<512x1xi1> to vector<512x1xi1>
    %broadcast_in_dim3A_33 = vector.broadcast %broadcast_in_dim3A_32 : vector<512x1xi1> to vector<512x128xi1>
    %select_n3A_34 = arith.select %broadcast_in_dim3A_33, %tanh3A_30, %get3A_6 : vector<512x128xi1>, vector<512x128xf32>
    %get3A_35 = arith.constant 1 : index
    %get3A_36 = arith.constant 0 : index
    %get3A_37 = arith.constant 0 : index
    %get3A_38 = vector.load %arg1[%get3A_35, %get3A_36, %get3A_37] : memref<10x1024x128xf32, #tpu.memory_space<vmem>>, vector<1x512x128xf32>
    %get3A_39 = vector.shape_cast %get3A_38 : vector<1x512x128xf32> to vector<512x128xf32>
    %get3A_40 = arith.constant 1 : index
    %get3A_41 = arith.constant 512 : index
    %get3A_42 = arith.constant 0 : index
    %get3A_43 = vector.load %arg1[%get3A_40, %get3A_41, %get3A_42] : memref<10x1024x128xf32, #tpu.memory_space<vmem>>, vector<1x512x128xf32>
    %get3A_44 = vector.shape_cast %get3A_43 : vector<1x512x128xf32> to vector<512x128xf32>
    %slice3A_45 = vector.extract_strided_slice %get3A_39 {offsets = [0, 100], sizes = [512, 1], strides = [1, 1]} : vector<512x128xf32> to vector<512x1xf32>
    %ne3A_46 = arith.constant 0.000000e+00 : f32
    %ne3A_47 = vector.broadcast %ne3A_46 : f32 to vector<512x1xf32>
    %ne3A_48 = arith.cmpf one, %slice3A_45, %ne3A_47 : vector<512x1xf32>
    %slice3A_49 = vector.extract_strided_slice %get3A_44 {offsets = [0, 100], sizes = [512, 1], strides = [1, 1]} : vector<512x128xf32> to vector<512x1xf32>
    %ne3A_50 = arith.constant 0.000000e+00 : f32
    %ne3A_51 = vector.broadcast %ne3A_50 : f32 to vector<512x1xf32>
    %ne3A_52 = arith.cmpf one, %slice3A_49, %ne3A_51 : vector<512x1xf32>
    %dot_general3A_53 = arith.constant dense<0.000000e+00> : vector<512x128xf32>
    %dot_general3A_54 = tpu.matmul %select_n3A, %get3A_9, %dot_general3A_53 {dimension_numbers = #tpu.dot_dimension_numbers<[1], [0], [0], [1], [0, 0, 1, 1], [], []>, transpose_lhs_hint = false} : vector<512x128xf32>, vector<128x128xf32>, vector<512x128xf32> -> vector<512x128xf32>
    %add3A_55 = arith.addf %get3A_39, %dot_general3A_54 : vector<512x128xf32>
    %tanh3A_56 = math.tanh %add3A_55 : vector<512x128xf32>
    %dot_general3A_57 = arith.constant dense<0.000000e+00> : vector<512x128xf32>
    %dot_general3A_58 = tpu.matmul %select_n3A_34, %get3A_9, %dot_general3A_57 {dimension_numbers = #tpu.dot_dimension_numbers<[1], [0], [0], [1], [0, 0, 1, 1], [], []>, transpose_lhs_hint = false} : vector<512x128xf32>, vector<128x128xf32>, vector<512x128xf32> -> vector<512x128xf32>
    %add3A_59 = arith.addf %get3A_44, %dot_general3A_58 : vector<512x128xf32>
    %tanh3A_60 = math.tanh %add3A_59 : vector<512x128xf32>
    %broadcast_in_dim3A_61 = vector.shape_cast %ne3A_48 : vector<512x1xi1> to vector<512x1xi1>
    %broadcast_in_dim3A_62 = vector.broadcast %broadcast_in_dim3A_61 : vector<512x1xi1> to vector<512x128xi1>
    %select_n3A_63 = arith.select %broadcast_in_dim3A_62, %tanh3A_56, %select_n3A : vector<512x128xi1>, vector<512x128xf32>
    %broadcast_in_dim3A_64 = vector.shape_cast %ne3A_52 : vector<512x1xi1> to vector<512x1xi1>
    %broadcast_in_dim3A_65 = vector.broadcast %broadcast_in_dim3A_64 : vector<512x1xi1> to vector<512x128xi1>
    %select_n3A_66 = arith.select %broadcast_in_dim3A_65, %tanh3A_60, %select_n3A_34 : vector<512x128xi1>, vector<512x128xf32>
    %get3A_67 = arith.constant 2 : index
    %get3A_68 = arith.constant 0 : index
    %get3A_69 = arith.constant 0 : index
    %get3A_70 = vector.load %arg1[%get3A_67, %get3A_68, %get3A_69] : memref<10x1024x128xf32, #tpu.memory_space<vmem>>, vector<1x512x128xf32>
    %get3A_71 = vector.shape_cast %get3A_70 : vector<1x512x128xf32> to vector<512x128xf32>
    %get3A_72 = arith.constant 2 : index
    %get3A_73 = arith.constant 512 : index
    %get3A_74 = arith.constant 0 : index
    %get3A_75 = vector.load %arg1[%get3A_72, %get3A_73, %get3A_74] : memref<10x1024x128xf32, #tpu.memory_space<vmem>>, vector<1x512x128xf32>
    %get3A_76 = vector.shape_cast %get3A_75 : vector<1x512x128xf32> to vector<512x128xf32>
    %slice3A_77 = vector.extract_strided_slice %get3A_71 {offsets = [0, 100], sizes = [512, 1], strides = [1, 1]} : vector<512x128xf32> to vector<512x1xf32>
    %ne3A_78 = arith.constant 0.000000e+00 : f32
    %ne3A_79 = vector.broadcast %ne3A_78 : f32 to vector<512x1xf32>
    %ne3A_80 = arith.cmpf one, %slice3A_77, %ne3A_79 : vector<512x1xf32>
    %slice3A_81 = vector.extract_strided_slice %get3A_76 {offsets = [0, 100], sizes = [512, 1], strides = [1, 1]} : vector<512x128xf32> to vector<512x1xf32>
    %ne3A_82 = arith.constant 0.000000e+00 : f32
    %ne3A_83 = vector.broadcast %ne3A_82 : f32 to vector<512x1xf32>
    %ne3A_84 = arith.cmpf one, %slice3A_81, %ne3A_83 : vector<512x1xf32>
    %dot_general3A_85 = arith.constant dense<0.000000e+00> : vector<512x128xf32>
    %dot_general3A_86 = tpu.matmul %select_n3A_63, %get3A_9, %dot_general3A_85 {dimension_numbers = #tpu.dot_dimension_numbers<[1], [0], [0], [1], [0, 0, 1, 1], [], []>, transpose_lhs_hint = false} : vector<512x128xf32>, vector<128x128xf32>, vector<512x128xf32> -> vector<512x128xf32>
    %add3A_87 = arith.addf %get3A_71, %dot_general3A_86 : vector<512x128xf32>
    %tanh3A_88 = math.tanh %add3A_87 : vector<512x128xf32>
    %dot_general3A_89 = arith.constant dense<0.000000e+00> : vector<512x128xf32>
    %dot_general3A_90 = tpu.matmul %select_n3A_66, %get3A_9, %dot_general3A_89 {dimension_numbers = #tpu.dot_dimension_numbers<[1], [0], [0], [1], [0, 0, 1, 1], [], []>, transpose_lhs_hint = false} : vector<512x128xf32>, vector<128x128xf32>, vector<512x128xf32> -> vector<512x128xf32>
    %add3A_91 = arith.addf %get3A_76, %dot_general3A_90 : vector<512x128xf32>
    %tanh3A_92 = math.tanh %add3A_91 : vector<512x128xf32>
    %broadcast_in_dim3A_93 = vector.shape_cast %ne3A_80 : vector<512x1xi1> to vector<512x1xi1>
    %broadcast_in_dim3A_94 = vector.broadcast %broadcast_in_dim3A_93 : vector<512x1xi1> to vector<512x128xi1>
    %select_n3A_95 = arith.select %broadcast_in_dim3A_94, %tanh3A_88, %select_n3A_63 : vector<512x128xi1>, vector<512x128xf32>
    %broadcast_in_dim3A_96 = vector.shape_cast %ne3A_84 : vector<512x1xi1> to vector<512x1xi1>
    %broadcast_in_dim3A_97 = vector.broadcast %broadcast_in_dim3A_96 : vector<512x1xi1> to vector<512x128xi1>
    %select_n3A_98 = arith.select %broadcast_in_dim3A_97, %tanh3A_92, %select_n3A_66 : vector<512x128xi1>, vector<512x128xf32>
    %get3A_99 = arith.constant 3 : index
    %get3A_100 = arith.constant 0 : index
    %get3A_101 = arith.constant 0 : index
    %get3A_102 = vector.load %arg1[%get3A_99, %get3A_100, %get3A_101] : memref<10x1024x128xf32, #tpu.memory_space<vmem>>, vector<1x512x128xf32>
    %get3A_103 = vector.shape_cast %get3A_102 : vector<1x512x128xf32> to vector<512x128xf32>
    %get3A_104 = arith.constant 3 : index
    %get3A_105 = arith.constant 512 : index
    %get3A_106 = arith.constant 0 : index
    %get3A_107 = vector.load %arg1[%get3A_104, %get3A_105, %get3A_106] : memref<10x1024x128xf32, #tpu.memory_space<vmem>>, vector<1x512x128xf32>
    %get3A_108 = vector.shape_cast %get3A_107 : vector<1x512x128xf32> to vector<512x128xf32>
    %slice3A_109 = vector.extract_strided_slice %get3A_103 {offsets = [0, 100], sizes = [512, 1], strides = [1, 1]} : vector<512x128xf32> to vector<512x1xf32>
    %ne3A_110 = arith.constant 0.000000e+00 : f32
    %ne3A_111 = vector.broadcast %ne3A_110 : f32 to vector<512x1xf32>
    %ne3A_112 = arith.cmpf one, %slice3A_109, %ne3A_111 : vector<512x1xf32>
    %slice3A_113 = vector.extract_strided_slice %get3A_108 {offsets = [0, 100], sizes = [512, 1], strides = [1, 1]} : vector<512x128xf32> to vector<512x1xf32>
    %ne3A_114 = arith.constant 0.000000e+00 : f32
    %ne3A_115 = vector.broadcast %ne3A_114 : f32 to vector<512x1xf32>
    %ne3A_116 = arith.cmpf one, %slice3A_113, %ne3A_115 : vector<512x1xf32>
    %dot_general3A_117 = arith.constant dense<0.000000e+00> : vector<512x128xf32>
    %dot_general3A_118 = tpu.matmul %select_n3A_95, %get3A_9, %dot_general3A_117 {dimension_numbers = #tpu.dot_dimension_numbers<[1], [0], [0], [1], [0, 0, 1, 1], [], []>, transpose_lhs_hint = false} : vector<512x128xf32>, vector<128x128xf32>, vector<512x128xf32> -> vector<512x128xf32>
    %add3A_119 = arith.addf %get3A_103, %dot_general3A_118 : vector<512x128xf32>
    %tanh3A_120 = math.tanh %add3A_119 : vector<512x128xf32>
    %dot_general3A_121 = arith.constant dense<0.000000e+00> : vector<512x128xf32>
    %dot_general3A_122 = tpu.matmul %select_n3A_98, %get3A_9, %dot_general3A_121 {dimension_numbers = #tpu.dot_dimension_numbers<[1], [0], [0], [1], [0, 0, 1, 1], [], []>, transpose_lhs_hint = false} : vector<512x128xf32>, vector<128x128xf32>, vector<512x128xf32> -> vector<512x128xf32>
    %add3A_123 = arith.addf %get3A_108, %dot_general3A_122 : vector<512x128xf32>
    %tanh3A_124 = math.tanh %add3A_123 : vector<512x128xf32>
    %broadcast_in_dim3A_125 = vector.shape_cast %ne3A_112 : vector<512x1xi1> to vector<512x1xi1>
    %broadcast_in_dim3A_126 = vector.broadcast %broadcast_in_dim3A_125 : vector<512x1xi1> to vector<512x128xi1>
    %select_n3A_127 = arith.select %broadcast_in_dim3A_126, %tanh3A_120, %select_n3A_95 : vector<512x128xi1>, vector<512x128xf32>
    %broadcast_in_dim3A_128 = vector.shape_cast %ne3A_116 : vector<512x1xi1> to vector<512x1xi1>
    %broadcast_in_dim3A_129 = vector.broadcast %broadcast_in_dim3A_128 : vector<512x1xi1> to vector<512x128xi1>
    %select_n3A_130 = arith.select %broadcast_in_dim3A_129, %tanh3A_124, %select_n3A_98 : vector<512x128xi1>, vector<512x128xf32>
    %get3A_131 = arith.constant 4 : index
    %get3A_132 = arith.constant 0 : index
    %get3A_133 = arith.constant 0 : index
    %get3A_134 = vector.load %arg1[%get3A_131, %get3A_132, %get3A_133] : memref<10x1024x128xf32, #tpu.memory_space<vmem>>, vector<1x512x128xf32>
    %get3A_135 = vector.shape_cast %get3A_134 : vector<1x512x128xf32> to vector<512x128xf32>
    %get3A_136 = arith.constant 4 : index
    %get3A_137 = arith.constant 512 : index
    %get3A_138 = arith.constant 0 : index
    %get3A_139 = vector.load %arg1[%get3A_136, %get3A_137, %get3A_138] : memref<10x1024x128xf32, #tpu.memory_space<vmem>>, vector<1x512x128xf32>
    %get3A_140 = vector.shape_cast %get3A_139 : vector<1x512x128xf32> to vector<512x128xf32>
    %slice3A_141 = vector.extract_strided_slice %get3A_135 {offsets = [0, 100], sizes = [512, 1], strides = [1, 1]} : vector<512x128xf32> to vector<512x1xf32>
    %ne3A_142 = arith.constant 0.000000e+00 : f32
    %ne3A_143 = vector.broadcast %ne3A_142 : f32 to vector<512x1xf32>
    %ne3A_144 = arith.cmpf one, %slice3A_141, %ne3A_143 : vector<512x1xf32>
    %slice3A_145 = vector.extract_strided_slice %get3A_140 {offsets = [0, 100], sizes = [512, 1], strides = [1, 1]} : vector<512x128xf32> to vector<512x1xf32>
    %ne3A_146 = arith.constant 0.000000e+00 : f32
    %ne3A_147 = vector.broadcast %ne3A_146 : f32 to vector<512x1xf32>
    %ne3A_148 = arith.cmpf one, %slice3A_145, %ne3A_147 : vector<512x1xf32>
    %dot_general3A_149 = arith.constant dense<0.000000e+00> : vector<512x128xf32>
    %dot_general3A_150 = tpu.matmul %select_n3A_127, %get3A_9, %dot_general3A_149 {dimension_numbers = #tpu.dot_dimension_numbers<[1], [0], [0], [1], [0, 0, 1, 1], [], []>, transpose_lhs_hint = false} : vector<512x128xf32>, vector<128x128xf32>, vector<512x128xf32> -> vector<512x128xf32>
    %add3A_151 = arith.addf %get3A_135, %dot_general3A_150 : vector<512x128xf32>
    %tanh3A_152 = math.tanh %add3A_151 : vector<512x128xf32>
    %dot_general3A_153 = arith.constant dense<0.000000e+00> : vector<512x128xf32>
    %dot_general3A_154 = tpu.matmul %select_n3A_130, %get3A_9, %dot_general3A_153 {dimension_numbers = #tpu.dot_dimension_numbers<[1], [0], [0], [1], [0, 0, 1, 1], [], []>, transpose_lhs_hint = false} : vector<512x128xf32>, vector<128x128xf32>, vector<512x128xf32> -> vector<512x128xf32>
    %add3A_155 = arith.addf %get3A_140, %dot_general3A_154 : vector<512x128xf32>
    %tanh3A_156 = math.tanh %add3A_155 : vector<512x128xf32>
    %broadcast_in_dim3A_157 = vector.shape_cast %ne3A_144 : vector<512x1xi1> to vector<512x1xi1>
    %broadcast_in_dim3A_158 = vector.broadcast %broadcast_in_dim3A_157 : vector<512x1xi1> to vector<512x128xi1>
    %select_n3A_159 = arith.select %broadcast_in_dim3A_158, %tanh3A_152, %select_n3A_127 : vector<512x128xi1>, vector<512x128xf32>
    %broadcast_in_dim3A_160 = vector.shape_cast %ne3A_148 : vector<512x1xi1> to vector<512x1xi1>
    %broadcast_in_dim3A_161 = vector.broadcast %broadcast_in_dim3A_160 : vector<512x1xi1> to vector<512x128xi1>
    %select_n3A_162 = arith.select %broadcast_in_dim3A_161, %tanh3A_156, %select_n3A_130 : vector<512x128xi1>, vector<512x128xf32>
    %get3A_163 = arith.constant 5 : index
    %get3A_164 = arith.constant 0 : index
    %get3A_165 = arith.constant 0 : index
    %get3A_166 = vector.load %arg1[%get3A_163, %get3A_164, %get3A_165] : memref<10x1024x128xf32, #tpu.memory_space<vmem>>, vector<1x512x128xf32>
    %get3A_167 = vector.shape_cast %get3A_166 : vector<1x512x128xf32> to vector<512x128xf32>
    %get3A_168 = arith.constant 5 : index
    %get3A_169 = arith.constant 512 : index
    %get3A_170 = arith.constant 0 : index
    %get3A_171 = vector.load %arg1[%get3A_168, %get3A_169, %get3A_170] : memref<10x1024x128xf32, #tpu.memory_space<vmem>>, vector<1x512x128xf32>
    %get3A_172 = vector.shape_cast %get3A_171 : vector<1x512x128xf32> to vector<512x128xf32>
    %slice3A_173 = vector.extract_strided_slice %get3A_167 {offsets = [0, 100], sizes = [512, 1], strides = [1, 1]} : vector<512x128xf32> to vector<512x1xf32>
    %ne3A_174 = arith.constant 0.000000e+00 : f32
    %ne3A_175 = vector.broadcast %ne3A_174 : f32 to vector<512x1xf32>
    %ne3A_176 = arith.cmpf one, %slice3A_173, %ne3A_175 : vector<512x1xf32>
    %slice3A_177 = vector.extract_strided_slice %get3A_172 {offsets = [0, 100], sizes = [512, 1], strides = [1, 1]} : vector<512x128xf32> to vector<512x1xf32>
    %ne3A_178 = arith.constant 0.000000e+00 : f32
    %ne3A_179 = vector.broadcast %ne3A_178 : f32 to vector<512x1xf32>
    %ne3A_180 = arith.cmpf one, %slice3A_177, %ne3A_179 : vector<512x1xf32>
    %dot_general3A_181 = arith.constant dense<0.000000e+00> : vector<512x128xf32>
    %dot_general3A_182 = tpu.matmul %select_n3A_159, %get3A_9, %dot_general3A_181 {dimension_numbers = #tpu.dot_dimension_numbers<[1], [0], [0], [1], [0, 0, 1, 1], [], []>, transpose_lhs_hint = false} : vector<512x128xf32>, vector<128x128xf32>, vector<512x128xf32> -> vector<512x128xf32>
    %add3A_183 = arith.addf %get3A_167, %dot_general3A_182 : vector<512x128xf32>
    %tanh3A_184 = math.tanh %add3A_183 : vector<512x128xf32>
    %dot_general3A_185 = arith.constant dense<0.000000e+00> : vector<512x128xf32>
    %dot_general3A_186 = tpu.matmul %select_n3A_162, %get3A_9, %dot_general3A_185 {dimension_numbers = #tpu.dot_dimension_numbers<[1], [0], [0], [1], [0, 0, 1, 1], [], []>, transpose_lhs_hint = false} : vector<512x128xf32>, vector<128x128xf32>, vector<512x128xf32> -> vector<512x128xf32>
    %add3A_187 = arith.addf %get3A_172, %dot_general3A_186 : vector<512x128xf32>
    %tanh3A_188 = math.tanh %add3A_187 : vector<512x128xf32>
    %broadcast_in_dim3A_189 = vector.shape_cast %ne3A_176 : vector<512x1xi1> to vector<512x1xi1>
    %broadcast_in_dim3A_190 = vector.broadcast %broadcast_in_dim3A_189 : vector<512x1xi1> to vector<512x128xi1>
    %select_n3A_191 = arith.select %broadcast_in_dim3A_190, %tanh3A_184, %select_n3A_159 : vector<512x128xi1>, vector<512x128xf32>
    %broadcast_in_dim3A_192 = vector.shape_cast %ne3A_180 : vector<512x1xi1> to vector<512x1xi1>
    %broadcast_in_dim3A_193 = vector.broadcast %broadcast_in_dim3A_192 : vector<512x1xi1> to vector<512x128xi1>
    %select_n3A_194 = arith.select %broadcast_in_dim3A_193, %tanh3A_188, %select_n3A_162 : vector<512x128xi1>, vector<512x128xf32>
    %get3A_195 = arith.constant 6 : index
    %get3A_196 = arith.constant 0 : index
    %get3A_197 = arith.constant 0 : index
    %get3A_198 = vector.load %arg1[%get3A_195, %get3A_196, %get3A_197] : memref<10x1024x128xf32, #tpu.memory_space<vmem>>, vector<1x512x128xf32>
    %get3A_199 = vector.shape_cast %get3A_198 : vector<1x512x128xf32> to vector<512x128xf32>
    %get3A_200 = arith.constant 6 : index
    %get3A_201 = arith.constant 512 : index
    %get3A_202 = arith.constant 0 : index
    %get3A_203 = vector.load %arg1[%get3A_200, %get3A_201, %get3A_202] : memref<10x1024x128xf32, #tpu.memory_space<vmem>>, vector<1x512x128xf32>
    %get3A_204 = vector.shape_cast %get3A_203 : vector<1x512x128xf32> to vector<512x128xf32>
    %slice3A_205 = vector.extract_strided_slice %get3A_199 {offsets = [0, 100], sizes = [512, 1], strides = [1, 1]} : vector<512x128xf32> to vector<512x1xf32>
    %ne3A_206 = arith.constant 0.000000e+00 : f32
    %ne3A_207 = vector.broadcast %ne3A_206 : f32 to vector<512x1xf32>
    %ne3A_208 = arith.cmpf one, %slice3A_205, %ne3A_207 : vector<512x1xf32>
    %slice3A_209 = vector.extract_strided_slice %get3A_204 {offsets = [0, 100], sizes = [512, 1], strides = [1, 1]} : vector<512x128xf32> to vector<512x1xf32>
    %ne3A_210 = arith.constant 0.000000e+00 : f32
    %ne3A_211 = vector.broadcast %ne3A_210 : f32 to vector<512x1xf32>
    %ne3A_212 = arith.cmpf one, %slice3A_209, %ne3A_211 : vector<512x1xf32>
    %dot_general3A_213 = arith.constant dense<0.000000e+00> : vector<512x128xf32>
    %dot_general3A_214 = tpu.matmul %select_n3A_191, %get3A_9, %dot_general3A_213 {dimension_numbers = #tpu.dot_dimension_numbers<[1], [0], [0], [1], [0, 0, 1, 1], [], []>, transpose_lhs_hint = false} : vector<512x128xf32>, vector<128x128xf32>, vector<512x128xf32> -> vector<512x128xf32>
    %add3A_215 = arith.addf %get3A_199, %dot_general3A_214 : vector<512x128xf32>
    %tanh3A_216 = math.tanh %add3A_215 : vector<512x128xf32>
    %dot_general3A_217 = arith.constant dense<0.000000e+00> : vector<512x128xf32>
    %dot_general3A_218 = tpu.matmul %select_n3A_194, %get3A_9, %dot_general3A_217 {dimension_numbers = #tpu.dot_dimension_numbers<[1], [0], [0], [1], [0, 0, 1, 1], [], []>, transpose_lhs_hint = false} : vector<512x128xf32>, vector<128x128xf32>, vector<512x128xf32> -> vector<512x128xf32>
    %add3A_219 = arith.addf %get3A_204, %dot_general3A_218 : vector<512x128xf32>
    %tanh3A_220 = math.tanh %add3A_219 : vector<512x128xf32>
    %broadcast_in_dim3A_221 = vector.shape_cast %ne3A_208 : vector<512x1xi1> to vector<512x1xi1>
    %broadcast_in_dim3A_222 = vector.broadcast %broadcast_in_dim3A_221 : vector<512x1xi1> to vector<512x128xi1>
    %select_n3A_223 = arith.select %broadcast_in_dim3A_222, %tanh3A_216, %select_n3A_191 : vector<512x128xi1>, vector<512x128xf32>
    %broadcast_in_dim3A_224 = vector.shape_cast %ne3A_212 : vector<512x1xi1> to vector<512x1xi1>
    %broadcast_in_dim3A_225 = vector.broadcast %broadcast_in_dim3A_224 : vector<512x1xi1> to vector<512x128xi1>
    %select_n3A_226 = arith.select %broadcast_in_dim3A_225, %tanh3A_220, %select_n3A_194 : vector<512x128xi1>, vector<512x128xf32>
    %get3A_227 = arith.constant 7 : index
    %get3A_228 = arith.constant 0 : index
    %get3A_229 = arith.constant 0 : index
    %get3A_230 = vector.load %arg1[%get3A_227, %get3A_228, %get3A_229] : memref<10x1024x128xf32, #tpu.memory_space<vmem>>, vector<1x512x128xf32>
    %get3A_231 = vector.shape_cast %get3A_230 : vector<1x512x128xf32> to vector<512x128xf32>
    %get3A_232 = arith.constant 7 : index
    %get3A_233 = arith.constant 512 : index
    %get3A_234 = arith.constant 0 : index
    %get3A_235 = vector.load %arg1[%get3A_232, %get3A_233, %get3A_234] : memref<10x1024x128xf32, #tpu.memory_space<vmem>>, vector<1x512x128xf32>
    %get3A_236 = vector.shape_cast %get3A_235 : vector<1x512x128xf32> to vector<512x128xf32>
    %slice3A_237 = vector.extract_strided_slice %get3A_231 {offsets = [0, 100], sizes = [512, 1], strides = [1, 1]} : vector<512x128xf32> to vector<512x1xf32>
    %ne3A_238 = arith.constant 0.000000e+00 : f32
    %ne3A_239 = vector.broadcast %ne3A_238 : f32 to vector<512x1xf32>
    %ne3A_240 = arith.cmpf one, %slice3A_237, %ne3A_239 : vector<512x1xf32>
    %slice3A_241 = vector.extract_strided_slice %get3A_236 {offsets = [0, 100], sizes = [512, 1], strides = [1, 1]} : vector<512x128xf32> to vector<512x1xf32>
    %ne3A_242 = arith.constant 0.000000e+00 : f32
    %ne3A_243 = vector.broadcast %ne3A_242 : f32 to vector<512x1xf32>
    %ne3A_244 = arith.cmpf one, %slice3A_241, %ne3A_243 : vector<512x1xf32>
    %dot_general3A_245 = arith.constant dense<0.000000e+00> : vector<512x128xf32>
    %dot_general3A_246 = tpu.matmul %select_n3A_223, %get3A_9, %dot_general3A_245 {dimension_numbers = #tpu.dot_dimension_numbers<[1], [0], [0], [1], [0, 0, 1, 1], [], []>, transpose_lhs_hint = false} : vector<512x128xf32>, vector<128x128xf32>, vector<512x128xf32> -> vector<512x128xf32>
    %add3A_247 = arith.addf %get3A_231, %dot_general3A_246 : vector<512x128xf32>
    %tanh3A_248 = math.tanh %add3A_247 : vector<512x128xf32>
    %dot_general3A_249 = arith.constant dense<0.000000e+00> : vector<512x128xf32>
    %dot_general3A_250 = tpu.matmul %select_n3A_226, %get3A_9, %dot_general3A_249 {dimension_numbers = #tpu.dot_dimension_numbers<[1], [0], [0], [1], [0, 0, 1, 1], [], []>, transpose_lhs_hint = false} : vector<512x128xf32>, vector<128x128xf32>, vector<512x128xf32> -> vector<512x128xf32>
    %add3A_251 = arith.addf %get3A_236, %dot_general3A_250 : vector<512x128xf32>
    %tanh3A_252 = math.tanh %add3A_251 : vector<512x128xf32>
    %broadcast_in_dim3A_253 = vector.shape_cast %ne3A_240 : vector<512x1xi1> to vector<512x1xi1>
    %broadcast_in_dim3A_254 = vector.broadcast %broadcast_in_dim3A_253 : vector<512x1xi1> to vector<512x128xi1>
    %select_n3A_255 = arith.select %broadcast_in_dim3A_254, %tanh3A_248, %select_n3A_223 : vector<512x128xi1>, vector<512x128xf32>
    %broadcast_in_dim3A_256 = vector.shape_cast %ne3A_244 : vector<512x1xi1> to vector<512x1xi1>
    %broadcast_in_dim3A_257 = vector.broadcast %broadcast_in_dim3A_256 : vector<512x1xi1> to vector<512x128xi1>
    %select_n3A_258 = arith.select %broadcast_in_dim3A_257, %tanh3A_252, %select_n3A_226 : vector<512x128xi1>, vector<512x128xf32>
    %get3A_259 = arith.constant 8 : index
    %get3A_260 = arith.constant 0 : index
    %get3A_261 = arith.constant 0 : index
    %get3A_262 = vector.load %arg1[%get3A_259, %get3A_260, %get3A_261] : memref<10x1024x128xf32, #tpu.memory_space<vmem>>, vector<1x512x128xf32>
    %get3A_263 = vector.shape_cast %get3A_262 : vector<1x512x128xf32> to vector<512x128xf32>
    %get3A_264 = arith.constant 8 : index
    %get3A_265 = arith.constant 512 : index
    %get3A_266 = arith.constant 0 : index
    %get3A_267 = vector.load %arg1[%get3A_264, %get3A_265, %get3A_266] : memref<10x1024x128xf32, #tpu.memory_space<vmem>>, vector<1x512x128xf32>
    %get3A_268 = vector.shape_cast %get3A_267 : vector<1x512x128xf32> to vector<512x128xf32>
    %slice3A_269 = vector.extract_strided_slice %get3A_263 {offsets = [0, 100], sizes = [512, 1], strides = [1, 1]} : vector<512x128xf32> to vector<512x1xf32>
    %ne3A_270 = arith.constant 0.000000e+00 : f32
    %ne3A_271 = vector.broadcast %ne3A_270 : f32 to vector<512x1xf32>
    %ne3A_272 = arith.cmpf one, %slice3A_269, %ne3A_271 : vector<512x1xf32>
    %slice3A_273 = vector.extract_strided_slice %get3A_268 {offsets = [0, 100], sizes = [512, 1], strides = [1, 1]} : vector<512x128xf32> to vector<512x1xf32>
    %ne3A_274 = arith.constant 0.000000e+00 : f32
    %ne3A_275 = vector.broadcast %ne3A_274 : f32 to vector<512x1xf32>
    %ne3A_276 = arith.cmpf one, %slice3A_273, %ne3A_275 : vector<512x1xf32>
    %dot_general3A_277 = arith.constant dense<0.000000e+00> : vector<512x128xf32>
    %dot_general3A_278 = tpu.matmul %select_n3A_255, %get3A_9, %dot_general3A_277 {dimension_numbers = #tpu.dot_dimension_numbers<[1], [0], [0], [1], [0, 0, 1, 1], [], []>, transpose_lhs_hint = false} : vector<512x128xf32>, vector<128x128xf32>, vector<512x128xf32> -> vector<512x128xf32>
    %add3A_279 = arith.addf %get3A_263, %dot_general3A_278 : vector<512x128xf32>
    %tanh3A_280 = math.tanh %add3A_279 : vector<512x128xf32>
    %dot_general3A_281 = arith.constant dense<0.000000e+00> : vector<512x128xf32>
    %dot_general3A_282 = tpu.matmul %select_n3A_258, %get3A_9, %dot_general3A_281 {dimension_numbers = #tpu.dot_dimension_numbers<[1], [0], [0], [1], [0, 0, 1, 1], [], []>, transpose_lhs_hint = false} : vector<512x128xf32>, vector<128x128xf32>, vector<512x128xf32> -> vector<512x128xf32>
    %add3A_283 = arith.addf %get3A_268, %dot_general3A_282 : vector<512x128xf32>
    %tanh3A_284 = math.tanh %add3A_283 : vector<512x128xf32>
    %broadcast_in_dim3A_285 = vector.shape_cast %ne3A_272 : vector<512x1xi1> to vector<512x1xi1>
    %broadcast_in_dim3A_286 = vector.broadcast %broadcast_in_dim3A_285 : vector<512x1xi1> to vector<512x128xi1>
    %select_n3A_287 = arith.select %broadcast_in_dim3A_286, %tanh3A_280, %select_n3A_255 : vector<512x128xi1>, vector<512x128xf32>
    %broadcast_in_dim3A_288 = vector.shape_cast %ne3A_276 : vector<512x1xi1> to vector<512x1xi1>
    %broadcast_in_dim3A_289 = vector.broadcast %broadcast_in_dim3A_288 : vector<512x1xi1> to vector<512x128xi1>
    %select_n3A_290 = arith.select %broadcast_in_dim3A_289, %tanh3A_284, %select_n3A_258 : vector<512x128xi1>, vector<512x128xf32>
    %get3A_291 = arith.constant 9 : index
    %get3A_292 = arith.constant 0 : index
    %get3A_293 = arith.constant 0 : index
    %get3A_294 = vector.load %arg1[%get3A_291, %get3A_292, %get3A_293] : memref<10x1024x128xf32, #tpu.memory_space<vmem>>, vector<1x512x128xf32>
    %get3A_295 = vector.shape_cast %get3A_294 : vector<1x512x128xf32> to vector<512x128xf32>
    %get3A_296 = arith.constant 9 : index
    %get3A_297 = arith.constant 512 : index
    %get3A_298 = arith.constant 0 : index
    %get3A_299 = vector.load %arg1[%get3A_296, %get3A_297, %get3A_298] : memref<10x1024x128xf32, #tpu.memory_space<vmem>>, vector<1x512x128xf32>
    %get3A_300 = vector.shape_cast %get3A_299 : vector<1x512x128xf32> to vector<512x128xf32>
    %slice3A_301 = vector.extract_strided_slice %get3A_295 {offsets = [0, 100], sizes = [512, 1], strides = [1, 1]} : vector<512x128xf32> to vector<512x1xf32>
    %ne3A_302 = arith.constant 0.000000e+00 : f32
    %ne3A_303 = vector.broadcast %ne3A_302 : f32 to vector<512x1xf32>
    %ne3A_304 = arith.cmpf one, %slice3A_301, %ne3A_303 : vector<512x1xf32>
    %slice3A_305 = vector.extract_strided_slice %get3A_300 {offsets = [0, 100], sizes = [512, 1], strides = [1, 1]} : vector<512x128xf32> to vector<512x1xf32>
    %ne3A_306 = arith.constant 0.000000e+00 : f32
    %ne3A_307 = vector.broadcast %ne3A_306 : f32 to vector<512x1xf32>
    %ne3A_308 = arith.cmpf one, %slice3A_305, %ne3A_307 : vector<512x1xf32>
    %dot_general3A_309 = arith.constant dense<0.000000e+00> : vector<512x128xf32>
    %dot_general3A_310 = tpu.matmul %select_n3A_287, %get3A_9, %dot_general3A_309 {dimension_numbers = #tpu.dot_dimension_numbers<[1], [0], [0], [1], [0, 0, 1, 1], [], []>, transpose_lhs_hint = false} : vector<512x128xf32>, vector<128x128xf32>, vector<512x128xf32> -> vector<512x128xf32>
    %add3A_311 = arith.addf %get3A_295, %dot_general3A_310 : vector<512x128xf32>
    %tanh3A_312 = math.tanh %add3A_311 : vector<512x128xf32>
    %dot_general3A_313 = arith.constant dense<0.000000e+00> : vector<512x128xf32>
    %dot_general3A_314 = tpu.matmul %select_n3A_290, %get3A_9, %dot_general3A_313 {dimension_numbers = #tpu.dot_dimension_numbers<[1], [0], [0], [1], [0, 0, 1, 1], [], []>, transpose_lhs_hint = false} : vector<512x128xf32>, vector<128x128xf32>, vector<512x128xf32> -> vector<512x128xf32>
    %add3A_315 = arith.addf %get3A_300, %dot_general3A_314 : vector<512x128xf32>
    %tanh3A_316 = math.tanh %add3A_315 : vector<512x128xf32>
    %broadcast_in_dim3A_317 = vector.shape_cast %ne3A_304 : vector<512x1xi1> to vector<512x1xi1>
    %broadcast_in_dim3A_318 = vector.broadcast %broadcast_in_dim3A_317 : vector<512x1xi1> to vector<512x128xi1>
    %select_n3A_319 = arith.select %broadcast_in_dim3A_318, %tanh3A_312, %select_n3A_287 : vector<512x128xi1>, vector<512x128xf32>
    %broadcast_in_dim3A_320 = vector.shape_cast %ne3A_308 : vector<512x1xi1> to vector<512x1xi1>
    %broadcast_in_dim3A_321 = vector.broadcast %broadcast_in_dim3A_320 : vector<512x1xi1> to vector<512x128xi1>
    %select_n3A_322 = arith.select %broadcast_in_dim3A_321, %tanh3A_316, %select_n3A_290 : vector<512x128xi1>, vector<512x128xf32>
    %swap3A = arith.constant 0 : index
    %swap3A_323 = arith.constant 0 : index
    %swap3A_324 = vector.load %arg7[%swap3A, %swap3A_323] : memref<1024x128xf32, #tpu.memory_space<vmem>>, vector<512x128xf32>
    tpu.vector_store %arg7[%swap3A, %swap3A_323], %select_n3A_319 {strides = array<i32>} : memref<1024x128xf32, #tpu.memory_space<vmem>>, vector<512x128xf32>,
    %swap3A_325 = arith.constant 512 : index
    %swap3A_326 = arith.constant 0 : index
    %swap3A_327 = vector.load %arg7[%swap3A_325, %swap3A_326] : memref<1024x128xf32, #tpu.memory_space<vmem>>, vector<512x128xf32>
    tpu.vector_store %arg7[%swap3A_325, %swap3A_326], %select_n3A_322 {strides = array<i32>} : memref<1024x128xf32, #tpu.memory_space<vmem>>, vector<512x128xf32>,
    %eq3A_328 = arith.constant 9 : i32
    %eq3A_329 = arith.cmpi eq, %arg0, %eq3A_328 : i32
    %convert_element_type3A_330 = arith.extui %eq3A_329 : i1 to i32
    %cond3A_331 = arith.constant 0 : i32
    %cond3A_332 = arith.cmpi ne, %convert_element_type3A_330, %cond3A_331 : i32
    scf.if %cond3A_332 {
      %concatenate3A = tpu.concatenate %select_n3A_319, %select_n3A_322 in 0 : vector<512x128xf32>, vector<512x128xf32> -> vector<1024x128xf32>
      %get3A_333 = arith.constant 0 : index
      %get3A_334 = arith.constant 0 : index
      %get3A_335 = vector.load %arg3[%get3A_333, %get3A_334] : memref<128x64xf32, #tpu.memory_space<vmem>>, vector<128x64xf32>
      %dot_general3A_336 = arith.constant dense<0.000000e+00> : vector<1024x64xf32>
      %dot_general3A_337 = tpu.matmul %concatenate3A, %get3A_335, %dot_general3A_336 {dimension_numbers = #tpu.dot_dimension_numbers<[1], [0], [0], [1], [0, 0, 1, 1], [], []>, transpose_lhs_hint = false} : vector<1024x128xf32>, vector<128x64xf32>, vector<1024x64xf32> -> vector<1024x64xf32>
      %get3A_338 = arith.constant 0 : index
      %get3A_339 = arith.constant 0 : index
      %get3A_340 = vector.load %arg4[%get3A_338, %get3A_339] : memref<1x64xf32, #tpu.memory_space<vmem>>, vector<1x64xf32>
      %add3A_341 = vector.broadcast %get3A_340 : vector<1x64xf32> to vector<1024x64xf32>
      %add3A_342 = arith.addf %dot_general3A_337, %add3A_341 : vector<1024x64xf32>
      %reduce_max3A = arith.constant dense<0xFF800000> : vector<1024xf32>
      %reduce_max3A_343 = vector.multi_reduction <maximumf>, %add3A_342, %reduce_max3A [1] : vector<1024x64xf32> to vector<1024xf32>
      %broadcast_in_dim3A_344 = vector.shape_cast %reduce_max3A_343 : vector<1024xf32> to vector<1024x1xf32>
      %sub3A = vector.broadcast %broadcast_in_dim3A_344 : vector<1024x1xf32> to vector<1024x64xf32>
      %sub3A_345 = arith.subf %add3A_342, %sub3A : vector<1024x64xf32>
      %exp3A = math.exp %sub3A_345 : vector<1024x64xf32>
      %reduce_sum3A = arith.constant dense<0.000000e+00> : vector<1024xf32>
      %reduce_sum3A_346 = vector.multi_reduction <add>, %exp3A, %reduce_sum3A [1] : vector<1024x64xf32> to vector<1024xf32>
      %broadcast_in_dim3A_347 = vector.shape_cast %reduce_sum3A_346 : vector<1024xf32> to vector<1024x1xf32>
      %div3A = vector.broadcast %broadcast_in_dim3A_347 : vector<1024x1xf32> to vector<1024x64xf32>
      %div3A_348 = arith.divf %exp3A, %div3A : vector<1024x64xf32>
      %swap3A_349 = arith.constant 0 : index
      %swap3A_350 = arith.constant 0 : index
      %swap3A_351 = vector.load %arg6[%swap3A_349, %swap3A_350] : memref<1024x64xf32, #tpu.memory_space<vmem>>, vector<1024x64xf32>
      tpu.vector_store %arg6[%swap3A_349, %swap3A_350], %div3A_348 {strides = array<i32>} : memref<1024x64xf32, #tpu.memory_space<vmem>>, vector<1024x64xf32>,
    } else {
    }
    return
  }
  func.func @transform_0(%arg0: i32) -> (i32, i32, i32) {
    %c0_i32 = arith.constant 0 : i32
    %c0_i32_0 = arith.constant 0 : i32
    %c0_i32_1 = arith.constant 0 : i32
    return %arg0, %c0_i32, %c0_i32_0 : i32, i32, i32
  }
  func.func @transform_1(%arg0: i32) -> (i32, i32) {
    %c0_i32 = arith.constant 0 : i32
    %c0_i32_0 = arith.constant 0 : i32
    %c0_i32_1 = arith.constant 0 : i32
    return %c0_i32, %c0_i32_0 : i32, i32
  }
  func.func @transform_2(%arg0: i32) -> (i32, i32) {
    %c0_i32 = arith.constant 0 : i32
    %c0_i32_0 = arith.constant 0 : i32
    %c0_i32_1 = arith.constant 0 : i32
    return %c0_i32, %c0_i32_0 : i32, i32
  }
  func.func @transform_3(%arg0: i32) -> (i32, i32) {
    %c0_i32 = arith.constant 0 : i32
    %c0_i32_0 = arith.constant 0 : i32
    %c0_i32_1 = arith.constant 0 : i32
    return %c0_i32, %c0_i32_0 : i32, i32
  }
  func.func @transform_4(%arg0: i32) -> (i32, i32) {
    %c0_i32 = arith.constant 0 : i32
    %c0_i32_0 = arith.constant 0 : i32
    %c0_i32_1 = arith.constant 0 : i32
    return %c0_i32, %c0_i32_0 : i32, i32
  }
  func.func @transform_5(%arg0: i32) -> (i32, i32) {
    %c0_i32 = arith.constant 0 : i32
    %c0_i32_0 = arith.constant 0 : i32
    %c0_i32_1 = arith.constant 0 : i32
    return %c0_i32, %c0_i32_0 : i32, i32
  }
}

</mosaic_0001>

<sc_bundles>
// kernel: kernel.10.cloned.1.call-start
scs
__scs_entry_jumppad:
0x0: {  	(pc) =	sbr.rel $0x88, $3  }
0x1: {  	(tag) =	ssettag $0x0;
	lr =	simm.s32 $0x1  }
0x2: {  	[smem:$0x3F9A] =	sst lr;
	_ =	strace $0xD0000000  }
0x3: {  	_ = 	snop  }
0x4: {  	_ = 	snop  }
0x5: {  	_ = 	snop  }
0x6: {  	_ = 	snop  }
0x7: {  	_ = 	snop  }
__scs_overlays_trampoline_lowered:
0x8: {  	[smem:$0x3FA9] =	sst s0  }
0x9: {  	[smem:$0x3FAA] =	sst s1  }
0xa: {  	[smem:$0x3FAB] =	sst s2  }
0xb: {  	[smem:$0x3FAC] =	sst s3  }
0xc: {  	[smem:$0x3FAD] =	sst s4  }
0xd: {  	[smem:$0x3FAE] =	sst s5  }
0xe: {  	[smem:$0x3FAF] =	sst s6  }
0xf: {  	[smem:$0x3FB0] =	sst s7  }
0x10: {  	[smem:$0x3FB1] =	sst s8  }
0x11: {  	[smem:$0x3FB2] =	sst s9;
	s0 =	simm.s32 @!p0 $0x0  }
0x12: {  	s1 =	sld [smem:$0x3F98];
	s0 =	simm.s32 @p0 $0x1  }
0x13: {  	[smem:$0x3FB3] =	sst s0;
	s0 =	simm.s32 @!p1 $0x0  }
0x14: {  	s2 =	sld [smem:$0x3F97];
	s0 =	simm.s32 @p1 $0x1  }
0x15: {  	[smem:$0x3FB4] =	sst s0;
	s0 =	simm.s32 @!p2 $0x0  }
0x16: {  	s3 =	sld [smem:$0x3FDB];
	s0 =	simm.s32 @p2 $0x1  }
0x17: {  	s4 =	simm.s32 $0x1BF5;
	[smem:$0x3FB6] =	sst s0  }
0x18: {  	s0 =	sld [smem:$0x3F99];
	_ =	swait.ge [sflag:s4], $0x0  }
0x19: {  	s7 =	sld [smem:$0x3F9A]  }
0x1a: {  	s8 =	sadd.s32 $0xFFFFE003, lr  }
0x1b: {  	s9 =	sadd.s32 $0xFFFFFEF7, lr;
	s5 =	simm.s32 $0xFFFFFFFF;
	p2 =	slt.u32 s8, $0xFFFFF086  }
0x1c: {  	p1 =	slt.u32 s9, $0xF7A;
	s5 =	simm.s32 @!p2 $0x0  }
0x1d: {  	s5 =	simm.s32 @p1 $0x1;
	p0 =	seq.s32 s7, s2  }
0x1e: {  	s7 =	smul.u32 @!p0 $0xF7A, s2;
	p2 =	seq.s32 @!p0 s5, $0x0  }
0x1f: {  	s9 =	smul.u32 $0xF7A, s1;
	s8 =	simm.s32 @!p0 $0x1BF5;
	p2 =	por !p2, p0  }
0x20: {  	[sflag:s8] =	ssyncset.s32 @!p0 $0xFFFFF086;
	s6 =	sadd.s32 @!p0 s3, s7;
	s7 =	simm.s32 @!p0 $0x108  }
0x21: {  	s3 =	sadd.s32 s3, s9;
	s6 =	sadd.s32 @!p0 $0x88, s6;
	s7 =	simm.s32 @p2 $0x1082  }
0x22: {  	[simem:s7], [sflag:s8] =	dma.local @!p0 [hbm:s6], $0xF7A  }
0x23: {  	s9 =	sor.u32 $0xD0000000, s2;
	s6 =	simm.s32 $0x108;
	_ =	swait.ge @!p0 [sflag:s8], $0x0  }
0x24: {  	s3 =	sadd.s32 $0x88, s3;
	s6 =	simm.s32 @!p1 $0x1082;
	[sflag:s4] =	ssyncset.s32 $0xFFFFF086  }
0x25: {  	[simem:s6], [sflag:s4] =	dma.local [hbm:s3], $0xF7A  }
0x26: {  	[smem:$0x3F9A] =	sst s1;
	(tag) =	ssettag s2;
	_ =	strace s9  }
0x27: {  	s1 =	sld [smem:$0x3FAA]  }
0x28: {  	s2 =	sld [smem:$0x3FAB]  }
0x29: {  	s4 =	sld [smem:$0x3FAD]  }
0x2a: {  	p0 =	seq.s32 s5, $0x0;
	s5 =	sld [smem:$0x3FAE]  }
0x2b: {  	s6 =	sld [smem:$0x3FAF]  }
0x2c: {  	s7 =	sld [smem:$0x3FB0]  }
0x2d: {  	s3 =	simm.s32 $0x108;
	s8 =	sld [smem:$0x3FB1]  }
0x2e: {  	s3 =	simm.s32 @!p0 $0x1082;
	s9 =	sld [smem:$0x3FB2]  }
0x2f: {  	lr =	sadd.s32 s0, s3;
	s0 =	sld [smem:$0x3FA9]  }
0x30: {  	s3 =	sld [smem:$0x3FAC]  }
0x31: {  	[smem:$0x3FB5] =	sst s10  }
0x32: {  	s10 =	sld [smem:$0x3FB3];
	_ =	sdelay $0x3  }
0x33: {  	p0 =	seq.s32 s10, $0x1;
	s10 =	sld [smem:$0x3FB5];
	_ =	sdelay $0x3  }
0x34: {  	[smem:$0x3FB5] =	sst s10  }
0x35: {  	s10 =	sld [smem:$0x3FB4];
	_ =	sdelay $0x3  }
0x36: {  	p1 =	seq.s32 s10, $0x1;
	s10 =	sld [smem:$0x3FB5];
	_ =	sdelay $0x3  }
0x37: {  	[smem:$0x3FB5] =	sst s10  }
0x38: {  	s10 =	sld [smem:$0x3FB6]  }
0x39: {  	_ = 	snop;
	(pc) =	sbr.ind lr, $3  }
0x3a: {  	_ = 	snop  }
0x3b: {  	_ = 	snop  }
0x3c: {  	p2 =	seq.s32 s10, $0x1;
	s10 =	sld [smem:$0x3FB5]  }
0x3d: {  	_ =	shalt  }
0x3e: {  	_ =	shalt  }
0x3f: {  	_ =	shalt  }
0x40: {  	_ =	shalt  }
0x41: {  	_ =	shalt  }
0x42: {  	_ =	shalt  }
0x43: {  	_ =	shalt  }
0x44: {  	_ =	shalt  }
0x45: {  	_ =	shalt  }
0x46: {  	_ =	shalt  }
0x47: {  	_ =	shalt  }
0x48: {  	_ =	shalt  }
0x49: {  	_ =	shalt  }
0x4a: {  	_ =	shalt  }
0x4b: {  	_ =	shalt  }
0x4c: {  	_ =	shalt  }
0x4d: {  	_ =	shalt  }
0x4e: {  	_ =	shalt  }
0x4f: {  	_ =	shalt  }
0x50: {  	_ =	shalt  }
0x51: {  	_ =	shalt  }
0x52: {  	_ =	shalt  }
0x53: {  	_ =	shalt  }
0x54: {  	_ =	shalt  }
0x55: {  	_ =	shalt  }
0x56: {  	_ =	shalt  }
0x57: {  	_ =	shalt  }
0x58: {  	_ =	shalt  }
0x59: {  	_ =	shalt  }
0x5a: {  	_ =	shalt  }
0x5b: {  	_ =	shalt  }
0x5c: {  	_ =	shalt  }
0x5d: {  	_ =	shalt  }
0x5e: {  	_ =	shalt  }
0x5f: {  	_ =	shalt  }
0x60: {  	_ =	shalt  }
0x61: {  	_ =	shalt  }
0x62: {  	_ =	shalt  }
0x63: {  	_ =	shalt  }
0x64: {  	_ =	shalt  }
0x65: {  	_ =	shalt  }
0x66: {  	_ =	shalt  }
0x67: {  	_ =	shalt  }
0x68: {  	_ =	shalt  }
0x69: {  	_ =	shalt  }
0x6a: {  	_ =	shalt  }
0x6b: {  	_ =	shalt  }
0x6c: {  	_ =	shalt  }
0x6d: {  	_ =	shalt  }
0x6e: {  	_ =	shalt  }
0x6f: {  	_ =	shalt  }
0x70: {  	_ =	shalt  }
0x71: {  	_ =	shalt  }
0x72: {  	_ =	shalt  }
0x73: {  	_ =	shalt  }
0x74: {  	_ =	shalt  }
0x75: {  	_ =	shalt  }
0x76: {  	_ =	shalt  }
0x77: {  	_ =	shalt  }
0x78: {  	_ =	shalt  }
0x79: {  	_ =	shalt  }
0x7a: {  	_ =	shalt  }
0x7b: {  	_ =	shalt  }
0x7c: {  	_ =	shalt  }
0x7d: {  	_ =	shalt  }
0x7e: {  	_ =	shalt  }
0x7f: {  	_ =	shalt  }
0x80: {  	_ =	shalt  }
0x81: {  	_ =	shalt  }
0x82: {  	_ =	shalt  }
0x83: {  	_ =	shalt  }
0x84: {  	_ =	shalt  }
0x85: {  	_ =	shalt  }
0x86: {  	_ =	shalt  }
0x87: {  	_ =	shalt  }
.Lfunc_end0:
.L_simem_size_0:
called_computation.1_lowered:
.L_overlay_start_0:
0x88: {  	s2 =	sld [smem:$0x3FD9]  }
0x89: {  	s3 =	sld [smem:$0x3FFE];
	_ =	sdelay $0x1  }
0x8a: {  	s1 =	srdreg.scid  }
0x8b: {  	s0 =	sand.u32 $0x1, s1  }
0x8c: {  	s17 =	sshll.u32 s0, $0xA;
	s2 =	sadd.s32 s3, s2  }
0x8d: {  	s2 =	sadd.s32 s2, s17  }
0x8e: {  	[smem:$0x3FC1] =	sst s2  }
0x8f: {  	_ = 	snop  }
0x90: {  	(tm) =	ssettm $0x1  }
0x91: {  	s18 =	sld [smem:$0x3FFB];
	_ =	sdelay $0x3  }
0x92: {  	_ =	strace s18  }
0x93: {  	s2 =	sld [smem:$0x3FFC];
	_ =	sdelay $0x3  }
0x94: {  	_ =	strace s2  }
0x95: {  	s2 =	sld [smem:$0x3FFD];
	_ =	sdelay $0x3  }
0x96: {  	_ =	strace s2  }
0x97: {  	_ =	strace $0x8FFFFFFF  }
0x98: {  	s19 =	sld [smem:$0x3FDB];
	_ =	sdelay $0x1  }
0x99: {  	s20 =	simm.s32 $_scs_section_size  }
0x9a: {  	s4 =	simm.s32 $_size__tile_overlayer_lowered;
	s5 =	simm.s32 $_tile_overlayer_lowered  }
0x9b: {  	s6 =	simm.s32 $0x1BFF;
	s21 =	sshll.u32 s5, $0x1;
	s3 =	sadd.s32 s20, s19  }
0x9c: {  	s22 =	simm.s32 $0x0;
	s4 =	sshll.u32 s4, $0x1;
	s5 =	sadd.s32 s21, s3  }
0x9d: {  	[timem:s22], [sflag:s6] =	dma.local [hbm:s5], s4  }
0x9e: {  	_ =	swait.ge [sflag:s6], s4  }
0x9f: {  	s4 =	ssub.s32 $0x0, s4;
	[sflag:s6] =	ssyncset.done $0x0  }
0xa0: {  	[sflag:s6] =	ssyncadd.s32 s4;
	_ =	sdelay $0x1  }
0xa1: {  	s23 =	simm.s32 $0x1B8B  }
0xa2: {  	_ =	swait.ge [sflag:s23], $0x1  }
0xa3: {  	[sflag:s23] =	ssyncset.done $0x0  }
0xa4: {  	[sflag:s23] =	ssyncadd.s32 $0xFFFFFFFF  }
0xa5: {  	s4 =	sld [smem:$0x0]  }
0xa6: {  	s5 =	sand.u32 $0xFFFFFFFE, s1  }
0xa7: {  	p0 =	sne.s32 s1, s5  }
0xa8: {  	s5 =	sshll.u32 @p0 s5, $0xE  }
0xa9: {  	s5 =	sadd.s32 @p0 $0x11B8D, s5;
	s6 =	sshll.u32 @p0 s4, $0x11  }
0xaa: {  	s5 =	sor.u32 @p0 s6, s5  }
0xab: {  	[sflag:s5] =	ssyncadd.remote.s32 @p0 $0x1;
	_ =	sdelay $0x1  }
0xac: {  	s5 =	simm.s32 @p0 $0x1B8D  }
0xad: {  	_ =	swait.eq @p0 [sflag:s5], $0x1  }
0xae: {  	[sflag:s5] =	ssyncadd.s32 @p0 $0xFFFFFFFF  }
0xaf: {  	s6 =	sshll.u32 @!p0 s1, $0xE  }
0xb0: {  	s6 =	sor.u32 @!p0 $0x4000, s6;
	s5 =	simm.s32 @!p0 $0x1B8D  }
0xb1: {  	s4 =	sshll.u32 @!p0 s4, $0x11;
	s6 =	sadd.s32 @!p0 $0x11B8D, s6;
	_ =	swait.eq @!p0 [sflag:s5], $0x1  }
0xb2: {  	s4 =	sor.u32 @!p0 s4, s6;
	[sflag:s5] =	ssyncadd.s32 @!p0 $0xFFFFFFFF  }
0xb3: {  	s25 =	simm.s32 $0x1B8E;
	s24 =	sld [smem:$0x3FFE];
	[sflag:s4] =	ssyncadd.remote.s32 @!p0 $0x1  }
0xb4: {  	s26 =	simm.s32 $execute0_lowered;
	[smem:$0x3FD2] =	sst s25  }
0xb5: {  	s5 =	sshll.u32 s26, $0x1;
	_ =	strace $0x80000049;
	[dreg:$0x1] =	wrdreg $0xFFFFFFFF  }
0xb6: {  	s28 =	simm.s32 $_size_execute0_lowered;
	s3 =	sadd.s32 s3, s5;
	[dreg:$0x0] =	wrdreg $0x0  }
0xb7: {  	s5 =	sshll.u32 s28, $0x1;
	[dreg:$0x2] =	wrdreg s3  }
0xb8: {  	[dreg:$0x3] =	wrdreg s5  }
0xb9: {  	[dreg:$0x4] =	wrdreg $0xC0  }
0xba: {  	_ =	task [dreg:s22], $0x5FFFF  }
0xbb: {  	[dreg:$0x1] =	wrdreg $0xFFFFFFFF  }
0xbc: {  	[dreg:$0x0] =	wrdreg $0x60  }
0xbd: {  	[dreg:$0x2] =	wrdreg s24  }
0xbe: {  	[dreg:$0x3] =	wrdreg $0xA  }
0xbf: {  	_ =	task.clear_ibuf [dreg:s22], $0x4FFFF;
	_ =	strace $0x90000049  }
0xc0: {  	s29 =	simm.s32 $0xA;
	_ =	strace $0x8000004B  }
0xc1: {  	_ =	swait.ge [sflag:s29], $0x1  }
0xc2: {  	[sflag:s29] =	ssyncadd.s32 $0xFFFFFFFF  }
0xc3: {  	_ =	strace $0x9000004B  }
0xc4: {  	_ =	sfence  }
0xc5: {  	s30 =	sld [smem:$0x0];
	_ =	sdelay $0x2  }
0xc6: {  	s31 =	sshll.u32 s1, $0xD;
	s1 =	sshrl.u32 s1, $0x2  }
0xc7: {  	s4 =	sand.u32 $0x4000, s31;
	s1 =	sadd.s32 s1, s30  }
0xc8: {  	s0 =	sor.u32 s4, s0;
	s1 =	sshll.u32 s1, $0x11  }
0xc9: {  	s0 =	sor.u32 s1, s0  }
0xca: {  	s0 =	sadd.s32 $0x8F2B, s0  }
0xcb: {  	[sflag:s0] =	ssyncadd.remote.s32 $0x1  }
0xcc: {  	_ =	sfence.sel $0xFFFF  }
0xcd: {  	[dreg:$0x0] =	wrdreg $0xFFFFFFFF;
	(pc) =	sbr.abs _section_cstart, $3  }
0xce: {  	[dreg:$0x1] =	wrdreg $0xFFFFFFFF  }
0xcf: {  	_ =	task.clear_ibuf [dreg:s22], $0x2FFFF;
	_ =	strace $0x9FFFFFFF  }
0xd0: {  	(tm) =	ssettm $0x7FFFFFFF  }
0xd1: {  	_ =	shalt  }
tec
execute0_lowered:
.L_overlay_start_1:
0x0: {  	(tag) =	ssettag $0x1  }
0x1: {  	s0 =	srdreg.scid  }
0x2: {  	s12 =	stileid.u32;
	s1 =	rddreg [dreg:$0x0]  }
0x3: {  	s2 =	simm.s32 $0x0;
	s7 =	simm.s32 $0x80;
	s23 =	simm.s32 $0x100  }
0x4: {  	s24 =	simm.s32 $0x180;
	s8 =	simm.s32 $0x5000;
	s25 =	simm.s32 $0x200  }
0x5: {  	s9 =	simm.s32 $0x9000;
	s10 =	simm.s32 $0xD000;
	s11 =	simm.s32 $0x11000  }
0x6: {  	s26 =	simm.s32 $0x280;
	s29 =	simm.s32 $0x300;
	s30 =	simm.s32 $0x380  }
0x7: {  	s31 =	simm.s32 $0x400;
	s28 =	simm.s32 $0x700;
	p0 =	por $0x0, $0x0  }
0x8: {  	s13 =	simm.s32 $0xA00;
	s14 =	simm.s32 $0xA80;
	[smem:$0x7FF] =	sst s2  }
0x9: {  	s15 =	simm.s32 $0xB00;
	_ =	strace $0x8000004A;
	[dreg:$0x8] =	wrdreg s23  }
0xa: {  	s16 =	simm.s32 $0xB80;
	s0 =	sand.u32 $0x1, s0;
	[dreg:$0x9] =	wrdreg s24  }
0xb: {  	s3 =	sshll.u32 s12, $0x1;
	s6 =	sadd.s32 $0x323000, s1;
	[dreg:$0xa] =	wrdreg s25  }
0xc: {  	s3 =	sor.u32 s0, s3;
	s0 =	ssub.s32 $0x2, s0;
	[dreg:$0xb] =	wrdreg s26  }
0xd: {  	s23 =	simm.s32 $0x500;
	s24 =	simm.s32 $0x580;
	s25 =	simm.s32 $0x600  }
0xe: {  	s26 =	simm.s32 $0x680;
	s4 =	sshll.u32 s3, $0x9;
	s5 =	smul.u32 $0x64000, s3  }
0xf: {  	s3 =	smul.u32 $0xC800, s3;
	s20 =	sshrl.u32 s0, $0x1;
	s4 =	sadd.s32 s4, s1  }
0x10: {  	s0 =	ssub.s32 s0, s20;
	s20 =	simm.s32 $0x880;
	s4 =	sadd.s32 $0x31F000, s4  }
0x11: {  	s5 =	sshrl.u32 s5, $0x3;
	s3 =	sadd.s32 s6, s3;
	[dreg:$0x2] =	wrdreg s4  }
0x12: {  	s0 =	smax.u32 s0, $0x1;
	s17 =	sadd.s32 s6, s5;
	[dreg:$0x3] =	wrdreg s3  }
0x13: {  	s5 =	sadd.s32 $0x8600, s1;
	s3 =	simm.s32 $0x2;
	p1 =	sne.s32 s0, $0x1  }
0x14: {  	s1 =	sadd.s32 $0xFFFFFFFF, s0;
	s18 =	sadd.s32 $0x2800, s17;
	s0 =	rddreg [dreg:$0x2]  }
.Ltmp0:
0x15: {  	s19 =	sadd.s32 $0x5000, s17;
	[dreg:$0x4] =	wrdreg s18;
	(pc) =	sbr.rel @!p1 .LBB2_1-.Ltmp0, $4  }
0x16: {  	s4 =	simm.s32 $0x1000;
	s21 =	sadd.s32 $0x7800, s17;
	[dreg:$0x5] =	wrdreg s19  }
0x17: {  	s6 =	simm.s32 $0x1;
	s22 =	sadd.s32 $0xA000, s17;
	[dreg:$0x6] =	wrdreg s21  }
0x18: {  	s17 =	simm.s32 $0xC00;
	[dreg:$0x7] =	wrdreg s22;
	s18 =	simm.s32 $0x480  }
0x19: {  	s19 =	simm.s32 $0x800;
	s21 =	simm.s32 $0x900;
	s22 =	simm.s32 $0x980  }
0x1a: {  	[tilespmem:s2], [sflag:$0x2] =	stream.linear.gather [hbm4b:s0+s2], $0xC80, $0x38;
	[tilespmem:$0x15000] =	vst v63  }
0x1b: {  	_ =	swait.ge [sflag:s3], $0xC80  }
0x1c: {  	[sflag:s3] =	ssyncset.done $0x0  }
0x1d: {  	[sflag:s3] =	ssyncadd.s32 $0xFFFFF380  }
0x1e: {  	[tilespmem:s4], [sflag:$0x1] =	stream.indirect.gather [hbm4b:s5+s7], $0x80, s2, s7, $0xb8;
	[tilespmem:$0x15000] =	vst v63  }
0x1f: {  	_ = 	snop  }
0x20: {  	[tilespmem:s8], [sflag:$0x1] =	stream.indirect.gather [hbm4b:s5+s7], $0x80, s7, s7, $0xb8;
	[tilespmem:$0x15000] =	vst v63  }
0x21: {  	s0 =	rddreg [dreg:$0x8]  }
0x22: {  	[tilespmem:s9], [sflag:$0x1] =	stream.indirect.gather [hbm4b:s5+s7], $0x80, s0, s7, $0xb8;
	[tilespmem:$0x15000] =	vst v63  }
0x23: {  	s12 =	smov.u32 s1;
	s1 =	rddreg [dreg:$0x9]  }
0x24: {  	[tilespmem:s10], [sflag:$0x1] =	stream.indirect.gather [hbm4b:s5+s7], $0x80, s1, s7, $0xb8;
	[tilespmem:$0x15000] =	vst v63  }
0x25: {  	s0 =	rddreg [dreg:$0xa]  }
0x26: {  	[tilespmem:s11], [sflag:$0x1] =	stream.indirect.gather [hbm4b:s5+s7], $0x80, s0, s7, $0xb8;
	[tilespmem:$0x15000] =	vst v63  }
0x27: {  	_ =	swait.ge [sflag:s6], $0x4000  }
0x28: {  	[sflag:s6] =	ssyncset.done $0x0  }
0x29: {  	[sflag:s6] =	ssyncadd.s32 $0xFFFFC000  }
0x2a: {  	_ =	swait.ge [sflag:s6], $0x4000  }
0x2b: {  	[sflag:s6] =	ssyncset.done $0x0  }
0x2c: {  	[sflag:s6] =	ssyncadd.s32 $0xFFFFC000  }
0x2d: {  	_ =	swait.ge [sflag:s6], $0x4000  }
0x2e: {  	[sflag:s6] =	ssyncset.done $0x0  }
0x2f: {  	[sflag:s6] =	ssyncadd.s32 $0xFFFFC000  }
0x30: {  	_ =	swait.ge [sflag:s6], $0x4000  }
0x31: {  	[sflag:s6] =	ssyncset.done $0x0  }
0x32: {  	[sflag:s6] =	ssyncadd.s32 $0xFFFFC000  }
0x33: {  	_ =	swait.ge [sflag:s6], $0x4000  }
0x34: {  	[sflag:s6] =	ssyncset.done $0x0  }
0x35: {  	s1 =	rddreg [dreg:$0x3];
	[sflag:s6] =	ssyncadd.s32 $0xFFFFC000  }
0x36: {  	[hbm4b:s1+s2] =	stream.linear.scatter [tilespmem:s4], [sflag:$0x2], $0x14000, $0x38;
	[tilespmem:$0x15000] =	vst v63  }
0x37: {  	_ =	swait.ge [sflag:s3], $0x14000  }
0x38: {  	[sflag:s3] =	ssyncset.done $0x0  }
0x39: {  	s1 =	rddreg [dreg:$0xb];
	[sflag:s3] =	ssyncadd.s32 $0xFFFEC000  }
0x3a: {  	[tilespmem:s4], [sflag:$0x1] =	stream.indirect.gather [hbm4b:s5+s7], $0x80, s1, s7, $0xb8;
	[tilespmem:$0x15000] =	vst v63  }
0x3b: {  	_ = 	snop  }
0x3c: {  	[tilespmem:s8], [sflag:$0x1] =	stream.indirect.gather [hbm4b:s5+s7], $0x80, s29, s7, $0xb8;
	[tilespmem:$0x15000] =	vst v63  }
0x3d: {  	_ = 	snop  }
0x3e: {  	[tilespmem:s9], [sflag:$0x1] =	stream.indirect.gather [hbm4b:s5+s7], $0x80, s30, s7, $0xb8;
	[tilespmem:$0x15000] =	vst v63  }
0x3f: {  	_ = 	snop  }
0x40: {  	[tilespmem:s10], [sflag:$0x1] =	stream.indirect.gather [hbm4b:s5+s7], $0x80, s31, s7, $0xb8;
	[tilespmem:$0x15000] =	vst v63  }
0x41: {  	_ = 	snop  }
0x42: {  	[tilespmem:s11], [sflag:$0x1] =	stream.indirect.gather [hbm4b:s5+s7], $0x80, s18, s7, $0xb8;
	[tilespmem:$0x15000] =	vst v63  }
0x43: {  	_ =	swait.ge [sflag:s6], $0x4000  }
0x44: {  	[sflag:s6] =	ssyncset.done $0x0  }
0x45: {  	[sflag:s6] =	ssyncadd.s32 $0xFFFFC000  }
0x46: {  	_ =	swait.ge [sflag:s6], $0x4000  }
0x47: {  	[sflag:s6] =	ssyncset.done $0x0  }
0x48: {  	[sflag:s6] =	ssyncadd.s32 $0xFFFFC000  }
0x49: {  	_ =	swait.ge [sflag:s6], $0x4000  }
0x4a: {  	[sflag:s6] =	ssyncset.done $0x0  }
0x4b: {  	[sflag:s6] =	ssyncadd.s32 $0xFFFFC000  }
0x4c: {  	_ =	swait.ge [sflag:s6], $0x4000  }
0x4d: {  	[sflag:s6] =	ssyncset.done $0x0  }
0x4e: {  	[sflag:s6] =	ssyncadd.s32 $0xFFFFC000  }
0x4f: {  	_ =	swait.ge [sflag:s6], $0x4000  }
0x50: {  	[sflag:s6] =	ssyncset.done $0x0  }
0x51: {  	s1 =	rddreg [dreg:$0x4];
	[sflag:s6] =	ssyncadd.s32 $0xFFFFC000  }
0x52: {  	[hbm4b:s1+s2] =	stream.linear.scatter [tilespmem:s4], [sflag:$0x2], $0x14000, $0x38;
	[tilespmem:$0x15000] =	vst v63  }
0x53: {  	_ =	swait.ge [sflag:s3], $0x14000  }
0x54: {  	[sflag:s3] =	ssyncset.done $0x0  }
0x55: {  	[sflag:s3] =	ssyncadd.s32 $0xFFFEC000  }
0x56: {  	[tilespmem:s4], [sflag:$0x1] =	stream.indirect.gather [hbm4b:s5+s7], $0x80, s23, s7, $0xb8;
	[tilespmem:$0x15000] =	vst v63  }
0x57: {  	_ = 	snop  }
0x58: {  	[tilespmem:s8], [sflag:$0x1] =	stream.indirect.gather [hbm4b:s5+s7], $0x80, s24, s7, $0xb8;
	[tilespmem:$0x15000] =	vst v63  }
0x59: {  	_ = 	snop  }
0x5a: {  	[tilespmem:s9], [sflag:$0x1] =	stream.indirect.gather [hbm4b:s5+s7], $0x80, s25, s7, $0xb8;
	[tilespmem:$0x15000] =	vst v63  }
0x5b: {  	_ = 	snop  }
0x5c: {  	[tilespmem:s10], [sflag:$0x1] =	stream.indirect.gather [hbm4b:s5+s7], $0x80, s26, s7, $0xb8;
	[tilespmem:$0x15000] =	vst v63  }
0x5d: {  	_ = 	snop  }
0x5e: {  	[tilespmem:s11], [sflag:$0x1] =	stream.indirect.gather [hbm4b:s5+s7], $0x80, s28, s7, $0xb8;
	[tilespmem:$0x15000] =	vst v63  }
0x5f: {  	_ =	swait.ge [sflag:s6], $0x4000  }
0x60: {  	[sflag:s6] =	ssyncset.done $0x0  }
0x61: {  	[sflag:s6] =	ssyncadd.s32 $0xFFFFC000  }
0x62: {  	_ =	swait.ge [sflag:s6], $0x4000  }
0x63: {  	[sflag:s6] =	ssyncset.done $0x0  }
0x64: {  	[sflag:s6] =	ssyncadd.s32 $0xFFFFC000  }
0x65: {  	_ =	swait.ge [sflag:s6], $0x4000  }
0x66: {  	[sflag:s6] =	ssyncset.done $0x0  }
0x67: {  	[sflag:s6] =	ssyncadd.s32 $0xFFFFC000  }
0x68: {  	_ =	swait.ge [sflag:s6], $0x4000  }
0x69: {  	[sflag:s6] =	ssyncset.done $0x0  }
0x6a: {  	[sflag:s6] =	ssyncadd.s32 $0xFFFFC000  }
0x6b: {  	_ =	swait.ge [sflag:s6], $0x4000  }
0x6c: {  	[sflag:s6] =	ssyncset.done $0x0  }
0x6d: {  	s1 =	rddreg [dreg:$0x5];
	[sflag:s6] =	ssyncadd.s32 $0xFFFFC000  }
0x6e: {  	[hbm4b:s1+s2] =	stream.linear.scatter [tilespmem:s4], [sflag:$0x2], $0x14000, $0x38;
	[tilespmem:$0x15000] =	vst v63  }
0x6f: {  	_ =	swait.ge [sflag:s3], $0x14000  }
0x70: {  	[sflag:s3] =	ssyncset.done $0x0  }
0x71: {  	s1 =	simm.s32 $0x780;
	[sflag:s3] =	ssyncadd.s32 $0xFFFEC000  }
0x72: {  	[tilespmem:s4], [sflag:$0x1] =	stream.indirect.gather [hbm4b:s5+s7], $0x80, s1, s7, $0xb8;
	[tilespmem:$0x15000] =	vst v63  }
0x73: {  	_ = 	snop  }
0x74: {  	[tilespmem:s8], [sflag:$0x1] =	stream.indirect.gather [hbm4b:s5+s7], $0x80, s19, s7, $0xb8;
	[tilespmem:$0x15000] =	vst v63  }
0x75: {  	_ = 	snop  }
0x76: {  	[tilespmem:s9], [sflag:$0x1] =	stream.indirect.gather [hbm4b:s5+s7], $0x80, s20, s7, $0xb8;
	[tilespmem:$0x15000] =	vst v63  }
0x77: {  	_ = 	snop  }
0x78: {  	[tilespmem:s10], [sflag:$0x1] =	stream.indirect.gather [hbm4b:s5+s7], $0x80, s21, s7, $0xb8;
	[tilespmem:$0x15000] =	vst v63  }
0x79: {  	_ = 	snop  }
0x7a: {  	[tilespmem:s11], [sflag:$0x1] =	stream.indirect.gather [hbm4b:s5+s7], $0x80, s22, s7, $0xb8;
	[tilespmem:$0x15000] =	vst v63  }
0x7b: {  	_ =	swait.ge [sflag:s6], $0x4000  }
0x7c: {  	[sflag:s6] =	ssyncset.done $0x0  }
0x7d: {  	[sflag:s6] =	ssyncadd.s32 $0xFFFFC000  }
0x7e: {  	_ =	swait.ge [sflag:s6], $0x4000  }
0x7f: {  	[sflag:s6] =	ssyncset.done $0x0  }
0x80: {  	[sflag:s6] =	ssyncadd.s32 $0xFFFFC000  }
0x81: {  	_ =	swait.ge [sflag:s6], $0x4000  }
0x82: {  	[sflag:s6] =	ssyncset.done $0x0  }
0x83: {  	[sflag:s6] =	ssyncadd.s32 $0xFFFFC000  }
0x84: {  	_ =	swait.ge [sflag:s6], $0x4000  }
0x85: {  	[sflag:s6] =	ssyncset.done $0x0  }
0x86: {  	[sflag:s6] =	ssyncadd.s32 $0xFFFFC000  }
0x87: {  	_ =	swait.ge [sflag:s6], $0x4000  }
0x88: {  	[sflag:s6] =	ssyncset.done $0x0  }
0x89: {  	s1 =	rddreg [dreg:$0x6];
	[sflag:s6] =	ssyncadd.s32 $0xFFFFC000  }
0x8a: {  	[hbm4b:s1+s2] =	stream.linear.scatter [tilespmem:s4], [sflag:$0x2], $0x14000, $0x38;
	[tilespmem:$0x15000] =	vst v63  }
0x8b: {  	_ =	swait.ge [sflag:s3], $0x14000  }
0x8c: {  	[sflag:s3] =	ssyncset.done $0x0  }
0x8d: {  	[sflag:s3] =	ssyncadd.s32 $0xFFFEC000  }
0x8e: {  	[tilespmem:s4], [sflag:$0x1] =	stream.indirect.gather [hbm4b:s5+s7], $0x80, s13, s7, $0xb8;
	[tilespmem:$0x15000] =	vst v63  }
0x8f: {  	_ = 	snop  }
0x90: {  	[tilespmem:s8], [sflag:$0x1] =	stream.indirect.gather [hbm4b:s5+s7], $0x80, s14, s7, $0xb8;
	[tilespmem:$0x15000] =	vst v63  }
0x91: {  	_ = 	snop  }
0x92: {  	[tilespmem:s9], [sflag:$0x1] =	stream.indirect.gather [hbm4b:s5+s7], $0x80, s15, s7, $0xb8;
	[tilespmem:$0x15000] =	vst v63  }
0x93: {  	_ = 	snop  }
0x94: {  	[tilespmem:s10], [sflag:$0x1] =	stream.indirect.gather [hbm4b:s5+s7], $0x80, s16, s7, $0xb8;
	[tilespmem:$0x15000] =	vst v63  }
0x95: {  	_ = 	snop  }
0x96: {  	[tilespmem:s11], [sflag:$0x1] =	stream.indirect.gather [hbm4b:s5+s7], $0x80, s17, s7, $0xb8;
	[tilespmem:$0x15000] =	vst v63  }
0x97: {  	_ =	swait.ge [sflag:s6], $0x4000  }
0x98: {  	[sflag:s6] =	ssyncset.done $0x0  }
0x99: {  	[sflag:s6] =	ssyncadd.s32 $0xFFFFC000  }
0x9a: {  	_ =	swait.ge [sflag:s6], $0x4000  }
0x9b: {  	[sflag:s6] =	ssyncset.done $0x0  }
0x9c: {  	[sflag:s6] =	ssyncadd.s32 $0xFFFFC000  }
0x9d: {  	_ =	swait.ge [sflag:s6], $0x4000  }
0x9e: {  	[sflag:s6] =	ssyncset.done $0x0  }
0x9f: {  	[sflag:s6] =	ssyncadd.s32 $0xFFFFC000  }
0xa0: {  	_ =	swait.ge [sflag:s6], $0x4000  }
0xa1: {  	[sflag:s6] =	ssyncset.done $0x0  }
0xa2: {  	[sflag:s6] =	ssyncadd.s32 $0xFFFFC000  }
0xa3: {  	p1 =	sne.s32 s12, $0x1;
	_ =	swait.ge [sflag:s6], $0x4000  }
.Ltmp1:
0xa4: {  	[sflag:s6] =	ssyncset.done $0x0;
	(pc) =	sbr.rel @!p1 .LBB2_3-.Ltmp1, $4  }
0xa5: {  	s1 =	rddreg [dreg:$0x7];
	[sflag:s6] =	ssyncadd.s32 $0xFFFFC000  }
0xa6: {  	[hbm4b:s1+s2] =	stream.linear.scatter [tilespmem:s4], [sflag:$0x2], $0x14000, $0x38;
	[tilespmem:$0x15000] =	vst v63  }
0xa7: {  	p0 =	por $0x1, $0x1;
	_ =	swait.ge [sflag:s3], $0x14000  }
0xa8: {  	s1 =	sadd.s32 $0xFFFFFFFF, s12;
	s0 =	rddreg [dreg:$0x2];
	[sflag:s3] =	ssyncset.done $0x0  }
.LBB2_4:
0xa9: {  	[sflag:s3] =	ssyncadd.s32 $0xFFFEC000  }
0xaa: {  	[tilespmem:s2], [sflag:$0x2] =	stream.linear.gather [hbm4b:s0+s2], $0xC80, $0x38;
	[tilespmem:$0x15000] =	vst v63  }
0xab: {  	_ =	swait.ge [sflag:s3], $0xC80  }
0xac: {  	[sflag:s3] =	ssyncset.done $0x0  }
0xad: {  	[sflag:s3] =	ssyncadd.s32 $0xFFFFF380  }
0xae: {  	[tilespmem:s4], [sflag:$0x1] =	stream.indirect.gather [hbm4b:s5+s7], $0x80, s2, s7, $0xb8;
	[tilespmem:$0x15000] =	vst v63  }
0xaf: {  	_ = 	snop  }
0xb0: {  	[tilespmem:s8], [sflag:$0x1] =	stream.indirect.gather [hbm4b:s5+s7], $0x80, s7, s7, $0xb8;
	[tilespmem:$0x15000] =	vst v63  }
0xb1: {  	s0 =	rddreg [dreg:$0x8]  }
0xb2: {  	[tilespmem:s9], [sflag:$0x1] =	stream.indirect.gather [hbm4b:s5+s7], $0x80, s0, s7, $0xb8;
	[tilespmem:$0x15000] =	vst v63  }
0xb3: {  	s12 =	rddreg [dreg:$0x9]  }
0xb4: {  	[tilespmem:s10], [sflag:$0x1] =	stream.indirect.gather [hbm4b:s5+s7], $0x80, s12, s7, $0xb8;
	[tilespmem:$0x15000] =	vst v63  }
0xb5: {  	s0 =	rddreg [dreg:$0xa]  }
0xb6: {  	[tilespmem:s11], [sflag:$0x1] =	stream.indirect.gather [hbm4b:s5+s7], $0x80, s0, s7, $0xb8;
	[tilespmem:$0x15000] =	vst v63  }
0xb7: {  	_ =	swait.ge [sflag:s6], $0x4000  }
0xb8: {  	[sflag:s6] =	ssyncset.done $0x0  }
0xb9: {  	[sflag:s6] =	ssyncadd.s32 $0xFFFFC000  }
0xba: {  	_ =	swait.ge [sflag:s6], $0x4000  }
0xbb: {  	[sflag:s6] =	ssyncset.done $0x0  }
0xbc: {  	[sflag:s6] =	ssyncadd.s32 $0xFFFFC000  }
0xbd: {  	_ =	swait.ge [sflag:s6], $0x4000  }
0xbe: {  	[sflag:s6] =	ssyncset.done $0x0  }
0xbf: {  	[sflag:s6] =	ssyncadd.s32 $0xFFFFC000  }
0xc0: {  	_ =	swait.ge [sflag:s6], $0x4000  }
0xc1: {  	[sflag:s6] =	ssyncset.done $0x0  }
0xc2: {  	[sflag:s6] =	ssyncadd.s32 $0xFFFFC000  }
0xc3: {  	_ =	swait.ge [sflag:s6], $0x4000  }
0xc4: {  	[sflag:s6] =	ssyncset.done $0x0  }
0xc5: {  	s12 =	rddreg [dreg:$0x3];
	[sflag:s6] =	ssyncadd.s32 $0xFFFFC000  }
0xc6: {  	[hbm4b:s12+s2] =	stream.linear.scatter [tilespmem:s4], [sflag:$0x2], $0x14000, $0x38;
	[tilespmem:$0x15000] =	vst v63  }
0xc7: {  	_ =	swait.ge [sflag:s3], $0x14000  }
0xc8: {  	[sflag:s3] =	ssyncset.done $0x0  }
0xc9: {  	s12 =	rddreg [dreg:$0xb];
	[sflag:s3] =	ssyncadd.s32 $0xFFFEC000  }
0xca: {  	[tilespmem:s4], [sflag:$0x1] =	stream.indirect.gather [hbm4b:s5+s7], $0x80, s12, s7, $0xb8;
	[tilespmem:$0x15000] =	vst v63  }
0xcb: {  	_ = 	snop  }
0xcc: {  	[tilespmem:s8], [sflag:$0x1] =	stream.indirect.gather [hbm4b:s5+s7], $0x80, s29, s7, $0xb8;
	[tilespmem:$0x15000] =	vst v63  }
0xcd: {  	_ = 	snop  }
0xce: {  	[tilespmem:s9], [sflag:$0x1] =	stream.indirect.gather [hbm4b:s5+s7], $0x80, s30, s7, $0xb8;
	[tilespmem:$0x15000] =	vst v63  }
0xcf: {  	_ = 	snop  }
0xd0: {  	[tilespmem:s10], [sflag:$0x1] =	stream.indirect.gather [hbm4b:s5+s7], $0x80, s31, s7, $0xb8;
	[tilespmem:$0x15000] =	vst v63  }
0xd1: {  	_ = 	snop  }
0xd2: {  	[tilespmem:s11], [sflag:$0x1] =	stream.indirect.gather [hbm4b:s5+s7], $0x80, s18, s7, $0xb8;
	[tilespmem:$0x15000] =	vst v63  }
0xd3: {  	_ =	swait.ge [sflag:s6], $0x4000  }
0xd4: {  	[sflag:s6] =	ssyncset.done $0x0  }
0xd5: {  	[sflag:s6] =	ssyncadd.s32 $0xFFFFC000  }
0xd6: {  	_ =	swait.ge [sflag:s6], $0x4000  }
0xd7: {  	[sflag:s6] =	ssyncset.done $0x0  }
0xd8: {  	[sflag:s6] =	ssyncadd.s32 $0xFFFFC000  }
0xd9: {  	_ =	swait.ge [sflag:s6], $0x4000  }
0xda: {  	[sflag:s6] =	ssyncset.done $0x0  }
0xdb: {  	[sflag:s6] =	ssyncadd.s32 $0xFFFFC000  }
0xdc: {  	_ =	swait.ge [sflag:s6], $0x4000  }
0xdd: {  	[sflag:s6] =	ssyncset.done $0x0  }
0xde: {  	[sflag:s6] =	ssyncadd.s32 $0xFFFFC000  }
0xdf: {  	_ =	swait.ge [sflag:s6], $0x4000  }
0xe0: {  	[sflag:s6] =	ssyncset.done $0x0  }
0xe1: {  	s12 =	rddreg [dreg:$0x4];
	[sflag:s6] =	ssyncadd.s32 $0xFFFFC000  }
0xe2: {  	[hbm4b:s12+s2] =	stream.linear.scatter [tilespmem:s4], [sflag:$0x2], $0x14000, $0x38;
	[tilespmem:$0x15000] =	vst v63  }
0xe3: {  	_ =	swait.ge [sflag:s3], $0x14000  }
0xe4: {  	[sflag:s3] =	ssyncset.done $0x0  }
0xe5: {  	[sflag:s3] =	ssyncadd.s32 $0xFFFEC000  }
0xe6: {  	[tilespmem:s4], [sflag:$0x1] =	stream.indirect.gather [hbm4b:s5+s7], $0x80, s23, s7, $0xb8;
	[tilespmem:$0x15000] =	vst v63  }
0xe7: {  	_ = 	snop  }
0xe8: {  	[tilespmem:s8], [sflag:$0x1] =	stream.indirect.gather [hbm4b:s5+s7], $0x80, s24, s7, $0xb8;
	[tilespmem:$0x15000] =	vst v63  }
0xe9: {  	_ = 	snop  }
0xea: {  	[tilespmem:s9], [sflag:$0x1] =	stream.indirect.gather [hbm4b:s5+s7], $0x80, s25, s7, $0xb8;
	[tilespmem:$0x15000] =	vst v63  }
0xeb: {  	_ = 	snop  }
0xec: {  	[tilespmem:s10], [sflag:$0x1] =	stream.indirect.gather [hbm4b:s5+s7], $0x80, s26, s7, $0xb8;
	[tilespmem:$0x15000] =	vst v63  }
0xed: {  	_ = 	snop  }
0xee: {  	[tilespmem:s11], [sflag:$0x1] =	stream.indirect.gather [hbm4b:s5+s7], $0x80, s28, s7, $0xb8;
	[tilespmem:$0x15000] =	vst v63  }
0xef: {  	_ =	swait.ge [sflag:s6], $0x4000  }
0xf0: {  	[sflag:s6] =	ssyncset.done $0x0  }
0xf1: {  	[sflag:s6] =	ssyncadd.s32 $0xFFFFC000  }
0xf2: {  	_ =	swait.ge [sflag:s6], $0x4000  }
0xf3: {  	[sflag:s6] =	ssyncset.done $0x0  }
0xf4: {  	[sflag:s6] =	ssyncadd.s32 $0xFFFFC000  }
0xf5: {  	_ =	swait.ge [sflag:s6], $0x4000  }
0xf6: {  	[sflag:s6] =	ssyncset.done $0x0  }
0xf7: {  	[sflag:s6] =	ssyncadd.s32 $0xFFFFC000  }
0xf8: {  	_ =	swait.ge [sflag:s6], $0x4000  }
0xf9: {  	[sflag:s6] =	ssyncset.done $0x0  }
0xfa: {  	[sflag:s6] =	ssyncadd.s32 $0xFFFFC000  }
0xfb: {  	_ =	swait.ge [sflag:s6], $0x4000  }
0xfc: {  	[sflag:s6] =	ssyncset.done $0x0  }
0xfd: {  	s12 =	rddreg [dreg:$0x5];
	[sflag:s6] =	ssyncadd.s32 $0xFFFFC000  }
0xfe: {  	[hbm4b:s12+s2] =	stream.linear.scatter [tilespmem:s4], [sflag:$0x2], $0x14000, $0x38;
	[tilespmem:$0x15000] =	vst v63  }
0xff: {  	_ =	swait.ge [sflag:s3], $0x14000  }
0x100: {  	[sflag:s3] =	ssyncset.done $0x0  }
0x101: {  	s12 =	simm.s32 $0x780;
	[sflag:s3] =	ssyncadd.s32 $0xFFFEC000  }
0x102: {  	[tilespmem:s4], [sflag:$0x1] =	stream.indirect.gather [hbm4b:s5+s7], $0x80, s12, s7, $0xb8;
	[tilespmem:$0x15000] =	vst v63  }
0x103: {  	_ = 	snop  }
0x104: {  	[tilespmem:s8], [sflag:$0x1] =	stream.indirect.gather [hbm4b:s5+s7], $0x80, s19, s7, $0xb8;
	[tilespmem:$0x15000] =	vst v63  }
0x105: {  	_ = 	snop  }
0x106: {  	[tilespmem:s9], [sflag:$0x1] =	stream.indirect.gather [hbm4b:s5+s7], $0x80, s20, s7, $0xb8;
	[tilespmem:$0x15000] =	vst v63  }
0x107: {  	_ = 	snop  }
0x108: {  	[tilespmem:s10], [sflag:$0x1] =	stream.indirect.gather [hbm4b:s5+s7], $0x80, s21, s7, $0xb8;
	[tilespmem:$0x15000] =	vst v63  }
0x109: {  	_ = 	snop  }
0x10a: {  	[tilespmem:s11], [sflag:$0x1] =	stream.indirect.gather [hbm4b:s5+s7], $0x80, s22, s7, $0xb8;
	[tilespmem:$0x15000] =	vst v63  }
0x10b: {  	_ =	swait.ge [sflag:s6], $0x4000  }
0x10c: {  	[sflag:s6] =	ssyncset.done $0x0  }
0x10d: {  	[sflag:s6] =	ssyncadd.s32 $0xFFFFC000  }
0x10e: {  	_ =	swait.ge [sflag:s6], $0x4000  }
0x10f: {  	[sflag:s6] =	ssyncset.done $0x0  }
0x110: {  	[sflag:s6] =	ssyncadd.s32 $0xFFFFC000  }
0x111: {  	_ =	swait.ge [sflag:s6], $0x4000  }
0x112: {  	[sflag:s6] =	ssyncset.done $0x0  }
0x113: {  	[sflag:s6] =	ssyncadd.s32 $0xFFFFC000  }
0x114: {  	_ =	swait.ge [sflag:s6], $0x4000  }
0x115: {  	[sflag:s6] =	ssyncset.done $0x0  }
0x116: {  	[sflag:s6] =	ssyncadd.s32 $0xFFFFC000  }
0x117: {  	_ =	swait.ge [sflag:s6], $0x4000  }
0x118: {  	[sflag:s6] =	ssyncset.done $0x0  }
0x119: {  	s12 =	rddreg [dreg:$0x6];
	[sflag:s6] =	ssyncadd.s32 $0xFFFFC000  }
0x11a: {  	[hbm4b:s12+s2] =	stream.linear.scatter [tilespmem:s4], [sflag:$0x2], $0x14000, $0x38;
	[tilespmem:$0x15000] =	vst v63  }
0x11b: {  	_ =	swait.ge [sflag:s3], $0x14000  }
0x11c: {  	[sflag:s3] =	ssyncset.done $0x0  }
0x11d: {  	[sflag:s3] =	ssyncadd.s32 $0xFFFEC000  }
0x11e: {  	[tilespmem:s4], [sflag:$0x1] =	stream.indirect.gather [hbm4b:s5+s7], $0x80, s13, s7, $0xb8;
	[tilespmem:$0x15000] =	vst v63  }
0x11f: {  	_ = 	snop  }
0x120: {  	[tilespmem:s8], [sflag:$0x1] =	stream.indirect.gather [hbm4b:s5+s7], $0x80, s14, s7, $0xb8;
	[tilespmem:$0x15000] =	vst v63  }
0x121: {  	_ = 	snop  }
0x122: {  	[tilespmem:s9], [sflag:$0x1] =	stream.indirect.gather [hbm4b:s5+s7], $0x80, s15, s7, $0xb8;
	[tilespmem:$0x15000] =	vst v63  }
0x123: {  	_ = 	snop  }
0x124: {  	[tilespmem:s10], [sflag:$0x1] =	stream.indirect.gather [hbm4b:s5+s7], $0x80, s16, s7, $0xb8;
	[tilespmem:$0x15000] =	vst v63  }
0x125: {  	_ = 	snop  }
0x126: {  	[tilespmem:s11], [sflag:$0x1] =	stream.indirect.gather [hbm4b:s5+s7], $0x80, s17, s7, $0xb8;
	[tilespmem:$0x15000] =	vst v63  }
0x127: {  	_ =	swait.ge [sflag:s6], $0x4000  }
0x128: {  	[sflag:s6] =	ssyncset.done $0x0  }
0x129: {  	[sflag:s6] =	ssyncadd.s32 $0xFFFFC000  }
0x12a: {  	_ =	swait.ge [sflag:s6], $0x4000  }
0x12b: {  	[sflag:s6] =	ssyncset.done $0x0  }
0x12c: {  	[sflag:s6] =	ssyncadd.s32 $0xFFFFC000  }
0x12d: {  	_ =	swait.ge [sflag:s6], $0x4000  }
0x12e: {  	[sflag:s6] =	ssyncset.done $0x0  }
0x12f: {  	[sflag:s6] =	ssyncadd.s32 $0xFFFFC000  }
0x130: {  	_ =	swait.ge [sflag:s6], $0x4000  }
0x131: {  	[sflag:s6] =	ssyncset.done $0x0  }
0x132: {  	[sflag:s6] =	ssyncadd.s32 $0xFFFFC000  }
0x133: {  	p1 =	sne.s32 s1, $0x1;
	_ =	swait.ge [sflag:s6], $0x4000  }
.Ltmp2:
0x134: {  	[sflag:s6] =	ssyncset.done $0x0;
	(pc) =	sbr.rel @p1 .LBB2_4-.Ltmp2, $4  }
0x135: {  	s12 =	rddreg [dreg:$0x7];
	[sflag:s6] =	ssyncadd.s32 $0xFFFFC000  }
0x136: {  	[hbm4b:s12+s2] =	stream.linear.scatter [tilespmem:s4], [sflag:$0x2], $0x14000, $0x38;
	[tilespmem:$0x15000] =	vst v63  }
0x137: {  	_ =	swait.ge [sflag:s3], $0x14000  }
0x138: {  	s1 =	sadd.s32 $0xFFFFFFFF, s1;
	s0 =	rddreg [dreg:$0x2];
	[sflag:s3] =	ssyncset.done $0x0  }
0x139: {  	s17 =	simm.s32 $0x480  }
0x13a: {  	s31 =	simm.s32 $0x400;
	s30 =	simm.s32 $0x380;
	s29 =	simm.s32 $0x300  }
0x13b: {  	s28 =	simm.s32 $0x700;
	s26 =	simm.s32 $0x680;
	s25 =	simm.s32 $0x600  }
0x13c: {  	s24 =	simm.s32 $0x580;
	s23 =	simm.s32 $0x500;
	s22 =	simm.s32 $0x980  }
0x13d: {  	s21 =	simm.s32 $0x900;
	s20 =	simm.s32 $0x880;
	s19 =	simm.s32 $0x800  }
0x13e: {  	s18 =	simm.s32 $0x780;
	s16 =	simm.s32 $0xB80;
	s15 =	simm.s32 $0xB00  }
0x13f: {  	s14 =	simm.s32 $0xA80;
	s13 =	simm.s32 $0xA00;
	s12 =	stileid.u32  }
.LBB2_6:
0x140: {  	[sflag:s3] =	ssyncadd.s32 @p0 $0xFFFEC000  }
0x141: {  	[tilespmem:s2], [sflag:$0x2] =	stream.linear.gather [hbm4b:s0+s2], $0xC80, $0x38;
	[tilespmem:$0x15000] =	vst v63  }
0x142: {  	_ =	swait.ge [sflag:s3], $0xC80  }
0x143: {  	[sflag:s3] =	ssyncset.done $0x0  }
0x144: {  	[sflag:s3] =	ssyncadd.s32 $0xFFFFF380  }
0x145: {  	[tilespmem:s4], [sflag:$0x1] =	stream.indirect.gather [hbm4b:s5+s7], $0x80, s2, s7, $0xb8;
	[tilespmem:$0x15000] =	vst v63  }
0x146: {  	_ = 	snop  }
0x147: {  	[tilespmem:s8], [sflag:$0x1] =	stream.indirect.gather [hbm4b:s5+s7], $0x80, s7, s7, $0xb8;
	[tilespmem:$0x15000] =	vst v63  }
0x148: {  	s0 =	rddreg [dreg:$0x8]  }
0x149: {  	[tilespmem:s9], [sflag:$0x1] =	stream.indirect.gather [hbm4b:s5+s7], $0x80, s0, s7, $0xb8;
	[tilespmem:$0x15000] =	vst v63  }
0x14a: {  	s1 =	rddreg [dreg:$0x9]  }
0x14b: {  	[tilespmem:s10], [sflag:$0x1] =	stream.indirect.gather [hbm4b:s5+s7], $0x80, s1, s7, $0xb8;
	[tilespmem:$0x15000] =	vst v63  }
0x14c: {  	s0 =	rddreg [dreg:$0xa]  }
0x14d: {  	[tilespmem:s11], [sflag:$0x1] =	stream.indirect.gather [hbm4b:s5+s7], $0x80, s0, s7, $0xb8;
	[tilespmem:$0x15000] =	vst v63  }
0x14e: {  	_ =	swait.ge [sflag:s6], $0x4000  }
0x14f: {  	[sflag:s6] =	ssyncset.done $0x0  }
0x150: {  	[sflag:s6] =	ssyncadd.s32 $0xFFFFC000  }
0x151: {  	_ =	swait.ge [sflag:s6], $0x4000  }
0x152: {  	[sflag:s6] =	ssyncset.done $0x0  }
0x153: {  	[sflag:s6] =	ssyncadd.s32 $0xFFFFC000  }
0x154: {  	_ =	swait.ge [sflag:s6], $0x4000  }
0x155: {  	[sflag:s6] =	ssyncset.done $0x0  }
0x156: {  	[sflag:s6] =	ssyncadd.s32 $0xFFFFC000  }
0x157: {  	_ =	swait.ge [sflag:s6], $0x4000  }
0x158: {  	[sflag:s6] =	ssyncset.done $0x0  }
0x159: {  	[sflag:s6] =	ssyncadd.s32 $0xFFFFC000  }
0x15a: {  	_ =	swait.ge [sflag:s6], $0x4000  }
0x15b: {  	[sflag:s6] =	ssyncset.done $0x0  }
0x15c: {  	s1 =	rddreg [dreg:$0x3];
	[sflag:s6] =	ssyncadd.s32 $0xFFFFC000  }
0x15d: {  	[hbm4b:s1+s2] =	stream.linear.scatter [tilespmem:s4], [sflag:$0x2], $0x14000, $0x38;
	[tilespmem:$0x15000] =	vst v63  }
0x15e: {  	_ =	swait.ge [sflag:s3], $0x14000  }
0x15f: {  	[sflag:s3] =	ssyncset.done $0x0  }
0x160: {  	s1 =	rddreg [dreg:$0xb];
	[sflag:s3] =	ssyncadd.s32 $0xFFFEC000  }
0x161: {  	[tilespmem:s4], [sflag:$0x1] =	stream.indirect.gather [hbm4b:s5+s7], $0x80, s1, s7, $0xb8;
	[tilespmem:$0x15000] =	vst v63  }
0x162: {  	_ = 	snop  }
0x163: {  	[tilespmem:s8], [sflag:$0x1] =	stream.indirect.gather [hbm4b:s5+s7], $0x80, s29, s7, $0xb8;
	[tilespmem:$0x15000] =	vst v63  }
0x164: {  	_ = 	snop  }
0x165: {  	[tilespmem:s9], [sflag:$0x1] =	stream.indirect.gather [hbm4b:s5+s7], $0x80, s30, s7, $0xb8;
	[tilespmem:$0x15000] =	vst v63  }
0x166: {  	_ = 	snop  }
0x167: {  	[tilespmem:s10], [sflag:$0x1] =	stream.indirect.gather [hbm4b:s5+s7], $0x80, s31, s7, $0xb8;
	[tilespmem:$0x15000] =	vst v63  }
0x168: {  	_ = 	snop  }
0x169: {  	[tilespmem:s11], [sflag:$0x1] =	stream.indirect.gather [hbm4b:s5+s7], $0x80, s17, s7, $0xb8;
	[tilespmem:$0x15000] =	vst v63  }
0x16a: {  	_ =	swait.ge [sflag:s6], $0x4000  }
0x16b: {  	[sflag:s6] =	ssyncset.done $0x0  }
0x16c: {  	[sflag:s6] =	ssyncadd.s32 $0xFFFFC000  }
0x16d: {  	_ =	swait.ge [sflag:s6], $0x4000  }
0x16e: {  	[sflag:s6] =	ssyncset.done $0x0  }
0x16f: {  	[sflag:s6] =	ssyncadd.s32 $0xFFFFC000  }
0x170: {  	_ =	swait.ge [sflag:s6], $0x4000  }
0x171: {  	[sflag:s6] =	ssyncset.done $0x0  }
0x172: {  	[sflag:s6] =	ssyncadd.s32 $0xFFFFC000  }
0x173: {  	_ =	swait.ge [sflag:s6], $0x4000  }
0x174: {  	[sflag:s6] =	ssyncset.done $0x0  }
0x175: {  	[sflag:s6] =	ssyncadd.s32 $0xFFFFC000  }
0x176: {  	_ =	swait.ge [sflag:s6], $0x4000  }
0x177: {  	[sflag:s6] =	ssyncset.done $0x0  }
0x178: {  	s17 =	rddreg [dreg:$0x4];
	[sflag:s6] =	ssyncadd.s32 $0xFFFFC000  }
0x179: {  	[hbm4b:s17+s2] =	stream.linear.scatter [tilespmem:s4], [sflag:$0x2], $0x14000, $0x38;
	[tilespmem:$0x15000] =	vst v63  }
0x17a: {  	_ =	swait.ge [sflag:s3], $0x14000  }
0x17b: {  	[sflag:s3] =	ssyncset.done $0x0  }
0x17c: {  	[sflag:s3] =	ssyncadd.s32 $0xFFFEC000  }
0x17d: {  	[tilespmem:s4], [sflag:$0x1] =	stream.indirect.gather [hbm4b:s5+s7], $0x80, s23, s7, $0xb8;
	[tilespmem:$0x15000] =	vst v63  }
0x17e: {  	_ = 	snop  }
0x17f: {  	[tilespmem:s8], [sflag:$0x1] =	stream.indirect.gather [hbm4b:s5+s7], $0x80, s24, s7, $0xb8;
	[tilespmem:$0x15000] =	vst v63  }
0x180: {  	_ = 	snop  }
0x181: {  	[tilespmem:s9], [sflag:$0x1] =	stream.indirect.gather [hbm4b:s5+s7], $0x80, s25, s7, $0xb8;
	[tilespmem:$0x15000] =	vst v63  }
0x182: {  	_ = 	snop  }
0x183: {  	[tilespmem:s10], [sflag:$0x1] =	stream.indirect.gather [hbm4b:s5+s7], $0x80, s26, s7, $0xb8;
	[tilespmem:$0x15000] =	vst v63  }
0x184: {  	_ = 	snop  }
0x185: {  	[tilespmem:s11], [sflag:$0x1] =	stream.indirect.gather [hbm4b:s5+s7], $0x80, s28, s7, $0xb8;
	[tilespmem:$0x15000] =	vst v63  }
0x186: {  	_ =	swait.ge [sflag:s6], $0x4000  }
0x187: {  	[sflag:s6] =	ssyncset.done $0x0  }
0x188: {  	[sflag:s6] =	ssyncadd.s32 $0xFFFFC000  }
0x189: {  	_ =	swait.ge [sflag:s6], $0x4000  }
0x18a: {  	[sflag:s6] =	ssyncset.done $0x0  }
0x18b: {  	[sflag:s6] =	ssyncadd.s32 $0xFFFFC000  }
0x18c: {  	_ =	swait.ge [sflag:s6], $0x4000  }
0x18d: {  	[sflag:s6] =	ssyncset.done $0x0  }
0x18e: {  	[sflag:s6] =	ssyncadd.s32 $0xFFFFC000  }
0x18f: {  	_ =	swait.ge [sflag:s6], $0x4000  }
0x190: {  	[sflag:s6] =	ssyncset.done $0x0  }
0x191: {  	[sflag:s6] =	ssyncadd.s32 $0xFFFFC000  }
0x192: {  	_ =	swait.ge [sflag:s6], $0x4000  }
0x193: {  	[sflag:s6] =	ssyncset.done $0x0  }
0x194: {  	s28 =	rddreg [dreg:$0x5];
	[sflag:s6] =	ssyncadd.s32 $0xFFFFC000  }
0x195: {  	[hbm4b:s28+s2] =	stream.linear.scatter [tilespmem:s4], [sflag:$0x2], $0x14000, $0x38;
	[tilespmem:$0x15000] =	vst v63  }
0x196: {  	_ =	swait.ge [sflag:s3], $0x14000  }
0x197: {  	[sflag:s3] =	ssyncset.done $0x0  }
0x198: {  	[sflag:s3] =	ssyncadd.s32 $0xFFFEC000  }
0x199: {  	[tilespmem:s4], [sflag:$0x1] =	stream.indirect.gather [hbm4b:s5+s7], $0x80, s18, s7, $0xb8;
	[tilespmem:$0x15000] =	vst v63  }
0x19a: {  	_ = 	snop  }
0x19b: {  	[tilespmem:s8], [sflag:$0x1] =	stream.indirect.gather [hbm4b:s5+s7], $0x80, s19, s7, $0xb8;
	[tilespmem:$0x15000] =	vst v63  }
0x19c: {  	_ = 	snop  }
0x19d: {  	[tilespmem:s9], [sflag:$0x1] =	stream.indirect.gather [hbm4b:s5+s7], $0x80, s20, s7, $0xb8;
	[tilespmem:$0x15000] =	vst v63  }
0x19e: {  	_ = 	snop  }
0x19f: {  	[tilespmem:s10], [sflag:$0x1] =	stream.indirect.gather [hbm4b:s5+s7], $0x80, s21, s7, $0xb8;
	[tilespmem:$0x15000] =	vst v63  }
0x1a0: {  	_ = 	snop  }
0x1a1: {  	[tilespmem:s11], [sflag:$0x1] =	stream.indirect.gather [hbm4b:s5+s7], $0x80, s22, s7, $0xb8;
	[tilespmem:$0x15000] =	vst v63  }
0x1a2: {  	_ =	swait.ge [sflag:s6], $0x4000  }
0x1a3: {  	[sflag:s6] =	ssyncset.done $0x0  }
0x1a4: {  	[sflag:s6] =	ssyncadd.s32 $0xFFFFC000  }
0x1a5: {  	_ =	swait.ge [sflag:s6], $0x4000  }
0x1a6: {  	[sflag:s6] =	ssyncset.done $0x0  }
0x1a7: {  	[sflag:s6] =	ssyncadd.s32 $0xFFFFC000  }
0x1a8: {  	_ =	swait.ge [sflag:s6], $0x4000  }
0x1a9: {  	[sflag:s6] =	ssyncset.done $0x0  }
0x1aa: {  	[sflag:s6] =	ssyncadd.s32 $0xFFFFC000  }
0x1ab: {  	_ =	swait.ge [sflag:s6], $0x4000  }
0x1ac: {  	[sflag:s6] =	ssyncset.done $0x0  }
0x1ad: {  	[sflag:s6] =	ssyncadd.s32 $0xFFFFC000  }
0x1ae: {  	_ =	swait.ge [sflag:s6], $0x4000  }
0x1af: {  	[sflag:s6] =	ssyncset.done $0x0  }
0x1b0: {  	s29 =	rddreg [dreg:$0x6];
	[sflag:s6] =	ssyncadd.s32 $0xFFFFC000  }
0x1b1: {  	[hbm4b:s29+s2] =	stream.linear.scatter [tilespmem:s4], [sflag:$0x2], $0x14000, $0x38;
	[tilespmem:$0x15000] =	vst v63  }
0x1b2: {  	_ =	swait.ge [sflag:s3], $0x14000  }
0x1b3: {  	[sflag:s3] =	ssyncset.done $0x0  }
0x1b4: {  	[sflag:s3] =	ssyncadd.s32 $0xFFFEC000  }
0x1b5: {  	[tilespmem:s4], [sflag:$0x1] =	stream.indirect.gather [hbm4b:s5+s7], $0x80, s13, s7, $0xb8;
	[tilespmem:$0x15000] =	vst v63  }
0x1b6: {  	_ = 	snop  }
0x1b7: {  	[tilespmem:s8], [sflag:$0x1] =	stream.indirect.gather [hbm4b:s5+s7], $0x80, s14, s7, $0xb8;
	[tilespmem:$0x15000] =	vst v63  }
0x1b8: {  	_ = 	snop  }
0x1b9: {  	[tilespmem:s9], [sflag:$0x1] =	stream.indirect.gather [hbm4b:s5+s7], $0x80, s15, s7, $0xb8;
	[tilespmem:$0x15000] =	vst v63  }
0x1ba: {  	_ = 	snop  }
0x1bb: {  	[tilespmem:s10], [sflag:$0x1] =	stream.indirect.gather [hbm4b:s5+s7], $0x80, s16, s7, $0xb8;
	[tilespmem:$0x15000] =	vst v63  }
0x1bc: {  	s30 =	simm.s32 $0xC00  }
0x1bd: {  	[tilespmem:s11], [sflag:$0x1] =	stream.indirect.gather [hbm4b:s5+s7], $0x80, s30, s7, $0xb8;
	[tilespmem:$0x15000] =	vst v63  }
0x1be: {  	_ =	swait.ge [sflag:s6], $0x4000  }
0x1bf: {  	[sflag:s6] =	ssyncset.done $0x0  }
0x1c0: {  	[sflag:s6] =	ssyncadd.s32 $0xFFFFC000  }
0x1c1: {  	_ =	swait.ge [sflag:s6], $0x4000  }
0x1c2: {  	[sflag:s6] =	ssyncset.done $0x0  }
0x1c3: {  	[sflag:s6] =	ssyncadd.s32 $0xFFFFC000  }
0x1c4: {  	_ =	swait.ge [sflag:s6], $0x4000  }
0x1c5: {  	[sflag:s6] =	ssyncset.done $0x0  }
0x1c6: {  	[sflag:s6] =	ssyncadd.s32 $0xFFFFC000  }
0x1c7: {  	_ =	swait.ge [sflag:s6], $0x4000  }
0x1c8: {  	[sflag:s6] =	ssyncset.done $0x0  }
0x1c9: {  	[sflag:s6] =	ssyncadd.s32 $0xFFFFC000  }
0x1ca: {  	_ =	swait.ge [sflag:s6], $0x4000  }
0x1cb: {  	[sflag:s6] =	ssyncset.done $0x0  }
0x1cc: {  	s31 =	rddreg [dreg:$0x7];
	[sflag:s6] =	ssyncadd.s32 $0xFFFFC000  }
0x1cd: {  	[hbm4b:s31+s2] =	stream.linear.scatter [tilespmem:s4], [sflag:$0x2], $0x14000, $0x38;
	[tilespmem:$0x15000] =	vst v63  }
0x1ce: {  	_ =	swait.ge [sflag:s3], $0x14000  }
0x1cf: {  	[sflag:s3] =	ssyncset.done $0x0  }
0x1d0: {  	[sflag:s3] =	ssyncadd.s32 $0xFFFEC000  }
0x1d1: {  	_ =	sfence.sel $0x180000  }
0x1d2: {  	[bflag:$0x0] =	sbarrier.arrive $0xFFFF  }
0x1d3: {  	_ =	strace $0x9000004A  }
0x1d4: {  	[bflag:$0x2] =	sbarrier.arrive $0xFFFF  }
0x1d5: {  	p0 =	sne.s32 s12, $0x0;
	s0 =	rddreg [dreg:$0x1]  }
0x1d6: {  	s0 =	sadd.s32 @!p0 $0x100000, s0  }
0x1d7: {  	[sflag:s0] =	ssyncadd.tile.s32 @!p0 $0x1;
	_ =	shalt  }
.LBB2_1:
0x1d8: {  	s17 =	simm.s32 $0x480  }
0x1d9: {  	s31 =	simm.s32 $0x400;
	s30 =	simm.s32 $0x380;
	s29 =	simm.s32 $0x300  }
.Ltmp3:
0x1da: {  	s28 =	simm.s32 $0x700;
	s26 =	simm.s32 $0x680;
	(pc) =	sbr.rel .LBB2_6-.Ltmp3, $4  }
0x1db: {  	s25 =	simm.s32 $0x600;
	s24 =	simm.s32 $0x580;
	s23 =	simm.s32 $0x500  }
0x1dc: {  	s22 =	simm.s32 $0x980;
	s21 =	simm.s32 $0x900;
	s20 =	simm.s32 $0x880  }
0x1dd: {  	s19 =	simm.s32 $0x800;
	s18 =	simm.s32 $0x780;
	s16 =	simm.s32 $0xB80  }
0x1de: {  	s15 =	simm.s32 $0xB00;
	s14 =	simm.s32 $0xA80;
	s13 =	simm.s32 $0xA00  }
.LBB2_3:
0x1df: {  	s17 =	simm.s32 $0x480;
	s31 =	simm.s32 $0x400  }
0x1e0: {  	s30 =	simm.s32 $0x380;
	s29 =	simm.s32 $0x300;
	s28 =	simm.s32 $0x700  }
.Ltmp4:
0x1e1: {  	s26 =	simm.s32 $0x680;
	s25 =	simm.s32 $0x600;
	(pc) =	sbr.rel .LBB2_6-.Ltmp4, $4  }
0x1e2: {  	s24 =	simm.s32 $0x580;
	s23 =	simm.s32 $0x500;
	s22 =	simm.s32 $0x980  }
0x1e3: {  	s21 =	simm.s32 $0x900;
	s20 =	simm.s32 $0x880;
	s19 =	simm.s32 $0x800  }
0x1e4: {  	s18 =	simm.s32 $0x780;
	s16 =	simm.s32 $0xB80;
	s15 =	simm.s32 $0xB00  }
0x1e5: {  	s14 =	simm.s32 $0xA80;
	s13 =	simm.s32 $0xA00;
	s12 =	stileid.u32  }
.Lfunc_end2:
_tile_overlayer_lowered:
.L_overlay_start_2:
0x1e6: {  	(tag) =	ssettag $0x2  }
0x1e7: {  	s0 =	rddreg [dreg:$0x0];
	s2 =	stileid.u32  }
0x1e8: {  	s1 =	rddreg [dreg:$0x1];
	p0 =	sne.s32 s2, $0x0  }
0x1e9: {  	s3 =	rddreg [dreg:$0x2];
	[bflag:$0x3] =	sbarrier.arrive $0xFFFF;
	s2 =	simm.s32 @!p0 $0x1C02  }
0x1ea: {  	[timem:s3], [sflag:s2] =	dma.local @!p0 [hbm:s0], s1  }
0x1eb: {  	s0 =	simm.s32 @!p0 $0x2  }
0x1ec: {  	_ =	swait.ge @!p0 [sflag:s0], s1  }
0x1ed: {  	s1 =	ssub.s32 @!p0 $0x0, s1;
	[sflag:s0] =	ssyncset.done @!p0 $0x0  }
0x1ee: {  	[sflag:s0] =	ssyncadd.s32 @!p0 s1  }
0x1ef: {  	[bflag:$0x3] =	sbarrier.arrive $0xFFFF  }
0x1f0: {  	_ =	shalt  }

// kernel: kernel.7.cloned.1.call-start
scs
__scs_entry_jumppad:
0x0: {  	(pc) =	sbr.rel $0x88, $3  }
0x1: {  	(tag) =	ssettag $0x0;
	lr =	simm.s32 $0x1  }
0x2: {  	[smem:$0x3F9A] =	sst lr;
	_ =	strace $0xD0000000  }
0x3: {  	_ = 	snop  }
0x4: {  	_ = 	snop  }
0x5: {  	_ = 	snop  }
0x6: {  	_ = 	snop  }
0x7: {  	_ = 	snop  }
__scs_overlays_trampoline_lowered:
0x8: {  	[smem:$0x3FA9] =	sst s0  }
0x9: {  	[smem:$0x3FAA] =	sst s1  }
0xa: {  	[smem:$0x3FAB] =	sst s2  }
0xb: {  	[smem:$0x3FAC] =	sst s3  }
0xc: {  	[smem:$0x3FAD] =	sst s4  }
0xd: {  	[smem:$0x3FAE] =	sst s5  }
0xe: {  	[smem:$0x3FAF] =	sst s6  }
0xf: {  	[smem:$0x3FB0] =	sst s7  }
0x10: {  	[smem:$0x3FB1] =	sst s8  }
0x11: {  	[smem:$0x3FB2] =	sst s9;
	s0 =	simm.s32 @!p0 $0x0  }
0x12: {  	s1 =	sld [smem:$0x3F98];
	s0 =	simm.s32 @p0 $0x1  }
0x13: {  	[smem:$0x3FB3] =	sst s0;
	s0 =	simm.s32 @!p1 $0x0  }
0x14: {  	s2 =	sld [smem:$0x3F97];
	s0 =	simm.s32 @p1 $0x1  }
0x15: {  	[smem:$0x3FB4] =	sst s0;
	s0 =	simm.s32 @!p2 $0x0  }
0x16: {  	s3 =	sld [smem:$0x3FDB];
	s0 =	simm.s32 @p2 $0x1  }
0x17: {  	s4 =	simm.s32 $0x1BF5;
	[smem:$0x3FB6] =	sst s0  }
0x18: {  	s0 =	sld [smem:$0x3F99];
	_ =	swait.ge [sflag:s4], $0x0  }
0x19: {  	s7 =	sld [smem:$0x3F9A]  }
0x1a: {  	s8 =	sadd.s32 $0xFFFFE003, lr  }
0x1b: {  	s9 =	sadd.s32 $0xFFFFFEF7, lr;
	s5 =	simm.s32 $0xFFFFFFFF;
	p2 =	slt.u32 s8, $0xFFFFF086  }
0x1c: {  	p1 =	slt.u32 s9, $0xF7A;
	s5 =	simm.s32 @!p2 $0x0  }
0x1d: {  	s5 =	simm.s32 @p1 $0x1;
	p0 =	seq.s32 s7, s2  }
0x1e: {  	s7 =	smul.u32 @!p0 $0xF7A, s2;
	p2 =	seq.s32 @!p0 s5, $0x0  }
0x1f: {  	s9 =	smul.u32 $0xF7A, s1;
	s8 =	simm.s32 @!p0 $0x1BF5;
	p2 =	por !p2, p0  }
0x20: {  	[sflag:s8] =	ssyncset.s32 @!p0 $0xFFFFF086;
	s6 =	sadd.s32 @!p0 s3, s7;
	s7 =	simm.s32 @!p0 $0x108  }
0x21: {  	s3 =	sadd.s32 s3, s9;
	s6 =	sadd.s32 @!p0 $0x88, s6;
	s7 =	simm.s32 @p2 $0x1082  }
0x22: {  	[simem:s7], [sflag:s8] =	dma.local @!p0 [hbm:s6], $0xF7A  }
0x23: {  	s9 =	sor.u32 $0xD0000000, s2;
	s6 =	simm.s32 $0x108;
	_ =	swait.ge @!p0 [sflag:s8], $0x0  }
0x24: {  	s3 =	sadd.s32 $0x88, s3;
	s6 =	simm.s32 @!p1 $0x1082;
	[sflag:s4] =	ssyncset.s32 $0xFFFFF086  }
0x25: {  	[simem:s6], [sflag:s4] =	dma.local [hbm:s3], $0xF7A  }
0x26: {  	[smem:$0x3F9A] =	sst s1;
	(tag) =	ssettag s2;
	_ =	strace s9  }
0x27: {  	s1 =	sld [smem:$0x3FAA]  }
0x28: {  	s2 =	sld [smem:$0x3FAB]  }
0x29: {  	s4 =	sld [smem:$0x3FAD]  }
0x2a: {  	p0 =	seq.s32 s5, $0x0;
	s5 =	sld [smem:$0x3FAE]  }
0x2b: {  	s6 =	sld [smem:$0x3FAF]  }
0x2c: {  	s7 =	sld [smem:$0x3FB0]  }
0x2d: {  	s3 =	simm.s32 $0x108;
	s8 =	sld [smem:$0x3FB1]  }
0x2e: {  	s3 =	simm.s32 @!p0 $0x1082;
	s9 =	sld [smem:$0x3FB2]  }
0x2f: {  	lr =	sadd.s32 s0, s3;
	s0 =	sld [smem:$0x3FA9]  }
0x30: {  	s3 =	sld [smem:$0x3FAC]  }
0x31: {  	[smem:$0x3FB5] =	sst s10  }
0x32: {  	s10 =	sld [smem:$0x3FB3];
	_ =	sdelay $0x3  }
0x33: {  	p0 =	seq.s32 s10, $0x1;
	s10 =	sld [smem:$0x3FB5];
	_ =	sdelay $0x3  }
0x34: {  	[smem:$0x3FB5] =	sst s10  }
0x35: {  	s10 =	sld [smem:$0x3FB4];
	_ =	sdelay $0x3  }
0x36: {  	p1 =	seq.s32 s10, $0x1;
	s10 =	sld [smem:$0x3FB5];
	_ =	sdelay $0x3  }
0x37: {  	[smem:$0x3FB5] =	sst s10  }
0x38: {  	s10 =	sld [smem:$0x3FB6]  }
0x39: {  	_ = 	snop;
	(pc) =	sbr.ind lr, $3  }
0x3a: {  	_ = 	snop  }
0x3b: {  	_ = 	snop  }
0x3c: {  	p2 =	seq.s32 s10, $0x1;
	s10 =	sld [smem:$0x3FB5]  }
0x3d: {  	_ =	shalt  }
0x3e: {  	_ =	shalt  }
0x3f: {  	_ =	shalt  }
0x40: {  	_ =	shalt  }
0x41: {  	_ =	shalt  }
0x42: {  	_ =	shalt  }
0x43: {  	_ =	shalt  }
0x44: {  	_ =	shalt  }
0x45: {  	_ =	shalt  }
0x46: {  	_ =	shalt  }
0x47: {  	_ =	shalt  }
0x48: {  	_ =	shalt  }
0x49: {  	_ =	shalt  }
0x4a: {  	_ =	shalt  }
0x4b: {  	_ =	shalt  }
0x4c: {  	_ =	shalt  }
0x4d: {  	_ =	shalt  }
0x4e: {  	_ =	shalt  }
0x4f: {  	_ =	shalt  }
0x50: {  	_ =	shalt  }
0x51: {  	_ =	shalt  }
0x52: {  	_ =	shalt  }
0x53: {  	_ =	shalt  }
0x54: {  	_ =	shalt  }
0x55: {  	_ =	shalt  }
0x56: {  	_ =	shalt  }
0x57: {  	_ =	shalt  }
0x58: {  	_ =	shalt  }
0x59: {  	_ =	shalt  }
0x5a: {  	_ =	shalt  }
0x5b: {  	_ =	shalt  }
0x5c: {  	_ =	shalt  }
0x5d: {  	_ =	shalt  }
0x5e: {  	_ =	shalt  }
0x5f: {  	_ =	shalt  }
0x60: {  	_ =	shalt  }
0x61: {  	_ =	shalt  }
0x62: {  	_ =	shalt  }
0x63: {  	_ =	shalt  }
0x64: {  	_ =	shalt  }
0x65: {  	_ =	shalt  }
0x66: {  	_ =	shalt  }
0x67: {  	_ =	shalt  }
0x68: {  	_ =	shalt  }
0x69: {  	_ =	shalt  }
0x6a: {  	_ =	shalt  }
0x6b: {  	_ =	shalt  }
0x6c: {  	_ =	shalt  }
0x6d: {  	_ =	shalt  }
0x6e: {  	_ =	shalt  }
0x6f: {  	_ =	shalt  }
0x70: {  	_ =	shalt  }
0x71: {  	_ =	shalt  }
0x72: {  	_ =	shalt  }
0x73: {  	_ =	shalt  }
0x74: {  	_ =	shalt  }
0x75: {  	_ =	shalt  }
0x76: {  	_ =	shalt  }
0x77: {  	_ =	shalt  }
0x78: {  	_ =	shalt  }
0x79: {  	_ =	shalt  }
0x7a: {  	_ =	shalt  }
0x7b: {  	_ =	shalt  }
0x7c: {  	_ =	shalt  }
0x7d: {  	_ =	shalt  }
0x7e: {  	_ =	shalt  }
0x7f: {  	_ =	shalt  }
0x80: {  	_ =	shalt  }
0x81: {  	_ =	shalt  }
0x82: {  	_ =	shalt  }
0x83: {  	_ =	shalt  }
0x84: {  	_ =	shalt  }
0x85: {  	_ =	shalt  }
0x86: {  	_ =	shalt  }
0x87: {  	_ =	shalt  }
.Lfunc_end0:
.L_simem_size_0:
called_computation_lowered:
.L_overlay_start_0:
0x88: {  	s2 =	sld [smem:$0x3FD9]  }
0x89: {  	s3 =	sld [smem:$0x3FFE];
	_ =	sdelay $0x1  }
0x8a: {  	s1 =	srdreg.scid  }
0x8b: {  	s0 =	sand.u32 $0x1, s1  }
0x8c: {  	s16 =	sshll.u32 s0, $0xA;
	s2 =	sadd.s32 s3, s2  }
0x8d: {  	s2 =	sadd.s32 s2, s16  }
0x8e: {  	[smem:$0x3FC1] =	sst s2  }
0x8f: {  	_ = 	snop  }
0x90: {  	(tm) =	ssettm $0x1  }
0x91: {  	s17 =	sld [smem:$0x3FFB];
	_ =	sdelay $0x3  }
0x92: {  	_ =	strace s17  }
0x93: {  	s2 =	sld [smem:$0x3FFC];
	_ =	sdelay $0x3  }
0x94: {  	_ =	strace s2  }
0x95: {  	s2 =	sld [smem:$0x3FFD];
	_ =	sdelay $0x3  }
0x96: {  	_ =	strace s2  }
0x97: {  	_ =	strace $0x8FFFFFFF  }
0x98: {  	s18 =	sld [smem:$0x3FDB];
	_ =	sdelay $0x1  }
0x99: {  	s19 =	simm.s32 $_scs_section_size  }
0x9a: {  	s4 =	simm.s32 $_size__tile_overlayer_lowered;
	s5 =	simm.s32 $_tile_overlayer_lowered  }
0x9b: {  	s22 =	simm.s32 $0x1BFF;
	s21 =	sshll.u32 s5, $0x1;
	s2 =	sadd.s32 s19, s18  }
0x9c: {  	s6 =	simm.s32 $0x0;
	s20 =	sshll.u32 s4, $0x1;
	s4 =	sadd.s32 s21, s2  }
0x9d: {  	[timem:s6], [sflag:s22] =	dma.local [hbm:s4], s20  }
0x9e: {  	_ =	swait.ge [sflag:s22], s20  }
0x9f: {  	s3 =	ssub.s32 $0x0, s20;
	[sflag:s22] =	ssyncset.done $0x0  }
0xa0: {  	[sflag:s22] =	ssyncadd.s32 s3;
	_ =	sdelay $0x1  }
0xa1: {  	s23 =	simm.s32 $0x1B8B  }
0xa2: {  	_ =	swait.ge [sflag:s23], $0x1  }
0xa3: {  	[sflag:s23] =	ssyncset.done $0x0  }
0xa4: {  	s25 =	simm.s32 $0x1B8E;
	s24 =	sld [smem:$0x3FFE];
	[sflag:s23] =	ssyncadd.s32 $0xFFFFFFFF  }
0xa5: {  	s26 =	simm.s32 $execute0_lowered;
	[smem:$0x3FD2] =	sst s25  }
0xa6: {  	s4 =	sshll.u32 s26, $0x1;
	_ =	strace $0x80000046;
	[dreg:$0x1] =	wrdreg $0xFFFFFFFF  }
0xa7: {  	s28 =	simm.s32 $_size_execute0_lowered;
	s2 =	sadd.s32 s2, s4;
	[dreg:$0x0] =	wrdreg $0x0  }
0xa8: {  	s4 =	sshll.u32 s28, $0x1;
	[dreg:$0x2] =	wrdreg s2  }
0xa9: {  	[dreg:$0x3] =	wrdreg s4  }
0xaa: {  	[dreg:$0x4] =	wrdreg $0xC0  }
0xab: {  	_ =	task [dreg:s6], $0x5FFFF  }
0xac: {  	[dreg:$0x1] =	wrdreg $0xFFFFFFFF  }
0xad: {  	[dreg:$0x0] =	wrdreg $0x60  }
0xae: {  	[dreg:$0x2] =	wrdreg s24  }
0xaf: {  	[dreg:$0x3] =	wrdreg $0x9  }
0xb0: {  	_ =	task.clear_ibuf [dreg:s6], $0x4FFFF;
	_ =	strace $0x90000046  }
0xb1: {  	s29 =	simm.s32 $0x9;
	_ =	strace $0x80000048  }
0xb2: {  	_ =	swait.ge [sflag:s29], $0x1  }
0xb3: {  	[sflag:s29] =	ssyncadd.s32 $0xFFFFFFFF  }
0xb4: {  	_ =	strace $0x90000048  }
0xb5: {  	_ =	sfence  }
0xb6: {  	s30 =	sld [smem:$0x0];
	_ =	sdelay $0x2  }
0xb7: {  	s31 =	sshll.u32 s1, $0xD;
	s1 =	sshrl.u32 s1, $0x2  }
0xb8: {  	s3 =	sand.u32 $0x4000, s31;
	s1 =	sadd.s32 s1, s30  }
0xb9: {  	s0 =	sor.u32 s3, s0;
	s1 =	sshll.u32 s1, $0x11  }
0xba: {  	s0 =	sor.u32 s1, s0  }
0xbb: {  	s0 =	sadd.s32 $0x8F2B, s0  }
0xbc: {  	[sflag:s0] =	ssyncadd.remote.s32 $0x1  }
0xbd: {  	_ =	sfence.sel $0xFFFF  }
0xbe: {  	[dreg:$0x0] =	wrdreg $0xFFFFFFFF;
	(pc) =	sbr.abs _section_cstart, $3  }
0xbf: {  	[dreg:$0x1] =	wrdreg $0xFFFFFFFF  }
0xc0: {  	_ =	task.clear_ibuf [dreg:s6], $0x2FFFF;
	_ =	strace $0x9FFFFFFF  }
0xc1: {  	(tm) =	ssettm $0x7FFFFFFF  }
tec
execute0_lowered:
.L_overlay_start_1:
0x0: {  	(tag) =	ssettag $0x1  }
0x1: {  	s0 =	srdreg.scid  }
0x2: {  	s12 =	stileid.u32;
	s1 =	rddreg [dreg:$0x0]  }
0x3: {  	s2 =	simm.s32 $0x0;
	s7 =	simm.s32 $0x80;
	s23 =	simm.s32 $0x100  }
0x4: {  	s24 =	simm.s32 $0x180;
	s8 =	simm.s32 $0x5000;
	s25 =	simm.s32 $0x200  }
0x5: {  	s9 =	simm.s32 $0x9000;
	s10 =	simm.s32 $0xD000;
	s11 =	simm.s32 $0x11000  }
0x6: {  	s26 =	simm.s32 $0x280;
	s29 =	simm.s32 $0x300;
	s30 =	simm.s32 $0x380  }
0x7: {  	s31 =	simm.s32 $0x400;
	s28 =	simm.s32 $0x700;
	p0 =	por $0x0, $0x0  }
0x8: {  	s13 =	simm.s32 $0xA00;
	s14 =	simm.s32 $0xA80;
	[smem:$0x7FF] =	sst s2  }
0x9: {  	s15 =	simm.s32 $0xB00;
	_ =	strace $0x80000047;
	[dreg:$0x8] =	wrdreg s23  }
0xa: {  	s16 =	simm.s32 $0xB80;
	s0 =	sand.u32 $0x1, s0;
	[dreg:$0x9] =	wrdreg s24  }
0xb: {  	s3 =	sshll.u32 s12, $0x1;
	s6 =	sadd.s32 $0x18F000, s1;
	[dreg:$0xa] =	wrdreg s25  }
0xc: {  	s3 =	sor.u32 s0, s3;
	s0 =	ssub.s32 $0x2, s0;
	[dreg:$0xb] =	wrdreg s26  }
0xd: {  	s23 =	simm.s32 $0x500;
	s24 =	simm.s32 $0x580;
	s25 =	simm.s32 $0x600  }
0xe: {  	s26 =	simm.s32 $0x680;
	s4 =	sshll.u32 s3, $0x9;
	s5 =	smul.u32 $0x64000, s3  }
0xf: {  	s3 =	smul.u32 $0xC800, s3;
	s20 =	sshrl.u32 s0, $0x1;
	s4 =	sadd.s32 s4, s1  }
0x10: {  	s0 =	ssub.s32 s0, s20;
	s20 =	simm.s32 $0x880;
	s4 =	sadd.s32 $0x4600, s4  }
0x11: {  	s5 =	sshrl.u32 s5, $0x3;
	s3 =	sadd.s32 s6, s3;
	[dreg:$0x2] =	wrdreg s4  }
0x12: {  	s0 =	smax.u32 s0, $0x1;
	s17 =	sadd.s32 s6, s5;
	[dreg:$0x3] =	wrdreg s3  }
0x13: {  	s5 =	sadd.s32 $0x8600, s1;
	s3 =	simm.s32 $0x2;
	p1 =	sne.s32 s0, $0x1  }
0x14: {  	s1 =	sadd.s32 $0xFFFFFFFF, s0;
	s18 =	sadd.s32 $0x2800, s17;
	s0 =	rddreg [dreg:$0x2]  }
.Ltmp0:
0x15: {  	s19 =	sadd.s32 $0x5000, s17;
	[dreg:$0x4] =	wrdreg s18;
	(pc) =	sbr.rel @!p1 .LBB2_1-.Ltmp0, $4  }
0x16: {  	s4 =	simm.s32 $0x1000;
	s21 =	sadd.s32 $0x7800, s17;
	[dreg:$0x5] =	wrdreg s19  }
0x17: {  	s6 =	simm.s32 $0x1;
	s22 =	sadd.s32 $0xA000, s17;
	[dreg:$0x6] =	wrdreg s21  }
0x18: {  	s17 =	simm.s32 $0xC00;
	[dreg:$0x7] =	wrdreg s22;
	s18 =	simm.s32 $0x480  }
0x19: {  	s19 =	simm.s32 $0x800;
	s21 =	simm.s32 $0x900;
	s22 =	simm.s32 $0x980  }
0x1a: {  	[tilespmem:s2], [sflag:$0x2] =	stream.linear.gather [hbm4b:s0+s2], $0xC80, $0x38;
	[tilespmem:$0x15000] =	vst v63  }
0x1b: {  	_ =	swait.ge [sflag:s3], $0xC80  }
0x1c: {  	[sflag:s3] =	ssyncset.done $0x0  }
0x1d: {  	[sflag:s3] =	ssyncadd.s32 $0xFFFFF380  }
0x1e: {  	[tilespmem:s4], [sflag:$0x1] =	stream.indirect.gather [hbm4b:s5+s7], $0x80, s2, s7, $0xb8;
	[tilespmem:$0x15000] =	vst v63  }
0x1f: {  	_ = 	snop  }
0x20: {  	[tilespmem:s8], [sflag:$0x1] =	stream.indirect.gather [hbm4b:s5+s7], $0x80, s7, s7, $0xb8;
	[tilespmem:$0x15000] =	vst v63  }
0x21: {  	s0 =	rddreg [dreg:$0x8]  }
0x22: {  	[tilespmem:s9], [sflag:$0x1] =	stream.indirect.gather [hbm4b:s5+s7], $0x80, s0, s7, $0xb8;
	[tilespmem:$0x15000] =	vst v63  }
0x23: {  	s12 =	smov.u32 s1;
	s1 =	rddreg [dreg:$0x9]  }
0x24: {  	[tilespmem:s10], [sflag:$0x1] =	stream.indirect.gather [hbm4b:s5+s7], $0x80, s1, s7, $0xb8;
	[tilespmem:$0x15000] =	vst v63  }
0x25: {  	s0 =	rddreg [dreg:$0xa]  }
0x26: {  	[tilespmem:s11], [sflag:$0x1] =	stream.indirect.gather [hbm4b:s5+s7], $0x80, s0, s7, $0xb8;
	[tilespmem:$0x15000] =	vst v63  }
0x27: {  	_ =	swait.ge [sflag:s6], $0x4000  }
0x28: {  	[sflag:s6] =	ssyncset.done $0x0  }
0x29: {  	[sflag:s6] =	ssyncadd.s32 $0xFFFFC000  }
0x2a: {  	_ =	swait.ge [sflag:s6], $0x4000  }
0x2b: {  	[sflag:s6] =	ssyncset.done $0x0  }
0x2c: {  	[sflag:s6] =	ssyncadd.s32 $0xFFFFC000  }
0x2d: {  	_ =	swait.ge [sflag:s6], $0x4000  }
0x2e: {  	[sflag:s6] =	ssyncset.done $0x0  }
0x2f: {  	[sflag:s6] =	ssyncadd.s32 $0xFFFFC000  }
0x30: {  	_ =	swait.ge [sflag:s6], $0x4000  }
0x31: {  	[sflag:s6] =	ssyncset.done $0x0  }
0x32: {  	[sflag:s6] =	ssyncadd.s32 $0xFFFFC000  }
0x33: {  	_ =	swait.ge [sflag:s6], $0x4000  }
0x34: {  	[sflag:s6] =	ssyncset.done $0x0  }
0x35: {  	s1 =	rddreg [dreg:$0x3];
	[sflag:s6] =	ssyncadd.s32 $0xFFFFC000  }
0x36: {  	[hbm4b:s1+s2] =	stream.linear.scatter [tilespmem:s4], [sflag:$0x2], $0x14000, $0x38;
	[tilespmem:$0x15000] =	vst v63  }
0x37: {  	_ =	swait.ge [sflag:s3], $0x14000  }
0x38: {  	[sflag:s3] =	ssyncset.done $0x0  }
0x39: {  	s1 =	rddreg [dreg:$0xb];
	[sflag:s3] =	ssyncadd.s32 $0xFFFEC000  }
0x3a: {  	[tilespmem:s4], [sflag:$0x1] =	stream.indirect.gather [hbm4b:s5+s7], $0x80, s1, s7, $0xb8;
	[tilespmem:$0x15000] =	vst v63  }
0x3b: {  	_ = 	snop  }
0x3c: {  	[tilespmem:s8], [sflag:$0x1] =	stream.indirect.gather [hbm4b:s5+s7], $0x80, s29, s7, $0xb8;
	[tilespmem:$0x15000] =	vst v63  }
0x3d: {  	_ = 	snop  }
0x3e: {  	[tilespmem:s9], [sflag:$0x1] =	stream.indirect.gather [hbm4b:s5+s7], $0x80, s30, s7, $0xb8;
	[tilespmem:$0x15000] =	vst v63  }
0x3f: {  	_ = 	snop  }
0x40: {  	[tilespmem:s10], [sflag:$0x1] =	stream.indirect.gather [hbm4b:s5+s7], $0x80, s31, s7, $0xb8;
	[tilespmem:$0x15000] =	vst v63  }
0x41: {  	_ = 	snop  }
0x42: {  	[tilespmem:s11], [sflag:$0x1] =	stream.indirect.gather [hbm4b:s5+s7], $0x80, s18, s7, $0xb8;
	[tilespmem:$0x15000] =	vst v63  }
0x43: {  	_ =	swait.ge [sflag:s6], $0x4000  }
0x44: {  	[sflag:s6] =	ssyncset.done $0x0  }
0x45: {  	[sflag:s6] =	ssyncadd.s32 $0xFFFFC000  }
0x46: {  	_ =	swait.ge [sflag:s6], $0x4000  }
0x47: {  	[sflag:s6] =	ssyncset.done $0x0  }
0x48: {  	[sflag:s6] =	ssyncadd.s32 $0xFFFFC000  }
0x49: {  	_ =	swait.ge [sflag:s6], $0x4000  }
0x4a: {  	[sflag:s6] =	ssyncset.done $0x0  }
0x4b: {  	[sflag:s6] =	ssyncadd.s32 $0xFFFFC000  }
0x4c: {  	_ =	swait.ge [sflag:s6], $0x4000  }
0x4d: {  	[sflag:s6] =	ssyncset.done $0x0  }
0x4e: {  	[sflag:s6] =	ssyncadd.s32 $0xFFFFC000  }
0x4f: {  	_ =	swait.ge [sflag:s6], $0x4000  }
0x50: {  	[sflag:s6] =	ssyncset.done $0x0  }
0x51: {  	s1 =	rddreg [dreg:$0x4];
	[sflag:s6] =	ssyncadd.s32 $0xFFFFC000  }
0x52: {  	[hbm4b:s1+s2] =	stream.linear.scatter [tilespmem:s4], [sflag:$0x2], $0x14000, $0x38;
	[tilespmem:$0x15000] =	vst v63  }
0x53: {  	_ =	swait.ge [sflag:s3], $0x14000  }
0x54: {  	[sflag:s3] =	ssyncset.done $0x0  }
0x55: {  	[sflag:s3] =	ssyncadd.s32 $0xFFFEC000  }
0x56: {  	[tilespmem:s4], [sflag:$0x1] =	stream.indirect.gather [hbm4b:s5+s7], $0x80, s23, s7, $0xb8;
	[tilespmem:$0x15000] =	vst v63  }
0x57: {  	_ = 	snop  }
0x58: {  	[tilespmem:s8], [sflag:$0x1] =	stream.indirect.gather [hbm4b:s5+s7], $0x80, s24, s7, $0xb8;
	[tilespmem:$0x15000] =	vst v63  }
0x59: {  	_ = 	snop  }
0x5a: {  	[tilespmem:s9], [sflag:$0x1] =	stream.indirect.gather [hbm4b:s5+s7], $0x80, s25, s7, $0xb8;
	[tilespmem:$0x15000] =	vst v63  }
0x5b: {  	_ = 	snop  }
0x5c: {  	[tilespmem:s10], [sflag:$0x1] =	stream.indirect.gather [hbm4b:s5+s7], $0x80, s26, s7, $0xb8;
	[tilespmem:$0x15000] =	vst v63  }
0x5d: {  	_ = 	snop  }
0x5e: {  	[tilespmem:s11], [sflag:$0x1] =	stream.indirect.gather [hbm4b:s5+s7], $0x80, s28, s7, $0xb8;
	[tilespmem:$0x15000] =	vst v63  }
0x5f: {  	_ =	swait.ge [sflag:s6], $0x4000  }
0x60: {  	[sflag:s6] =	ssyncset.done $0x0  }
0x61: {  	[sflag:s6] =	ssyncadd.s32 $0xFFFFC000  }
0x62: {  	_ =	swait.ge [sflag:s6], $0x4000  }
0x63: {  	[sflag:s6] =	ssyncset.done $0x0  }
0x64: {  	[sflag:s6] =	ssyncadd.s32 $0xFFFFC000  }
0x65: {  	_ =	swait.ge [sflag:s6], $0x4000  }
0x66: {  	[sflag:s6] =	ssyncset.done $0x0  }
0x67: {  	[sflag:s6] =	ssyncadd.s32 $0xFFFFC000  }
0x68: {  	_ =	swait.ge [sflag:s6], $0x4000  }
0x69: {  	[sflag:s6] =	ssyncset.done $0x0  }
0x6a: {  	[sflag:s6] =	ssyncadd.s32 $0xFFFFC000  }
0x6b: {  	_ =	swait.ge [sflag:s6], $0x4000  }
0x6c: {  	[sflag:s6] =	ssyncset.done $0x0  }
0x6d: {  	s1 =	rddreg [dreg:$0x5];
	[sflag:s6] =	ssyncadd.s32 $0xFFFFC000  }
0x6e: {  	[hbm4b:s1+s2] =	stream.linear.scatter [tilespmem:s4], [sflag:$0x2], $0x14000, $0x38;
	[tilespmem:$0x15000] =	vst v63  }
0x6f: {  	_ =	swait.ge [sflag:s3], $0x14000  }
0x70: {  	[sflag:s3] =	ssyncset.done $0x0  }
0x71: {  	s1 =	simm.s32 $0x780;
	[sflag:s3] =	ssyncadd.s32 $0xFFFEC000  }
0x72: {  	[tilespmem:s4], [sflag:$0x1] =	stream.indirect.gather [hbm4b:s5+s7], $0x80, s1, s7, $0xb8;
	[tilespmem:$0x15000] =	vst v63  }
0x73: {  	_ = 	snop  }
0x74: {  	[tilespmem:s8], [sflag:$0x1] =	stream.indirect.gather [hbm4b:s5+s7], $0x80, s19, s7, $0xb8;
	[tilespmem:$0x15000] =	vst v63  }
0x75: {  	_ = 	snop  }
0x76: {  	[tilespmem:s9], [sflag:$0x1] =	stream.indirect.gather [hbm4b:s5+s7], $0x80, s20, s7, $0xb8;
	[tilespmem:$0x15000] =	vst v63  }
0x77: {  	_ = 	snop  }
0x78: {  	[tilespmem:s10], [sflag:$0x1] =	stream.indirect.gather [hbm4b:s5+s7], $0x80, s21, s7, $0xb8;
	[tilespmem:$0x15000] =	vst v63  }
0x79: {  	_ = 	snop  }
0x7a: {  	[tilespmem:s11], [sflag:$0x1] =	stream.indirect.gather [hbm4b:s5+s7], $0x80, s22, s7, $0xb8;
	[tilespmem:$0x15000] =	vst v63  }
0x7b: {  	_ =	swait.ge [sflag:s6], $0x4000  }
0x7c: {  	[sflag:s6] =	ssyncset.done $0x0  }
0x7d: {  	[sflag:s6] =	ssyncadd.s32 $0xFFFFC000  }
0x7e: {  	_ =	swait.ge [sflag:s6], $0x4000  }
0x7f: {  	[sflag:s6] =	ssyncset.done $0x0  }
0x80: {  	[sflag:s6] =	ssyncadd.s32 $0xFFFFC000  }
0x81: {  	_ =	swait.ge [sflag:s6], $0x4000  }
0x82: {  	[sflag:s6] =	ssyncset.done $0x0  }
0x83: {  	[sflag:s6] =	ssyncadd.s32 $0xFFFFC000  }
0x84: {  	_ =	swait.ge [sflag:s6], $0x4000  }
0x85: {  	[sflag:s6] =	ssyncset.done $0x0  }
0x86: {  	[sflag:s6] =	ssyncadd.s32 $0xFFFFC000  }
0x87: {  	_ =	swait.ge [sflag:s6], $0x4000  }
0x88: {  	[sflag:s6] =	ssyncset.done $0x0  }
0x89: {  	s1 =	rddreg [dreg:$0x6];
	[sflag:s6] =	ssyncadd.s32 $0xFFFFC000  }
0x8a: {  	[hbm4b:s1+s2] =	stream.linear.scatter [tilespmem:s4], [sflag:$0x2], $0x14000, $0x38;
	[tilespmem:$0x15000] =	vst v63  }
0x8b: {  	_ =	swait.ge [sflag:s3], $0x14000  }
0x8c: {  	[sflag:s3] =	ssyncset.done $0x0  }
0x8d: {  	[sflag:s3] =	ssyncadd.s32 $0xFFFEC000  }
0x8e: {  	[tilespmem:s4], [sflag:$0x1] =	stream.indirect.gather [hbm4b:s5+s7], $0x80, s13, s7, $0xb8;
	[tilespmem:$0x15000] =	vst v63  }
0x8f: {  	_ = 	snop  }
0x90: {  	[tilespmem:s8], [sflag:$0x1] =	stream.indirect.gather [hbm4b:s5+s7], $0x80, s14, s7, $0xb8;
	[tilespmem:$0x15000] =	vst v63  }
0x91: {  	_ = 	snop  }
0x92: {  	[tilespmem:s9], [sflag:$0x1] =	stream.indirect.gather [hbm4b:s5+s7], $0x80, s15, s7, $0xb8;
	[tilespmem:$0x15000] =	vst v63  }
0x93: {  	_ = 	snop  }
0x94: {  	[tilespmem:s10], [sflag:$0x1] =	stream.indirect.gather [hbm4b:s5+s7], $0x80, s16, s7, $0xb8;
	[tilespmem:$0x15000] =	vst v63  }
0x95: {  	_ = 	snop  }
0x96: {  	[tilespmem:s11], [sflag:$0x1] =	stream.indirect.gather [hbm4b:s5+s7], $0x80, s17, s7, $0xb8;
	[tilespmem:$0x15000] =	vst v63  }
0x97: {  	_ =	swait.ge [sflag:s6], $0x4000  }
0x98: {  	[sflag:s6] =	ssyncset.done $0x0  }
0x99: {  	[sflag:s6] =	ssyncadd.s32 $0xFFFFC000  }
0x9a: {  	_ =	swait.ge [sflag:s6], $0x4000  }
0x9b: {  	[sflag:s6] =	ssyncset.done $0x0  }
0x9c: {  	[sflag:s6] =	ssyncadd.s32 $0xFFFFC000  }
0x9d: {  	_ =	swait.ge [sflag:s6], $0x4000  }
0x9e: {  	[sflag:s6] =	ssyncset.done $0x0  }
0x9f: {  	[sflag:s6] =	ssyncadd.s32 $0xFFFFC000  }
0xa0: {  	_ =	swait.ge [sflag:s6], $0x4000  }
0xa1: {  	[sflag:s6] =	ssyncset.done $0x0  }
0xa2: {  	[sflag:s6] =	ssyncadd.s32 $0xFFFFC000  }
0xa3: {  	p1 =	sne.s32 s12, $0x1;
	_ =	swait.ge [sflag:s6], $0x4000  }
.Ltmp1:
0xa4: {  	[sflag:s6] =	ssyncset.done $0x0;
	(pc) =	sbr.rel @!p1 .LBB2_3-.Ltmp1, $4  }
0xa5: {  	s1 =	rddreg [dreg:$0x7];
	[sflag:s6] =	ssyncadd.s32 $0xFFFFC000  }
0xa6: {  	[hbm4b:s1+s2] =	stream.linear.scatter [tilespmem:s4], [sflag:$0x2], $0x14000, $0x38;
	[tilespmem:$0x15000] =	vst v63  }
0xa7: {  	p0 =	por $0x1, $0x1;
	_ =	swait.ge [sflag:s3], $0x14000  }
0xa8: {  	s1 =	sadd.s32 $0xFFFFFFFF, s12;
	s0 =	rddreg [dreg:$0x2];
	[sflag:s3] =	ssyncset.done $0x0  }
.LBB2_4:
0xa9: {  	[sflag:s3] =	ssyncadd.s32 $0xFFFEC000  }
0xaa: {  	[tilespmem:s2], [sflag:$0x2] =	stream.linear.gather [hbm4b:s0+s2], $0xC80, $0x38;
	[tilespmem:$0x15000] =	vst v63  }
0xab: {  	_ =	swait.ge [sflag:s3], $0xC80  }
0xac: {  	[sflag:s3] =	ssyncset.done $0x0  }
0xad: {  	[sflag:s3] =	ssyncadd.s32 $0xFFFFF380  }
0xae: {  	[tilespmem:s4], [sflag:$0x1] =	stream.indirect.gather [hbm4b:s5+s7], $0x80, s2, s7, $0xb8;
	[tilespmem:$0x15000] =	vst v63  }
0xaf: {  	_ = 	snop  }
0xb0: {  	[tilespmem:s8], [sflag:$0x1] =	stream.indirect.gather [hbm4b:s5+s7], $0x80, s7, s7, $0xb8;
	[tilespmem:$0x15000] =	vst v63  }
0xb1: {  	s0 =	rddreg [dreg:$0x8]  }
0xb2: {  	[tilespmem:s9], [sflag:$0x1] =	stream.indirect.gather [hbm4b:s5+s7], $0x80, s0, s7, $0xb8;
	[tilespmem:$0x15000] =	vst v63  }
0xb3: {  	s12 =	rddreg [dreg:$0x9]  }
0xb4: {  	[tilespmem:s10], [sflag:$0x1] =	stream.indirect.gather [hbm4b:s5+s7], $0x80, s12, s7, $0xb8;
	[tilespmem:$0x15000] =	vst v63  }
0xb5: {  	s0 =	rddreg [dreg:$0xa]  }
0xb6: {  	[tilespmem:s11], [sflag:$0x1] =	stream.indirect.gather [hbm4b:s5+s7], $0x80, s0, s7, $0xb8;
	[tilespmem:$0x15000] =	vst v63  }
0xb7: {  	_ =	swait.ge [sflag:s6], $0x4000  }
0xb8: {  	[sflag:s6] =	ssyncset.done $0x0  }
0xb9: {  	[sflag:s6] =	ssyncadd.s32 $0xFFFFC000  }
0xba: {  	_ =	swait.ge [sflag:s6], $0x4000  }
0xbb: {  	[sflag:s6] =	ssyncset.done $0x0  }
0xbc: {  	[sflag:s6] =	ssyncadd.s32 $0xFFFFC000  }
0xbd: {  	_ =	swait.ge [sflag:s6], $0x4000  }
0xbe: {  	[sflag:s6] =	ssyncset.done $0x0  }
0xbf: {  	[sflag:s6] =	ssyncadd.s32 $0xFFFFC000  }
0xc0: {  	_ =	swait.ge [sflag:s6], $0x4000  }
0xc1: {  	[sflag:s6] =	ssyncset.done $0x0  }
0xc2: {  	[sflag:s6] =	ssyncadd.s32 $0xFFFFC000  }
0xc3: {  	_ =	swait.ge [sflag:s6], $0x4000  }
0xc4: {  	[sflag:s6] =	ssyncset.done $0x0  }
0xc5: {  	s12 =	rddreg [dreg:$0x3];
	[sflag:s6] =	ssyncadd.s32 $0xFFFFC000  }
0xc6: {  	[hbm4b:s12+s2] =	stream.linear.scatter [tilespmem:s4], [sflag:$0x2], $0x14000, $0x38;
	[tilespmem:$0x15000] =	vst v63  }
0xc7: {  	_ =	swait.ge [sflag:s3], $0x14000  }
0xc8: {  	[sflag:s3] =	ssyncset.done $0x0  }
0xc9: {  	s12 =	rddreg [dreg:$0xb];
	[sflag:s3] =	ssyncadd.s32 $0xFFFEC000  }
0xca: {  	[tilespmem:s4], [sflag:$0x1] =	stream.indirect.gather [hbm4b:s5+s7], $0x80, s12, s7, $0xb8;
	[tilespmem:$0x15000] =	vst v63  }
0xcb: {  	_ = 	snop  }
0xcc: {  	[tilespmem:s8], [sflag:$0x1] =	stream.indirect.gather [hbm4b:s5+s7], $0x80, s29, s7, $0xb8;
	[tilespmem:$0x15000] =	vst v63  }
0xcd: {  	_ = 	snop  }
0xce: {  	[tilespmem:s9], [sflag:$0x1] =	stream.indirect.gather [hbm4b:s5+s7], $0x80, s30, s7, $0xb8;
	[tilespmem:$0x15000] =	vst v63  }
0xcf: {  	_ = 	snop  }
0xd0: {  	[tilespmem:s10], [sflag:$0x1] =	stream.indirect.gather [hbm4b:s5+s7], $0x80, s31, s7, $0xb8;
	[tilespmem:$0x15000] =	vst v63  }
0xd1: {  	_ = 	snop  }
0xd2: {  	[tilespmem:s11], [sflag:$0x1] =	stream.indirect.gather [hbm4b:s5+s7], $0x80, s18, s7, $0xb8;
	[tilespmem:$0x15000] =	vst v63  }
0xd3: {  	_ =	swait.ge [sflag:s6], $0x4000  }
0xd4: {  	[sflag:s6] =	ssyncset.done $0x0  }
0xd5: {  	[sflag:s6] =	ssyncadd.s32 $0xFFFFC000  }
0xd6: {  	_ =	swait.ge [sflag:s6], $0x4000  }
0xd7: {  	[sflag:s6] =	ssyncset.done $0x0  }
0xd8: {  	[sflag:s6] =	ssyncadd.s32 $0xFFFFC000  }
0xd9: {  	_ =	swait.ge [sflag:s6], $0x4000  }
0xda: {  	[sflag:s6] =	ssyncset.done $0x0  }
0xdb: {  	[sflag:s6] =	ssyncadd.s32 $0xFFFFC000  }
0xdc: {  	_ =	swait.ge [sflag:s6], $0x4000  }
0xdd: {  	[sflag:s6] =	ssyncset.done $0x0  }
0xde: {  	[sflag:s6] =	ssyncadd.s32 $0xFFFFC000  }
0xdf: {  	_ =	swait.ge [sflag:s6], $0x4000  }
0xe0: {  	[sflag:s6] =	ssyncset.done $0x0  }
0xe1: {  	s12 =	rddreg [dreg:$0x4];
	[sflag:s6] =	ssyncadd.s32 $0xFFFFC000  }
0xe2: {  	[hbm4b:s12+s2] =	stream.linear.scatter [tilespmem:s4], [sflag:$0x2], $0x14000, $0x38;
	[tilespmem:$0x15000] =	vst v63  }
0xe3: {  	_ =	swait.ge [sflag:s3], $0x14000  }
0xe4: {  	[sflag:s3] =	ssyncset.done $0x0  }
0xe5: {  	[sflag:s3] =	ssyncadd.s32 $0xFFFEC000  }
0xe6: {  	[tilespmem:s4], [sflag:$0x1] =	stream.indirect.gather [hbm4b:s5+s7], $0x80, s23, s7, $0xb8;
	[tilespmem:$0x15000] =	vst v63  }
0xe7: {  	_ = 	snop  }
0xe8: {  	[tilespmem:s8], [sflag:$0x1] =	stream.indirect.gather [hbm4b:s5+s7], $0x80, s24, s7, $0xb8;
	[tilespmem:$0x15000] =	vst v63  }
0xe9: {  	_ = 	snop  }
0xea: {  	[tilespmem:s9], [sflag:$0x1] =	stream.indirect.gather [hbm4b:s5+s7], $0x80, s25, s7, $0xb8;
	[tilespmem:$0x15000] =	vst v63  }
0xeb: {  	_ = 	snop  }
0xec: {  	[tilespmem:s10], [sflag:$0x1] =	stream.indirect.gather [hbm4b:s5+s7], $0x80, s26, s7, $0xb8;
	[tilespmem:$0x15000] =	vst v63  }
0xed: {  	_ = 	snop  }
0xee: {  	[tilespmem:s11], [sflag:$0x1] =	stream.indirect.gather [hbm4b:s5+s7], $0x80, s28, s7, $0xb8;
	[tilespmem:$0x15000] =	vst v63  }
0xef: {  	_ =	swait.ge [sflag:s6], $0x4000  }
0xf0: {  	[sflag:s6] =	ssyncset.done $0x0  }
0xf1: {  	[sflag:s6] =	ssyncadd.s32 $0xFFFFC000  }
0xf2: {  	_ =	swait.ge [sflag:s6], $0x4000  }
0xf3: {  	[sflag:s6] =	ssyncset.done $0x0  }
0xf4: {  	[sflag:s6] =	ssyncadd.s32 $0xFFFFC000  }
0xf5: {  	_ =	swait.ge [sflag:s6], $0x4000  }
0xf6: {  	[sflag:s6] =	ssyncset.done $0x0  }
0xf7: {  	[sflag:s6] =	ssyncadd.s32 $0xFFFFC000  }
0xf8: {  	_ =	swait.ge [sflag:s6], $0x4000  }
0xf9: {  	[sflag:s6] =	ssyncset.done $0x0  }
0xfa: {  	[sflag:s6] =	ssyncadd.s32 $0xFFFFC000  }
0xfb: {  	_ =	swait.ge [sflag:s6], $0x4000  }
0xfc: {  	[sflag:s6] =	ssyncset.done $0x0  }
0xfd: {  	s12 =	rddreg [dreg:$0x5];
	[sflag:s6] =	ssyncadd.s32 $0xFFFFC000  }
0xfe: {  	[hbm4b:s12+s2] =	stream.linear.scatter [tilespmem:s4], [sflag:$0x2], $0x14000, $0x38;
	[tilespmem:$0x15000] =	vst v63  }
0xff: {  	_ =	swait.ge [sflag:s3], $0x14000  }
0x100: {  	[sflag:s3] =	ssyncset.done $0x0  }
0x101: {  	s12 =	simm.s32 $0x780;
	[sflag:s3] =	ssyncadd.s32 $0xFFFEC000  }
0x102: {  	[tilespmem:s4], [sflag:$0x1] =	stream.indirect.gather [hbm4b:s5+s7], $0x80, s12, s7, $0xb8;
	[tilespmem:$0x15000] =	vst v63  }
0x103: {  	_ = 	snop  }
0x104: {  	[tilespmem:s8], [sflag:$0x1] =	stream.indirect.gather [hbm4b:s5+s7], $0x80, s19, s7, $0xb8;
	[tilespmem:$0x15000] =	vst v63  }
0x105: {  	_ = 	snop  }
0x106: {  	[tilespmem:s9], [sflag:$0x1] =	stream.indirect.gather [hbm4b:s5+s7], $0x80, s20, s7, $0xb8;
	[tilespmem:$0x15000] =	vst v63  }
0x107: {  	_ = 	snop  }
0x108: {  	[tilespmem:s10], [sflag:$0x1] =	stream.indirect.gather [hbm4b:s5+s7], $0x80, s21, s7, $0xb8;
	[tilespmem:$0x15000] =	vst v63  }
0x109: {  	_ = 	snop  }
0x10a: {  	[tilespmem:s11], [sflag:$0x1] =	stream.indirect.gather [hbm4b:s5+s7], $0x80, s22, s7, $0xb8;
	[tilespmem:$0x15000] =	vst v63  }
0x10b: {  	_ =	swait.ge [sflag:s6], $0x4000  }
0x10c: {  	[sflag:s6] =	ssyncset.done $0x0  }
0x10d: {  	[sflag:s6] =	ssyncadd.s32 $0xFFFFC000  }
0x10e: {  	_ =	swait.ge [sflag:s6], $0x4000  }
0x10f: {  	[sflag:s6] =	ssyncset.done $0x0  }
0x110: {  	[sflag:s6] =	ssyncadd.s32 $0xFFFFC000  }
0x111: {  	_ =	swait.ge [sflag:s6], $0x4000  }
0x112: {  	[sflag:s6] =	ssyncset.done $0x0  }
0x113: {  	[sflag:s6] =	ssyncadd.s32 $0xFFFFC000  }
0x114: {  	_ =	swait.ge [sflag:s6], $0x4000  }
0x115: {  	[sflag:s6] =	ssyncset.done $0x0  }
0x116: {  	[sflag:s6] =	ssyncadd.s32 $0xFFFFC000  }
0x117: {  	_ =	swait.ge [sflag:s6], $0x4000  }
0x118: {  	[sflag:s6] =	ssyncset.done $0x0  }
0x119: {  	s12 =	rddreg [dreg:$0x6];
	[sflag:s6] =	ssyncadd.s32 $0xFFFFC000  }
0x11a: {  	[hbm4b:s12+s2] =	stream.linear.scatter [tilespmem:s4], [sflag:$0x2], $0x14000, $0x38;
	[tilespmem:$0x15000] =	vst v63  }
0x11b: {  	_ =	swait.ge [sflag:s3], $0x14000  }
0x11c: {  	[sflag:s3] =	ssyncset.done $0x0  }
0x11d: {  	[sflag:s3] =	ssyncadd.s32 $0xFFFEC000  }
0x11e: {  	[tilespmem:s4], [sflag:$0x1] =	stream.indirect.gather [hbm4b:s5+s7], $0x80, s13, s7, $0xb8;
	[tilespmem:$0x15000] =	vst v63  }
0x11f: {  	_ = 	snop  }
0x120: {  	[tilespmem:s8], [sflag:$0x1] =	stream.indirect.gather [hbm4b:s5+s7], $0x80, s14, s7, $0xb8;
	[tilespmem:$0x15000] =	vst v63  }
0x121: {  	_ = 	snop  }
0x122: {  	[tilespmem:s9], [sflag:$0x1] =	stream.indirect.gather [hbm4b:s5+s7], $0x80, s15, s7, $0xb8;
	[tilespmem:$0x15000] =	vst v63  }
0x123: {  	_ = 	snop  }
0x124: {  	[tilespmem:s10], [sflag:$0x1] =	stream.indirect.gather [hbm4b:s5+s7], $0x80, s16, s7, $0xb8;
	[tilespmem:$0x15000] =	vst v63  }
0x125: {  	_ = 	snop  }
0x126: {  	[tilespmem:s11], [sflag:$0x1] =	stream.indirect.gather [hbm4b:s5+s7], $0x80, s17, s7, $0xb8;
	[tilespmem:$0x15000] =	vst v63  }
0x127: {  	_ =	swait.ge [sflag:s6], $0x4000  }
0x128: {  	[sflag:s6] =	ssyncset.done $0x0  }
0x129: {  	[sflag:s6] =	ssyncadd.s32 $0xFFFFC000  }
0x12a: {  	_ =	swait.ge [sflag:s6], $0x4000  }
0x12b: {  	[sflag:s6] =	ssyncset.done $0x0  }
0x12c: {  	[sflag:s6] =	ssyncadd.s32 $0xFFFFC000  }
0x12d: {  	_ =	swait.ge [sflag:s6], $0x4000  }
0x12e: {  	[sflag:s6] =	ssyncset.done $0x0  }
0x12f: {  	[sflag:s6] =	ssyncadd.s32 $0xFFFFC000  }
0x130: {  	_ =	swait.ge [sflag:s6], $0x4000  }
0x131: {  	[sflag:s6] =	ssyncset.done $0x0  }
0x132: {  	[sflag:s6] =	ssyncadd.s32 $0xFFFFC000  }
0x133: {  	p1 =	sne.s32 s1, $0x1;
	_ =	swait.ge [sflag:s6], $0x4000  }
.Ltmp2:
0x134: {  	[sflag:s6] =	ssyncset.done $0x0;
	(pc) =	sbr.rel @p1 .LBB2_4-.Ltmp2, $4  }
0x135: {  	s12 =	rddreg [dreg:$0x7];
	[sflag:s6] =	ssyncadd.s32 $0xFFFFC000  }
0x136: {  	[hbm4b:s12+s2] =	stream.linear.scatter [tilespmem:s4], [sflag:$0x2], $0x14000, $0x38;
	[tilespmem:$0x15000] =	vst v63  }
0x137: {  	_ =	swait.ge [sflag:s3], $0x14000  }
0x138: {  	s1 =	sadd.s32 $0xFFFFFFFF, s1;
	s0 =	rddreg [dreg:$0x2];
	[sflag:s3] =	ssyncset.done $0x0  }
0x139: {  	s17 =	simm.s32 $0x480  }
0x13a: {  	s31 =	simm.s32 $0x400;
	s30 =	simm.s32 $0x380;
	s29 =	simm.s32 $0x300  }
0x13b: {  	s28 =	simm.s32 $0x700;
	s26 =	simm.s32 $0x680;
	s25 =	simm.s32 $0x600  }
0x13c: {  	s24 =	simm.s32 $0x580;
	s23 =	simm.s32 $0x500;
	s22 =	simm.s32 $0x980  }
0x13d: {  	s21 =	simm.s32 $0x900;
	s20 =	simm.s32 $0x880;
	s19 =	simm.s32 $0x800  }
0x13e: {  	s18 =	simm.s32 $0x780;
	s16 =	simm.s32 $0xB80;
	s15 =	simm.s32 $0xB00  }
0x13f: {  	s14 =	simm.s32 $0xA80;
	s13 =	simm.s32 $0xA00;
	s12 =	stileid.u32  }
.LBB2_6:
0x140: {  	[sflag:s3] =	ssyncadd.s32 @p0 $0xFFFEC000  }
0x141: {  	[tilespmem:s2], [sflag:$0x2] =	stream.linear.gather [hbm4b:s0+s2], $0xC80, $0x38;
	[tilespmem:$0x15000] =	vst v63  }
0x142: {  	_ =	swait.ge [sflag:s3], $0xC80  }
0x143: {  	[sflag:s3] =	ssyncset.done $0x0  }
0x144: {  	[sflag:s3] =	ssyncadd.s32 $0xFFFFF380  }
0x145: {  	[tilespmem:s4], [sflag:$0x1] =	stream.indirect.gather [hbm4b:s5+s7], $0x80, s2, s7, $0xb8;
	[tilespmem:$0x15000] =	vst v63  }
0x146: {  	_ = 	snop  }
0x147: {  	[tilespmem:s8], [sflag:$0x1] =	stream.indirect.gather [hbm4b:s5+s7], $0x80, s7, s7, $0xb8;
	[tilespmem:$0x15000] =	vst v63  }
0x148: {  	s0 =	rddreg [dreg:$0x8]  }
0x149: {  	[tilespmem:s9], [sflag:$0x1] =	stream.indirect.gather [hbm4b:s5+s7], $0x80, s0, s7, $0xb8;
	[tilespmem:$0x15000] =	vst v63  }
0x14a: {  	s1 =	rddreg [dreg:$0x9]  }
0x14b: {  	[tilespmem:s10], [sflag:$0x1] =	stream.indirect.gather [hbm4b:s5+s7], $0x80, s1, s7, $0xb8;
	[tilespmem:$0x15000] =	vst v63  }
0x14c: {  	s0 =	rddreg [dreg:$0xa]  }
0x14d: {  	[tilespmem:s11], [sflag:$0x1] =	stream.indirect.gather [hbm4b:s5+s7], $0x80, s0, s7, $0xb8;
	[tilespmem:$0x15000] =	vst v63  }
0x14e: {  	_ =	swait.ge [sflag:s6], $0x4000  }
0x14f: {  	[sflag:s6] =	ssyncset.done $0x0  }
0x150: {  	[sflag:s6] =	ssyncadd.s32 $0xFFFFC000  }
0x151: {  	_ =	swait.ge [sflag:s6], $0x4000  }
0x152: {  	[sflag:s6] =	ssyncset.done $0x0  }
0x153: {  	[sflag:s6] =	ssyncadd.s32 $0xFFFFC000  }
0x154: {  	_ =	swait.ge [sflag:s6], $0x4000  }
0x155: {  	[sflag:s6] =	ssyncset.done $0x0  }
0x156: {  	[sflag:s6] =	ssyncadd.s32 $0xFFFFC000  }
0x157: {  	_ =	swait.ge [sflag:s6], $0x4000  }
0x158: {  	[sflag:s6] =	ssyncset.done $0x0  }
0x159: {  	[sflag:s6] =	ssyncadd.s32 $0xFFFFC000  }
0x15a: {  	_ =	swait.ge [sflag:s6], $0x4000  }
0x15b: {  	[sflag:s6] =	ssyncset.done $0x0  }
0x15c: {  	s1 =	rddreg [dreg:$0x3];
	[sflag:s6] =	ssyncadd.s32 $0xFFFFC000  }
0x15d: {  	[hbm4b:s1+s2] =	stream.linear.scatter [tilespmem:s4], [sflag:$0x2], $0x14000, $0x38;
	[tilespmem:$0x15000] =	vst v63  }
0x15e: {  	_ =	swait.ge [sflag:s3], $0x14000  }
0x15f: {  	[sflag:s3] =	ssyncset.done $0x0  }
0x160: {  	s1 =	rddreg [dreg:$0xb];
	[sflag:s3] =	ssyncadd.s32 $0xFFFEC000  }
0x161: {  	[tilespmem:s4], [sflag:$0x1] =	stream.indirect.gather [hbm4b:s5+s7], $0x80, s1, s7, $0xb8;
	[tilespmem:$0x15000] =	vst v63  }
0x162: {  	_ = 	snop  }
0x163: {  	[tilespmem:s8], [sflag:$0x1] =	stream.indirect.gather [hbm4b:s5+s7], $0x80, s29, s7, $0xb8;
	[tilespmem:$0x15000] =	vst v63  }
0x164: {  	_ = 	snop  }
0x165: {  	[tilespmem:s9], [sflag:$0x1] =	stream.indirect.gather [hbm4b:s5+s7], $0x80, s30, s7, $0xb8;
	[tilespmem:$0x15000] =	vst v63  }
0x166: {  	_ = 	snop  }
0x167: {  	[tilespmem:s10], [sflag:$0x1] =	stream.indirect.gather [hbm4b:s5+s7], $0x80, s31, s7, $0xb8;
	[tilespmem:$0x15000] =	vst v63  }
0x168: {  	_ = 	snop  }
0x169: {  	[tilespmem:s11], [sflag:$0x1] =	stream.indirect.gather [hbm4b:s5+s7], $0x80, s17, s7, $0xb8;
	[tilespmem:$0x15000] =	vst v63  }
0x16a: {  	_ =	swait.ge [sflag:s6], $0x4000  }
0x16b: {  	[sflag:s6] =	ssyncset.done $0x0  }
0x16c: {  	[sflag:s6] =	ssyncadd.s32 $0xFFFFC000  }
0x16d: {  	_ =	swait.ge [sflag:s6], $0x4000  }
0x16e: {  	[sflag:s6] =	ssyncset.done $0x0  }
0x16f: {  	[sflag:s6] =	ssyncadd.s32 $0xFFFFC000  }
0x170: {  	_ =	swait.ge [sflag:s6], $0x4000  }
0x171: {  	[sflag:s6] =	ssyncset.done $0x0  }
0x172: {  	[sflag:s6] =	ssyncadd.s32 $0xFFFFC000  }
0x173: {  	_ =	swait.ge [sflag:s6], $0x4000  }
0x174: {  	[sflag:s6] =	ssyncset.done $0x0  }
0x175: {  	[sflag:s6] =	ssyncadd.s32 $0xFFFFC000  }
0x176: {  	_ =	swait.ge [sflag:s6], $0x4000  }
0x177: {  	[sflag:s6] =	ssyncset.done $0x0  }
0x178: {  	s17 =	rddreg [dreg:$0x4];
	[sflag:s6] =	ssyncadd.s32 $0xFFFFC000  }
0x179: {  	[hbm4b:s17+s2] =	stream.linear.scatter [tilespmem:s4], [sflag:$0x2], $0x14000, $0x38;
	[tilespmem:$0x15000] =	vst v63  }
0x17a: {  	_ =	swait.ge [sflag:s3], $0x14000  }
0x17b: {  	[sflag:s3] =	ssyncset.done $0x0  }
0x17c: {  	[sflag:s3] =	ssyncadd.s32 $0xFFFEC000  }
0x17d: {  	[tilespmem:s4], [sflag:$0x1] =	stream.indirect.gather [hbm4b:s5+s7], $0x80, s23, s7, $0xb8;
	[tilespmem:$0x15000] =	vst v63  }
0x17e: {  	_ = 	snop  }
0x17f: {  	[tilespmem:s8], [sflag:$0x1] =	stream.indirect.gather [hbm4b:s5+s7], $0x80, s24, s7, $0xb8;
	[tilespmem:$0x15000] =	vst v63  }
0x180: {  	_ = 	snop  }
0x181: {  	[tilespmem:s9], [sflag:$0x1] =	stream.indirect.gather [hbm4b:s5+s7], $0x80, s25, s7, $0xb8;
	[tilespmem:$0x15000] =	vst v63  }
0x182: {  	_ = 	snop  }
0x183: {  	[tilespmem:s10], [sflag:$0x1] =	stream.indirect.gather [hbm4b:s5+s7], $0x80, s26, s7, $0xb8;
	[tilespmem:$0x15000] =	vst v63  }
0x184: {  	_ = 	snop  }
0x185: {  	[tilespmem:s11], [sflag:$0x1] =	stream.indirect.gather [hbm4b:s5+s7], $0x80, s28, s7, $0xb8;
	[tilespmem:$0x15000] =	vst v63  }
0x186: {  	_ =	swait.ge [sflag:s6], $0x4000  }
0x187: {  	[sflag:s6] =	ssyncset.done $0x0  }
0x188: {  	[sflag:s6] =	ssyncadd.s32 $0xFFFFC000  }
0x189: {  	_ =	swait.ge [sflag:s6], $0x4000  }
0x18a: {  	[sflag:s6] =	ssyncset.done $0x0  }
0x18b: {  	[sflag:s6] =	ssyncadd.s32 $0xFFFFC000  }
0x18c: {  	_ =	swait.ge [sflag:s6], $0x4000  }
0x18d: {  	[sflag:s6] =	ssyncset.done $0x0  }
0x18e: {  	[sflag:s6] =	ssyncadd.s32 $0xFFFFC000  }
0x18f: {  	_ =	swait.ge [sflag:s6], $0x4000  }
0x190: {  	[sflag:s6] =	ssyncset.done $0x0  }
0x191: {  	[sflag:s6] =	ssyncadd.s32 $0xFFFFC000  }
0x192: {  	_ =	swait.ge [sflag:s6], $0x4000  }
0x193: {  	[sflag:s6] =	ssyncset.done $0x0  }
0x194: {  	s28 =	rddreg [dreg:$0x5];
	[sflag:s6] =	ssyncadd.s32 $0xFFFFC000  }
0x195: {  	[hbm4b:s28+s2] =	stream.linear.scatter [tilespmem:s4], [sflag:$0x2], $0x14000, $0x38;
	[tilespmem:$0x15000] =	vst v63  }
0x196: {  	_ =	swait.ge [sflag:s3], $0x14000  }
0x197: {  	[sflag:s3] =	ssyncset.done $0x0  }
0x198: {  	[sflag:s3] =	ssyncadd.s32 $0xFFFEC000  }
0x199: {  	[tilespmem:s4], [sflag:$0x1] =	stream.indirect.gather [hbm4b:s5+s7], $0x80, s18, s7, $0xb8;
	[tilespmem:$0x15000] =	vst v63  }
0x19a: {  	_ = 	snop  }
0x19b: {  	[tilespmem:s8], [sflag:$0x1] =	stream.indirect.gather [hbm4b:s5+s7], $0x80, s19, s7, $0xb8;
	[tilespmem:$0x15000] =	vst v63  }
0x19c: {  	_ = 	snop  }
0x19d: {  	[tilespmem:s9], [sflag:$0x1] =	stream.indirect.gather [hbm4b:s5+s7], $0x80, s20, s7, $0xb8;
	[tilespmem:$0x15000] =	vst v63  }
0x19e: {  	_ = 	snop  }
0x19f: {  	[tilespmem:s10], [sflag:$0x1] =	stream.indirect.gather [hbm4b:s5+s7], $0x80, s21, s7, $0xb8;
	[tilespmem:$0x15000] =	vst v63  }
0x1a0: {  	_ = 	snop  }
0x1a1: {  	[tilespmem:s11], [sflag:$0x1] =	stream.indirect.gather [hbm4b:s5+s7], $0x80, s22, s7, $0xb8;
	[tilespmem:$0x15000] =	vst v63  }
0x1a2: {  	_ =	swait.ge [sflag:s6], $0x4000  }
0x1a3: {  	[sflag:s6] =	ssyncset.done $0x0  }
0x1a4: {  	[sflag:s6] =	ssyncadd.s32 $0xFFFFC000  }
0x1a5: {  	_ =	swait.ge [sflag:s6], $0x4000  }
0x1a6: {  	[sflag:s6] =	ssyncset.done $0x0  }
0x1a7: {  	[sflag:s6] =	ssyncadd.s32 $0xFFFFC000  }
0x1a8: {  	_ =	swait.ge [sflag:s6], $0x4000  }
0x1a9: {  	[sflag:s6] =	ssyncset.done $0x0  }
0x1aa: {  	[sflag:s6] =	ssyncadd.s32 $0xFFFFC000  }
0x1ab: {  	_ =	swait.ge [sflag:s6], $0x4000  }
0x1ac: {  	[sflag:s6] =	ssyncset.done $0x0  }
0x1ad: {  	[sflag:s6] =	ssyncadd.s32 $0xFFFFC000  }
0x1ae: {  	_ =	swait.ge [sflag:s6], $0x4000  }
0x1af: {  	[sflag:s6] =	ssyncset.done $0x0  }
0x1b0: {  	s29 =	rddreg [dreg:$0x6];
	[sflag:s6] =	ssyncadd.s32 $0xFFFFC000  }
0x1b1: {  	[hbm4b:s29+s2] =	stream.linear.scatter [tilespmem:s4], [sflag:$0x2], $0x14000, $0x38;
	[tilespmem:$0x15000] =	vst v63  }
0x1b2: {  	_ =	swait.ge [sflag:s3], $0x14000  }
0x1b3: {  	[sflag:s3] =	ssyncset.done $0x0  }
0x1b4: {  	[sflag:s3] =	ssyncadd.s32 $0xFFFEC000  }
0x1b5: {  	[tilespmem:s4], [sflag:$0x1] =	stream.indirect.gather [hbm4b:s5+s7], $0x80, s13, s7, $0xb8;
	[tilespmem:$0x15000] =	vst v63  }
0x1b6: {  	_ = 	snop  }
0x1b7: {  	[tilespmem:s8], [sflag:$0x1] =	stream.indirect.gather [hbm4b:s5+s7], $0x80, s14, s7, $0xb8;
	[tilespmem:$0x15000] =	vst v63  }
0x1b8: {  	_ = 	snop  }
0x1b9: {  	[tilespmem:s9], [sflag:$0x1] =	stream.indirect.gather [hbm4b:s5+s7], $0x80, s15, s7, $0xb8;
	[tilespmem:$0x15000] =	vst v63  }
0x1ba: {  	_ = 	snop  }
0x1bb: {  	[tilespmem:s10], [sflag:$0x1] =	stream.indirect.gather [hbm4b:s5+s7], $0x80, s16, s7, $0xb8;
	[tilespmem:$0x15000] =	vst v63  }
0x1bc: {  	s30 =	simm.s32 $0xC00  }
0x1bd: {  	[tilespmem:s11], [sflag:$0x1] =	stream.indirect.gather [hbm4b:s5+s7], $0x80, s30, s7, $0xb8;
	[tilespmem:$0x15000] =	vst v63  }
0x1be: {  	_ =	swait.ge [sflag:s6], $0x4000  }
0x1bf: {  	[sflag:s6] =	ssyncset.done $0x0  }
0x1c0: {  	[sflag:s6] =	ssyncadd.s32 $0xFFFFC000  }
0x1c1: {  	_ =	swait.ge [sflag:s6], $0x4000  }
0x1c2: {  	[sflag:s6] =	ssyncset.done $0x0  }
0x1c3: {  	[sflag:s6] =	ssyncadd.s32 $0xFFFFC000  }
0x1c4: {  	_ =	swait.ge [sflag:s6], $0x4000  }
0x1c5: {  	[sflag:s6] =	ssyncset.done $0x0  }
0x1c6: {  	[sflag:s6] =	ssyncadd.s32 $0xFFFFC000  }
0x1c7: {  	_ =	swait.ge [sflag:s6], $0x4000  }
0x1c8: {  	[sflag:s6] =	ssyncset.done $0x0  }
0x1c9: {  	[sflag:s6] =	ssyncadd.s32 $0xFFFFC000  }
0x1ca: {  	_ =	swait.ge [sflag:s6], $0x4000  }
0x1cb: {  	[sflag:s6] =	ssyncset.done $0x0  }
0x1cc: {  	s31 =	rddreg [dreg:$0x7];
	[sflag:s6] =	ssyncadd.s32 $0xFFFFC000  }
0x1cd: {  	[hbm4b:s31+s2] =	stream.linear.scatter [tilespmem:s4], [sflag:$0x2], $0x14000, $0x38;
	[tilespmem:$0x15000] =	vst v63  }
0x1ce: {  	_ =	swait.ge [sflag:s3], $0x14000  }
0x1cf: {  	[sflag:s3] =	ssyncset.done $0x0  }
0x1d0: {  	[sflag:s3] =	ssyncadd.s32 $0xFFFEC000  }
0x1d1: {  	_ =	sfence.sel $0x180000  }
0x1d2: {  	[bflag:$0x0] =	sbarrier.arrive $0xFFFF  }
0x1d3: {  	_ =	strace $0x90000047  }
0x1d4: {  	[bflag:$0x2] =	sbarrier.arrive $0xFFFF  }
0x1d5: {  	p0 =	sne.s32 s12, $0x0;
	s0 =	rddreg [dreg:$0x1]  }
0x1d6: {  	s0 =	sadd.s32 @!p0 $0x100000, s0  }
0x1d7: {  	[sflag:s0] =	ssyncadd.tile.s32 @!p0 $0x1;
	_ =	shalt  }
.LBB2_1:
0x1d8: {  	s17 =	simm.s32 $0x480  }
0x1d9: {  	s31 =	simm.s32 $0x400;
	s30 =	simm.s32 $0x380;
	s29 =	simm.s32 $0x300  }
.Ltmp3:
0x1da: {  	s28 =	simm.s32 $0x700;
	s26 =	simm.s32 $0x680;
	(pc) =	sbr.rel .LBB2_6-.Ltmp3, $4  }
0x1db: {  	s25 =	simm.s32 $0x600;
	s24 =	simm.s32 $0x580;
	s23 =	simm.s32 $0x500  }
0x1dc: {  	s22 =	simm.s32 $0x980;
	s21 =	simm.s32 $0x900;
	s20 =	simm.s32 $0x880  }
0x1dd: {  	s19 =	simm.s32 $0x800;
	s18 =	simm.s32 $0x780;
	s16 =	simm.s32 $0xB80  }
0x1de: {  	s15 =	simm.s32 $0xB00;
	s14 =	simm.s32 $0xA80;
	s13 =	simm.s32 $0xA00  }
.LBB2_3:
0x1df: {  	s17 =	simm.s32 $0x480;
	s31 =	simm.s32 $0x400  }
0x1e0: {  	s30 =	simm.s32 $0x380;
	s29 =	simm.s32 $0x300;
	s28 =	simm.s32 $0x700  }
.Ltmp4:
0x1e1: {  	s26 =	simm.s32 $0x680;
	s25 =	simm.s32 $0x600;
	(pc) =	sbr.rel .LBB2_6-.Ltmp4, $4  }
0x1e2: {  	s24 =	simm.s32 $0x580;
	s23 =	simm.s32 $0x500;
	s22 =	simm.s32 $0x980  }
0x1e3: {  	s21 =	simm.s32 $0x900;
	s20 =	simm.s32 $0x880;
	s19 =	simm.s32 $0x800  }
0x1e4: {  	s18 =	simm.s32 $0x780;
	s16 =	simm.s32 $0xB80;
	s15 =	simm.s32 $0xB00  }
0x1e5: {  	s14 =	simm.s32 $0xA80;
	s13 =	simm.s32 $0xA00;
	s12 =	stileid.u32  }
.Lfunc_end2:
_tile_overlayer_lowered:
.L_overlay_start_2:
0x1e6: {  	(tag) =	ssettag $0x2  }
0x1e7: {  	s0 =	rddreg [dreg:$0x0];
	s2 =	stileid.u32  }
0x1e8: {  	s1 =	rddreg [dreg:$0x1];
	p0 =	sne.s32 s2, $0x0  }
0x1e9: {  	s3 =	rddreg [dreg:$0x2];
	[bflag:$0x3] =	sbarrier.arrive $0xFFFF;
	s2 =	simm.s32 @!p0 $0x1C02  }
0x1ea: {  	[timem:s3], [sflag:s2] =	dma.local @!p0 [hbm:s0], s1  }
0x1eb: {  	s0 =	simm.s32 @!p0 $0x2  }
0x1ec: {  	_ =	swait.ge @!p0 [sflag:s0], s1  }
0x1ed: {  	s1 =	ssub.s32 @!p0 $0x0, s1;
	[sflag:s0] =	ssyncset.done @!p0 $0x0  }
0x1ee: {  	[sflag:s0] =	ssyncadd.s32 @!p0 s1  }
0x1ef: {  	[bflag:$0x3] =	sbarrier.arrive $0xFFFF  }
0x1f0: {  	_ =	shalt  }

</sc_bundles>
